<compile_context>
chip_gen: v7x
topology: tpu7x:2x2x1
jax: 0.10.2.dev20260603
libtpu: 0.0.44.dev20260713+nightly
codegen_flags: <defaults>
</compile_context>

<pallas_src>
import functools

import jax
import jax.numpy as jnp
from jax import lax
from jax.experimental import pallas as pl
from jax.experimental.pallas import tpu as pltpu
from jax.experimental.pallas import tpu_sc as plsc

NC = 2
NS = 16
NW = NC * NS
LANES = 16
CHUNK = 32
NBUF = 4
D = 128


def _split_geometry(n):
    split = -(-n // (2 * 128)) * 128
    h_acc = split + 128
    return split, h_acc


def _sc_agg(h, idx4, zrow, ones, n_nodes, with_deg):
    cpt = idx4.shape[1]
    ngrp = cpt // NBUF
    split, h_acc = _split_geometry(n_nodes)
    zrows = h_acc // NS

    mesh = plsc.VectorSubcoreMesh(core_axis_name="c", subcore_axis_name="s")
    out_type = [jax.ShapeDtypeStruct((NC, 2, h_acc, D), jnp.float32)]
    scratch = [pltpu.VMEM((2, NBUF, 3, CHUNK), jnp.int32)]
    scratch += [pltpu.VMEM((CHUNK, D), jnp.float32) for _ in range(NBUF)]
    scratch += [pltpu.SemaphoreType.DMA for _ in range(2 + 2 * NBUF)]
    scratch += [pltpu.VMEM_SHARED((h_acc, D), jnp.float32)]
    if with_deg:
        out_type += [jax.ShapeDtypeStruct((NC, 2, h_acc, D), jnp.float32)]

    @functools.partial(pl.kernel, out_type=out_type, mesh=mesh,
                       scratch_types=scratch)
    def run(*refs):
        if with_deg:
            (h_hbm, idx_hbm, zrow_hbm, ones_hbm, pacc_hbm, pdeg_hbm,
             ibuf, r0, r1, r2, r3, is0, is1, s0, s1, s2, s3, t0, t1, t2, t3, acc_sh) = refs
        else:
            (h_hbm, idx_hbm, zrow_hbm, ones_hbm, pacc_hbm,
             ibuf, r0, r1, r2, r3, is0, is1, s0, s1, s2, s3, t0, t1, t2, t3, acc_sh) = refs
        rows = (r0, r1, r2, r3)
        sems = (s0, s1, s2, s3)
        ssems = (t0, t1, t2, t3)
        isems = (is0, is1)
        cid = lax.axis_index("c")
        sid = lax.axis_index("s")
        wid = sid * NC + cid
        zbase = sid * zrows

        def scat_wait(b):
            pltpu.make_async_copy(rows[b], acc_sh.at[ibuf.at[0, b, 1]],
                                  ssems[b]).wait()

        def idx_loop(pass_body):
            pltpu.async_copy(idx_hbm.at[wid].at[pl.ds(0, NBUF)],
                             ibuf.at[0], isems[0])

            @pl.loop(0, ngrp, step=2)
            def _(g):
                for q in range(2):
                    geff = g + q
                    pltpu.make_async_copy(
                        idx_hbm.at[wid].at[pl.ds(geff * NBUF, NBUF)],
                        ibuf.at[q], isems[q]).wait()

                    @pl.when(geff > 0)
                    def _():
                        for b in range(NBUF):
                            scat_wait(b)

                    @pl.when(geff + 1 < ngrp)
                    def _():
                        pltpu.async_copy(
                            idx_hbm.at[wid].at[pl.ds((geff + 1) * NBUF, NBUF)],
                            ibuf.at[1 - q], isems[1 - q])

                    pass_body(q)

            for b in range(NBUF):
                scat_wait(b)

        for p in range(2):
            pltpu.sync_copy(zrow_hbm, acc_sh.at[pl.ds(zbase, zrows)])
            plsc.subcore_barrier()

            def agg_body(q):
                cps = []
                for b in range(NBUF):
                    cps.append(pltpu.async_copy(
                        h_hbm.at[ibuf.at[q, b, 0]], rows[b], sems[b]))
                for b in range(NBUF):
                    cps[b].wait()
                    pltpu.async_copy(rows[b], acc_sh.at[ibuf.at[q, b, 1 + p]],
                                     ssems[b], add=True)

            idx_loop(agg_body)
            plsc.subcore_barrier()

            pltpu.sync_copy(acc_sh.at[pl.ds(zbase, zrows)],
                            pacc_hbm.at[cid, p].at[pl.ds(zbase, zrows)])

        if with_deg:
            pltpu.sync_copy(ones_hbm, r0)
            for p in range(2):
                pltpu.sync_copy(zrow_hbm, acc_sh.at[pl.ds(zbase, zrows)])
                plsc.subcore_barrier()

                def deg_body(q):
                    for b in range(NBUF):
                        pltpu.async_copy(r0, acc_sh.at[ibuf.at[q, b, 1 + p]],
                                         ssems[b], add=True)

                idx_loop(deg_body)
                plsc.subcore_barrier()
                pltpu.sync_copy(acc_sh.at[pl.ds(zbase, zrows)],
                                pdeg_hbm.at[cid, p].at[pl.ds(zbase, zrows)])

    return run(h, idx4, zrow, ones)


def _acc_specs(blk, split, width):
    hb = split // blk
    return pl.BlockSpec((NC, 1, blk, width),
                        lambda i: (0, i // hb, i % hb, 0))


def _tc_layer1(x, pacc, pdeg, Ws1, Wn1, b1, Ws2, Wn2, b2, blk):
    n, d_in = x.shape
    d_h = Ws1.shape[1]
    d_out = Ws2.shape[1]
    split, _ = _split_geometry(n)
    nb = -(-n // blk)

    def body(x_ref, pacc_ref, pdeg_ref, ws1_ref, wn1_ref, b1_ref, ws2_ref,
             wn2_ref, b2_ref, self2_ref, z2_ref):
        acc = pacc_ref[0, 0] + pacc_ref[1, 0]
        deg = pdeg_ref[0, 0, :, 0:1] + pdeg_ref[1, 0, :, 0:1]
        hn = acc / jnp.maximum(deg, 1.0)
        h1 = jnp.dot(x_ref[...], ws1_ref[...],
                     preferred_element_type=jnp.float32)
        h1 += jnp.dot(hn, wn1_ref[...], preferred_element_type=jnp.float32)
        h1 = jnp.maximum(h1 + b1_ref[...], 0.0)
        self2_ref[...] = jnp.dot(h1, ws2_ref[...],
                                 preferred_element_type=jnp.float32) + b2_ref[...]
        z2_ref[...] = jnp.dot(h1, wn2_ref[...],
                              preferred_element_type=jnp.float32)

    return pl.pallas_call(
        body,
        grid=(nb,),
        in_specs=[
            pl.BlockSpec((blk, d_in), lambda i: (i, 0)),
            _acc_specs(blk, split, D),
            _acc_specs(blk, split, D),
            pl.BlockSpec((d_in, d_h), lambda i: (0, 0)),
            pl.BlockSpec((d_in, d_h), lambda i: (0, 0)),
            pl.BlockSpec((d_h,), lambda i: (0,)),
            pl.BlockSpec((d_h, d_out), lambda i: (0, 0)),
            pl.BlockSpec((d_h, d_out), lambda i: (0, 0)),
            pl.BlockSpec((d_out,), lambda i: (0,)),
        ],
        out_specs=[
            pl.BlockSpec((blk, d_out), lambda i: (i, 0)),
            pl.BlockSpec((blk, d_out), lambda i: (i, 0)),
        ],
        out_shape=[
            jax.ShapeDtypeStruct((n, d_out), jnp.float32),
            jax.ShapeDtypeStruct((n, d_out), jnp.float32),
        ],
    )(x, pacc, pdeg, Ws1, Wn1, b1, Ws2, Wn2, b2)


def _tc_layer2(self2, qacc, pdeg, blk):
    n, d_out = self2.shape
    split, _ = _split_geometry(n)
    nb = -(-n // blk)

    def body(self2_ref, qacc_ref, pdeg_ref, out_ref):
        agg = qacc_ref[0, 0] + qacc_ref[1, 0]
        deg = pdeg_ref[0, 0, :, 0:1] + pdeg_ref[1, 0, :, 0:1]
        out_ref[...] = self2_ref[...] + agg / jnp.maximum(deg, 1.0)

    return pl.pallas_call(
        body,
        grid=(nb,),
        in_specs=[
            pl.BlockSpec((blk, d_out), lambda i: (i, 0)),
            _acc_specs(blk, split, D),
            _acc_specs(blk, split, D),
        ],
        out_specs=pl.BlockSpec((blk, d_out), lambda i: (i, 0)),
        out_shape=jax.ShapeDtypeStruct((n, d_out), jnp.float32),
    )(self2, qacc, pdeg)


def kernel(x, edge_index, target_gid_cnt, W_self1, W_neigh1, b1, W_self2,
           W_neigh2, b2):
    n = x.shape[0]
    e = edge_index.shape[1]
    split, h_acc = _split_geometry(n)
    zrows = h_acc // NS
    grp = NW * CHUNK * NBUF * 2
    e_pad = -(-e // grp) * grp
    cpt = e_pad // (NW * CHUNK)
    pad = e_pad - e
    src = jnp.concatenate([edge_index[0], jnp.zeros((pad,), jnp.int32)])
    dst = jnp.concatenate([edge_index[1], jnp.full((pad,), n, jnp.int32)])
    dst0 = jnp.where(dst < split, dst, split)
    dst1 = jnp.where(dst >= split, dst - split, split)
    idx4 = jnp.stack([src.reshape(NW, cpt, CHUNK),
                      dst0.reshape(NW, cpt, CHUNK),
                      dst1.reshape(NW, cpt, CHUNK)], axis=2)
    zrow = jnp.zeros((zrows, D), jnp.float32)
    ones = jnp.ones((CHUNK, D), jnp.float32)

    pacc, pdeg = _sc_agg(x, idx4, zrow, ones, n, with_deg=True)
    self2, z2 = _tc_layer1(x, pacc, pdeg, W_self1, W_neigh1, b1, W_self2,
                           W_neigh2, b2, blk=640)
    (qacc,) = _sc_agg(z2, idx4, zrow, ones, n, with_deg=False)
    return _tc_layer2(self2, qacc, pdeg, blk=640)

# --- scband reference (transcript-rebuilt; emitter-appended) ---
"""Pipeline reference for scband-sage-33663953666136 (READ-ONLY COPY).

The authoritative reference and input builder live on the scoring server;
editing this copy changes nothing except your own understanding.
"""

import jax, jax.numpy as jnp
import numpy as np

N = 10000
E = 320000
D_IN = 128
D_H = 256
D_OUT = 128


def setup_inputs(seed: int = 0) -> dict:
    key = jax.random.key(seed)
    ks = jax.random.split(key, 9)
    x = jax.random.normal(ks[0], (N, D_IN), dtype=jnp.float32)
    edge_index = jax.random.randint(ks[1], (2, E), 0, N, dtype=jnp.int32)
    # Learned parameters: 2 SAGEConv(mean) layers, DGL-style fc_self + fc_neigh
    W_self1 = jax.random.normal(ks[2], (D_IN, D_H), dtype=jnp.float32) * (1.0 / np.sqrt(D_IN))
    W_neigh1 = jax.random.normal(ks[3], (D_IN, D_H), dtype=jnp.float32) * (1.0 / np.sqrt(D_IN))
    b1 = jnp.zeros((D_H,), dtype=jnp.float32)
    W_self2 = jax.random.normal(ks[4], (D_H, D_OUT), dtype=jnp.float32) * (1.0 / np.sqrt(D_H))
    W_neigh2 = jax.random.normal(ks[5], (D_H, D_OUT), dtype=jnp.float32) * (1.0 / np.sqrt(D_H))
    b2 = jnp.zeros((D_OUT,), dtype=jnp.float32)
    return {
        "x": x,
        "edge_index": edge_index,
        "target_gid_cnt": N,
        "W_self1": W_self1,
        "W_neigh1": W_neigh1,
        "b1": b1,
        "W_self2": W_self2,
        "W_neigh2": W_neigh2,
        "b2": b2,
    }


def reference(x, edge_index, target_gid_cnt, W_self1, W_neigh1, b1, W_self2, W_neigh2, b2):
    src = edge_index[0]
    dst = edge_index[1]

    def sage_layer(h, Ws, Wn, b):
        # mean aggregation over in-neighbors (gather on src, scatter-add on dst)
        msg = jnp.take(h, src, axis=0)
        agg = jax.ops.segment_sum(msg, dst, num_segments=N)
        deg = jax.ops.segment_sum(jnp.ones((E, 1), dtype=h.dtype), dst, num_segments=N)
        h_neigh = agg / jnp.maximum(deg, 1.0)
        # DGL SAGEConv('mean'): fc_self(h_dst) + fc_neigh(h_neigh)
        return h @ Ws + h_neigh @ Wn + b

    h = sage_layer(x, W_self1, W_neigh1, b1)
    h = jax.nn.relu(h)
    # dropout is identity in eval/reference mode
    h = sage_layer(h, W_self2, W_neigh2, b2)
    return h

if __name__ == "__main__":
    import jax
    _d = setup_inputs()
    print(jax.jit(kernel)(*tuple(_d.values())))

</pallas_src>

<mosaic_0001>
#map = affine_map<(d0, d1) -> (0, 0)>
#map1 = affine_map<(d0, d1) -> (0, 0, 0, 0)>
module attributes {stable_mosaic.version = 14 : i64} {
  func.func @run(%arg0: i32, %arg1: i32, %arg2: memref<10000x128xf32, #tpu.memory_space<hbm>>, %arg3: memref<32x320x3x32xi32, #tpu.memory_space<hbm>>, %arg4: memref<328x128xf32, #tpu.memory_space<hbm>>, %arg5: memref<32x128xf32, #tpu.memory_space<hbm>>, %arg6: memref<2x2x5248x128xf32, #tpu.memory_space<hbm>>, %arg7: memref<2x2x5248x128xf32, #tpu.memory_space<hbm>>, %arg8: memref<2x4x3x32xi32, #tpu.memory_space<vmem>>, %arg9: memref<32x128xf32, #tpu.memory_space<vmem>>, %arg10: memref<32x128xf32, #tpu.memory_space<vmem>>, %arg11: memref<32x128xf32, #tpu.memory_space<vmem>>, %arg12: memref<32x128xf32, #tpu.memory_space<vmem>>, %arg13: memref<!tpu.dma_semaphore, #tpu.memory_space<semaphore_mem>>, %arg14: memref<!tpu.dma_semaphore, #tpu.memory_space<semaphore_mem>>, %arg15: memref<!tpu.dma_semaphore, #tpu.memory_space<semaphore_mem>>, %arg16: memref<!tpu.dma_semaphore, #tpu.memory_space<semaphore_mem>>, %arg17: memref<!tpu.dma_semaphore, #tpu.memory_space<semaphore_mem>>, %arg18: memref<!tpu.dma_semaphore, #tpu.memory_space<semaphore_mem>>, %arg19: memref<!tpu.dma_semaphore, #tpu.memory_space<semaphore_mem>>, %arg20: memref<!tpu.dma_semaphore, #tpu.memory_space<semaphore_mem>>, %arg21: memref<!tpu.dma_semaphore, #tpu.memory_space<semaphore_mem>>, %arg22: memref<!tpu.dma_semaphore, #tpu.memory_space<semaphore_mem>>, %arg23: memref<5248x128xf32, #tpu.memory_space<vmem_shared>>) attributes {dimension_semantics = [#tpu.dimension_semantics<core_parallel>, #tpu.dimension_semantics<subcore_parallel>], iteration_bounds = array<i64: 2, 16>, scalar_prefetch = 0 : i64, scratch_operands = 16 : i64, tpu.core_type = #tpu.core_type<sc_vector_subcore>, window_params = [{transform_indices = #map}, {transform_indices = #map1}, {transform_indices = #map}, {transform_indices = #map}, {transform_indices = #map1}, {transform_indices = #map1}]} {
    %mul3A = arith.constant 2 : i32
    %mul3A_0 = arith.muli %arg1, %mul3A : i32
    %add3A = arith.addi %mul3A_0, %arg0 : i32
    %mul3A_1 = arith.constant 328 : i32
    %mul3A_2 = arith.muli %arg1, %mul3A_1 : i32
    "tpu.region"() ({
      %run_scoped3A_290 = tpu.sem_alloc : memref<!tpu.dma_semaphore, #tpu.memory_space<semaphore_mem>>
      %dma_start3A_291 = arith.constant 0 : i32
      %dma_start3A_292 = tpu.memref_slice %arg23[%mul3A_2, %dma_start3A_291] : memref<5248x128xf32, #tpu.memory_space<vmem_shared>> -> memref<328x128xf32, #tpu.memory_space<vmem_shared>>
      tpu.enqueue_dma source(%arg4 : memref<328x128xf32, #tpu.memory_space<hbm>>) target(%dma_start3A_292 : memref<328x128xf32, #tpu.memory_space<vmem_shared>>) target_semaphore(%run_scoped3A_290 : memref<!tpu.dma_semaphore, #tpu.memory_space<semaphore_mem>>)
      %dma_wait3A_293 = arith.constant 0 : i32
      %dma_wait3A_294 = tpu.memref_slice %arg23[%mul3A_2, %dma_wait3A_293] : memref<5248x128xf32, #tpu.memory_space<vmem_shared>> -> memref<328x128xf32, #tpu.memory_space<vmem_shared>>
      tpu.wait_dma2 semaphore(%run_scoped3A_290 : memref<!tpu.dma_semaphore, #tpu.memory_space<semaphore_mem>>) src(%arg4 : memref<328x128xf32, #tpu.memory_space<hbm>>) dst(%dma_wait3A_294 : memref<328x128xf32, #tpu.memory_space<vmem_shared>>)
      tpu.yield
    }) : () -> ()
    %barrier3A = arith.constant 0 : index
    tpu.barrier barrier_id(%barrier3A)
    %dma_start3A = arith.constant 0 : i32
    %dma_start3A_3 = arith.constant 0 : i32
    %dma_start3A_4 = arith.constant 0 : i32
    %dma_start3A_5 = arith.constant 0 : i32
    %dma_start3A_6 = tpu.memref_slice %arg8[%dma_start3A, %dma_start3A_3, %dma_start3A_4, %dma_start3A_5] : memref<2x4x3x32xi32, #tpu.memory_space<vmem>> -> memref<1x4x3x32xi32, #tpu.memory_space<vmem>>
    %dma_start3A_7 = tpu.memref_squeeze %dma_start3A_6 : memref<1x4x3x32xi32, #tpu.memory_space<vmem>> -> memref<4x3x32xi32, #tpu.memory_space<vmem>>
    %dma_start3A_8 = arith.constant 0 : i32
    %dma_start3A_9 = arith.constant 0 : i32
    %dma_start3A_10 = arith.constant 0 : i32
    %dma_start3A_11 = tpu.memref_slice %arg3[%add3A, %dma_start3A_8, %dma_start3A_9, %dma_start3A_10] : memref<32x320x3x32xi32, #tpu.memory_space<hbm>> -> memref<1x320x3x32xi32, #tpu.memory_space<hbm>>
    %dma_start3A_12 = tpu.memref_squeeze %dma_start3A_11 : memref<1x320x3x32xi32, #tpu.memory_space<hbm>> -> memref<320x3x32xi32, #tpu.memory_space<hbm>>
    %dma_start3A_13 = arith.constant 0 : i32
    %dma_start3A_14 = arith.constant 0 : i32
    %dma_start3A_15 = arith.constant 0 : i32
    %dma_start3A_16 = tpu.memref_slice %dma_start3A_12[%dma_start3A_13, %dma_start3A_14, %dma_start3A_15] : memref<320x3x32xi32, #tpu.memory_space<hbm>> -> memref<4x3x32xi32, #tpu.memory_space<hbm>>
    %dma_start3A_17 = arith.constant 0 : i32
    %dma_start3A_18 = arith.constant 0 : i32
    %dma_start3A_19 = arith.constant 0 : i32
    %dma_start3A_20 = tpu.memref_slice %arg8[%dma_start3A, %dma_start3A_17, %dma_start3A_18, %dma_start3A_19] : memref<2x4x3x32xi32, #tpu.memory_space<vmem>> -> memref<1x4x3x32xi32, #tpu.memory_space<vmem>>
    %dma_start3A_21 = tpu.memref_squeeze %dma_start3A_20 : memref<1x4x3x32xi32, #tpu.memory_space<vmem>> -> memref<4x3x32xi32, #tpu.memory_space<vmem>>
    %dma_start3A_22 = arith.constant 0 : i32
    %dma_start3A_23 = arith.constant 0 : i32
    %dma_start3A_24 = arith.constant 0 : i32
    %dma_start3A_25 = tpu.memref_slice %arg3[%add3A, %dma_start3A_22, %dma_start3A_23, %dma_start3A_24] : memref<32x320x3x32xi32, #tpu.memory_space<hbm>> -> memref<1x320x3x32xi32, #tpu.memory_space<hbm>>
    %dma_start3A_26 = tpu.memref_squeeze %dma_start3A_25 : memref<1x320x3x32xi32, #tpu.memory_space<hbm>> -> memref<320x3x32xi32, #tpu.memory_space<hbm>>
    %dma_start3A_27 = arith.constant 0 : i32
    %dma_start3A_28 = arith.constant 0 : i32
    %dma_start3A_29 = arith.constant 0 : i32
    %dma_start3A_30 = tpu.memref_slice %dma_start3A_26[%dma_start3A_27, %dma_start3A_28, %dma_start3A_29] : memref<320x3x32xi32, #tpu.memory_space<hbm>> -> memref<4x3x32xi32, #tpu.memory_space<hbm>>
    tpu.enqueue_dma source(%dma_start3A_30 : memref<4x3x32xi32, #tpu.memory_space<hbm>>) target(%dma_start3A_21 : memref<4x3x32xi32, #tpu.memory_space<vmem>>) target_semaphore(%arg13 : memref<!tpu.dma_semaphore, #tpu.memory_space<semaphore_mem>>)
    %scan3A = arith.constant 0 : i32
    %scan3A_31 = arith.constant 40 : i32
    %scan3A_32 = arith.addi %scan3A, %scan3A_31 : i32
    %scan3A_33 = arith.constant 1 : i32
    scf.for %scan3A_290 = %scan3A to %scan3A_32 step %scan3A_33  : i32 {
      %mul3A_291 = arith.constant 2 : i32
      %mul3A_292 = arith.muli %scan3A_290, %mul3A_291 : i32
      %add3A_293 = arith.constant 0 : i32
      %add3A_294 = arith.addi %add3A_293, %mul3A_292 : i32
      %add3A_295 = arith.constant 0 : i32
      %add3A_296 = arith.addi %add3A_294, %add3A_295 : i32
      %mul3A_297 = arith.constant 4 : i32
      %mul3A_298 = arith.muli %add3A_296, %mul3A_297 : i32
      %dma_wait3A_299 = arith.constant 0 : i32
      %dma_wait3A_300 = arith.constant 0 : i32
      %dma_wait3A_301 = arith.constant 0 : i32
      %dma_wait3A_302 = arith.constant 0 : i32
      %dma_wait3A_303 = tpu.memref_slice %arg8[%dma_wait3A_299, %dma_wait3A_300, %dma_wait3A_301, %dma_wait3A_302] : memref<2x4x3x32xi32, #tpu.memory_space<vmem>> -> memref<1x4x3x32xi32, #tpu.memory_space<vmem>>
      %dma_wait3A_304 = tpu.memref_squeeze %dma_wait3A_303 : memref<1x4x3x32xi32, #tpu.memory_space<vmem>> -> memref<4x3x32xi32, #tpu.memory_space<vmem>>
      %dma_wait3A_305 = arith.constant 0 : i32
      %dma_wait3A_306 = arith.constant 0 : i32
      %dma_wait3A_307 = arith.constant 0 : i32
      %dma_wait3A_308 = tpu.memref_slice %arg3[%add3A, %dma_wait3A_305, %dma_wait3A_306, %dma_wait3A_307] : memref<32x320x3x32xi32, #tpu.memory_space<hbm>> -> memref<1x320x3x32xi32, #tpu.memory_space<hbm>>
      %dma_wait3A_309 = tpu.memref_squeeze %dma_wait3A_308 : memref<1x320x3x32xi32, #tpu.memory_space<hbm>> -> memref<320x3x32xi32, #tpu.memory_space<hbm>>
      %dma_wait3A_310 = arith.constant 0 : i32
      %dma_wait3A_311 = arith.constant 0 : i32
      %dma_wait3A_312 = tpu.memref_slice %dma_wait3A_309[%mul3A_298, %dma_wait3A_310, %dma_wait3A_311] : memref<320x3x32xi32, #tpu.memory_space<hbm>> -> memref<4x3x32xi32, #tpu.memory_space<hbm>>
      %dma_wait3A_313 = arith.constant 0 : i32
      %dma_wait3A_314 = arith.constant 0 : i32
      %dma_wait3A_315 = arith.constant 0 : i32
      %dma_wait3A_316 = tpu.memref_slice %arg8[%dma_wait3A_299, %dma_wait3A_313, %dma_wait3A_314, %dma_wait3A_315] : memref<2x4x3x32xi32, #tpu.memory_space<vmem>> -> memref<1x4x3x32xi32, #tpu.memory_space<vmem>>
      %dma_wait3A_317 = tpu.memref_squeeze %dma_wait3A_316 : memref<1x4x3x32xi32, #tpu.memory_space<vmem>> -> memref<4x3x32xi32, #tpu.memory_space<vmem>>
      %dma_wait3A_318 = arith.constant 0 : i32
      %dma_wait3A_319 = arith.constant 0 : i32
      %dma_wait3A_320 = arith.constant 0 : i32
      %dma_wait3A_321 = tpu.memref_slice %arg3[%add3A, %dma_wait3A_318, %dma_wait3A_319, %dma_wait3A_320] : memref<32x320x3x32xi32, #tpu.memory_space<hbm>> -> memref<1x320x3x32xi32, #tpu.memory_space<hbm>>
      %dma_wait3A_322 = tpu.memref_squeeze %dma_wait3A_321 : memref<1x320x3x32xi32, #tpu.memory_space<hbm>> -> memref<320x3x32xi32, #tpu.memory_space<hbm>>
      %dma_wait3A_323 = arith.constant 0 : i32
      %dma_wait3A_324 = arith.constant 0 : i32
      %dma_wait3A_325 = tpu.memref_slice %dma_wait3A_322[%mul3A_298, %dma_wait3A_323, %dma_wait3A_324] : memref<320x3x32xi32, #tpu.memory_space<hbm>> -> memref<4x3x32xi32, #tpu.memory_space<hbm>>
      tpu.wait_dma2 semaphore(%arg13 : memref<!tpu.dma_semaphore, #tpu.memory_space<semaphore_mem>>) src(%dma_wait3A_325 : memref<4x3x32xi32, #tpu.memory_space<hbm>>) dst(%dma_wait3A_317 : memref<4x3x32xi32, #tpu.memory_space<vmem>>)
      %gt3A = arith.constant 0 : i32
      %gt3A_326 = arith.cmpi sgt, %add3A_296, %gt3A : i32
      %convert_element_type3A = arith.extui %gt3A_326 : i1 to i32
      %cond3A = arith.constant 0 : i32
      %cond3A_327 = arith.cmpi ne, %convert_element_type3A, %cond3A : i32
      scf.if %cond3A_327 {
        %dma_wait3A_593 = arith.constant 0 : i32
        %dma_wait3A_594 = arith.constant 0 : i32
        %dma_wait3A_595 = arith.constant 1 : i32
        %dma_wait3A_596 = arith.constant 0 : i32
        %dma_wait3A_597 = tpu.memref_slice %arg8[%dma_wait3A_593, %dma_wait3A_594, %dma_wait3A_595, %dma_wait3A_596] : memref<2x4x3x32xi32, #tpu.memory_space<vmem>> -> memref<1x1x1x32xi32, #tpu.memory_space<vmem>>
        %dma_wait3A_598 = tpu.memref_squeeze %dma_wait3A_597 : memref<1x1x1x32xi32, #tpu.memory_space<vmem>> -> memref<32xi32, #tpu.memory_space<vmem>>
        %dma_wait3A_599 = arith.constant 0 : i32
        %dma_wait3A_600 = arith.constant 0 : i32
        %dma_wait3A_601 = tpu.memref_slice %arg23[%dma_wait3A_599, %dma_wait3A_600] : memref<5248x128xf32, #tpu.memory_space<vmem_shared>> -> memref<5248x128xf32, #tpu.memory_space<vmem_shared>>
        tpu.wait_indirect_dma semaphore(%arg19 : memref<!tpu.dma_semaphore, #tpu.memory_space<semaphore_mem>>) src(%arg9 : memref<32x128xf32, #tpu.memory_space<vmem>>) dst(%dma_wait3A_601 : memref<5248x128xf32, #tpu.memory_space<vmem_shared>>)
        %dma_wait3A_602 = arith.constant 0 : i32
        %dma_wait3A_603 = arith.constant 1 : i32
        %dma_wait3A_604 = arith.constant 1 : i32
        %dma_wait3A_605 = arith.constant 0 : i32
        %dma_wait3A_606 = tpu.memref_slice %arg8[%dma_wait3A_602, %dma_wait3A_603, %dma_wait3A_604, %dma_wait3A_605] : memref<2x4x3x32xi32, #tpu.memory_space<vmem>> -> memref<1x1x1x32xi32, #tpu.memory_space<vmem>>
        %dma_wait3A_607 = tpu.memref_squeeze %dma_wait3A_606 : memref<1x1x1x32xi32, #tpu.memory_space<vmem>> -> memref<32xi32, #tpu.memory_space<vmem>>
        %dma_wait3A_608 = arith.constant 0 : i32
        %dma_wait3A_609 = arith.constant 0 : i32
        %dma_wait3A_610 = tpu.memref_slice %arg23[%dma_wait3A_608, %dma_wait3A_609] : memref<5248x128xf32, #tpu.memory_space<vmem_shared>> -> memref<5248x128xf32, #tpu.memory_space<vmem_shared>>
        tpu.wait_indirect_dma semaphore(%arg20 : memref<!tpu.dma_semaphore, #tpu.memory_space<semaphore_mem>>) src(%arg10 : memref<32x128xf32, #tpu.memory_space<vmem>>) dst(%dma_wait3A_610 : memref<5248x128xf32, #tpu.memory_space<vmem_shared>>)
        %dma_wait3A_611 = arith.constant 0 : i32
        %dma_wait3A_612 = arith.constant 2 : i32
        %dma_wait3A_613 = arith.constant 1 : i32
        %dma_wait3A_614 = arith.constant 0 : i32
        %dma_wait3A_615 = tpu.memref_slice %arg8[%dma_wait3A_611, %dma_wait3A_612, %dma_wait3A_613, %dma_wait3A_614] : memref<2x4x3x32xi32, #tpu.memory_space<vmem>> -> memref<1x1x1x32xi32, #tpu.memory_space<vmem>>
        %dma_wait3A_616 = tpu.memref_squeeze %dma_wait3A_615 : memref<1x1x1x32xi32, #tpu.memory_space<vmem>> -> memref<32xi32, #tpu.memory_space<vmem>>
        %dma_wait3A_617 = arith.constant 0 : i32
        %dma_wait3A_618 = arith.constant 0 : i32
        %dma_wait3A_619 = tpu.memref_slice %arg23[%dma_wait3A_617, %dma_wait3A_618] : memref<5248x128xf32, #tpu.memory_space<vmem_shared>> -> memref<5248x128xf32, #tpu.memory_space<vmem_shared>>
        tpu.wait_indirect_dma semaphore(%arg21 : memref<!tpu.dma_semaphore, #tpu.memory_space<semaphore_mem>>) src(%arg11 : memref<32x128xf32, #tpu.memory_space<vmem>>) dst(%dma_wait3A_619 : memref<5248x128xf32, #tpu.memory_space<vmem_shared>>)
        %dma_wait3A_620 = arith.constant 0 : i32
        %dma_wait3A_621 = arith.constant 3 : i32
        %dma_wait3A_622 = arith.constant 1 : i32
        %dma_wait3A_623 = arith.constant 0 : i32
        %dma_wait3A_624 = tpu.memref_slice %arg8[%dma_wait3A_620, %dma_wait3A_621, %dma_wait3A_622, %dma_wait3A_623] : memref<2x4x3x32xi32, #tpu.memory_space<vmem>> -> memref<1x1x1x32xi32, #tpu.memory_space<vmem>>
        %dma_wait3A_625 = tpu.memref_squeeze %dma_wait3A_624 : memref<1x1x1x32xi32, #tpu.memory_space<vmem>> -> memref<32xi32, #tpu.memory_space<vmem>>
        %dma_wait3A_626 = arith.constant 0 : i32
        %dma_wait3A_627 = arith.constant 0 : i32
        %dma_wait3A_628 = tpu.memref_slice %arg23[%dma_wait3A_626, %dma_wait3A_627] : memref<5248x128xf32, #tpu.memory_space<vmem_shared>> -> memref<5248x128xf32, #tpu.memory_space<vmem_shared>>
        tpu.wait_indirect_dma semaphore(%arg22 : memref<!tpu.dma_semaphore, #tpu.memory_space<semaphore_mem>>) src(%arg12 : memref<32x128xf32, #tpu.memory_space<vmem>>) dst(%dma_wait3A_628 : memref<5248x128xf32, #tpu.memory_space<vmem_shared>>)
      } else {
      }
      %add3A_328 = arith.constant 1 : i32
      %add3A_329 = arith.addi %add3A_296, %add3A_328 : i32
      %lt3A = arith.constant 80 : i32
      %lt3A_330 = arith.cmpi slt, %add3A_329, %lt3A : i32
      %convert_element_type3A_331 = arith.extui %lt3A_330 : i1 to i32
      %cond3A_332 = arith.constant 0 : i32
      %cond3A_333 = arith.cmpi ne, %convert_element_type3A_331, %cond3A_332 : i32
      scf.if %cond3A_333 {
        %add3A_593 = arith.constant 1 : i32
        %add3A_594 = arith.addi %add3A_296, %add3A_593 : i32
        %mul3A_595 = arith.constant 4 : i32
        %mul3A_596 = arith.muli %add3A_594, %mul3A_595 : i32
        %dma_start3A_597 = arith.constant 1 : i32
        %dma_start3A_598 = arith.constant 0 : i32
        %dma_start3A_599 = arith.constant 0 : i32
        %dma_start3A_600 = arith.constant 0 : i32
        %dma_start3A_601 = tpu.memref_slice %arg8[%dma_start3A_597, %dma_start3A_598, %dma_start3A_599, %dma_start3A_600] : memref<2x4x3x32xi32, #tpu.memory_space<vmem>> -> memref<1x4x3x32xi32, #tpu.memory_space<vmem>>
        %dma_start3A_602 = tpu.memref_squeeze %dma_start3A_601 : memref<1x4x3x32xi32, #tpu.memory_space<vmem>> -> memref<4x3x32xi32, #tpu.memory_space<vmem>>
        %dma_start3A_603 = arith.constant 0 : i32
        %dma_start3A_604 = arith.constant 0 : i32
        %dma_start3A_605 = arith.constant 0 : i32
        %dma_start3A_606 = tpu.memref_slice %arg3[%add3A, %dma_start3A_603, %dma_start3A_604, %dma_start3A_605] : memref<32x320x3x32xi32, #tpu.memory_space<hbm>> -> memref<1x320x3x32xi32, #tpu.memory_space<hbm>>
        %dma_start3A_607 = tpu.memref_squeeze %dma_start3A_606 : memref<1x320x3x32xi32, #tpu.memory_space<hbm>> -> memref<320x3x32xi32, #tpu.memory_space<hbm>>
        %dma_start3A_608 = arith.constant 0 : i32
        %dma_start3A_609 = arith.constant 0 : i32
        %dma_start3A_610 = tpu.memref_slice %dma_start3A_607[%mul3A_596, %dma_start3A_608, %dma_start3A_609] : memref<320x3x32xi32, #tpu.memory_space<hbm>> -> memref<4x3x32xi32, #tpu.memory_space<hbm>>
        %dma_start3A_611 = arith.constant 0 : i32
        %dma_start3A_612 = arith.constant 0 : i32
        %dma_start3A_613 = arith.constant 0 : i32
        %dma_start3A_614 = tpu.memref_slice %arg8[%dma_start3A_597, %dma_start3A_611, %dma_start3A_612, %dma_start3A_613] : memref<2x4x3x32xi32, #tpu.memory_space<vmem>> -> memref<1x4x3x32xi32, #tpu.memory_space<vmem>>
        %dma_start3A_615 = tpu.memref_squeeze %dma_start3A_614 : memref<1x4x3x32xi32, #tpu.memory_space<vmem>> -> memref<4x3x32xi32, #tpu.memory_space<vmem>>
        %dma_start3A_616 = arith.constant 0 : i32
        %dma_start3A_617 = arith.constant 0 : i32
        %dma_start3A_618 = arith.constant 0 : i32
        %dma_start3A_619 = tpu.memref_slice %arg3[%add3A, %dma_start3A_616, %dma_start3A_617, %dma_start3A_618] : memref<32x320x3x32xi32, #tpu.memory_space<hbm>> -> memref<1x320x3x32xi32, #tpu.memory_space<hbm>>
        %dma_start3A_620 = tpu.memref_squeeze %dma_start3A_619 : memref<1x320x3x32xi32, #tpu.memory_space<hbm>> -> memref<320x3x32xi32, #tpu.memory_space<hbm>>
        %dma_start3A_621 = arith.constant 0 : i32
        %dma_start3A_622 = arith.constant 0 : i32
        %dma_start3A_623 = tpu.memref_slice %dma_start3A_620[%mul3A_596, %dma_start3A_621, %dma_start3A_622] : memref<320x3x32xi32, #tpu.memory_space<hbm>> -> memref<4x3x32xi32, #tpu.memory_space<hbm>>
        tpu.enqueue_dma source(%dma_start3A_623 : memref<4x3x32xi32, #tpu.memory_space<hbm>>) target(%dma_start3A_615 : memref<4x3x32xi32, #tpu.memory_space<vmem>>) target_semaphore(%arg14 : memref<!tpu.dma_semaphore, #tpu.memory_space<semaphore_mem>>)
      } else {
      }
      %dma_start3A_334 = arith.constant 0 : i32
      %dma_start3A_335 = arith.constant 0 : i32
      %dma_start3A_336 = arith.constant 0 : i32
      %dma_start3A_337 = arith.constant 0 : i32
      %dma_start3A_338 = tpu.memref_slice %arg8[%dma_start3A_334, %dma_start3A_335, %dma_start3A_336, %dma_start3A_337] : memref<2x4x3x32xi32, #tpu.memory_space<vmem>> -> memref<1x1x1x32xi32, #tpu.memory_space<vmem>>
      %dma_start3A_339 = tpu.memref_squeeze %dma_start3A_338 : memref<1x1x1x32xi32, #tpu.memory_space<vmem>> -> memref<32xi32, #tpu.memory_space<vmem>>
      %dma_start3A_340 = arith.constant 0 : i32
      %dma_start3A_341 = arith.constant 0 : i32
      %dma_start3A_342 = tpu.memref_slice %arg2[%dma_start3A_340, %dma_start3A_341] : memref<10000x128xf32, #tpu.memory_space<hbm>> -> memref<10000x128xf32, #tpu.memory_space<hbm>>
      tpu.enqueue_indirect_dma source(%dma_start3A_342 : memref<10000x128xf32, #tpu.memory_space<hbm>>) target(%arg9 : memref<32x128xf32, #tpu.memory_space<vmem>>) offsets(%dma_start3A_339 : memref<32xi32, #tpu.memory_space<vmem>>) semaphore(%arg15 : memref<!tpu.dma_semaphore, #tpu.memory_space<semaphore_mem>>)
      %dma_start3A_343 = arith.constant 0 : i32
      %dma_start3A_344 = arith.constant 1 : i32
      %dma_start3A_345 = arith.constant 0 : i32
      %dma_start3A_346 = arith.constant 0 : i32
      %dma_start3A_347 = tpu.memref_slice %arg8[%dma_start3A_343, %dma_start3A_344, %dma_start3A_345, %dma_start3A_346] : memref<2x4x3x32xi32, #tpu.memory_space<vmem>> -> memref<1x1x1x32xi32, #tpu.memory_space<vmem>>
      %dma_start3A_348 = tpu.memref_squeeze %dma_start3A_347 : memref<1x1x1x32xi32, #tpu.memory_space<vmem>> -> memref<32xi32, #tpu.memory_space<vmem>>
      %dma_start3A_349 = arith.constant 0 : i32
      %dma_start3A_350 = arith.constant 0 : i32
      %dma_start3A_351 = tpu.memref_slice %arg2[%dma_start3A_349, %dma_start3A_350] : memref<10000x128xf32, #tpu.memory_space<hbm>> -> memref<10000x128xf32, #tpu.memory_space<hbm>>
      tpu.enqueue_indirect_dma source(%dma_start3A_351 : memref<10000x128xf32, #tpu.memory_space<hbm>>) target(%arg10 : memref<32x128xf32, #tpu.memory_space<vmem>>) offsets(%dma_start3A_348 : memref<32xi32, #tpu.memory_space<vmem>>) semaphore(%arg16 : memref<!tpu.dma_semaphore, #tpu.memory_space<semaphore_mem>>)
      %dma_start3A_352 = arith.constant 0 : i32
      %dma_start3A_353 = arith.constant 2 : i32
      %dma_start3A_354 = arith.constant 0 : i32
      %dma_start3A_355 = arith.constant 0 : i32
      %dma_start3A_356 = tpu.memref_slice %arg8[%dma_start3A_352, %dma_start3A_353, %dma_start3A_354, %dma_start3A_355] : memref<2x4x3x32xi32, #tpu.memory_space<vmem>> -> memref<1x1x1x32xi32, #tpu.memory_space<vmem>>
      %dma_start3A_357 = tpu.memref_squeeze %dma_start3A_356 : memref<1x1x1x32xi32, #tpu.memory_space<vmem>> -> memref<32xi32, #tpu.memory_space<vmem>>
      %dma_start3A_358 = arith.constant 0 : i32
      %dma_start3A_359 = arith.constant 0 : i32
      %dma_start3A_360 = tpu.memref_slice %arg2[%dma_start3A_358, %dma_start3A_359] : memref<10000x128xf32, #tpu.memory_space<hbm>> -> memref<10000x128xf32, #tpu.memory_space<hbm>>
      tpu.enqueue_indirect_dma source(%dma_start3A_360 : memref<10000x128xf32, #tpu.memory_space<hbm>>) target(%arg11 : memref<32x128xf32, #tpu.memory_space<vmem>>) offsets(%dma_start3A_357 : memref<32xi32, #tpu.memory_space<vmem>>) semaphore(%arg17 : memref<!tpu.dma_semaphore, #tpu.memory_space<semaphore_mem>>)
      %dma_start3A_361 = arith.constant 0 : i32
      %dma_start3A_362 = arith.constant 3 : i32
      %dma_start3A_363 = arith.constant 0 : i32
      %dma_start3A_364 = arith.constant 0 : i32
      %dma_start3A_365 = tpu.memref_slice %arg8[%dma_start3A_361, %dma_start3A_362, %dma_start3A_363, %dma_start3A_364] : memref<2x4x3x32xi32, #tpu.memory_space<vmem>> -> memref<1x1x1x32xi32, #tpu.memory_space<vmem>>
      %dma_start3A_366 = tpu.memref_squeeze %dma_start3A_365 : memref<1x1x1x32xi32, #tpu.memory_space<vmem>> -> memref<32xi32, #tpu.memory_space<vmem>>
      %dma_start3A_367 = arith.constant 0 : i32
      %dma_start3A_368 = arith.constant 0 : i32
      %dma_start3A_369 = tpu.memref_slice %arg2[%dma_start3A_367, %dma_start3A_368] : memref<10000x128xf32, #tpu.memory_space<hbm>> -> memref<10000x128xf32, #tpu.memory_space<hbm>>
      tpu.enqueue_indirect_dma source(%dma_start3A_369 : memref<10000x128xf32, #tpu.memory_space<hbm>>) target(%arg12 : memref<32x128xf32, #tpu.memory_space<vmem>>) offsets(%dma_start3A_366 : memref<32xi32, #tpu.memory_space<vmem>>) semaphore(%arg18 : memref<!tpu.dma_semaphore, #tpu.memory_space<semaphore_mem>>)
      %dma_wait3A_370 = arith.constant 0 : i32
      %dma_wait3A_371 = arith.constant 0 : i32
      %dma_wait3A_372 = arith.constant 0 : i32
      %dma_wait3A_373 = arith.constant 0 : i32
      %dma_wait3A_374 = tpu.memref_slice %arg8[%dma_wait3A_370, %dma_wait3A_371, %dma_wait3A_372, %dma_wait3A_373] : memref<2x4x3x32xi32, #tpu.memory_space<vmem>> -> memref<1x1x1x32xi32, #tpu.memory_space<vmem>>
      %dma_wait3A_375 = tpu.memref_squeeze %dma_wait3A_374 : memref<1x1x1x32xi32, #tpu.memory_space<vmem>> -> memref<32xi32, #tpu.memory_space<vmem>>
      %dma_wait3A_376 = arith.constant 0 : i32
      %dma_wait3A_377 = arith.constant 0 : i32
      %dma_wait3A_378 = tpu.memref_slice %arg2[%dma_wait3A_376, %dma_wait3A_377] : memref<10000x128xf32, #tpu.memory_space<hbm>> -> memref<10000x128xf32, #tpu.memory_space<hbm>>
      tpu.wait_indirect_dma semaphore(%arg15 : memref<!tpu.dma_semaphore, #tpu.memory_space<semaphore_mem>>) src(%dma_wait3A_378 : memref<10000x128xf32, #tpu.memory_space<hbm>>) dst(%arg9 : memref<32x128xf32, #tpu.memory_space<vmem>>)
      %dma_start3A_379 = arith.constant 0 : i32
      %dma_start3A_380 = arith.constant 0 : i32
      %dma_start3A_381 = arith.constant 1 : i32
      %dma_start3A_382 = arith.constant 0 : i32
      %dma_start3A_383 = tpu.memref_slice %arg8[%dma_start3A_379, %dma_start3A_380, %dma_start3A_381, %dma_start3A_382] : memref<2x4x3x32xi32, #tpu.memory_space<vmem>> -> memref<1x1x1x32xi32, #tpu.memory_space<vmem>>
      %dma_start3A_384 = tpu.memref_squeeze %dma_start3A_383 : memref<1x1x1x32xi32, #tpu.memory_space<vmem>> -> memref<32xi32, #tpu.memory_space<vmem>>
      %dma_start3A_385 = arith.constant 0 : i32
      %dma_start3A_386 = arith.constant 0 : i32
      %dma_start3A_387 = tpu.memref_slice %arg23[%dma_start3A_385, %dma_start3A_386] : memref<5248x128xf32, #tpu.memory_space<vmem_shared>> -> memref<5248x128xf32, #tpu.memory_space<vmem_shared>>
      tpu.enqueue_indirect_dma source(%arg9 : memref<32x128xf32, #tpu.memory_space<vmem>>) target(%dma_start3A_387 : memref<5248x128xf32, #tpu.memory_space<vmem_shared>>) offsets(%dma_start3A_384 : memref<32xi32, #tpu.memory_space<vmem>>) semaphore(%arg19 : memref<!tpu.dma_semaphore, #tpu.memory_space<semaphore_mem>>) {add = true}
      %dma_wait3A_388 = arith.constant 0 : i32
      %dma_wait3A_389 = arith.constant 1 : i32
      %dma_wait3A_390 = arith.constant 0 : i32
      %dma_wait3A_391 = arith.constant 0 : i32
      %dma_wait3A_392 = tpu.memref_slice %arg8[%dma_wait3A_388, %dma_wait3A_389, %dma_wait3A_390, %dma_wait3A_391] : memref<2x4x3x32xi32, #tpu.memory_space<vmem>> -> memref<1x1x1x32xi32, #tpu.memory_space<vmem>>
      %dma_wait3A_393 = tpu.memref_squeeze %dma_wait3A_392 : memref<1x1x1x32xi32, #tpu.memory_space<vmem>> -> memref<32xi32, #tpu.memory_space<vmem>>
      %dma_wait3A_394 = arith.constant 0 : i32
      %dma_wait3A_395 = arith.constant 0 : i32
      %dma_wait3A_396 = tpu.memref_slice %arg2[%dma_wait3A_394, %dma_wait3A_395] : memref<10000x128xf32, #tpu.memory_space<hbm>> -> memref<10000x128xf32, #tpu.memory_space<hbm>>
      tpu.wait_indirect_dma semaphore(%arg16 : memref<!tpu.dma_semaphore, #tpu.memory_space<semaphore_mem>>) src(%dma_wait3A_396 : memref<10000x128xf32, #tpu.memory_space<hbm>>) dst(%arg10 : memref<32x128xf32, #tpu.memory_space<vmem>>)
      %dma_start3A_397 = arith.constant 0 : i32
      %dma_start3A_398 = arith.constant 1 : i32
      %dma_start3A_399 = arith.constant 1 : i32
      %dma_start3A_400 = arith.constant 0 : i32
      %dma_start3A_401 = tpu.memref_slice %arg8[%dma_start3A_397, %dma_start3A_398, %dma_start3A_399, %dma_start3A_400] : memref<2x4x3x32xi32, #tpu.memory_space<vmem>> -> memref<1x1x1x32xi32, #tpu.memory_space<vmem>>
      %dma_start3A_402 = tpu.memref_squeeze %dma_start3A_401 : memref<1x1x1x32xi32, #tpu.memory_space<vmem>> -> memref<32xi32, #tpu.memory_space<vmem>>
      %dma_start3A_403 = arith.constant 0 : i32
      %dma_start3A_404 = arith.constant 0 : i32
      %dma_start3A_405 = tpu.memref_slice %arg23[%dma_start3A_403, %dma_start3A_404] : memref<5248x128xf32, #tpu.memory_space<vmem_shared>> -> memref<5248x128xf32, #tpu.memory_space<vmem_shared>>
      tpu.enqueue_indirect_dma source(%arg10 : memref<32x128xf32, #tpu.memory_space<vmem>>) target(%dma_start3A_405 : memref<5248x128xf32, #tpu.memory_space<vmem_shared>>) offsets(%dma_start3A_402 : memref<32xi32, #tpu.memory_space<vmem>>) semaphore(%arg20 : memref<!tpu.dma_semaphore, #tpu.memory_space<semaphore_mem>>) {add = true}
      %dma_wait3A_406 = arith.constant 0 : i32
      %dma_wait3A_407 = arith.constant 2 : i32
      %dma_wait3A_408 = arith.constant 0 : i32
      %dma_wait3A_409 = arith.constant 0 : i32
      %dma_wait3A_410 = tpu.memref_slice %arg8[%dma_wait3A_406, %dma_wait3A_407, %dma_wait3A_408, %dma_wait3A_409] : memref<2x4x3x32xi32, #tpu.memory_space<vmem>> -> memref<1x1x1x32xi32, #tpu.memory_space<vmem>>
      %dma_wait3A_411 = tpu.memref_squeeze %dma_wait3A_410 : memref<1x1x1x32xi32, #tpu.memory_space<vmem>> -> memref<32xi32, #tpu.memory_space<vmem>>
      %dma_wait3A_412 = arith.constant 0 : i32
      %dma_wait3A_413 = arith.constant 0 : i32
      %dma_wait3A_414 = tpu.memref_slice %arg2[%dma_wait3A_412, %dma_wait3A_413] : memref<10000x128xf32, #tpu.memory_space<hbm>> -> memref<10000x128xf32, #tpu.memory_space<hbm>>
      tpu.wait_indirect_dma semaphore(%arg17 : memref<!tpu.dma_semaphore, #tpu.memory_space<semaphore_mem>>) src(%dma_wait3A_414 : memref<10000x128xf32, #tpu.memory_space<hbm>>) dst(%arg11 : memref<32x128xf32, #tpu.memory_space<vmem>>)
      %dma_start3A_415 = arith.constant 0 : i32
      %dma_start3A_416 = arith.constant 2 : i32
      %dma_start3A_417 = arith.constant 1 : i32
      %dma_start3A_418 = arith.constant 0 : i32
      %dma_start3A_419 = tpu.memref_slice %arg8[%dma_start3A_415, %dma_start3A_416, %dma_start3A_417, %dma_start3A_418] : memref<2x4x3x32xi32, #tpu.memory_space<vmem>> -> memref<1x1x1x32xi32, #tpu.memory_space<vmem>>
      %dma_start3A_420 = tpu.memref_squeeze %dma_start3A_419 : memref<1x1x1x32xi32, #tpu.memory_space<vmem>> -> memref<32xi32, #tpu.memory_space<vmem>>
      %dma_start3A_421 = arith.constant 0 : i32
      %dma_start3A_422 = arith.constant 0 : i32
      %dma_start3A_423 = tpu.memref_slice %arg23[%dma_start3A_421, %dma_start3A_422] : memref<5248x128xf32, #tpu.memory_space<vmem_shared>> -> memref<5248x128xf32, #tpu.memory_space<vmem_shared>>
      tpu.enqueue_indirect_dma source(%arg11 : memref<32x128xf32, #tpu.memory_space<vmem>>) target(%dma_start3A_423 : memref<5248x128xf32, #tpu.memory_space<vmem_shared>>) offsets(%dma_start3A_420 : memref<32xi32, #tpu.memory_space<vmem>>) semaphore(%arg21 : memref<!tpu.dma_semaphore, #tpu.memory_space<semaphore_mem>>) {add = true}
      %dma_wait3A_424 = arith.constant 0 : i32
      %dma_wait3A_425 = arith.constant 3 : i32
      %dma_wait3A_426 = arith.constant 0 : i32
      %dma_wait3A_427 = arith.constant 0 : i32
      %dma_wait3A_428 = tpu.memref_slice %arg8[%dma_wait3A_424, %dma_wait3A_425, %dma_wait3A_426, %dma_wait3A_427] : memref<2x4x3x32xi32, #tpu.memory_space<vmem>> -> memref<1x1x1x32xi32, #tpu.memory_space<vmem>>
      %dma_wait3A_429 = tpu.memref_squeeze %dma_wait3A_428 : memref<1x1x1x32xi32, #tpu.memory_space<vmem>> -> memref<32xi32, #tpu.memory_space<vmem>>
      %dma_wait3A_430 = arith.constant 0 : i32
      %dma_wait3A_431 = arith.constant 0 : i32
      %dma_wait3A_432 = tpu.memref_slice %arg2[%dma_wait3A_430, %dma_wait3A_431] : memref<10000x128xf32, #tpu.memory_space<hbm>> -> memref<10000x128xf32, #tpu.memory_space<hbm>>
      tpu.wait_indirect_dma semaphore(%arg18 : memref<!tpu.dma_semaphore, #tpu.memory_space<semaphore_mem>>) src(%dma_wait3A_432 : memref<10000x128xf32, #tpu.memory_space<hbm>>) dst(%arg12 : memref<32x128xf32, #tpu.memory_space<vmem>>)
      %dma_start3A_433 = arith.constant 0 : i32
      %dma_start3A_434 = arith.constant 3 : i32
      %dma_start3A_435 = arith.constant 1 : i32
      %dma_start3A_436 = arith.constant 0 : i32
      %dma_start3A_437 = tpu.memref_slice %arg8[%dma_start3A_433, %dma_start3A_434, %dma_start3A_435, %dma_start3A_436] : memref<2x4x3x32xi32, #tpu.memory_space<vmem>> -> memref<1x1x1x32xi32, #tpu.memory_space<vmem>>
      %dma_start3A_438 = tpu.memref_squeeze %dma_start3A_437 : memref<1x1x1x32xi32, #tpu.memory_space<vmem>> -> memref<32xi32, #tpu.memory_space<vmem>>
      %dma_start3A_439 = arith.constant 0 : i32
      %dma_start3A_440 = arith.constant 0 : i32
      %dma_start3A_441 = tpu.memref_slice %arg23[%dma_start3A_439, %dma_start3A_440] : memref<5248x128xf32, #tpu.memory_space<vmem_shared>> -> memref<5248x128xf32, #tpu.memory_space<vmem_shared>>
      tpu.enqueue_indirect_dma source(%arg12 : memref<32x128xf32, #tpu.memory_space<vmem>>) target(%dma_start3A_441 : memref<5248x128xf32, #tpu.memory_space<vmem_shared>>) offsets(%dma_start3A_438 : memref<32xi32, #tpu.memory_space<vmem>>) semaphore(%arg22 : memref<!tpu.dma_semaphore, #tpu.memory_space<semaphore_mem>>) {add = true}
      %add3A_442 = arith.constant 1 : i32
      %add3A_443 = arith.addi %add3A_294, %add3A_442 : i32
      %mul3A_444 = arith.constant 4 : i32
      %mul3A_445 = arith.muli %add3A_443, %mul3A_444 : i32
      %dma_wait3A_446 = arith.constant 1 : i32
      %dma_wait3A_447 = arith.constant 0 : i32
      %dma_wait3A_448 = arith.constant 0 : i32
      %dma_wait3A_449 = arith.constant 0 : i32
      %dma_wait3A_450 = tpu.memref_slice %arg8[%dma_wait3A_446, %dma_wait3A_447, %dma_wait3A_448, %dma_wait3A_449] : memref<2x4x3x32xi32, #tpu.memory_space<vmem>> -> memref<1x4x3x32xi32, #tpu.memory_space<vmem>>
      %dma_wait3A_451 = tpu.memref_squeeze %dma_wait3A_450 : memref<1x4x3x32xi32, #tpu.memory_space<vmem>> -> memref<4x3x32xi32, #tpu.memory_space<vmem>>
      %dma_wait3A_452 = arith.constant 0 : i32
      %dma_wait3A_453 = arith.constant 0 : i32
      %dma_wait3A_454 = arith.constant 0 : i32
      %dma_wait3A_455 = tpu.memref_slice %arg3[%add3A, %dma_wait3A_452, %dma_wait3A_453, %dma_wait3A_454] : memref<32x320x3x32xi32, #tpu.memory_space<hbm>> -> memref<1x320x3x32xi32, #tpu.memory_space<hbm>>
      %dma_wait3A_456 = tpu.memref_squeeze %dma_wait3A_455 : memref<1x320x3x32xi32, #tpu.memory_space<hbm>> -> memref<320x3x32xi32, #tpu.memory_space<hbm>>
      %dma_wait3A_457 = arith.constant 0 : i32
      %dma_wait3A_458 = arith.constant 0 : i32
      %dma_wait3A_459 = tpu.memref_slice %dma_wait3A_456[%mul3A_445, %dma_wait3A_457, %dma_wait3A_458] : memref<320x3x32xi32, #tpu.memory_space<hbm>> -> memref<4x3x32xi32, #tpu.memory_space<hbm>>
      %dma_wait3A_460 = arith.constant 0 : i32
      %dma_wait3A_461 = arith.constant 0 : i32
      %dma_wait3A_462 = arith.constant 0 : i32
      %dma_wait3A_463 = tpu.memref_slice %arg8[%dma_wait3A_446, %dma_wait3A_460, %dma_wait3A_461, %dma_wait3A_462] : memref<2x4x3x32xi32, #tpu.memory_space<vmem>> -> memref<1x4x3x32xi32, #tpu.memory_space<vmem>>
      %dma_wait3A_464 = tpu.memref_squeeze %dma_wait3A_463 : memref<1x4x3x32xi32, #tpu.memory_space<vmem>> -> memref<4x3x32xi32, #tpu.memory_space<vmem>>
      %dma_wait3A_465 = arith.constant 0 : i32
      %dma_wait3A_466 = arith.constant 0 : i32
      %dma_wait3A_467 = arith.constant 0 : i32
      %dma_wait3A_468 = tpu.memref_slice %arg3[%add3A, %dma_wait3A_465, %dma_wait3A_466, %dma_wait3A_467] : memref<32x320x3x32xi32, #tpu.memory_space<hbm>> -> memref<1x320x3x32xi32, #tpu.memory_space<hbm>>
      %dma_wait3A_469 = tpu.memref_squeeze %dma_wait3A_468 : memref<1x320x3x32xi32, #tpu.memory_space<hbm>> -> memref<320x3x32xi32, #tpu.memory_space<hbm>>
      %dma_wait3A_470 = arith.constant 0 : i32
      %dma_wait3A_471 = arith.constant 0 : i32
      %dma_wait3A_472 = tpu.memref_slice %dma_wait3A_469[%mul3A_445, %dma_wait3A_470, %dma_wait3A_471] : memref<320x3x32xi32, #tpu.memory_space<hbm>> -> memref<4x3x32xi32, #tpu.memory_space<hbm>>
      tpu.wait_dma2 semaphore(%arg14 : memref<!tpu.dma_semaphore, #tpu.memory_space<semaphore_mem>>) src(%dma_wait3A_472 : memref<4x3x32xi32, #tpu.memory_space<hbm>>) dst(%dma_wait3A_464 : memref<4x3x32xi32, #tpu.memory_space<vmem>>)
      %gt3A_473 = arith.constant 0 : i32
      %gt3A_474 = arith.cmpi sgt, %add3A_443, %gt3A_473 : i32
      %convert_element_type3A_475 = arith.extui %gt3A_474 : i1 to i32
      %cond3A_476 = arith.constant 0 : i32
      %cond3A_477 = arith.cmpi ne, %convert_element_type3A_475, %cond3A_476 : i32
      scf.if %cond3A_477 {
        %dma_wait3A_593 = arith.constant 0 : i32
        %dma_wait3A_594 = arith.constant 0 : i32
        %dma_wait3A_595 = arith.constant 1 : i32
        %dma_wait3A_596 = arith.constant 0 : i32
        %dma_wait3A_597 = tpu.memref_slice %arg8[%dma_wait3A_593, %dma_wait3A_594, %dma_wait3A_595, %dma_wait3A_596] : memref<2x4x3x32xi32, #tpu.memory_space<vmem>> -> memref<1x1x1x32xi32, #tpu.memory_space<vmem>>
        %dma_wait3A_598 = tpu.memref_squeeze %dma_wait3A_597 : memref<1x1x1x32xi32, #tpu.memory_space<vmem>> -> memref<32xi32, #tpu.memory_space<vmem>>
        %dma_wait3A_599 = arith.constant 0 : i32
        %dma_wait3A_600 = arith.constant 0 : i32
        %dma_wait3A_601 = tpu.memref_slice %arg23[%dma_wait3A_599, %dma_wait3A_600] : memref<5248x128xf32, #tpu.memory_space<vmem_shared>> -> memref<5248x128xf32, #tpu.memory_space<vmem_shared>>
        tpu.wait_indirect_dma semaphore(%arg19 : memref<!tpu.dma_semaphore, #tpu.memory_space<semaphore_mem>>) src(%arg9 : memref<32x128xf32, #tpu.memory_space<vmem>>) dst(%dma_wait3A_601 : memref<5248x128xf32, #tpu.memory_space<vmem_shared>>)
        %dma_wait3A_602 = arith.constant 0 : i32
        %dma_wait3A_603 = arith.constant 1 : i32
        %dma_wait3A_604 = arith.constant 1 : i32
        %dma_wait3A_605 = arith.constant 0 : i32
        %dma_wait3A_606 = tpu.memref_slice %arg8[%dma_wait3A_602, %dma_wait3A_603, %dma_wait3A_604, %dma_wait3A_605] : memref<2x4x3x32xi32, #tpu.memory_space<vmem>> -> memref<1x1x1x32xi32, #tpu.memory_space<vmem>>
        %dma_wait3A_607 = tpu.memref_squeeze %dma_wait3A_606 : memref<1x1x1x32xi32, #tpu.memory_space<vmem>> -> memref<32xi32, #tpu.memory_space<vmem>>
        %dma_wait3A_608 = arith.constant 0 : i32
        %dma_wait3A_609 = arith.constant 0 : i32
        %dma_wait3A_610 = tpu.memref_slice %arg23[%dma_wait3A_608, %dma_wait3A_609] : memref<5248x128xf32, #tpu.memory_space<vmem_shared>> -> memref<5248x128xf32, #tpu.memory_space<vmem_shared>>
        tpu.wait_indirect_dma semaphore(%arg20 : memref<!tpu.dma_semaphore, #tpu.memory_space<semaphore_mem>>) src(%arg10 : memref<32x128xf32, #tpu.memory_space<vmem>>) dst(%dma_wait3A_610 : memref<5248x128xf32, #tpu.memory_space<vmem_shared>>)
        %dma_wait3A_611 = arith.constant 0 : i32
        %dma_wait3A_612 = arith.constant 2 : i32
        %dma_wait3A_613 = arith.constant 1 : i32
        %dma_wait3A_614 = arith.constant 0 : i32
        %dma_wait3A_615 = tpu.memref_slice %arg8[%dma_wait3A_611, %dma_wait3A_612, %dma_wait3A_613, %dma_wait3A_614] : memref<2x4x3x32xi32, #tpu.memory_space<vmem>> -> memref<1x1x1x32xi32, #tpu.memory_space<vmem>>
        %dma_wait3A_616 = tpu.memref_squeeze %dma_wait3A_615 : memref<1x1x1x32xi32, #tpu.memory_space<vmem>> -> memref<32xi32, #tpu.memory_space<vmem>>
        %dma_wait3A_617 = arith.constant 0 : i32
        %dma_wait3A_618 = arith.constant 0 : i32
        %dma_wait3A_619 = tpu.memref_slice %arg23[%dma_wait3A_617, %dma_wait3A_618] : memref<5248x128xf32, #tpu.memory_space<vmem_shared>> -> memref<5248x128xf32, #tpu.memory_space<vmem_shared>>
        tpu.wait_indirect_dma semaphore(%arg21 : memref<!tpu.dma_semaphore, #tpu.memory_space<semaphore_mem>>) src(%arg11 : memref<32x128xf32, #tpu.memory_space<vmem>>) dst(%dma_wait3A_619 : memref<5248x128xf32, #tpu.memory_space<vmem_shared>>)
        %dma_wait3A_620 = arith.constant 0 : i32
        %dma_wait3A_621 = arith.constant 3 : i32
        %dma_wait3A_622 = arith.constant 1 : i32
        %dma_wait3A_623 = arith.constant 0 : i32
        %dma_wait3A_624 = tpu.memref_slice %arg8[%dma_wait3A_620, %dma_wait3A_621, %dma_wait3A_622, %dma_wait3A_623] : memref<2x4x3x32xi32, #tpu.memory_space<vmem>> -> memref<1x1x1x32xi32, #tpu.memory_space<vmem>>
        %dma_wait3A_625 = tpu.memref_squeeze %dma_wait3A_624 : memref<1x1x1x32xi32, #tpu.memory_space<vmem>> -> memref<32xi32, #tpu.memory_space<vmem>>
        %dma_wait3A_626 = arith.constant 0 : i32
        %dma_wait3A_627 = arith.constant 0 : i32
        %dma_wait3A_628 = tpu.memref_slice %arg23[%dma_wait3A_626, %dma_wait3A_627] : memref<5248x128xf32, #tpu.memory_space<vmem_shared>> -> memref<5248x128xf32, #tpu.memory_space<vmem_shared>>
        tpu.wait_indirect_dma semaphore(%arg22 : memref<!tpu.dma_semaphore, #tpu.memory_space<semaphore_mem>>) src(%arg12 : memref<32x128xf32, #tpu.memory_space<vmem>>) dst(%dma_wait3A_628 : memref<5248x128xf32, #tpu.memory_space<vmem_shared>>)
      } else {
      }
      %add3A_478 = arith.constant 1 : i32
      %add3A_479 = arith.addi %add3A_443, %add3A_478 : i32
      %lt3A_480 = arith.constant 80 : i32
      %lt3A_481 = arith.cmpi slt, %add3A_479, %lt3A_480 : i32
      %convert_element_type3A_482 = arith.extui %lt3A_481 : i1 to i32
      %cond3A_483 = arith.constant 0 : i32
      %cond3A_484 = arith.cmpi ne, %convert_element_type3A_482, %cond3A_483 : i32
      scf.if %cond3A_484 {
        %add3A_593 = arith.constant 1 : i32
        %add3A_594 = arith.addi %add3A_443, %add3A_593 : i32
        %mul3A_595 = arith.constant 4 : i32
        %mul3A_596 = arith.muli %add3A_594, %mul3A_595 : i32
        %dma_start3A_597 = arith.constant 0 : i32
        %dma_start3A_598 = arith.constant 0 : i32
        %dma_start3A_599 = arith.constant 0 : i32
        %dma_start3A_600 = arith.constant 0 : i32
        %dma_start3A_601 = tpu.memref_slice %arg8[%dma_start3A_597, %dma_start3A_598, %dma_start3A_599, %dma_start3A_600] : memref<2x4x3x32xi32, #tpu.memory_space<vmem>> -> memref<1x4x3x32xi32, #tpu.memory_space<vmem>>
        %dma_start3A_602 = tpu.memref_squeeze %dma_start3A_601 : memref<1x4x3x32xi32, #tpu.memory_space<vmem>> -> memref<4x3x32xi32, #tpu.memory_space<vmem>>
        %dma_start3A_603 = arith.constant 0 : i32
        %dma_start3A_604 = arith.constant 0 : i32
        %dma_start3A_605 = arith.constant 0 : i32
        %dma_start3A_606 = tpu.memref_slice %arg3[%add3A, %dma_start3A_603, %dma_start3A_604, %dma_start3A_605] : memref<32x320x3x32xi32, #tpu.memory_space<hbm>> -> memref<1x320x3x32xi32, #tpu.memory_space<hbm>>
        %dma_start3A_607 = tpu.memref_squeeze %dma_start3A_606 : memref<1x320x3x32xi32, #tpu.memory_space<hbm>> -> memref<320x3x32xi32, #tpu.memory_space<hbm>>
        %dma_start3A_608 = arith.constant 0 : i32
        %dma_start3A_609 = arith.constant 0 : i32
        %dma_start3A_610 = tpu.memref_slice %dma_start3A_607[%mul3A_596, %dma_start3A_608, %dma_start3A_609] : memref<320x3x32xi32, #tpu.memory_space<hbm>> -> memref<4x3x32xi32, #tpu.memory_space<hbm>>
        %dma_start3A_611 = arith.constant 0 : i32
        %dma_start3A_612 = arith.constant 0 : i32
        %dma_start3A_613 = arith.constant 0 : i32
        %dma_start3A_614 = tpu.memref_slice %arg8[%dma_start3A_597, %dma_start3A_611, %dma_start3A_612, %dma_start3A_613] : memref<2x4x3x32xi32, #tpu.memory_space<vmem>> -> memref<1x4x3x32xi32, #tpu.memory_space<vmem>>
        %dma_start3A_615 = tpu.memref_squeeze %dma_start3A_614 : memref<1x4x3x32xi32, #tpu.memory_space<vmem>> -> memref<4x3x32xi32, #tpu.memory_space<vmem>>
        %dma_start3A_616 = arith.constant 0 : i32
        %dma_start3A_617 = arith.constant 0 : i32
        %dma_start3A_618 = arith.constant 0 : i32
        %dma_start3A_619 = tpu.memref_slice %arg3[%add3A, %dma_start3A_616, %dma_start3A_617, %dma_start3A_618] : memref<32x320x3x32xi32, #tpu.memory_space<hbm>> -> memref<1x320x3x32xi32, #tpu.memory_space<hbm>>
        %dma_start3A_620 = tpu.memref_squeeze %dma_start3A_619 : memref<1x320x3x32xi32, #tpu.memory_space<hbm>> -> memref<320x3x32xi32, #tpu.memory_space<hbm>>
        %dma_start3A_621 = arith.constant 0 : i32
        %dma_start3A_622 = arith.constant 0 : i32
        %dma_start3A_623 = tpu.memref_slice %dma_start3A_620[%mul3A_596, %dma_start3A_621, %dma_start3A_622] : memref<320x3x32xi32, #tpu.memory_space<hbm>> -> memref<4x3x32xi32, #tpu.memory_space<hbm>>
        tpu.enqueue_dma source(%dma_start3A_623 : memref<4x3x32xi32, #tpu.memory_space<hbm>>) target(%dma_start3A_615 : memref<4x3x32xi32, #tpu.memory_space<vmem>>) target_semaphore(%arg13 : memref<!tpu.dma_semaphore, #tpu.memory_space<semaphore_mem>>)
      } else {
      }
      %dma_start3A_485 = arith.constant 1 : i32
      %dma_start3A_486 = arith.constant 0 : i32
      %dma_start3A_487 = arith.constant 0 : i32
      %dma_start3A_488 = arith.constant 0 : i32
      %dma_start3A_489 = tpu.memref_slice %arg8[%dma_start3A_485, %dma_start3A_486, %dma_start3A_487, %dma_start3A_488] : memref<2x4x3x32xi32, #tpu.memory_space<vmem>> -> memref<1x1x1x32xi32, #tpu.memory_space<vmem>>
      %dma_start3A_490 = tpu.memref_squeeze %dma_start3A_489 : memref<1x1x1x32xi32, #tpu.memory_space<vmem>> -> memref<32xi32, #tpu.memory_space<vmem>>
      %dma_start3A_491 = arith.constant 0 : i32
      %dma_start3A_492 = arith.constant 0 : i32
      %dma_start3A_493 = tpu.memref_slice %arg2[%dma_start3A_491, %dma_start3A_492] : memref<10000x128xf32, #tpu.memory_space<hbm>> -> memref<10000x128xf32, #tpu.memory_space<hbm>>
      tpu.enqueue_indirect_dma source(%dma_start3A_493 : memref<10000x128xf32, #tpu.memory_space<hbm>>) target(%arg9 : memref<32x128xf32, #tpu.memory_space<vmem>>) offsets(%dma_start3A_490 : memref<32xi32, #tpu.memory_space<vmem>>) semaphore(%arg15 : memref<!tpu.dma_semaphore, #tpu.memory_space<semaphore_mem>>)
      %dma_start3A_494 = arith.constant 1 : i32
      %dma_start3A_495 = arith.constant 1 : i32
      %dma_start3A_496 = arith.constant 0 : i32
      %dma_start3A_497 = arith.constant 0 : i32
      %dma_start3A_498 = tpu.memref_slice %arg8[%dma_start3A_494, %dma_start3A_495, %dma_start3A_496, %dma_start3A_497] : memref<2x4x3x32xi32, #tpu.memory_space<vmem>> -> memref<1x1x1x32xi32, #tpu.memory_space<vmem>>
      %dma_start3A_499 = tpu.memref_squeeze %dma_start3A_498 : memref<1x1x1x32xi32, #tpu.memory_space<vmem>> -> memref<32xi32, #tpu.memory_space<vmem>>
      %dma_start3A_500 = arith.constant 0 : i32
      %dma_start3A_501 = arith.constant 0 : i32
      %dma_start3A_502 = tpu.memref_slice %arg2[%dma_start3A_500, %dma_start3A_501] : memref<10000x128xf32, #tpu.memory_space<hbm>> -> memref<10000x128xf32, #tpu.memory_space<hbm>>
      tpu.enqueue_indirect_dma source(%dma_start3A_502 : memref<10000x128xf32, #tpu.memory_space<hbm>>) target(%arg10 : memref<32x128xf32, #tpu.memory_space<vmem>>) offsets(%dma_start3A_499 : memref<32xi32, #tpu.memory_space<vmem>>) semaphore(%arg16 : memref<!tpu.dma_semaphore, #tpu.memory_space<semaphore_mem>>)
      %dma_start3A_503 = arith.constant 1 : i32
      %dma_start3A_504 = arith.constant 2 : i32
      %dma_start3A_505 = arith.constant 0 : i32
      %dma_start3A_506 = arith.constant 0 : i32
      %dma_start3A_507 = tpu.memref_slice %arg8[%dma_start3A_503, %dma_start3A_504, %dma_start3A_505, %dma_start3A_506] : memref<2x4x3x32xi32, #tpu.memory_space<vmem>> -> memref<1x1x1x32xi32, #tpu.memory_space<vmem>>
      %dma_start3A_508 = tpu.memref_squeeze %dma_start3A_507 : memref<1x1x1x32xi32, #tpu.memory_space<vmem>> -> memref<32xi32, #tpu.memory_space<vmem>>
      %dma_start3A_509 = arith.constant 0 : i32
      %dma_start3A_510 = arith.constant 0 : i32
      %dma_start3A_511 = tpu.memref_slice %arg2[%dma_start3A_509, %dma_start3A_510] : memref<10000x128xf32, #tpu.memory_space<hbm>> -> memref<10000x128xf32, #tpu.memory_space<hbm>>
      tpu.enqueue_indirect_dma source(%dma_start3A_511 : memref<10000x128xf32, #tpu.memory_space<hbm>>) target(%arg11 : memref<32x128xf32, #tpu.memory_space<vmem>>) offsets(%dma_start3A_508 : memref<32xi32, #tpu.memory_space<vmem>>) semaphore(%arg17 : memref<!tpu.dma_semaphore, #tpu.memory_space<semaphore_mem>>)
      %dma_start3A_512 = arith.constant 1 : i32
      %dma_start3A_513 = arith.constant 3 : i32
      %dma_start3A_514 = arith.constant 0 : i32
      %dma_start3A_515 = arith.constant 0 : i32
      %dma_start3A_516 = tpu.memref_slice %arg8[%dma_start3A_512, %dma_start3A_513, %dma_start3A_514, %dma_start3A_515] : memref<2x4x3x32xi32, #tpu.memory_space<vmem>> -> memref<1x1x1x32xi32, #tpu.memory_space<vmem>>
      %dma_start3A_517 = tpu.memref_squeeze %dma_start3A_516 : memref<1x1x1x32xi32, #tpu.memory_space<vmem>> -> memref<32xi32, #tpu.memory_space<vmem>>
      %dma_start3A_518 = arith.constant 0 : i32
      %dma_start3A_519 = arith.constant 0 : i32
      %dma_start3A_520 = tpu.memref_slice %arg2[%dma_start3A_518, %dma_start3A_519] : memref<10000x128xf32, #tpu.memory_space<hbm>> -> memref<10000x128xf32, #tpu.memory_space<hbm>>
      tpu.enqueue_indirect_dma source(%dma_start3A_520 : memref<10000x128xf32, #tpu.memory_space<hbm>>) target(%arg12 : memref<32x128xf32, #tpu.memory_space<vmem>>) offsets(%dma_start3A_517 : memref<32xi32, #tpu.memory_space<vmem>>) semaphore(%arg18 : memref<!tpu.dma_semaphore, #tpu.memory_space<semaphore_mem>>)
      %dma_wait3A_521 = arith.constant 1 : i32
      %dma_wait3A_522 = arith.constant 0 : i32
      %dma_wait3A_523 = arith.constant 0 : i32
      %dma_wait3A_524 = arith.constant 0 : i32
      %dma_wait3A_525 = tpu.memref_slice %arg8[%dma_wait3A_521, %dma_wait3A_522, %dma_wait3A_523, %dma_wait3A_524] : memref<2x4x3x32xi32, #tpu.memory_space<vmem>> -> memref<1x1x1x32xi32, #tpu.memory_space<vmem>>
      %dma_wait3A_526 = tpu.memref_squeeze %dma_wait3A_525 : memref<1x1x1x32xi32, #tpu.memory_space<vmem>> -> memref<32xi32, #tpu.memory_space<vmem>>
      %dma_wait3A_527 = arith.constant 0 : i32
      %dma_wait3A_528 = arith.constant 0 : i32
      %dma_wait3A_529 = tpu.memref_slice %arg2[%dma_wait3A_527, %dma_wait3A_528] : memref<10000x128xf32, #tpu.memory_space<hbm>> -> memref<10000x128xf32, #tpu.memory_space<hbm>>
      tpu.wait_indirect_dma semaphore(%arg15 : memref<!tpu.dma_semaphore, #tpu.memory_space<semaphore_mem>>) src(%dma_wait3A_529 : memref<10000x128xf32, #tpu.memory_space<hbm>>) dst(%arg9 : memref<32x128xf32, #tpu.memory_space<vmem>>)
      %dma_start3A_530 = arith.constant 1 : i32
      %dma_start3A_531 = arith.constant 0 : i32
      %dma_start3A_532 = arith.constant 1 : i32
      %dma_start3A_533 = arith.constant 0 : i32
      %dma_start3A_534 = tpu.memref_slice %arg8[%dma_start3A_530, %dma_start3A_531, %dma_start3A_532, %dma_start3A_533] : memref<2x4x3x32xi32, #tpu.memory_space<vmem>> -> memref<1x1x1x32xi32, #tpu.memory_space<vmem>>
      %dma_start3A_535 = tpu.memref_squeeze %dma_start3A_534 : memref<1x1x1x32xi32, #tpu.memory_space<vmem>> -> memref<32xi32, #tpu.memory_space<vmem>>
      %dma_start3A_536 = arith.constant 0 : i32
      %dma_start3A_537 = arith.constant 0 : i32
      %dma_start3A_538 = tpu.memref_slice %arg23[%dma_start3A_536, %dma_start3A_537] : memref<5248x128xf32, #tpu.memory_space<vmem_shared>> -> memref<5248x128xf32, #tpu.memory_space<vmem_shared>>
      tpu.enqueue_indirect_dma source(%arg9 : memref<32x128xf32, #tpu.memory_space<vmem>>) target(%dma_start3A_538 : memref<5248x128xf32, #tpu.memory_space<vmem_shared>>) offsets(%dma_start3A_535 : memref<32xi32, #tpu.memory_space<vmem>>) semaphore(%arg19 : memref<!tpu.dma_semaphore, #tpu.memory_space<semaphore_mem>>) {add = true}
      %dma_wait3A_539 = arith.constant 1 : i32
      %dma_wait3A_540 = arith.constant 1 : i32
      %dma_wait3A_541 = arith.constant 0 : i32
      %dma_wait3A_542 = arith.constant 0 : i32
      %dma_wait3A_543 = tpu.memref_slice %arg8[%dma_wait3A_539, %dma_wait3A_540, %dma_wait3A_541, %dma_wait3A_542] : memref<2x4x3x32xi32, #tpu.memory_space<vmem>> -> memref<1x1x1x32xi32, #tpu.memory_space<vmem>>
      %dma_wait3A_544 = tpu.memref_squeeze %dma_wait3A_543 : memref<1x1x1x32xi32, #tpu.memory_space<vmem>> -> memref<32xi32, #tpu.memory_space<vmem>>
      %dma_wait3A_545 = arith.constant 0 : i32
      %dma_wait3A_546 = arith.constant 0 : i32
      %dma_wait3A_547 = tpu.memref_slice %arg2[%dma_wait3A_545, %dma_wait3A_546] : memref<10000x128xf32, #tpu.memory_space<hbm>> -> memref<10000x128xf32, #tpu.memory_space<hbm>>
      tpu.wait_indirect_dma semaphore(%arg16 : memref<!tpu.dma_semaphore, #tpu.memory_space<semaphore_mem>>) src(%dma_wait3A_547 : memref<10000x128xf32, #tpu.memory_space<hbm>>) dst(%arg10 : memref<32x128xf32, #tpu.memory_space<vmem>>)
      %dma_start3A_548 = arith.constant 1 : i32
      %dma_start3A_549 = arith.constant 1 : i32
      %dma_start3A_550 = arith.constant 1 : i32
      %dma_start3A_551 = arith.constant 0 : i32
      %dma_start3A_552 = tpu.memref_slice %arg8[%dma_start3A_548, %dma_start3A_549, %dma_start3A_550, %dma_start3A_551] : memref<2x4x3x32xi32, #tpu.memory_space<vmem>> -> memref<1x1x1x32xi32, #tpu.memory_space<vmem>>
      %dma_start3A_553 = tpu.memref_squeeze %dma_start3A_552 : memref<1x1x1x32xi32, #tpu.memory_space<vmem>> -> memref<32xi32, #tpu.memory_space<vmem>>
      %dma_start3A_554 = arith.constant 0 : i32
      %dma_start3A_555 = arith.constant 0 : i32
      %dma_start3A_556 = tpu.memref_slice %arg23[%dma_start3A_554, %dma_start3A_555] : memref<5248x128xf32, #tpu.memory_space<vmem_shared>> -> memref<5248x128xf32, #tpu.memory_space<vmem_shared>>
      tpu.enqueue_indirect_dma source(%arg10 : memref<32x128xf32, #tpu.memory_space<vmem>>) target(%dma_start3A_556 : memref<5248x128xf32, #tpu.memory_space<vmem_shared>>) offsets(%dma_start3A_553 : memref<32xi32, #tpu.memory_space<vmem>>) semaphore(%arg20 : memref<!tpu.dma_semaphore, #tpu.memory_space<semaphore_mem>>) {add = true}
      %dma_wait3A_557 = arith.constant 1 : i32
      %dma_wait3A_558 = arith.constant 2 : i32
      %dma_wait3A_559 = arith.constant 0 : i32
      %dma_wait3A_560 = arith.constant 0 : i32
      %dma_wait3A_561 = tpu.memref_slice %arg8[%dma_wait3A_557, %dma_wait3A_558, %dma_wait3A_559, %dma_wait3A_560] : memref<2x4x3x32xi32, #tpu.memory_space<vmem>> -> memref<1x1x1x32xi32, #tpu.memory_space<vmem>>
      %dma_wait3A_562 = tpu.memref_squeeze %dma_wait3A_561 : memref<1x1x1x32xi32, #tpu.memory_space<vmem>> -> memref<32xi32, #tpu.memory_space<vmem>>
      %dma_wait3A_563 = arith.constant 0 : i32
      %dma_wait3A_564 = arith.constant 0 : i32
      %dma_wait3A_565 = tpu.memref_slice %arg2[%dma_wait3A_563, %dma_wait3A_564] : memref<10000x128xf32, #tpu.memory_space<hbm>> -> memref<10000x128xf32, #tpu.memory_space<hbm>>
      tpu.wait_indirect_dma semaphore(%arg17 : memref<!tpu.dma_semaphore, #tpu.memory_space<semaphore_mem>>) src(%dma_wait3A_565 : memref<10000x128xf32, #tpu.memory_space<hbm>>) dst(%arg11 : memref<32x128xf32, #tpu.memory_space<vmem>>)
      %dma_start3A_566 = arith.constant 1 : i32
      %dma_start3A_567 = arith.constant 2 : i32
      %dma_start3A_568 = arith.constant 1 : i32
      %dma_start3A_569 = arith.constant 0 : i32
      %dma_start3A_570 = tpu.memref_slice %arg8[%dma_start3A_566, %dma_start3A_567, %dma_start3A_568, %dma_start3A_569] : memref<2x4x3x32xi32, #tpu.memory_space<vmem>> -> memref<1x1x1x32xi32, #tpu.memory_space<vmem>>
      %dma_start3A_571 = tpu.memref_squeeze %dma_start3A_570 : memref<1x1x1x32xi32, #tpu.memory_space<vmem>> -> memref<32xi32, #tpu.memory_space<vmem>>
      %dma_start3A_572 = arith.constant 0 : i32
      %dma_start3A_573 = arith.constant 0 : i32
      %dma_start3A_574 = tpu.memref_slice %arg23[%dma_start3A_572, %dma_start3A_573] : memref<5248x128xf32, #tpu.memory_space<vmem_shared>> -> memref<5248x128xf32, #tpu.memory_space<vmem_shared>>
      tpu.enqueue_indirect_dma source(%arg11 : memref<32x128xf32, #tpu.memory_space<vmem>>) target(%dma_start3A_574 : memref<5248x128xf32, #tpu.memory_space<vmem_shared>>) offsets(%dma_start3A_571 : memref<32xi32, #tpu.memory_space<vmem>>) semaphore(%arg21 : memref<!tpu.dma_semaphore, #tpu.memory_space<semaphore_mem>>) {add = true}
      %dma_wait3A_575 = arith.constant 1 : i32
      %dma_wait3A_576 = arith.constant 3 : i32
      %dma_wait3A_577 = arith.constant 0 : i32
      %dma_wait3A_578 = arith.constant 0 : i32
      %dma_wait3A_579 = tpu.memref_slice %arg8[%dma_wait3A_575, %dma_wait3A_576, %dma_wait3A_577, %dma_wait3A_578] : memref<2x4x3x32xi32, #tpu.memory_space<vmem>> -> memref<1x1x1x32xi32, #tpu.memory_space<vmem>>
      %dma_wait3A_580 = tpu.memref_squeeze %dma_wait3A_579 : memref<1x1x1x32xi32, #tpu.memory_space<vmem>> -> memref<32xi32, #tpu.memory_space<vmem>>
      %dma_wait3A_581 = arith.constant 0 : i32
      %dma_wait3A_582 = arith.constant 0 : i32
      %dma_wait3A_583 = tpu.memref_slice %arg2[%dma_wait3A_581, %dma_wait3A_582] : memref<10000x128xf32, #tpu.memory_space<hbm>> -> memref<10000x128xf32, #tpu.memory_space<hbm>>
      tpu.wait_indirect_dma semaphore(%arg18 : memref<!tpu.dma_semaphore, #tpu.memory_space<semaphore_mem>>) src(%dma_wait3A_583 : memref<10000x128xf32, #tpu.memory_space<hbm>>) dst(%arg12 : memref<32x128xf32, #tpu.memory_space<vmem>>)
      %dma_start3A_584 = arith.constant 1 : i32
      %dma_start3A_585 = arith.constant 3 : i32
      %dma_start3A_586 = arith.constant 1 : i32
      %dma_start3A_587 = arith.constant 0 : i32
      %dma_start3A_588 = tpu.memref_slice %arg8[%dma_start3A_584, %dma_start3A_585, %dma_start3A_586, %dma_start3A_587] : memref<2x4x3x32xi32, #tpu.memory_space<vmem>> -> memref<1x1x1x32xi32, #tpu.memory_space<vmem>>
      %dma_start3A_589 = tpu.memref_squeeze %dma_start3A_588 : memref<1x1x1x32xi32, #tpu.memory_space<vmem>> -> memref<32xi32, #tpu.memory_space<vmem>>
      %dma_start3A_590 = arith.constant 0 : i32
      %dma_start3A_591 = arith.constant 0 : i32
      %dma_start3A_592 = tpu.memref_slice %arg23[%dma_start3A_590, %dma_start3A_591] : memref<5248x128xf32, #tpu.memory_space<vmem_shared>> -> memref<5248x128xf32, #tpu.memory_space<vmem_shared>>
      tpu.enqueue_indirect_dma source(%arg12 : memref<32x128xf32, #tpu.memory_space<vmem>>) target(%dma_start3A_592 : memref<5248x128xf32, #tpu.memory_space<vmem_shared>>) offsets(%dma_start3A_589 : memref<32xi32, #tpu.memory_space<vmem>>) semaphore(%arg22 : memref<!tpu.dma_semaphore, #tpu.memory_space<semaphore_mem>>) {add = true}
    }
    %scan3A_34 = arith.constant 40 : i32
    %dma_wait3A = arith.constant 0 : i32
    %dma_wait3A_35 = arith.constant 0 : i32
    %dma_wait3A_36 = arith.constant 1 : i32
    %dma_wait3A_37 = arith.constant 0 : i32
    %dma_wait3A_38 = tpu.memref_slice %arg8[%dma_wait3A, %dma_wait3A_35, %dma_wait3A_36, %dma_wait3A_37] : memref<2x4x3x32xi32, #tpu.memory_space<vmem>> -> memref<1x1x1x32xi32, #tpu.memory_space<vmem>>
    %dma_wait3A_39 = tpu.memref_squeeze %dma_wait3A_38 : memref<1x1x1x32xi32, #tpu.memory_space<vmem>> -> memref<32xi32, #tpu.memory_space<vmem>>
    %dma_wait3A_40 = arith.constant 0 : i32
    %dma_wait3A_41 = arith.constant 0 : i32
    %dma_wait3A_42 = tpu.memref_slice %arg23[%dma_wait3A_40, %dma_wait3A_41] : memref<5248x128xf32, #tpu.memory_space<vmem_shared>> -> memref<5248x128xf32, #tpu.memory_space<vmem_shared>>
    tpu.wait_indirect_dma semaphore(%arg19 : memref<!tpu.dma_semaphore, #tpu.memory_space<semaphore_mem>>) src(%arg9 : memref<32x128xf32, #tpu.memory_space<vmem>>) dst(%dma_wait3A_42 : memref<5248x128xf32, #tpu.memory_space<vmem_shared>>)
    %dma_wait3A_43 = arith.constant 0 : i32
    %dma_wait3A_44 = arith.constant 1 : i32
    %dma_wait3A_45 = arith.constant 1 : i32
    %dma_wait3A_46 = arith.constant 0 : i32
    %dma_wait3A_47 = tpu.memref_slice %arg8[%dma_wait3A_43, %dma_wait3A_44, %dma_wait3A_45, %dma_wait3A_46] : memref<2x4x3x32xi32, #tpu.memory_space<vmem>> -> memref<1x1x1x32xi32, #tpu.memory_space<vmem>>
    %dma_wait3A_48 = tpu.memref_squeeze %dma_wait3A_47 : memref<1x1x1x32xi32, #tpu.memory_space<vmem>> -> memref<32xi32, #tpu.memory_space<vmem>>
    %dma_wait3A_49 = arith.constant 0 : i32
    %dma_wait3A_50 = arith.constant 0 : i32
    %dma_wait3A_51 = tpu.memref_slice %arg23[%dma_wait3A_49, %dma_wait3A_50] : memref<5248x128xf32, #tpu.memory_space<vmem_shared>> -> memref<5248x128xf32, #tpu.memory_space<vmem_shared>>
    tpu.wait_indirect_dma semaphore(%arg20 : memref<!tpu.dma_semaphore, #tpu.memory_space<semaphore_mem>>) src(%arg10 : memref<32x128xf32, #tpu.memory_space<vmem>>) dst(%dma_wait3A_51 : memref<5248x128xf32, #tpu.memory_space<vmem_shared>>)
    %dma_wait3A_52 = arith.constant 0 : i32
    %dma_wait3A_53 = arith.constant 2 : i32
    %dma_wait3A_54 = arith.constant 1 : i32
    %dma_wait3A_55 = arith.constant 0 : i32
    %dma_wait3A_56 = tpu.memref_slice %arg8[%dma_wait3A_52, %dma_wait3A_53, %dma_wait3A_54, %dma_wait3A_55] : memref<2x4x3x32xi32, #tpu.memory_space<vmem>> -> memref<1x1x1x32xi32, #tpu.memory_space<vmem>>
    %dma_wait3A_57 = tpu.memref_squeeze %dma_wait3A_56 : memref<1x1x1x32xi32, #tpu.memory_space<vmem>> -> memref<32xi32, #tpu.memory_space<vmem>>
    %dma_wait3A_58 = arith.constant 0 : i32
    %dma_wait3A_59 = arith.constant 0 : i32
    %dma_wait3A_60 = tpu.memref_slice %arg23[%dma_wait3A_58, %dma_wait3A_59] : memref<5248x128xf32, #tpu.memory_space<vmem_shared>> -> memref<5248x128xf32, #tpu.memory_space<vmem_shared>>
    tpu.wait_indirect_dma semaphore(%arg21 : memref<!tpu.dma_semaphore, #tpu.memory_space<semaphore_mem>>) src(%arg11 : memref<32x128xf32, #tpu.memory_space<vmem>>) dst(%dma_wait3A_60 : memref<5248x128xf32, #tpu.memory_space<vmem_shared>>)
    %dma_wait3A_61 = arith.constant 0 : i32
    %dma_wait3A_62 = arith.constant 3 : i32
    %dma_wait3A_63 = arith.constant 1 : i32
    %dma_wait3A_64 = arith.constant 0 : i32
    %dma_wait3A_65 = tpu.memref_slice %arg8[%dma_wait3A_61, %dma_wait3A_62, %dma_wait3A_63, %dma_wait3A_64] : memref<2x4x3x32xi32, #tpu.memory_space<vmem>> -> memref<1x1x1x32xi32, #tpu.memory_space<vmem>>
    %dma_wait3A_66 = tpu.memref_squeeze %dma_wait3A_65 : memref<1x1x1x32xi32, #tpu.memory_space<vmem>> -> memref<32xi32, #tpu.memory_space<vmem>>
    %dma_wait3A_67 = arith.constant 0 : i32
    %dma_wait3A_68 = arith.constant 0 : i32
    %dma_wait3A_69 = tpu.memref_slice %arg23[%dma_wait3A_67, %dma_wait3A_68] : memref<5248x128xf32, #tpu.memory_space<vmem_shared>> -> memref<5248x128xf32, #tpu.memory_space<vmem_shared>>
    tpu.wait_indirect_dma semaphore(%arg22 : memref<!tpu.dma_semaphore, #tpu.memory_space<semaphore_mem>>) src(%arg12 : memref<32x128xf32, #tpu.memory_space<vmem>>) dst(%dma_wait3A_69 : memref<5248x128xf32, #tpu.memory_space<vmem_shared>>)
    %barrier3A_70 = arith.constant 0 : index
    tpu.barrier barrier_id(%barrier3A_70)
    %run_scoped3A = arith.constant 0 : i32
    "tpu.region"() ({
      %run_scoped3A_290 = tpu.sem_alloc : memref<!tpu.dma_semaphore, #tpu.memory_space<semaphore_mem>>
      %dma_start3A_291 = arith.constant 0 : i32
      %dma_start3A_292 = arith.constant 0 : i32
      %dma_start3A_293 = tpu.memref_slice %arg6[%arg0, %run_scoped3A, %dma_start3A_291, %dma_start3A_292] : memref<2x2x5248x128xf32, #tpu.memory_space<hbm>> -> memref<1x1x5248x128xf32, #tpu.memory_space<hbm>>
      %dma_start3A_294 = tpu.memref_squeeze %dma_start3A_293 : memref<1x1x5248x128xf32, #tpu.memory_space<hbm>> -> memref<5248x128xf32, #tpu.memory_space<hbm>>
      %dma_start3A_295 = arith.constant 0 : i32
      %dma_start3A_296 = tpu.memref_slice %dma_start3A_294[%mul3A_2, %dma_start3A_295] : memref<5248x128xf32, #tpu.memory_space<hbm>> -> memref<328x128xf32, #tpu.memory_space<hbm>>
      %dma_start3A_297 = arith.constant 0 : i32
      %dma_start3A_298 = tpu.memref_slice %arg23[%mul3A_2, %dma_start3A_297] : memref<5248x128xf32, #tpu.memory_space<vmem_shared>> -> memref<328x128xf32, #tpu.memory_space<vmem_shared>>
      tpu.enqueue_dma source(%dma_start3A_298 : memref<328x128xf32, #tpu.memory_space<vmem_shared>>) target(%dma_start3A_296 : memref<328x128xf32, #tpu.memory_space<hbm>>) target_semaphore(%run_scoped3A_290 : memref<!tpu.dma_semaphore, #tpu.memory_space<semaphore_mem>>)
      %dma_wait3A_299 = arith.constant 0 : i32
      %dma_wait3A_300 = arith.constant 0 : i32
      %dma_wait3A_301 = tpu.memref_slice %arg6[%arg0, %run_scoped3A, %dma_wait3A_299, %dma_wait3A_300] : memref<2x2x5248x128xf32, #tpu.memory_space<hbm>> -> memref<1x1x5248x128xf32, #tpu.memory_space<hbm>>
      %dma_wait3A_302 = tpu.memref_squeeze %dma_wait3A_301 : memref<1x1x5248x128xf32, #tpu.memory_space<hbm>> -> memref<5248x128xf32, #tpu.memory_space<hbm>>
      %dma_wait3A_303 = arith.constant 0 : i32
      %dma_wait3A_304 = tpu.memref_slice %dma_wait3A_302[%mul3A_2, %dma_wait3A_303] : memref<5248x128xf32, #tpu.memory_space<hbm>> -> memref<328x128xf32, #tpu.memory_space<hbm>>
      %dma_wait3A_305 = arith.constant 0 : i32
      %dma_wait3A_306 = tpu.memref_slice %arg23[%mul3A_2, %dma_wait3A_305] : memref<5248x128xf32, #tpu.memory_space<vmem_shared>> -> memref<328x128xf32, #tpu.memory_space<vmem_shared>>
      tpu.wait_dma2 semaphore(%run_scoped3A_290 : memref<!tpu.dma_semaphore, #tpu.memory_space<semaphore_mem>>) src(%dma_wait3A_306 : memref<328x128xf32, #tpu.memory_space<vmem_shared>>) dst(%dma_wait3A_304 : memref<328x128xf32, #tpu.memory_space<hbm>>)
      tpu.yield
    }) : () -> ()
    "tpu.region"() ({
      %run_scoped3A_290 = tpu.sem_alloc : memref<!tpu.dma_semaphore, #tpu.memory_space<semaphore_mem>>
      %dma_start3A_291 = arith.constant 0 : i32
      %dma_start3A_292 = tpu.memref_slice %arg23[%mul3A_2, %dma_start3A_291] : memref<5248x128xf32, #tpu.memory_space<vmem_shared>> -> memref<328x128xf32, #tpu.memory_space<vmem_shared>>
      tpu.enqueue_dma source(%arg4 : memref<328x128xf32, #tpu.memory_space<hbm>>) target(%dma_start3A_292 : memref<328x128xf32, #tpu.memory_space<vmem_shared>>) target_semaphore(%run_scoped3A_290 : memref<!tpu.dma_semaphore, #tpu.memory_space<semaphore_mem>>)
      %dma_wait3A_293 = arith.constant 0 : i32
      %dma_wait3A_294 = tpu.memref_slice %arg23[%mul3A_2, %dma_wait3A_293] : memref<5248x128xf32, #tpu.memory_space<vmem_shared>> -> memref<328x128xf32, #tpu.memory_space<vmem_shared>>
      tpu.wait_dma2 semaphore(%run_scoped3A_290 : memref<!tpu.dma_semaphore, #tpu.memory_space<semaphore_mem>>) src(%arg4 : memref<328x128xf32, #tpu.memory_space<hbm>>) dst(%dma_wait3A_294 : memref<328x128xf32, #tpu.memory_space<vmem_shared>>)
      tpu.yield
    }) : () -> ()
    %barrier3A_71 = arith.constant 0 : index
    tpu.barrier barrier_id(%barrier3A_71)
    %dma_start3A_72 = arith.constant 0 : i32
    %dma_start3A_73 = arith.constant 0 : i32
    %dma_start3A_74 = arith.constant 0 : i32
    %dma_start3A_75 = arith.constant 0 : i32
    %dma_start3A_76 = tpu.memref_slice %arg8[%dma_start3A_72, %dma_start3A_73, %dma_start3A_74, %dma_start3A_75] : memref<2x4x3x32xi32, #tpu.memory_space<vmem>> -> memref<1x4x3x32xi32, #tpu.memory_space<vmem>>
    %dma_start3A_77 = tpu.memref_squeeze %dma_start3A_76 : memref<1x4x3x32xi32, #tpu.memory_space<vmem>> -> memref<4x3x32xi32, #tpu.memory_space<vmem>>
    %dma_start3A_78 = arith.constant 0 : i32
    %dma_start3A_79 = arith.constant 0 : i32
    %dma_start3A_80 = arith.constant 0 : i32
    %dma_start3A_81 = tpu.memref_slice %arg3[%add3A, %dma_start3A_78, %dma_start3A_79, %dma_start3A_80] : memref<32x320x3x32xi32, #tpu.memory_space<hbm>> -> memref<1x320x3x32xi32, #tpu.memory_space<hbm>>
    %dma_start3A_82 = tpu.memref_squeeze %dma_start3A_81 : memref<1x320x3x32xi32, #tpu.memory_space<hbm>> -> memref<320x3x32xi32, #tpu.memory_space<hbm>>
    %dma_start3A_83 = arith.constant 0 : i32
    %dma_start3A_84 = arith.constant 0 : i32
    %dma_start3A_85 = arith.constant 0 : i32
    %dma_start3A_86 = tpu.memref_slice %dma_start3A_82[%dma_start3A_83, %dma_start3A_84, %dma_start3A_85] : memref<320x3x32xi32, #tpu.memory_space<hbm>> -> memref<4x3x32xi32, #tpu.memory_space<hbm>>
    %dma_start3A_87 = arith.constant 0 : i32
    %dma_start3A_88 = arith.constant 0 : i32
    %dma_start3A_89 = arith.constant 0 : i32
    %dma_start3A_90 = tpu.memref_slice %arg8[%dma_start3A_72, %dma_start3A_87, %dma_start3A_88, %dma_start3A_89] : memref<2x4x3x32xi32, #tpu.memory_space<vmem>> -> memref<1x4x3x32xi32, #tpu.memory_space<vmem>>
    %dma_start3A_91 = tpu.memref_squeeze %dma_start3A_90 : memref<1x4x3x32xi32, #tpu.memory_space<vmem>> -> memref<4x3x32xi32, #tpu.memory_space<vmem>>
    %dma_start3A_92 = arith.constant 0 : i32
    %dma_start3A_93 = arith.constant 0 : i32
    %dma_start3A_94 = arith.constant 0 : i32
    %dma_start3A_95 = tpu.memref_slice %arg3[%add3A, %dma_start3A_92, %dma_start3A_93, %dma_start3A_94] : memref<32x320x3x32xi32, #tpu.memory_space<hbm>> -> memref<1x320x3x32xi32, #tpu.memory_space<hbm>>
    %dma_start3A_96 = tpu.memref_squeeze %dma_start3A_95 : memref<1x320x3x32xi32, #tpu.memory_space<hbm>> -> memref<320x3x32xi32, #tpu.memory_space<hbm>>
    %dma_start3A_97 = arith.constant 0 : i32
    %dma_start3A_98 = arith.constant 0 : i32
    %dma_start3A_99 = arith.constant 0 : i32
    %dma_start3A_100 = tpu.memref_slice %dma_start3A_96[%dma_start3A_97, %dma_start3A_98, %dma_start3A_99] : memref<320x3x32xi32, #tpu.memory_space<hbm>> -> memref<4x3x32xi32, #tpu.memory_space<hbm>>
    tpu.enqueue_dma source(%dma_start3A_100 : memref<4x3x32xi32, #tpu.memory_space<hbm>>) target(%dma_start3A_91 : memref<4x3x32xi32, #tpu.memory_space<vmem>>) target_semaphore(%arg13 : memref<!tpu.dma_semaphore, #tpu.memory_space<semaphore_mem>>)
    %scan3A_101 = arith.constant 0 : i32
    %scan3A_102 = arith.constant 40 : i32
    %scan3A_103 = arith.addi %scan3A_101, %scan3A_102 : i32
    %scan3A_104 = arith.constant 1 : i32
    scf.for %scan3A_290 = %scan3A_101 to %scan3A_103 step %scan3A_104  : i32 {
      %mul3A_291 = arith.constant 2 : i32
      %mul3A_292 = arith.muli %scan3A_290, %mul3A_291 : i32
      %add3A_293 = arith.constant 0 : i32
      %add3A_294 = arith.addi %add3A_293, %mul3A_292 : i32
      %add3A_295 = arith.constant 0 : i32
      %add3A_296 = arith.addi %add3A_294, %add3A_295 : i32
      %mul3A_297 = arith.constant 4 : i32
      %mul3A_298 = arith.muli %add3A_296, %mul3A_297 : i32
      %dma_wait3A_299 = arith.constant 0 : i32
      %dma_wait3A_300 = arith.constant 0 : i32
      %dma_wait3A_301 = arith.constant 0 : i32
      %dma_wait3A_302 = arith.constant 0 : i32
      %dma_wait3A_303 = tpu.memref_slice %arg8[%dma_wait3A_299, %dma_wait3A_300, %dma_wait3A_301, %dma_wait3A_302] : memref<2x4x3x32xi32, #tpu.memory_space<vmem>> -> memref<1x4x3x32xi32, #tpu.memory_space<vmem>>
      %dma_wait3A_304 = tpu.memref_squeeze %dma_wait3A_303 : memref<1x4x3x32xi32, #tpu.memory_space<vmem>> -> memref<4x3x32xi32, #tpu.memory_space<vmem>>
      %dma_wait3A_305 = arith.constant 0 : i32
      %dma_wait3A_306 = arith.constant 0 : i32
      %dma_wait3A_307 = arith.constant 0 : i32
      %dma_wait3A_308 = tpu.memref_slice %arg3[%add3A, %dma_wait3A_305, %dma_wait3A_306, %dma_wait3A_307] : memref<32x320x3x32xi32, #tpu.memory_space<hbm>> -> memref<1x320x3x32xi32, #tpu.memory_space<hbm>>
      %dma_wait3A_309 = tpu.memref_squeeze %dma_wait3A_308 : memref<1x320x3x32xi32, #tpu.memory_space<hbm>> -> memref<320x3x32xi32, #tpu.memory_space<hbm>>
      %dma_wait3A_310 = arith.constant 0 : i32
      %dma_wait3A_311 = arith.constant 0 : i32
      %dma_wait3A_312 = tpu.memref_slice %dma_wait3A_309[%mul3A_298, %dma_wait3A_310, %dma_wait3A_311] : memref<320x3x32xi32, #tpu.memory_space<hbm>> -> memref<4x3x32xi32, #tpu.memory_space<hbm>>
      %dma_wait3A_313 = arith.constant 0 : i32
      %dma_wait3A_314 = arith.constant 0 : i32
      %dma_wait3A_315 = arith.constant 0 : i32
      %dma_wait3A_316 = tpu.memref_slice %arg8[%dma_wait3A_299, %dma_wait3A_313, %dma_wait3A_314, %dma_wait3A_315] : memref<2x4x3x32xi32, #tpu.memory_space<vmem>> -> memref<1x4x3x32xi32, #tpu.memory_space<vmem>>
      %dma_wait3A_317 = tpu.memref_squeeze %dma_wait3A_316 : memref<1x4x3x32xi32, #tpu.memory_space<vmem>> -> memref<4x3x32xi32, #tpu.memory_space<vmem>>
      %dma_wait3A_318 = arith.constant 0 : i32
      %dma_wait3A_319 = arith.constant 0 : i32
      %dma_wait3A_320 = arith.constant 0 : i32
      %dma_wait3A_321 = tpu.memref_slice %arg3[%add3A, %dma_wait3A_318, %dma_wait3A_319, %dma_wait3A_320] : memref<32x320x3x32xi32, #tpu.memory_space<hbm>> -> memref<1x320x3x32xi32, #tpu.memory_space<hbm>>
      %dma_wait3A_322 = tpu.memref_squeeze %dma_wait3A_321 : memref<1x320x3x32xi32, #tpu.memory_space<hbm>> -> memref<320x3x32xi32, #tpu.memory_space<hbm>>
      %dma_wait3A_323 = arith.constant 0 : i32
      %dma_wait3A_324 = arith.constant 0 : i32
      %dma_wait3A_325 = tpu.memref_slice %dma_wait3A_322[%mul3A_298, %dma_wait3A_323, %dma_wait3A_324] : memref<320x3x32xi32, #tpu.memory_space<hbm>> -> memref<4x3x32xi32, #tpu.memory_space<hbm>>
      tpu.wait_dma2 semaphore(%arg13 : memref<!tpu.dma_semaphore, #tpu.memory_space<semaphore_mem>>) src(%dma_wait3A_325 : memref<4x3x32xi32, #tpu.memory_space<hbm>>) dst(%dma_wait3A_317 : memref<4x3x32xi32, #tpu.memory_space<vmem>>)
      %gt3A = arith.constant 0 : i32
      %gt3A_326 = arith.cmpi sgt, %add3A_296, %gt3A : i32
      %convert_element_type3A = arith.extui %gt3A_326 : i1 to i32
      %cond3A = arith.constant 0 : i32
      %cond3A_327 = arith.cmpi ne, %convert_element_type3A, %cond3A : i32
      scf.if %cond3A_327 {
        %dma_wait3A_593 = arith.constant 0 : i32
        %dma_wait3A_594 = arith.constant 0 : i32
        %dma_wait3A_595 = arith.constant 1 : i32
        %dma_wait3A_596 = arith.constant 0 : i32
        %dma_wait3A_597 = tpu.memref_slice %arg8[%dma_wait3A_593, %dma_wait3A_594, %dma_wait3A_595, %dma_wait3A_596] : memref<2x4x3x32xi32, #tpu.memory_space<vmem>> -> memref<1x1x1x32xi32, #tpu.memory_space<vmem>>
        %dma_wait3A_598 = tpu.memref_squeeze %dma_wait3A_597 : memref<1x1x1x32xi32, #tpu.memory_space<vmem>> -> memref<32xi32, #tpu.memory_space<vmem>>
        %dma_wait3A_599 = arith.constant 0 : i32
        %dma_wait3A_600 = arith.constant 0 : i32
        %dma_wait3A_601 = tpu.memref_slice %arg23[%dma_wait3A_599, %dma_wait3A_600] : memref<5248x128xf32, #tpu.memory_space<vmem_shared>> -> memref<5248x128xf32, #tpu.memory_space<vmem_shared>>
        tpu.wait_indirect_dma semaphore(%arg19 : memref<!tpu.dma_semaphore, #tpu.memory_space<semaphore_mem>>) src(%arg9 : memref<32x128xf32, #tpu.memory_space<vmem>>) dst(%dma_wait3A_601 : memref<5248x128xf32, #tpu.memory_space<vmem_shared>>)
        %dma_wait3A_602 = arith.constant 0 : i32
        %dma_wait3A_603 = arith.constant 1 : i32
        %dma_wait3A_604 = arith.constant 1 : i32
        %dma_wait3A_605 = arith.constant 0 : i32
        %dma_wait3A_606 = tpu.memref_slice %arg8[%dma_wait3A_602, %dma_wait3A_603, %dma_wait3A_604, %dma_wait3A_605] : memref<2x4x3x32xi32, #tpu.memory_space<vmem>> -> memref<1x1x1x32xi32, #tpu.memory_space<vmem>>
        %dma_wait3A_607 = tpu.memref_squeeze %dma_wait3A_606 : memref<1x1x1x32xi32, #tpu.memory_space<vmem>> -> memref<32xi32, #tpu.memory_space<vmem>>
        %dma_wait3A_608 = arith.constant 0 : i32
        %dma_wait3A_609 = arith.constant 0 : i32
        %dma_wait3A_610 = tpu.memref_slice %arg23[%dma_wait3A_608, %dma_wait3A_609] : memref<5248x128xf32, #tpu.memory_space<vmem_shared>> -> memref<5248x128xf32, #tpu.memory_space<vmem_shared>>
        tpu.wait_indirect_dma semaphore(%arg20 : memref<!tpu.dma_semaphore, #tpu.memory_space<semaphore_mem>>) src(%arg10 : memref<32x128xf32, #tpu.memory_space<vmem>>) dst(%dma_wait3A_610 : memref<5248x128xf32, #tpu.memory_space<vmem_shared>>)
        %dma_wait3A_611 = arith.constant 0 : i32
        %dma_wait3A_612 = arith.constant 2 : i32
        %dma_wait3A_613 = arith.constant 1 : i32
        %dma_wait3A_614 = arith.constant 0 : i32
        %dma_wait3A_615 = tpu.memref_slice %arg8[%dma_wait3A_611, %dma_wait3A_612, %dma_wait3A_613, %dma_wait3A_614] : memref<2x4x3x32xi32, #tpu.memory_space<vmem>> -> memref<1x1x1x32xi32, #tpu.memory_space<vmem>>
        %dma_wait3A_616 = tpu.memref_squeeze %dma_wait3A_615 : memref<1x1x1x32xi32, #tpu.memory_space<vmem>> -> memref<32xi32, #tpu.memory_space<vmem>>
        %dma_wait3A_617 = arith.constant 0 : i32
        %dma_wait3A_618 = arith.constant 0 : i32
        %dma_wait3A_619 = tpu.memref_slice %arg23[%dma_wait3A_617, %dma_wait3A_618] : memref<5248x128xf32, #tpu.memory_space<vmem_shared>> -> memref<5248x128xf32, #tpu.memory_space<vmem_shared>>
        tpu.wait_indirect_dma semaphore(%arg21 : memref<!tpu.dma_semaphore, #tpu.memory_space<semaphore_mem>>) src(%arg11 : memref<32x128xf32, #tpu.memory_space<vmem>>) dst(%dma_wait3A_619 : memref<5248x128xf32, #tpu.memory_space<vmem_shared>>)
        %dma_wait3A_620 = arith.constant 0 : i32
        %dma_wait3A_621 = arith.constant 3 : i32
        %dma_wait3A_622 = arith.constant 1 : i32
        %dma_wait3A_623 = arith.constant 0 : i32
        %dma_wait3A_624 = tpu.memref_slice %arg8[%dma_wait3A_620, %dma_wait3A_621, %dma_wait3A_622, %dma_wait3A_623] : memref<2x4x3x32xi32, #tpu.memory_space<vmem>> -> memref<1x1x1x32xi32, #tpu.memory_space<vmem>>
        %dma_wait3A_625 = tpu.memref_squeeze %dma_wait3A_624 : memref<1x1x1x32xi32, #tpu.memory_space<vmem>> -> memref<32xi32, #tpu.memory_space<vmem>>
        %dma_wait3A_626 = arith.constant 0 : i32
        %dma_wait3A_627 = arith.constant 0 : i32
        %dma_wait3A_628 = tpu.memref_slice %arg23[%dma_wait3A_626, %dma_wait3A_627] : memref<5248x128xf32, #tpu.memory_space<vmem_shared>> -> memref<5248x128xf32, #tpu.memory_space<vmem_shared>>
        tpu.wait_indirect_dma semaphore(%arg22 : memref<!tpu.dma_semaphore, #tpu.memory_space<semaphore_mem>>) src(%arg12 : memref<32x128xf32, #tpu.memory_space<vmem>>) dst(%dma_wait3A_628 : memref<5248x128xf32, #tpu.memory_space<vmem_shared>>)
      } else {
      }
      %add3A_328 = arith.constant 1 : i32
      %add3A_329 = arith.addi %add3A_296, %add3A_328 : i32
      %lt3A = arith.constant 80 : i32
      %lt3A_330 = arith.cmpi slt, %add3A_329, %lt3A : i32
      %convert_element_type3A_331 = arith.extui %lt3A_330 : i1 to i32
      %cond3A_332 = arith.constant 0 : i32
      %cond3A_333 = arith.cmpi ne, %convert_element_type3A_331, %cond3A_332 : i32
      scf.if %cond3A_333 {
        %add3A_593 = arith.constant 1 : i32
        %add3A_594 = arith.addi %add3A_296, %add3A_593 : i32
        %mul3A_595 = arith.constant 4 : i32
        %mul3A_596 = arith.muli %add3A_594, %mul3A_595 : i32
        %dma_start3A_597 = arith.constant 1 : i32
        %dma_start3A_598 = arith.constant 0 : i32
        %dma_start3A_599 = arith.constant 0 : i32
        %dma_start3A_600 = arith.constant 0 : i32
        %dma_start3A_601 = tpu.memref_slice %arg8[%dma_start3A_597, %dma_start3A_598, %dma_start3A_599, %dma_start3A_600] : memref<2x4x3x32xi32, #tpu.memory_space<vmem>> -> memref<1x4x3x32xi32, #tpu.memory_space<vmem>>
        %dma_start3A_602 = tpu.memref_squeeze %dma_start3A_601 : memref<1x4x3x32xi32, #tpu.memory_space<vmem>> -> memref<4x3x32xi32, #tpu.memory_space<vmem>>
        %dma_start3A_603 = arith.constant 0 : i32
        %dma_start3A_604 = arith.constant 0 : i32
        %dma_start3A_605 = arith.constant 0 : i32
        %dma_start3A_606 = tpu.memref_slice %arg3[%add3A, %dma_start3A_603, %dma_start3A_604, %dma_start3A_605] : memref<32x320x3x32xi32, #tpu.memory_space<hbm>> -> memref<1x320x3x32xi32, #tpu.memory_space<hbm>>
        %dma_start3A_607 = tpu.memref_squeeze %dma_start3A_606 : memref<1x320x3x32xi32, #tpu.memory_space<hbm>> -> memref<320x3x32xi32, #tpu.memory_space<hbm>>
        %dma_start3A_608 = arith.constant 0 : i32
        %dma_start3A_609 = arith.constant 0 : i32
        %dma_start3A_610 = tpu.memref_slice %dma_start3A_607[%mul3A_596, %dma_start3A_608, %dma_start3A_609] : memref<320x3x32xi32, #tpu.memory_space<hbm>> -> memref<4x3x32xi32, #tpu.memory_space<hbm>>
        %dma_start3A_611 = arith.constant 0 : i32
        %dma_start3A_612 = arith.constant 0 : i32
        %dma_start3A_613 = arith.constant 0 : i32
        %dma_start3A_614 = tpu.memref_slice %arg8[%dma_start3A_597, %dma_start3A_611, %dma_start3A_612, %dma_start3A_613] : memref<2x4x3x32xi32, #tpu.memory_space<vmem>> -> memref<1x4x3x32xi32, #tpu.memory_space<vmem>>
        %dma_start3A_615 = tpu.memref_squeeze %dma_start3A_614 : memref<1x4x3x32xi32, #tpu.memory_space<vmem>> -> memref<4x3x32xi32, #tpu.memory_space<vmem>>
        %dma_start3A_616 = arith.constant 0 : i32
        %dma_start3A_617 = arith.constant 0 : i32
        %dma_start3A_618 = arith.constant 0 : i32
        %dma_start3A_619 = tpu.memref_slice %arg3[%add3A, %dma_start3A_616, %dma_start3A_617, %dma_start3A_618] : memref<32x320x3x32xi32, #tpu.memory_space<hbm>> -> memref<1x320x3x32xi32, #tpu.memory_space<hbm>>
        %dma_start3A_620 = tpu.memref_squeeze %dma_start3A_619 : memref<1x320x3x32xi32, #tpu.memory_space<hbm>> -> memref<320x3x32xi32, #tpu.memory_space<hbm>>
        %dma_start3A_621 = arith.constant 0 : i32
        %dma_start3A_622 = arith.constant 0 : i32
        %dma_start3A_623 = tpu.memref_slice %dma_start3A_620[%mul3A_596, %dma_start3A_621, %dma_start3A_622] : memref<320x3x32xi32, #tpu.memory_space<hbm>> -> memref<4x3x32xi32, #tpu.memory_space<hbm>>
        tpu.enqueue_dma source(%dma_start3A_623 : memref<4x3x32xi32, #tpu.memory_space<hbm>>) target(%dma_start3A_615 : memref<4x3x32xi32, #tpu.memory_space<vmem>>) target_semaphore(%arg14 : memref<!tpu.dma_semaphore, #tpu.memory_space<semaphore_mem>>)
      } else {
      }
      %dma_start3A_334 = arith.constant 0 : i32
      %dma_start3A_335 = arith.constant 0 : i32
      %dma_start3A_336 = arith.constant 0 : i32
      %dma_start3A_337 = arith.constant 0 : i32
      %dma_start3A_338 = tpu.memref_slice %arg8[%dma_start3A_334, %dma_start3A_335, %dma_start3A_336, %dma_start3A_337] : memref<2x4x3x32xi32, #tpu.memory_space<vmem>> -> memref<1x1x1x32xi32, #tpu.memory_space<vmem>>
      %dma_start3A_339 = tpu.memref_squeeze %dma_start3A_338 : memref<1x1x1x32xi32, #tpu.memory_space<vmem>> -> memref<32xi32, #tpu.memory_space<vmem>>
      %dma_start3A_340 = arith.constant 0 : i32
      %dma_start3A_341 = arith.constant 0 : i32
      %dma_start3A_342 = tpu.memref_slice %arg2[%dma_start3A_340, %dma_start3A_341] : memref<10000x128xf32, #tpu.memory_space<hbm>> -> memref<10000x128xf32, #tpu.memory_space<hbm>>
      tpu.enqueue_indirect_dma source(%dma_start3A_342 : memref<10000x128xf32, #tpu.memory_space<hbm>>) target(%arg9 : memref<32x128xf32, #tpu.memory_space<vmem>>) offsets(%dma_start3A_339 : memref<32xi32, #tpu.memory_space<vmem>>) semaphore(%arg15 : memref<!tpu.dma_semaphore, #tpu.memory_space<semaphore_mem>>)
      %dma_start3A_343 = arith.constant 0 : i32
      %dma_start3A_344 = arith.constant 1 : i32
      %dma_start3A_345 = arith.constant 0 : i32
      %dma_start3A_346 = arith.constant 0 : i32
      %dma_start3A_347 = tpu.memref_slice %arg8[%dma_start3A_343, %dma_start3A_344, %dma_start3A_345, %dma_start3A_346] : memref<2x4x3x32xi32, #tpu.memory_space<vmem>> -> memref<1x1x1x32xi32, #tpu.memory_space<vmem>>
      %dma_start3A_348 = tpu.memref_squeeze %dma_start3A_347 : memref<1x1x1x32xi32, #tpu.memory_space<vmem>> -> memref<32xi32, #tpu.memory_space<vmem>>
      %dma_start3A_349 = arith.constant 0 : i32
      %dma_start3A_350 = arith.constant 0 : i32
      %dma_start3A_351 = tpu.memref_slice %arg2[%dma_start3A_349, %dma_start3A_350] : memref<10000x128xf32, #tpu.memory_space<hbm>> -> memref<10000x128xf32, #tpu.memory_space<hbm>>
      tpu.enqueue_indirect_dma source(%dma_start3A_351 : memref<10000x128xf32, #tpu.memory_space<hbm>>) target(%arg10 : memref<32x128xf32, #tpu.memory_space<vmem>>) offsets(%dma_start3A_348 : memref<32xi32, #tpu.memory_space<vmem>>) semaphore(%arg16 : memref<!tpu.dma_semaphore, #tpu.memory_space<semaphore_mem>>)
      %dma_start3A_352 = arith.constant 0 : i32
      %dma_start3A_353 = arith.constant 2 : i32
      %dma_start3A_354 = arith.constant 0 : i32
      %dma_start3A_355 = arith.constant 0 : i32
      %dma_start3A_356 = tpu.memref_slice %arg8[%dma_start3A_352, %dma_start3A_353, %dma_start3A_354, %dma_start3A_355] : memref<2x4x3x32xi32, #tpu.memory_space<vmem>> -> memref<1x1x1x32xi32, #tpu.memory_space<vmem>>
      %dma_start3A_357 = tpu.memref_squeeze %dma_start3A_356 : memref<1x1x1x32xi32, #tpu.memory_space<vmem>> -> memref<32xi32, #tpu.memory_space<vmem>>
      %dma_start3A_358 = arith.constant 0 : i32
      %dma_start3A_359 = arith.constant 0 : i32
      %dma_start3A_360 = tpu.memref_slice %arg2[%dma_start3A_358, %dma_start3A_359] : memref<10000x128xf32, #tpu.memory_space<hbm>> -> memref<10000x128xf32, #tpu.memory_space<hbm>>
      tpu.enqueue_indirect_dma source(%dma_start3A_360 : memref<10000x128xf32, #tpu.memory_space<hbm>>) target(%arg11 : memref<32x128xf32, #tpu.memory_space<vmem>>) offsets(%dma_start3A_357 : memref<32xi32, #tpu.memory_space<vmem>>) semaphore(%arg17 : memref<!tpu.dma_semaphore, #tpu.memory_space<semaphore_mem>>)
      %dma_start3A_361 = arith.constant 0 : i32
      %dma_start3A_362 = arith.constant 3 : i32
      %dma_start3A_363 = arith.constant 0 : i32
      %dma_start3A_364 = arith.constant 0 : i32
      %dma_start3A_365 = tpu.memref_slice %arg8[%dma_start3A_361, %dma_start3A_362, %dma_start3A_363, %dma_start3A_364] : memref<2x4x3x32xi32, #tpu.memory_space<vmem>> -> memref<1x1x1x32xi32, #tpu.memory_space<vmem>>
      %dma_start3A_366 = tpu.memref_squeeze %dma_start3A_365 : memref<1x1x1x32xi32, #tpu.memory_space<vmem>> -> memref<32xi32, #tpu.memory_space<vmem>>
      %dma_start3A_367 = arith.constant 0 : i32
      %dma_start3A_368 = arith.constant 0 : i32
      %dma_start3A_369 = tpu.memref_slice %arg2[%dma_start3A_367, %dma_start3A_368] : memref<10000x128xf32, #tpu.memory_space<hbm>> -> memref<10000x128xf32, #tpu.memory_space<hbm>>
      tpu.enqueue_indirect_dma source(%dma_start3A_369 : memref<10000x128xf32, #tpu.memory_space<hbm>>) target(%arg12 : memref<32x128xf32, #tpu.memory_space<vmem>>) offsets(%dma_start3A_366 : memref<32xi32, #tpu.memory_space<vmem>>) semaphore(%arg18 : memref<!tpu.dma_semaphore, #tpu.memory_space<semaphore_mem>>)
      %dma_wait3A_370 = arith.constant 0 : i32
      %dma_wait3A_371 = arith.constant 0 : i32
      %dma_wait3A_372 = arith.constant 0 : i32
      %dma_wait3A_373 = arith.constant 0 : i32
      %dma_wait3A_374 = tpu.memref_slice %arg8[%dma_wait3A_370, %dma_wait3A_371, %dma_wait3A_372, %dma_wait3A_373] : memref<2x4x3x32xi32, #tpu.memory_space<vmem>> -> memref<1x1x1x32xi32, #tpu.memory_space<vmem>>
      %dma_wait3A_375 = tpu.memref_squeeze %dma_wait3A_374 : memref<1x1x1x32xi32, #tpu.memory_space<vmem>> -> memref<32xi32, #tpu.memory_space<vmem>>
      %dma_wait3A_376 = arith.constant 0 : i32
      %dma_wait3A_377 = arith.constant 0 : i32
      %dma_wait3A_378 = tpu.memref_slice %arg2[%dma_wait3A_376, %dma_wait3A_377] : memref<10000x128xf32, #tpu.memory_space<hbm>> -> memref<10000x128xf32, #tpu.memory_space<hbm>>
      tpu.wait_indirect_dma semaphore(%arg15 : memref<!tpu.dma_semaphore, #tpu.memory_space<semaphore_mem>>) src(%dma_wait3A_378 : memref<10000x128xf32, #tpu.memory_space<hbm>>) dst(%arg9 : memref<32x128xf32, #tpu.memory_space<vmem>>)
      %dma_start3A_379 = arith.constant 0 : i32
      %dma_start3A_380 = arith.constant 0 : i32
      %dma_start3A_381 = arith.constant 2 : i32
      %dma_start3A_382 = arith.constant 0 : i32
      %dma_start3A_383 = tpu.memref_slice %arg8[%dma_start3A_379, %dma_start3A_380, %dma_start3A_381, %dma_start3A_382] : memref<2x4x3x32xi32, #tpu.memory_space<vmem>> -> memref<1x1x1x32xi32, #tpu.memory_space<vmem>>
      %dma_start3A_384 = tpu.memref_squeeze %dma_start3A_383 : memref<1x1x1x32xi32, #tpu.memory_space<vmem>> -> memref<32xi32, #tpu.memory_space<vmem>>
      %dma_start3A_385 = arith.constant 0 : i32
      %dma_start3A_386 = arith.constant 0 : i32
      %dma_start3A_387 = tpu.memref_slice %arg23[%dma_start3A_385, %dma_start3A_386] : memref<5248x128xf32, #tpu.memory_space<vmem_shared>> -> memref<5248x128xf32, #tpu.memory_space<vmem_shared>>
      tpu.enqueue_indirect_dma source(%arg9 : memref<32x128xf32, #tpu.memory_space<vmem>>) target(%dma_start3A_387 : memref<5248x128xf32, #tpu.memory_space<vmem_shared>>) offsets(%dma_start3A_384 : memref<32xi32, #tpu.memory_space<vmem>>) semaphore(%arg19 : memref<!tpu.dma_semaphore, #tpu.memory_space<semaphore_mem>>) {add = true}
      %dma_wait3A_388 = arith.constant 0 : i32
      %dma_wait3A_389 = arith.constant 1 : i32
      %dma_wait3A_390 = arith.constant 0 : i32
      %dma_wait3A_391 = arith.constant 0 : i32
      %dma_wait3A_392 = tpu.memref_slice %arg8[%dma_wait3A_388, %dma_wait3A_389, %dma_wait3A_390, %dma_wait3A_391] : memref<2x4x3x32xi32, #tpu.memory_space<vmem>> -> memref<1x1x1x32xi32, #tpu.memory_space<vmem>>
      %dma_wait3A_393 = tpu.memref_squeeze %dma_wait3A_392 : memref<1x1x1x32xi32, #tpu.memory_space<vmem>> -> memref<32xi32, #tpu.memory_space<vmem>>
      %dma_wait3A_394 = arith.constant 0 : i32
      %dma_wait3A_395 = arith.constant 0 : i32
      %dma_wait3A_396 = tpu.memref_slice %arg2[%dma_wait3A_394, %dma_wait3A_395] : memref<10000x128xf32, #tpu.memory_space<hbm>> -> memref<10000x128xf32, #tpu.memory_space<hbm>>
      tpu.wait_indirect_dma semaphore(%arg16 : memref<!tpu.dma_semaphore, #tpu.memory_space<semaphore_mem>>) src(%dma_wait3A_396 : memref<10000x128xf32, #tpu.memory_space<hbm>>) dst(%arg10 : memref<32x128xf32, #tpu.memory_space<vmem>>)
      %dma_start3A_397 = arith.constant 0 : i32
      %dma_start3A_398 = arith.constant 1 : i32
      %dma_start3A_399 = arith.constant 2 : i32
      %dma_start3A_400 = arith.constant 0 : i32
      %dma_start3A_401 = tpu.memref_slice %arg8[%dma_start3A_397, %dma_start3A_398, %dma_start3A_399, %dma_start3A_400] : memref<2x4x3x32xi32, #tpu.memory_space<vmem>> -> memref<1x1x1x32xi32, #tpu.memory_space<vmem>>
      %dma_start3A_402 = tpu.memref_squeeze %dma_start3A_401 : memref<1x1x1x32xi32, #tpu.memory_space<vmem>> -> memref<32xi32, #tpu.memory_space<vmem>>
      %dma_start3A_403 = arith.constant 0 : i32
      %dma_start3A_404 = arith.constant 0 : i32
      %dma_start3A_405 = tpu.memref_slice %arg23[%dma_start3A_403, %dma_start3A_404] : memref<5248x128xf32, #tpu.memory_space<vmem_shared>> -> memref<5248x128xf32, #tpu.memory_space<vmem_shared>>
      tpu.enqueue_indirect_dma source(%arg10 : memref<32x128xf32, #tpu.memory_space<vmem>>) target(%dma_start3A_405 : memref<5248x128xf32, #tpu.memory_space<vmem_shared>>) offsets(%dma_start3A_402 : memref<32xi32, #tpu.memory_space<vmem>>) semaphore(%arg20 : memref<!tpu.dma_semaphore, #tpu.memory_space<semaphore_mem>>) {add = true}
      %dma_wait3A_406 = arith.constant 0 : i32
      %dma_wait3A_407 = arith.constant 2 : i32
      %dma_wait3A_408 = arith.constant 0 : i32
      %dma_wait3A_409 = arith.constant 0 : i32
      %dma_wait3A_410 = tpu.memref_slice %arg8[%dma_wait3A_406, %dma_wait3A_407, %dma_wait3A_408, %dma_wait3A_409] : memref<2x4x3x32xi32, #tpu.memory_space<vmem>> -> memref<1x1x1x32xi32, #tpu.memory_space<vmem>>
      %dma_wait3A_411 = tpu.memref_squeeze %dma_wait3A_410 : memref<1x1x1x32xi32, #tpu.memory_space<vmem>> -> memref<32xi32, #tpu.memory_space<vmem>>
      %dma_wait3A_412 = arith.constant 0 : i32
      %dma_wait3A_413 = arith.constant 0 : i32
      %dma_wait3A_414 = tpu.memref_slice %arg2[%dma_wait3A_412, %dma_wait3A_413] : memref<10000x128xf32, #tpu.memory_space<hbm>> -> memref<10000x128xf32, #tpu.memory_space<hbm>>
      tpu.wait_indirect_dma semaphore(%arg17 : memref<!tpu.dma_semaphore, #tpu.memory_space<semaphore_mem>>) src(%dma_wait3A_414 : memref<10000x128xf32, #tpu.memory_space<hbm>>) dst(%arg11 : memref<32x128xf32, #tpu.memory_space<vmem>>)
      %dma_start3A_415 = arith.constant 0 : i32
      %dma_start3A_416 = arith.constant 2 : i32
      %dma_start3A_417 = arith.constant 2 : i32
      %dma_start3A_418 = arith.constant 0 : i32
      %dma_start3A_419 = tpu.memref_slice %arg8[%dma_start3A_415, %dma_start3A_416, %dma_start3A_417, %dma_start3A_418] : memref<2x4x3x32xi32, #tpu.memory_space<vmem>> -> memref<1x1x1x32xi32, #tpu.memory_space<vmem>>
      %dma_start3A_420 = tpu.memref_squeeze %dma_start3A_419 : memref<1x1x1x32xi32, #tpu.memory_space<vmem>> -> memref<32xi32, #tpu.memory_space<vmem>>
      %dma_start3A_421 = arith.constant 0 : i32
      %dma_start3A_422 = arith.constant 0 : i32
      %dma_start3A_423 = tpu.memref_slice %arg23[%dma_start3A_421, %dma_start3A_422] : memref<5248x128xf32, #tpu.memory_space<vmem_shared>> -> memref<5248x128xf32, #tpu.memory_space<vmem_shared>>
      tpu.enqueue_indirect_dma source(%arg11 : memref<32x128xf32, #tpu.memory_space<vmem>>) target(%dma_start3A_423 : memref<5248x128xf32, #tpu.memory_space<vmem_shared>>) offsets(%dma_start3A_420 : memref<32xi32, #tpu.memory_space<vmem>>) semaphore(%arg21 : memref<!tpu.dma_semaphore, #tpu.memory_space<semaphore_mem>>) {add = true}
      %dma_wait3A_424 = arith.constant 0 : i32
      %dma_wait3A_425 = arith.constant 3 : i32
      %dma_wait3A_426 = arith.constant 0 : i32
      %dma_wait3A_427 = arith.constant 0 : i32
      %dma_wait3A_428 = tpu.memref_slice %arg8[%dma_wait3A_424, %dma_wait3A_425, %dma_wait3A_426, %dma_wait3A_427] : memref<2x4x3x32xi32, #tpu.memory_space<vmem>> -> memref<1x1x1x32xi32, #tpu.memory_space<vmem>>
      %dma_wait3A_429 = tpu.memref_squeeze %dma_wait3A_428 : memref<1x1x1x32xi32, #tpu.memory_space<vmem>> -> memref<32xi32, #tpu.memory_space<vmem>>
      %dma_wait3A_430 = arith.constant 0 : i32
      %dma_wait3A_431 = arith.constant 0 : i32
      %dma_wait3A_432 = tpu.memref_slice %arg2[%dma_wait3A_430, %dma_wait3A_431] : memref<10000x128xf32, #tpu.memory_space<hbm>> -> memref<10000x128xf32, #tpu.memory_space<hbm>>
      tpu.wait_indirect_dma semaphore(%arg18 : memref<!tpu.dma_semaphore, #tpu.memory_space<semaphore_mem>>) src(%dma_wait3A_432 : memref<10000x128xf32, #tpu.memory_space<hbm>>) dst(%arg12 : memref<32x128xf32, #tpu.memory_space<vmem>>)
      %dma_start3A_433 = arith.constant 0 : i32
      %dma_start3A_434 = arith.constant 3 : i32
      %dma_start3A_435 = arith.constant 2 : i32
      %dma_start3A_436 = arith.constant 0 : i32
      %dma_start3A_437 = tpu.memref_slice %arg8[%dma_start3A_433, %dma_start3A_434, %dma_start3A_435, %dma_start3A_436] : memref<2x4x3x32xi32, #tpu.memory_space<vmem>> -> memref<1x1x1x32xi32, #tpu.memory_space<vmem>>
      %dma_start3A_438 = tpu.memref_squeeze %dma_start3A_437 : memref<1x1x1x32xi32, #tpu.memory_space<vmem>> -> memref<32xi32, #tpu.memory_space<vmem>>
      %dma_start3A_439 = arith.constant 0 : i32
      %dma_start3A_440 = arith.constant 0 : i32
      %dma_start3A_441 = tpu.memref_slice %arg23[%dma_start3A_439, %dma_start3A_440] : memref<5248x128xf32, #tpu.memory_space<vmem_shared>> -> memref<5248x128xf32, #tpu.memory_space<vmem_shared>>
      tpu.enqueue_indirect_dma source(%arg12 : memref<32x128xf32, #tpu.memory_space<vmem>>) target(%dma_start3A_441 : memref<5248x128xf32, #tpu.memory_space<vmem_shared>>) offsets(%dma_start3A_438 : memref<32xi32, #tpu.memory_space<vmem>>) semaphore(%arg22 : memref<!tpu.dma_semaphore, #tpu.memory_space<semaphore_mem>>) {add = true}
      %add3A_442 = arith.constant 1 : i32
      %add3A_443 = arith.addi %add3A_294, %add3A_442 : i32
      %mul3A_444 = arith.constant 4 : i32
      %mul3A_445 = arith.muli %add3A_443, %mul3A_444 : i32
      %dma_wait3A_446 = arith.constant 1 : i32
      %dma_wait3A_447 = arith.constant 0 : i32
      %dma_wait3A_448 = arith.constant 0 : i32
      %dma_wait3A_449 = arith.constant 0 : i32
      %dma_wait3A_450 = tpu.memref_slice %arg8[%dma_wait3A_446, %dma_wait3A_447, %dma_wait3A_448, %dma_wait3A_449] : memref<2x4x3x32xi32, #tpu.memory_space<vmem>> -> memref<1x4x3x32xi32, #tpu.memory_space<vmem>>
      %dma_wait3A_451 = tpu.memref_squeeze %dma_wait3A_450 : memref<1x4x3x32xi32, #tpu.memory_space<vmem>> -> memref<4x3x32xi32, #tpu.memory_space<vmem>>
      %dma_wait3A_452 = arith.constant 0 : i32
      %dma_wait3A_453 = arith.constant 0 : i32
      %dma_wait3A_454 = arith.constant 0 : i32
      %dma_wait3A_455 = tpu.memref_slice %arg3[%add3A, %dma_wait3A_452, %dma_wait3A_453, %dma_wait3A_454] : memref<32x320x3x32xi32, #tpu.memory_space<hbm>> -> memref<1x320x3x32xi32, #tpu.memory_space<hbm>>
      %dma_wait3A_456 = tpu.memref_squeeze %dma_wait3A_455 : memref<1x320x3x32xi32, #tpu.memory_space<hbm>> -> memref<320x3x32xi32, #tpu.memory_space<hbm>>
      %dma_wait3A_457 = arith.constant 0 : i32
      %dma_wait3A_458 = arith.constant 0 : i32
      %dma_wait3A_459 = tpu.memref_slice %dma_wait3A_456[%mul3A_445, %dma_wait3A_457, %dma_wait3A_458] : memref<320x3x32xi32, #tpu.memory_space<hbm>> -> memref<4x3x32xi32, #tpu.memory_space<hbm>>
      %dma_wait3A_460 = arith.constant 0 : i32
      %dma_wait3A_461 = arith.constant 0 : i32
      %dma_wait3A_462 = arith.constant 0 : i32
      %dma_wait3A_463 = tpu.memref_slice %arg8[%dma_wait3A_446, %dma_wait3A_460, %dma_wait3A_461, %dma_wait3A_462] : memref<2x4x3x32xi32, #tpu.memory_space<vmem>> -> memref<1x4x3x32xi32, #tpu.memory_space<vmem>>
      %dma_wait3A_464 = tpu.memref_squeeze %dma_wait3A_463 : memref<1x4x3x32xi32, #tpu.memory_space<vmem>> -> memref<4x3x32xi32, #tpu.memory_space<vmem>>
      %dma_wait3A_465 = arith.constant 0 : i32
      %dma_wait3A_466 = arith.constant 0 : i32
      %dma_wait3A_467 = arith.constant 0 : i32
      %dma_wait3A_468 = tpu.memref_slice %arg3[%add3A, %dma_wait3A_465, %dma_wait3A_466, %dma_wait3A_467] : memref<32x320x3x32xi32, #tpu.memory_space<hbm>> -> memref<1x320x3x32xi32, #tpu.memory_space<hbm>>
      %dma_wait3A_469 = tpu.memref_squeeze %dma_wait3A_468 : memref<1x320x3x32xi32, #tpu.memory_space<hbm>> -> memref<320x3x32xi32, #tpu.memory_space<hbm>>
      %dma_wait3A_470 = arith.constant 0 : i32
      %dma_wait3A_471 = arith.constant 0 : i32
      %dma_wait3A_472 = tpu.memref_slice %dma_wait3A_469[%mul3A_445, %dma_wait3A_470, %dma_wait3A_471] : memref<320x3x32xi32, #tpu.memory_space<hbm>> -> memref<4x3x32xi32, #tpu.memory_space<hbm>>
      tpu.wait_dma2 semaphore(%arg14 : memref<!tpu.dma_semaphore, #tpu.memory_space<semaphore_mem>>) src(%dma_wait3A_472 : memref<4x3x32xi32, #tpu.memory_space<hbm>>) dst(%dma_wait3A_464 : memref<4x3x32xi32, #tpu.memory_space<vmem>>)
      %gt3A_473 = arith.constant 0 : i32
      %gt3A_474 = arith.cmpi sgt, %add3A_443, %gt3A_473 : i32
      %convert_element_type3A_475 = arith.extui %gt3A_474 : i1 to i32
      %cond3A_476 = arith.constant 0 : i32
      %cond3A_477 = arith.cmpi ne, %convert_element_type3A_475, %cond3A_476 : i32
      scf.if %cond3A_477 {
        %dma_wait3A_593 = arith.constant 0 : i32
        %dma_wait3A_594 = arith.constant 0 : i32
        %dma_wait3A_595 = arith.constant 1 : i32
        %dma_wait3A_596 = arith.constant 0 : i32
        %dma_wait3A_597 = tpu.memref_slice %arg8[%dma_wait3A_593, %dma_wait3A_594, %dma_wait3A_595, %dma_wait3A_596] : memref<2x4x3x32xi32, #tpu.memory_space<vmem>> -> memref<1x1x1x32xi32, #tpu.memory_space<vmem>>
        %dma_wait3A_598 = tpu.memref_squeeze %dma_wait3A_597 : memref<1x1x1x32xi32, #tpu.memory_space<vmem>> -> memref<32xi32, #tpu.memory_space<vmem>>
        %dma_wait3A_599 = arith.constant 0 : i32
        %dma_wait3A_600 = arith.constant 0 : i32
        %dma_wait3A_601 = tpu.memref_slice %arg23[%dma_wait3A_599, %dma_wait3A_600] : memref<5248x128xf32, #tpu.memory_space<vmem_shared>> -> memref<5248x128xf32, #tpu.memory_space<vmem_shared>>
        tpu.wait_indirect_dma semaphore(%arg19 : memref<!tpu.dma_semaphore, #tpu.memory_space<semaphore_mem>>) src(%arg9 : memref<32x128xf32, #tpu.memory_space<vmem>>) dst(%dma_wait3A_601 : memref<5248x128xf32, #tpu.memory_space<vmem_shared>>)
        %dma_wait3A_602 = arith.constant 0 : i32
        %dma_wait3A_603 = arith.constant 1 : i32
        %dma_wait3A_604 = arith.constant 1 : i32
        %dma_wait3A_605 = arith.constant 0 : i32
        %dma_wait3A_606 = tpu.memref_slice %arg8[%dma_wait3A_602, %dma_wait3A_603, %dma_wait3A_604, %dma_wait3A_605] : memref<2x4x3x32xi32, #tpu.memory_space<vmem>> -> memref<1x1x1x32xi32, #tpu.memory_space<vmem>>
        %dma_wait3A_607 = tpu.memref_squeeze %dma_wait3A_606 : memref<1x1x1x32xi32, #tpu.memory_space<vmem>> -> memref<32xi32, #tpu.memory_space<vmem>>
        %dma_wait3A_608 = arith.constant 0 : i32
        %dma_wait3A_609 = arith.constant 0 : i32
        %dma_wait3A_610 = tpu.memref_slice %arg23[%dma_wait3A_608, %dma_wait3A_609] : memref<5248x128xf32, #tpu.memory_space<vmem_shared>> -> memref<5248x128xf32, #tpu.memory_space<vmem_shared>>
        tpu.wait_indirect_dma semaphore(%arg20 : memref<!tpu.dma_semaphore, #tpu.memory_space<semaphore_mem>>) src(%arg10 : memref<32x128xf32, #tpu.memory_space<vmem>>) dst(%dma_wait3A_610 : memref<5248x128xf32, #tpu.memory_space<vmem_shared>>)
        %dma_wait3A_611 = arith.constant 0 : i32
        %dma_wait3A_612 = arith.constant 2 : i32
        %dma_wait3A_613 = arith.constant 1 : i32
        %dma_wait3A_614 = arith.constant 0 : i32
        %dma_wait3A_615 = tpu.memref_slice %arg8[%dma_wait3A_611, %dma_wait3A_612, %dma_wait3A_613, %dma_wait3A_614] : memref<2x4x3x32xi32, #tpu.memory_space<vmem>> -> memref<1x1x1x32xi32, #tpu.memory_space<vmem>>
        %dma_wait3A_616 = tpu.memref_squeeze %dma_wait3A_615 : memref<1x1x1x32xi32, #tpu.memory_space<vmem>> -> memref<32xi32, #tpu.memory_space<vmem>>
        %dma_wait3A_617 = arith.constant 0 : i32
        %dma_wait3A_618 = arith.constant 0 : i32
        %dma_wait3A_619 = tpu.memref_slice %arg23[%dma_wait3A_617, %dma_wait3A_618] : memref<5248x128xf32, #tpu.memory_space<vmem_shared>> -> memref<5248x128xf32, #tpu.memory_space<vmem_shared>>
        tpu.wait_indirect_dma semaphore(%arg21 : memref<!tpu.dma_semaphore, #tpu.memory_space<semaphore_mem>>) src(%arg11 : memref<32x128xf32, #tpu.memory_space<vmem>>) dst(%dma_wait3A_619 : memref<5248x128xf32, #tpu.memory_space<vmem_shared>>)
        %dma_wait3A_620 = arith.constant 0 : i32
        %dma_wait3A_621 = arith.constant 3 : i32
        %dma_wait3A_622 = arith.constant 1 : i32
        %dma_wait3A_623 = arith.constant 0 : i32
        %dma_wait3A_624 = tpu.memref_slice %arg8[%dma_wait3A_620, %dma_wait3A_621, %dma_wait3A_622, %dma_wait3A_623] : memref<2x4x3x32xi32, #tpu.memory_space<vmem>> -> memref<1x1x1x32xi32, #tpu.memory_space<vmem>>
        %dma_wait3A_625 = tpu.memref_squeeze %dma_wait3A_624 : memref<1x1x1x32xi32, #tpu.memory_space<vmem>> -> memref<32xi32, #tpu.memory_space<vmem>>
        %dma_wait3A_626 = arith.constant 0 : i32
        %dma_wait3A_627 = arith.constant 0 : i32
        %dma_wait3A_628 = tpu.memref_slice %arg23[%dma_wait3A_626, %dma_wait3A_627] : memref<5248x128xf32, #tpu.memory_space<vmem_shared>> -> memref<5248x128xf32, #tpu.memory_space<vmem_shared>>
        tpu.wait_indirect_dma semaphore(%arg22 : memref<!tpu.dma_semaphore, #tpu.memory_space<semaphore_mem>>) src(%arg12 : memref<32x128xf32, #tpu.memory_space<vmem>>) dst(%dma_wait3A_628 : memref<5248x128xf32, #tpu.memory_space<vmem_shared>>)
      } else {
      }
      %add3A_478 = arith.constant 1 : i32
      %add3A_479 = arith.addi %add3A_443, %add3A_478 : i32
      %lt3A_480 = arith.constant 80 : i32
      %lt3A_481 = arith.cmpi slt, %add3A_479, %lt3A_480 : i32
      %convert_element_type3A_482 = arith.extui %lt3A_481 : i1 to i32
      %cond3A_483 = arith.constant 0 : i32
      %cond3A_484 = arith.cmpi ne, %convert_element_type3A_482, %cond3A_483 : i32
      scf.if %cond3A_484 {
        %add3A_593 = arith.constant 1 : i32
        %add3A_594 = arith.addi %add3A_443, %add3A_593 : i32
        %mul3A_595 = arith.constant 4 : i32
        %mul3A_596 = arith.muli %add3A_594, %mul3A_595 : i32
        %dma_start3A_597 = arith.constant 0 : i32
        %dma_start3A_598 = arith.constant 0 : i32
        %dma_start3A_599 = arith.constant 0 : i32
        %dma_start3A_600 = arith.constant 0 : i32
        %dma_start3A_601 = tpu.memref_slice %arg8[%dma_start3A_597, %dma_start3A_598, %dma_start3A_599, %dma_start3A_600] : memref<2x4x3x32xi32, #tpu.memory_space<vmem>> -> memref<1x4x3x32xi32, #tpu.memory_space<vmem>>
        %dma_start3A_602 = tpu.memref_squeeze %dma_start3A_601 : memref<1x4x3x32xi32, #tpu.memory_space<vmem>> -> memref<4x3x32xi32, #tpu.memory_space<vmem>>
        %dma_start3A_603 = arith.constant 0 : i32
        %dma_start3A_604 = arith.constant 0 : i32
        %dma_start3A_605 = arith.constant 0 : i32
        %dma_start3A_606 = tpu.memref_slice %arg3[%add3A, %dma_start3A_603, %dma_start3A_604, %dma_start3A_605] : memref<32x320x3x32xi32, #tpu.memory_space<hbm>> -> memref<1x320x3x32xi32, #tpu.memory_space<hbm>>
        %dma_start3A_607 = tpu.memref_squeeze %dma_start3A_606 : memref<1x320x3x32xi32, #tpu.memory_space<hbm>> -> memref<320x3x32xi32, #tpu.memory_space<hbm>>
        %dma_start3A_608 = arith.constant 0 : i32
        %dma_start3A_609 = arith.constant 0 : i32
        %dma_start3A_610 = tpu.memref_slice %dma_start3A_607[%mul3A_596, %dma_start3A_608, %dma_start3A_609] : memref<320x3x32xi32, #tpu.memory_space<hbm>> -> memref<4x3x32xi32, #tpu.memory_space<hbm>>
        %dma_start3A_611 = arith.constant 0 : i32
        %dma_start3A_612 = arith.constant 0 : i32
        %dma_start3A_613 = arith.constant 0 : i32
        %dma_start3A_614 = tpu.memref_slice %arg8[%dma_start3A_597, %dma_start3A_611, %dma_start3A_612, %dma_start3A_613] : memref<2x4x3x32xi32, #tpu.memory_space<vmem>> -> memref<1x4x3x32xi32, #tpu.memory_space<vmem>>
        %dma_start3A_615 = tpu.memref_squeeze %dma_start3A_614 : memref<1x4x3x32xi32, #tpu.memory_space<vmem>> -> memref<4x3x32xi32, #tpu.memory_space<vmem>>
        %dma_start3A_616 = arith.constant 0 : i32
        %dma_start3A_617 = arith.constant 0 : i32
        %dma_start3A_618 = arith.constant 0 : i32
        %dma_start3A_619 = tpu.memref_slice %arg3[%add3A, %dma_start3A_616, %dma_start3A_617, %dma_start3A_618] : memref<32x320x3x32xi32, #tpu.memory_space<hbm>> -> memref<1x320x3x32xi32, #tpu.memory_space<hbm>>
        %dma_start3A_620 = tpu.memref_squeeze %dma_start3A_619 : memref<1x320x3x32xi32, #tpu.memory_space<hbm>> -> memref<320x3x32xi32, #tpu.memory_space<hbm>>
        %dma_start3A_621 = arith.constant 0 : i32
        %dma_start3A_622 = arith.constant 0 : i32
        %dma_start3A_623 = tpu.memref_slice %dma_start3A_620[%mul3A_596, %dma_start3A_621, %dma_start3A_622] : memref<320x3x32xi32, #tpu.memory_space<hbm>> -> memref<4x3x32xi32, #tpu.memory_space<hbm>>
        tpu.enqueue_dma source(%dma_start3A_623 : memref<4x3x32xi32, #tpu.memory_space<hbm>>) target(%dma_start3A_615 : memref<4x3x32xi32, #tpu.memory_space<vmem>>) target_semaphore(%arg13 : memref<!tpu.dma_semaphore, #tpu.memory_space<semaphore_mem>>)
      } else {
      }
      %dma_start3A_485 = arith.constant 1 : i32
      %dma_start3A_486 = arith.constant 0 : i32
      %dma_start3A_487 = arith.constant 0 : i32
      %dma_start3A_488 = arith.constant 0 : i32
      %dma_start3A_489 = tpu.memref_slice %arg8[%dma_start3A_485, %dma_start3A_486, %dma_start3A_487, %dma_start3A_488] : memref<2x4x3x32xi32, #tpu.memory_space<vmem>> -> memref<1x1x1x32xi32, #tpu.memory_space<vmem>>
      %dma_start3A_490 = tpu.memref_squeeze %dma_start3A_489 : memref<1x1x1x32xi32, #tpu.memory_space<vmem>> -> memref<32xi32, #tpu.memory_space<vmem>>
      %dma_start3A_491 = arith.constant 0 : i32
      %dma_start3A_492 = arith.constant 0 : i32
      %dma_start3A_493 = tpu.memref_slice %arg2[%dma_start3A_491, %dma_start3A_492] : memref<10000x128xf32, #tpu.memory_space<hbm>> -> memref<10000x128xf32, #tpu.memory_space<hbm>>
      tpu.enqueue_indirect_dma source(%dma_start3A_493 : memref<10000x128xf32, #tpu.memory_space<hbm>>) target(%arg9 : memref<32x128xf32, #tpu.memory_space<vmem>>) offsets(%dma_start3A_490 : memref<32xi32, #tpu.memory_space<vmem>>) semaphore(%arg15 : memref<!tpu.dma_semaphore, #tpu.memory_space<semaphore_mem>>)
      %dma_start3A_494 = arith.constant 1 : i32
      %dma_start3A_495 = arith.constant 1 : i32
      %dma_start3A_496 = arith.constant 0 : i32
      %dma_start3A_497 = arith.constant 0 : i32
      %dma_start3A_498 = tpu.memref_slice %arg8[%dma_start3A_494, %dma_start3A_495, %dma_start3A_496, %dma_start3A_497] : memref<2x4x3x32xi32, #tpu.memory_space<vmem>> -> memref<1x1x1x32xi32, #tpu.memory_space<vmem>>
      %dma_start3A_499 = tpu.memref_squeeze %dma_start3A_498 : memref<1x1x1x32xi32, #tpu.memory_space<vmem>> -> memref<32xi32, #tpu.memory_space<vmem>>
      %dma_start3A_500 = arith.constant 0 : i32
      %dma_start3A_501 = arith.constant 0 : i32
      %dma_start3A_502 = tpu.memref_slice %arg2[%dma_start3A_500, %dma_start3A_501] : memref<10000x128xf32, #tpu.memory_space<hbm>> -> memref<10000x128xf32, #tpu.memory_space<hbm>>
      tpu.enqueue_indirect_dma source(%dma_start3A_502 : memref<10000x128xf32, #tpu.memory_space<hbm>>) target(%arg10 : memref<32x128xf32, #tpu.memory_space<vmem>>) offsets(%dma_start3A_499 : memref<32xi32, #tpu.memory_space<vmem>>) semaphore(%arg16 : memref<!tpu.dma_semaphore, #tpu.memory_space<semaphore_mem>>)
      %dma_start3A_503 = arith.constant 1 : i32
      %dma_start3A_504 = arith.constant 2 : i32
      %dma_start3A_505 = arith.constant 0 : i32
      %dma_start3A_506 = arith.constant 0 : i32
      %dma_start3A_507 = tpu.memref_slice %arg8[%dma_start3A_503, %dma_start3A_504, %dma_start3A_505, %dma_start3A_506] : memref<2x4x3x32xi32, #tpu.memory_space<vmem>> -> memref<1x1x1x32xi32, #tpu.memory_space<vmem>>
      %dma_start3A_508 = tpu.memref_squeeze %dma_start3A_507 : memref<1x1x1x32xi32, #tpu.memory_space<vmem>> -> memref<32xi32, #tpu.memory_space<vmem>>
      %dma_start3A_509 = arith.constant 0 : i32
      %dma_start3A_510 = arith.constant 0 : i32
      %dma_start3A_511 = tpu.memref_slice %arg2[%dma_start3A_509, %dma_start3A_510] : memref<10000x128xf32, #tpu.memory_space<hbm>> -> memref<10000x128xf32, #tpu.memory_space<hbm>>
      tpu.enqueue_indirect_dma source(%dma_start3A_511 : memref<10000x128xf32, #tpu.memory_space<hbm>>) target(%arg11 : memref<32x128xf32, #tpu.memory_space<vmem>>) offsets(%dma_start3A_508 : memref<32xi32, #tpu.memory_space<vmem>>) semaphore(%arg17 : memref<!tpu.dma_semaphore, #tpu.memory_space<semaphore_mem>>)
      %dma_start3A_512 = arith.constant 1 : i32
      %dma_start3A_513 = arith.constant 3 : i32
      %dma_start3A_514 = arith.constant 0 : i32
      %dma_start3A_515 = arith.constant 0 : i32
      %dma_start3A_516 = tpu.memref_slice %arg8[%dma_start3A_512, %dma_start3A_513, %dma_start3A_514, %dma_start3A_515] : memref<2x4x3x32xi32, #tpu.memory_space<vmem>> -> memref<1x1x1x32xi32, #tpu.memory_space<vmem>>
      %dma_start3A_517 = tpu.memref_squeeze %dma_start3A_516 : memref<1x1x1x32xi32, #tpu.memory_space<vmem>> -> memref<32xi32, #tpu.memory_space<vmem>>
      %dma_start3A_518 = arith.constant 0 : i32
      %dma_start3A_519 = arith.constant 0 : i32
      %dma_start3A_520 = tpu.memref_slice %arg2[%dma_start3A_518, %dma_start3A_519] : memref<10000x128xf32, #tpu.memory_space<hbm>> -> memref<10000x128xf32, #tpu.memory_space<hbm>>
      tpu.enqueue_indirect_dma source(%dma_start3A_520 : memref<10000x128xf32, #tpu.memory_space<hbm>>) target(%arg12 : memref<32x128xf32, #tpu.memory_space<vmem>>) offsets(%dma_start3A_517 : memref<32xi32, #tpu.memory_space<vmem>>) semaphore(%arg18 : memref<!tpu.dma_semaphore, #tpu.memory_space<semaphore_mem>>)
      %dma_wait3A_521 = arith.constant 1 : i32
      %dma_wait3A_522 = arith.constant 0 : i32
      %dma_wait3A_523 = arith.constant 0 : i32
      %dma_wait3A_524 = arith.constant 0 : i32
      %dma_wait3A_525 = tpu.memref_slice %arg8[%dma_wait3A_521, %dma_wait3A_522, %dma_wait3A_523, %dma_wait3A_524] : memref<2x4x3x32xi32, #tpu.memory_space<vmem>> -> memref<1x1x1x32xi32, #tpu.memory_space<vmem>>
      %dma_wait3A_526 = tpu.memref_squeeze %dma_wait3A_525 : memref<1x1x1x32xi32, #tpu.memory_space<vmem>> -> memref<32xi32, #tpu.memory_space<vmem>>
      %dma_wait3A_527 = arith.constant 0 : i32
      %dma_wait3A_528 = arith.constant 0 : i32
      %dma_wait3A_529 = tpu.memref_slice %arg2[%dma_wait3A_527, %dma_wait3A_528] : memref<10000x128xf32, #tpu.memory_space<hbm>> -> memref<10000x128xf32, #tpu.memory_space<hbm>>
      tpu.wait_indirect_dma semaphore(%arg15 : memref<!tpu.dma_semaphore, #tpu.memory_space<semaphore_mem>>) src(%dma_wait3A_529 : memref<10000x128xf32, #tpu.memory_space<hbm>>) dst(%arg9 : memref<32x128xf32, #tpu.memory_space<vmem>>)
      %dma_start3A_530 = arith.constant 1 : i32
      %dma_start3A_531 = arith.constant 0 : i32
      %dma_start3A_532 = arith.constant 2 : i32
      %dma_start3A_533 = arith.constant 0 : i32
      %dma_start3A_534 = tpu.memref_slice %arg8[%dma_start3A_530, %dma_start3A_531, %dma_start3A_532, %dma_start3A_533] : memref<2x4x3x32xi32, #tpu.memory_space<vmem>> -> memref<1x1x1x32xi32, #tpu.memory_space<vmem>>
      %dma_start3A_535 = tpu.memref_squeeze %dma_start3A_534 : memref<1x1x1x32xi32, #tpu.memory_space<vmem>> -> memref<32xi32, #tpu.memory_space<vmem>>
      %dma_start3A_536 = arith.constant 0 : i32
      %dma_start3A_537 = arith.constant 0 : i32
      %dma_start3A_538 = tpu.memref_slice %arg23[%dma_start3A_536, %dma_start3A_537] : memref<5248x128xf32, #tpu.memory_space<vmem_shared>> -> memref<5248x128xf32, #tpu.memory_space<vmem_shared>>
      tpu.enqueue_indirect_dma source(%arg9 : memref<32x128xf32, #tpu.memory_space<vmem>>) target(%dma_start3A_538 : memref<5248x128xf32, #tpu.memory_space<vmem_shared>>) offsets(%dma_start3A_535 : memref<32xi32, #tpu.memory_space<vmem>>) semaphore(%arg19 : memref<!tpu.dma_semaphore, #tpu.memory_space<semaphore_mem>>) {add = true}
      %dma_wait3A_539 = arith.constant 1 : i32
      %dma_wait3A_540 = arith.constant 1 : i32
      %dma_wait3A_541 = arith.constant 0 : i32
      %dma_wait3A_542 = arith.constant 0 : i32
      %dma_wait3A_543 = tpu.memref_slice %arg8[%dma_wait3A_539, %dma_wait3A_540, %dma_wait3A_541, %dma_wait3A_542] : memref<2x4x3x32xi32, #tpu.memory_space<vmem>> -> memref<1x1x1x32xi32, #tpu.memory_space<vmem>>
      %dma_wait3A_544 = tpu.memref_squeeze %dma_wait3A_543 : memref<1x1x1x32xi32, #tpu.memory_space<vmem>> -> memref<32xi32, #tpu.memory_space<vmem>>
      %dma_wait3A_545 = arith.constant 0 : i32
      %dma_wait3A_546 = arith.constant 0 : i32
      %dma_wait3A_547 = tpu.memref_slice %arg2[%dma_wait3A_545, %dma_wait3A_546] : memref<10000x128xf32, #tpu.memory_space<hbm>> -> memref<10000x128xf32, #tpu.memory_space<hbm>>
      tpu.wait_indirect_dma semaphore(%arg16 : memref<!tpu.dma_semaphore, #tpu.memory_space<semaphore_mem>>) src(%dma_wait3A_547 : memref<10000x128xf32, #tpu.memory_space<hbm>>) dst(%arg10 : memref<32x128xf32, #tpu.memory_space<vmem>>)
      %dma_start3A_548 = arith.constant 1 : i32
      %dma_start3A_549 = arith.constant 1 : i32
      %dma_start3A_550 = arith.constant 2 : i32
      %dma_start3A_551 = arith.constant 0 : i32
      %dma_start3A_552 = tpu.memref_slice %arg8[%dma_start3A_548, %dma_start3A_549, %dma_start3A_550, %dma_start3A_551] : memref<2x4x3x32xi32, #tpu.memory_space<vmem>> -> memref<1x1x1x32xi32, #tpu.memory_space<vmem>>
      %dma_start3A_553 = tpu.memref_squeeze %dma_start3A_552 : memref<1x1x1x32xi32, #tpu.memory_space<vmem>> -> memref<32xi32, #tpu.memory_space<vmem>>
      %dma_start3A_554 = arith.constant 0 : i32
      %dma_start3A_555 = arith.constant 0 : i32
      %dma_start3A_556 = tpu.memref_slice %arg23[%dma_start3A_554, %dma_start3A_555] : memref<5248x128xf32, #tpu.memory_space<vmem_shared>> -> memref<5248x128xf32, #tpu.memory_space<vmem_shared>>
      tpu.enqueue_indirect_dma source(%arg10 : memref<32x128xf32, #tpu.memory_space<vmem>>) target(%dma_start3A_556 : memref<5248x128xf32, #tpu.memory_space<vmem_shared>>) offsets(%dma_start3A_553 : memref<32xi32, #tpu.memory_space<vmem>>) semaphore(%arg20 : memref<!tpu.dma_semaphore, #tpu.memory_space<semaphore_mem>>) {add = true}
      %dma_wait3A_557 = arith.constant 1 : i32
      %dma_wait3A_558 = arith.constant 2 : i32
      %dma_wait3A_559 = arith.constant 0 : i32
      %dma_wait3A_560 = arith.constant 0 : i32
      %dma_wait3A_561 = tpu.memref_slice %arg8[%dma_wait3A_557, %dma_wait3A_558, %dma_wait3A_559, %dma_wait3A_560] : memref<2x4x3x32xi32, #tpu.memory_space<vmem>> -> memref<1x1x1x32xi32, #tpu.memory_space<vmem>>
      %dma_wait3A_562 = tpu.memref_squeeze %dma_wait3A_561 : memref<1x1x1x32xi32, #tpu.memory_space<vmem>> -> memref<32xi32, #tpu.memory_space<vmem>>
      %dma_wait3A_563 = arith.constant 0 : i32
      %dma_wait3A_564 = arith.constant 0 : i32
      %dma_wait3A_565 = tpu.memref_slice %arg2[%dma_wait3A_563, %dma_wait3A_564] : memref<10000x128xf32, #tpu.memory_space<hbm>> -> memref<10000x128xf32, #tpu.memory_space<hbm>>
      tpu.wait_indirect_dma semaphore(%arg17 : memref<!tpu.dma_semaphore, #tpu.memory_space<semaphore_mem>>) src(%dma_wait3A_565 : memref<10000x128xf32, #tpu.memory_space<hbm>>) dst(%arg11 : memref<32x128xf32, #tpu.memory_space<vmem>>)
      %dma_start3A_566 = arith.constant 1 : i32
      %dma_start3A_567 = arith.constant 2 : i32
      %dma_start3A_568 = arith.constant 2 : i32
      %dma_start3A_569 = arith.constant 0 : i32
      %dma_start3A_570 = tpu.memref_slice %arg8[%dma_start3A_566, %dma_start3A_567, %dma_start3A_568, %dma_start3A_569] : memref<2x4x3x32xi32, #tpu.memory_space<vmem>> -> memref<1x1x1x32xi32, #tpu.memory_space<vmem>>
      %dma_start3A_571 = tpu.memref_squeeze %dma_start3A_570 : memref<1x1x1x32xi32, #tpu.memory_space<vmem>> -> memref<32xi32, #tpu.memory_space<vmem>>
      %dma_start3A_572 = arith.constant 0 : i32
      %dma_start3A_573 = arith.constant 0 : i32
      %dma_start3A_574 = tpu.memref_slice %arg23[%dma_start3A_572, %dma_start3A_573] : memref<5248x128xf32, #tpu.memory_space<vmem_shared>> -> memref<5248x128xf32, #tpu.memory_space<vmem_shared>>
      tpu.enqueue_indirect_dma source(%arg11 : memref<32x128xf32, #tpu.memory_space<vmem>>) target(%dma_start3A_574 : memref<5248x128xf32, #tpu.memory_space<vmem_shared>>) offsets(%dma_start3A_571 : memref<32xi32, #tpu.memory_space<vmem>>) semaphore(%arg21 : memref<!tpu.dma_semaphore, #tpu.memory_space<semaphore_mem>>) {add = true}
      %dma_wait3A_575 = arith.constant 1 : i32
      %dma_wait3A_576 = arith.constant 3 : i32
      %dma_wait3A_577 = arith.constant 0 : i32
      %dma_wait3A_578 = arith.constant 0 : i32
      %dma_wait3A_579 = tpu.memref_slice %arg8[%dma_wait3A_575, %dma_wait3A_576, %dma_wait3A_577, %dma_wait3A_578] : memref<2x4x3x32xi32, #tpu.memory_space<vmem>> -> memref<1x1x1x32xi32, #tpu.memory_space<vmem>>
      %dma_wait3A_580 = tpu.memref_squeeze %dma_wait3A_579 : memref<1x1x1x32xi32, #tpu.memory_space<vmem>> -> memref<32xi32, #tpu.memory_space<vmem>>
      %dma_wait3A_581 = arith.constant 0 : i32
      %dma_wait3A_582 = arith.constant 0 : i32
      %dma_wait3A_583 = tpu.memref_slice %arg2[%dma_wait3A_581, %dma_wait3A_582] : memref<10000x128xf32, #tpu.memory_space<hbm>> -> memref<10000x128xf32, #tpu.memory_space<hbm>>
      tpu.wait_indirect_dma semaphore(%arg18 : memref<!tpu.dma_semaphore, #tpu.memory_space<semaphore_mem>>) src(%dma_wait3A_583 : memref<10000x128xf32, #tpu.memory_space<hbm>>) dst(%arg12 : memref<32x128xf32, #tpu.memory_space<vmem>>)
      %dma_start3A_584 = arith.constant 1 : i32
      %dma_start3A_585 = arith.constant 3 : i32
      %dma_start3A_586 = arith.constant 2 : i32
      %dma_start3A_587 = arith.constant 0 : i32
      %dma_start3A_588 = tpu.memref_slice %arg8[%dma_start3A_584, %dma_start3A_585, %dma_start3A_586, %dma_start3A_587] : memref<2x4x3x32xi32, #tpu.memory_space<vmem>> -> memref<1x1x1x32xi32, #tpu.memory_space<vmem>>
      %dma_start3A_589 = tpu.memref_squeeze %dma_start3A_588 : memref<1x1x1x32xi32, #tpu.memory_space<vmem>> -> memref<32xi32, #tpu.memory_space<vmem>>
      %dma_start3A_590 = arith.constant 0 : i32
      %dma_start3A_591 = arith.constant 0 : i32
      %dma_start3A_592 = tpu.memref_slice %arg23[%dma_start3A_590, %dma_start3A_591] : memref<5248x128xf32, #tpu.memory_space<vmem_shared>> -> memref<5248x128xf32, #tpu.memory_space<vmem_shared>>
      tpu.enqueue_indirect_dma source(%arg12 : memref<32x128xf32, #tpu.memory_space<vmem>>) target(%dma_start3A_592 : memref<5248x128xf32, #tpu.memory_space<vmem_shared>>) offsets(%dma_start3A_589 : memref<32xi32, #tpu.memory_space<vmem>>) semaphore(%arg22 : memref<!tpu.dma_semaphore, #tpu.memory_space<semaphore_mem>>) {add = true}
    }
    %scan3A_105 = arith.constant 40 : i32
    %dma_wait3A_106 = arith.constant 0 : i32
    %dma_wait3A_107 = arith.constant 0 : i32
    %dma_wait3A_108 = arith.constant 1 : i32
    %dma_wait3A_109 = arith.constant 0 : i32
    %dma_wait3A_110 = tpu.memref_slice %arg8[%dma_wait3A_106, %dma_wait3A_107, %dma_wait3A_108, %dma_wait3A_109] : memref<2x4x3x32xi32, #tpu.memory_space<vmem>> -> memref<1x1x1x32xi32, #tpu.memory_space<vmem>>
    %dma_wait3A_111 = tpu.memref_squeeze %dma_wait3A_110 : memref<1x1x1x32xi32, #tpu.memory_space<vmem>> -> memref<32xi32, #tpu.memory_space<vmem>>
    %dma_wait3A_112 = arith.constant 0 : i32
    %dma_wait3A_113 = arith.constant 0 : i32
    %dma_wait3A_114 = tpu.memref_slice %arg23[%dma_wait3A_112, %dma_wait3A_113] : memref<5248x128xf32, #tpu.memory_space<vmem_shared>> -> memref<5248x128xf32, #tpu.memory_space<vmem_shared>>
    tpu.wait_indirect_dma semaphore(%arg19 : memref<!tpu.dma_semaphore, #tpu.memory_space<semaphore_mem>>) src(%arg9 : memref<32x128xf32, #tpu.memory_space<vmem>>) dst(%dma_wait3A_114 : memref<5248x128xf32, #tpu.memory_space<vmem_shared>>)
    %dma_wait3A_115 = arith.constant 0 : i32
    %dma_wait3A_116 = arith.constant 1 : i32
    %dma_wait3A_117 = arith.constant 1 : i32
    %dma_wait3A_118 = arith.constant 0 : i32
    %dma_wait3A_119 = tpu.memref_slice %arg8[%dma_wait3A_115, %dma_wait3A_116, %dma_wait3A_117, %dma_wait3A_118] : memref<2x4x3x32xi32, #tpu.memory_space<vmem>> -> memref<1x1x1x32xi32, #tpu.memory_space<vmem>>
    %dma_wait3A_120 = tpu.memref_squeeze %dma_wait3A_119 : memref<1x1x1x32xi32, #tpu.memory_space<vmem>> -> memref<32xi32, #tpu.memory_space<vmem>>
    %dma_wait3A_121 = arith.constant 0 : i32
    %dma_wait3A_122 = arith.constant 0 : i32
    %dma_wait3A_123 = tpu.memref_slice %arg23[%dma_wait3A_121, %dma_wait3A_122] : memref<5248x128xf32, #tpu.memory_space<vmem_shared>> -> memref<5248x128xf32, #tpu.memory_space<vmem_shared>>
    tpu.wait_indirect_dma semaphore(%arg20 : memref<!tpu.dma_semaphore, #tpu.memory_space<semaphore_mem>>) src(%arg10 : memref<32x128xf32, #tpu.memory_space<vmem>>) dst(%dma_wait3A_123 : memref<5248x128xf32, #tpu.memory_space<vmem_shared>>)
    %dma_wait3A_124 = arith.constant 0 : i32
    %dma_wait3A_125 = arith.constant 2 : i32
    %dma_wait3A_126 = arith.constant 1 : i32
    %dma_wait3A_127 = arith.constant 0 : i32
    %dma_wait3A_128 = tpu.memref_slice %arg8[%dma_wait3A_124, %dma_wait3A_125, %dma_wait3A_126, %dma_wait3A_127] : memref<2x4x3x32xi32, #tpu.memory_space<vmem>> -> memref<1x1x1x32xi32, #tpu.memory_space<vmem>>
    %dma_wait3A_129 = tpu.memref_squeeze %dma_wait3A_128 : memref<1x1x1x32xi32, #tpu.memory_space<vmem>> -> memref<32xi32, #tpu.memory_space<vmem>>
    %dma_wait3A_130 = arith.constant 0 : i32
    %dma_wait3A_131 = arith.constant 0 : i32
    %dma_wait3A_132 = tpu.memref_slice %arg23[%dma_wait3A_130, %dma_wait3A_131] : memref<5248x128xf32, #tpu.memory_space<vmem_shared>> -> memref<5248x128xf32, #tpu.memory_space<vmem_shared>>
    tpu.wait_indirect_dma semaphore(%arg21 : memref<!tpu.dma_semaphore, #tpu.memory_space<semaphore_mem>>) src(%arg11 : memref<32x128xf32, #tpu.memory_space<vmem>>) dst(%dma_wait3A_132 : memref<5248x128xf32, #tpu.memory_space<vmem_shared>>)
    %dma_wait3A_133 = arith.constant 0 : i32
    %dma_wait3A_134 = arith.constant 3 : i32
    %dma_wait3A_135 = arith.constant 1 : i32
    %dma_wait3A_136 = arith.constant 0 : i32
    %dma_wait3A_137 = tpu.memref_slice %arg8[%dma_wait3A_133, %dma_wait3A_134, %dma_wait3A_135, %dma_wait3A_136] : memref<2x4x3x32xi32, #tpu.memory_space<vmem>> -> memref<1x1x1x32xi32, #tpu.memory_space<vmem>>
    %dma_wait3A_138 = tpu.memref_squeeze %dma_wait3A_137 : memref<1x1x1x32xi32, #tpu.memory_space<vmem>> -> memref<32xi32, #tpu.memory_space<vmem>>
    %dma_wait3A_139 = arith.constant 0 : i32
    %dma_wait3A_140 = arith.constant 0 : i32
    %dma_wait3A_141 = tpu.memref_slice %arg23[%dma_wait3A_139, %dma_wait3A_140] : memref<5248x128xf32, #tpu.memory_space<vmem_shared>> -> memref<5248x128xf32, #tpu.memory_space<vmem_shared>>
    tpu.wait_indirect_dma semaphore(%arg22 : memref<!tpu.dma_semaphore, #tpu.memory_space<semaphore_mem>>) src(%arg12 : memref<32x128xf32, #tpu.memory_space<vmem>>) dst(%dma_wait3A_141 : memref<5248x128xf32, #tpu.memory_space<vmem_shared>>)
    %barrier3A_142 = arith.constant 0 : index
    tpu.barrier barrier_id(%barrier3A_142)
    %run_scoped3A_143 = arith.constant 1 : i32
    "tpu.region"() ({
      %run_scoped3A_290 = tpu.sem_alloc : memref<!tpu.dma_semaphore, #tpu.memory_space<semaphore_mem>>
      %dma_start3A_291 = arith.constant 0 : i32
      %dma_start3A_292 = arith.constant 0 : i32
      %dma_start3A_293 = tpu.memref_slice %arg6[%arg0, %run_scoped3A_143, %dma_start3A_291, %dma_start3A_292] : memref<2x2x5248x128xf32, #tpu.memory_space<hbm>> -> memref<1x1x5248x128xf32, #tpu.memory_space<hbm>>
      %dma_start3A_294 = tpu.memref_squeeze %dma_start3A_293 : memref<1x1x5248x128xf32, #tpu.memory_space<hbm>> -> memref<5248x128xf32, #tpu.memory_space<hbm>>
      %dma_start3A_295 = arith.constant 0 : i32
      %dma_start3A_296 = tpu.memref_slice %dma_start3A_294[%mul3A_2, %dma_start3A_295] : memref<5248x128xf32, #tpu.memory_space<hbm>> -> memref<328x128xf32, #tpu.memory_space<hbm>>
      %dma_start3A_297 = arith.constant 0 : i32
      %dma_start3A_298 = tpu.memref_slice %arg23[%mul3A_2, %dma_start3A_297] : memref<5248x128xf32, #tpu.memory_space<vmem_shared>> -> memref<328x128xf32, #tpu.memory_space<vmem_shared>>
      tpu.enqueue_dma source(%dma_start3A_298 : memref<328x128xf32, #tpu.memory_space<vmem_shared>>) target(%dma_start3A_296 : memref<328x128xf32, #tpu.memory_space<hbm>>) target_semaphore(%run_scoped3A_290 : memref<!tpu.dma_semaphore, #tpu.memory_space<semaphore_mem>>)
      %dma_wait3A_299 = arith.constant 0 : i32
      %dma_wait3A_300 = arith.constant 0 : i32
      %dma_wait3A_301 = tpu.memref_slice %arg6[%arg0, %run_scoped3A_143, %dma_wait3A_299, %dma_wait3A_300] : memref<2x2x5248x128xf32, #tpu.memory_space<hbm>> -> memref<1x1x5248x128xf32, #tpu.memory_space<hbm>>
      %dma_wait3A_302 = tpu.memref_squeeze %dma_wait3A_301 : memref<1x1x5248x128xf32, #tpu.memory_space<hbm>> -> memref<5248x128xf32, #tpu.memory_space<hbm>>
      %dma_wait3A_303 = arith.constant 0 : i32
      %dma_wait3A_304 = tpu.memref_slice %dma_wait3A_302[%mul3A_2, %dma_wait3A_303] : memref<5248x128xf32, #tpu.memory_space<hbm>> -> memref<328x128xf32, #tpu.memory_space<hbm>>
      %dma_wait3A_305 = arith.constant 0 : i32
      %dma_wait3A_306 = tpu.memref_slice %arg23[%mul3A_2, %dma_wait3A_305] : memref<5248x128xf32, #tpu.memory_space<vmem_shared>> -> memref<328x128xf32, #tpu.memory_space<vmem_shared>>
      tpu.wait_dma2 semaphore(%run_scoped3A_290 : memref<!tpu.dma_semaphore, #tpu.memory_space<semaphore_mem>>) src(%dma_wait3A_306 : memref<328x128xf32, #tpu.memory_space<vmem_shared>>) dst(%dma_wait3A_304 : memref<328x128xf32, #tpu.memory_space<hbm>>)
      tpu.yield
    }) : () -> ()
    "tpu.region"() ({
      %run_scoped3A_290 = tpu.sem_alloc : memref<!tpu.dma_semaphore, #tpu.memory_space<semaphore_mem>>
      tpu.enqueue_dma source(%arg5 : memref<32x128xf32, #tpu.memory_space<hbm>>) target(%arg9 : memref<32x128xf32, #tpu.memory_space<vmem>>) target_semaphore(%run_scoped3A_290 : memref<!tpu.dma_semaphore, #tpu.memory_space<semaphore_mem>>)
      tpu.wait_dma2 semaphore(%run_scoped3A_290 : memref<!tpu.dma_semaphore, #tpu.memory_space<semaphore_mem>>) src(%arg5 : memref<32x128xf32, #tpu.memory_space<hbm>>) dst(%arg9 : memref<32x128xf32, #tpu.memory_space<vmem>>)
      tpu.yield
    }) : () -> ()
    "tpu.region"() ({
      %run_scoped3A_290 = tpu.sem_alloc : memref<!tpu.dma_semaphore, #tpu.memory_space<semaphore_mem>>
      %dma_start3A_291 = arith.constant 0 : i32
      %dma_start3A_292 = tpu.memref_slice %arg23[%mul3A_2, %dma_start3A_291] : memref<5248x128xf32, #tpu.memory_space<vmem_shared>> -> memref<328x128xf32, #tpu.memory_space<vmem_shared>>
      tpu.enqueue_dma source(%arg4 : memref<328x128xf32, #tpu.memory_space<hbm>>) target(%dma_start3A_292 : memref<328x128xf32, #tpu.memory_space<vmem_shared>>) target_semaphore(%run_scoped3A_290 : memref<!tpu.dma_semaphore, #tpu.memory_space<semaphore_mem>>)
      %dma_wait3A_293 = arith.constant 0 : i32
      %dma_wait3A_294 = tpu.memref_slice %arg23[%mul3A_2, %dma_wait3A_293] : memref<5248x128xf32, #tpu.memory_space<vmem_shared>> -> memref<328x128xf32, #tpu.memory_space<vmem_shared>>
      tpu.wait_dma2 semaphore(%run_scoped3A_290 : memref<!tpu.dma_semaphore, #tpu.memory_space<semaphore_mem>>) src(%arg4 : memref<328x128xf32, #tpu.memory_space<hbm>>) dst(%dma_wait3A_294 : memref<328x128xf32, #tpu.memory_space<vmem_shared>>)
      tpu.yield
    }) : () -> ()
    %barrier3A_144 = arith.constant 0 : index
    tpu.barrier barrier_id(%barrier3A_144)
    %dma_start3A_145 = arith.constant 0 : i32
    %dma_start3A_146 = arith.constant 0 : i32
    %dma_start3A_147 = arith.constant 0 : i32
    %dma_start3A_148 = arith.constant 0 : i32
    %dma_start3A_149 = tpu.memref_slice %arg8[%dma_start3A_145, %dma_start3A_146, %dma_start3A_147, %dma_start3A_148] : memref<2x4x3x32xi32, #tpu.memory_space<vmem>> -> memref<1x4x3x32xi32, #tpu.memory_space<vmem>>
    %dma_start3A_150 = tpu.memref_squeeze %dma_start3A_149 : memref<1x4x3x32xi32, #tpu.memory_space<vmem>> -> memref<4x3x32xi32, #tpu.memory_space<vmem>>
    %dma_start3A_151 = arith.constant 0 : i32
    %dma_start3A_152 = arith.constant 0 : i32
    %dma_start3A_153 = arith.constant 0 : i32
    %dma_start3A_154 = tpu.memref_slice %arg3[%add3A, %dma_start3A_151, %dma_start3A_152, %dma_start3A_153] : memref<32x320x3x32xi32, #tpu.memory_space<hbm>> -> memref<1x320x3x32xi32, #tpu.memory_space<hbm>>
    %dma_start3A_155 = tpu.memref_squeeze %dma_start3A_154 : memref<1x320x3x32xi32, #tpu.memory_space<hbm>> -> memref<320x3x32xi32, #tpu.memory_space<hbm>>
    %dma_start3A_156 = arith.constant 0 : i32
    %dma_start3A_157 = arith.constant 0 : i32
    %dma_start3A_158 = arith.constant 0 : i32
    %dma_start3A_159 = tpu.memref_slice %dma_start3A_155[%dma_start3A_156, %dma_start3A_157, %dma_start3A_158] : memref<320x3x32xi32, #tpu.memory_space<hbm>> -> memref<4x3x32xi32, #tpu.memory_space<hbm>>
    %dma_start3A_160 = arith.constant 0 : i32
    %dma_start3A_161 = arith.constant 0 : i32
    %dma_start3A_162 = arith.constant 0 : i32
    %dma_start3A_163 = tpu.memref_slice %arg8[%dma_start3A_145, %dma_start3A_160, %dma_start3A_161, %dma_start3A_162] : memref<2x4x3x32xi32, #tpu.memory_space<vmem>> -> memref<1x4x3x32xi32, #tpu.memory_space<vmem>>
    %dma_start3A_164 = tpu.memref_squeeze %dma_start3A_163 : memref<1x4x3x32xi32, #tpu.memory_space<vmem>> -> memref<4x3x32xi32, #tpu.memory_space<vmem>>
    %dma_start3A_165 = arith.constant 0 : i32
    %dma_start3A_166 = arith.constant 0 : i32
    %dma_start3A_167 = arith.constant 0 : i32
    %dma_start3A_168 = tpu.memref_slice %arg3[%add3A, %dma_start3A_165, %dma_start3A_166, %dma_start3A_167] : memref<32x320x3x32xi32, #tpu.memory_space<hbm>> -> memref<1x320x3x32xi32, #tpu.memory_space<hbm>>
    %dma_start3A_169 = tpu.memref_squeeze %dma_start3A_168 : memref<1x320x3x32xi32, #tpu.memory_space<hbm>> -> memref<320x3x32xi32, #tpu.memory_space<hbm>>
    %dma_start3A_170 = arith.constant 0 : i32
    %dma_start3A_171 = arith.constant 0 : i32
    %dma_start3A_172 = arith.constant 0 : i32
    %dma_start3A_173 = tpu.memref_slice %dma_start3A_169[%dma_start3A_170, %dma_start3A_171, %dma_start3A_172] : memref<320x3x32xi32, #tpu.memory_space<hbm>> -> memref<4x3x32xi32, #tpu.memory_space<hbm>>
    tpu.enqueue_dma source(%dma_start3A_173 : memref<4x3x32xi32, #tpu.memory_space<hbm>>) target(%dma_start3A_164 : memref<4x3x32xi32, #tpu.memory_space<vmem>>) target_semaphore(%arg13 : memref<!tpu.dma_semaphore, #tpu.memory_space<semaphore_mem>>)
    %scan3A_174 = arith.constant 0 : i32
    %scan3A_175 = arith.constant 40 : i32
    %scan3A_176 = arith.addi %scan3A_174, %scan3A_175 : i32
    %scan3A_177 = arith.constant 1 : i32
    scf.for %scan3A_290 = %scan3A_174 to %scan3A_176 step %scan3A_177  : i32 {
      %mul3A_291 = arith.constant 2 : i32
      %mul3A_292 = arith.muli %scan3A_290, %mul3A_291 : i32
      %add3A_293 = arith.constant 0 : i32
      %add3A_294 = arith.addi %add3A_293, %mul3A_292 : i32
      %add3A_295 = arith.constant 0 : i32
      %add3A_296 = arith.addi %add3A_294, %add3A_295 : i32
      %mul3A_297 = arith.constant 4 : i32
      %mul3A_298 = arith.muli %add3A_296, %mul3A_297 : i32
      %dma_wait3A_299 = arith.constant 0 : i32
      %dma_wait3A_300 = arith.constant 0 : i32
      %dma_wait3A_301 = arith.constant 0 : i32
      %dma_wait3A_302 = arith.constant 0 : i32
      %dma_wait3A_303 = tpu.memref_slice %arg8[%dma_wait3A_299, %dma_wait3A_300, %dma_wait3A_301, %dma_wait3A_302] : memref<2x4x3x32xi32, #tpu.memory_space<vmem>> -> memref<1x4x3x32xi32, #tpu.memory_space<vmem>>
      %dma_wait3A_304 = tpu.memref_squeeze %dma_wait3A_303 : memref<1x4x3x32xi32, #tpu.memory_space<vmem>> -> memref<4x3x32xi32, #tpu.memory_space<vmem>>
      %dma_wait3A_305 = arith.constant 0 : i32
      %dma_wait3A_306 = arith.constant 0 : i32
      %dma_wait3A_307 = arith.constant 0 : i32
      %dma_wait3A_308 = tpu.memref_slice %arg3[%add3A, %dma_wait3A_305, %dma_wait3A_306, %dma_wait3A_307] : memref<32x320x3x32xi32, #tpu.memory_space<hbm>> -> memref<1x320x3x32xi32, #tpu.memory_space<hbm>>
      %dma_wait3A_309 = tpu.memref_squeeze %dma_wait3A_308 : memref<1x320x3x32xi32, #tpu.memory_space<hbm>> -> memref<320x3x32xi32, #tpu.memory_space<hbm>>
      %dma_wait3A_310 = arith.constant 0 : i32
      %dma_wait3A_311 = arith.constant 0 : i32
      %dma_wait3A_312 = tpu.memref_slice %dma_wait3A_309[%mul3A_298, %dma_wait3A_310, %dma_wait3A_311] : memref<320x3x32xi32, #tpu.memory_space<hbm>> -> memref<4x3x32xi32, #tpu.memory_space<hbm>>
      %dma_wait3A_313 = arith.constant 0 : i32
      %dma_wait3A_314 = arith.constant 0 : i32
      %dma_wait3A_315 = arith.constant 0 : i32
      %dma_wait3A_316 = tpu.memref_slice %arg8[%dma_wait3A_299, %dma_wait3A_313, %dma_wait3A_314, %dma_wait3A_315] : memref<2x4x3x32xi32, #tpu.memory_space<vmem>> -> memref<1x4x3x32xi32, #tpu.memory_space<vmem>>
      %dma_wait3A_317 = tpu.memref_squeeze %dma_wait3A_316 : memref<1x4x3x32xi32, #tpu.memory_space<vmem>> -> memref<4x3x32xi32, #tpu.memory_space<vmem>>
      %dma_wait3A_318 = arith.constant 0 : i32
      %dma_wait3A_319 = arith.constant 0 : i32
      %dma_wait3A_320 = arith.constant 0 : i32
      %dma_wait3A_321 = tpu.memref_slice %arg3[%add3A, %dma_wait3A_318, %dma_wait3A_319, %dma_wait3A_320] : memref<32x320x3x32xi32, #tpu.memory_space<hbm>> -> memref<1x320x3x32xi32, #tpu.memory_space<hbm>>
      %dma_wait3A_322 = tpu.memref_squeeze %dma_wait3A_321 : memref<1x320x3x32xi32, #tpu.memory_space<hbm>> -> memref<320x3x32xi32, #tpu.memory_space<hbm>>
      %dma_wait3A_323 = arith.constant 0 : i32
      %dma_wait3A_324 = arith.constant 0 : i32
      %dma_wait3A_325 = tpu.memref_slice %dma_wait3A_322[%mul3A_298, %dma_wait3A_323, %dma_wait3A_324] : memref<320x3x32xi32, #tpu.memory_space<hbm>> -> memref<4x3x32xi32, #tpu.memory_space<hbm>>
      tpu.wait_dma2 semaphore(%arg13 : memref<!tpu.dma_semaphore, #tpu.memory_space<semaphore_mem>>) src(%dma_wait3A_325 : memref<4x3x32xi32, #tpu.memory_space<hbm>>) dst(%dma_wait3A_317 : memref<4x3x32xi32, #tpu.memory_space<vmem>>)
      %gt3A = arith.constant 0 : i32
      %gt3A_326 = arith.cmpi sgt, %add3A_296, %gt3A : i32
      %convert_element_type3A = arith.extui %gt3A_326 : i1 to i32
      %cond3A = arith.constant 0 : i32
      %cond3A_327 = arith.cmpi ne, %convert_element_type3A, %cond3A : i32
      scf.if %cond3A_327 {
        %dma_wait3A_449 = arith.constant 0 : i32
        %dma_wait3A_450 = arith.constant 0 : i32
        %dma_wait3A_451 = arith.constant 1 : i32
        %dma_wait3A_452 = arith.constant 0 : i32
        %dma_wait3A_453 = tpu.memref_slice %arg8[%dma_wait3A_449, %dma_wait3A_450, %dma_wait3A_451, %dma_wait3A_452] : memref<2x4x3x32xi32, #tpu.memory_space<vmem>> -> memref<1x1x1x32xi32, #tpu.memory_space<vmem>>
        %dma_wait3A_454 = tpu.memref_squeeze %dma_wait3A_453 : memref<1x1x1x32xi32, #tpu.memory_space<vmem>> -> memref<32xi32, #tpu.memory_space<vmem>>
        %dma_wait3A_455 = arith.constant 0 : i32
        %dma_wait3A_456 = arith.constant 0 : i32
        %dma_wait3A_457 = tpu.memref_slice %arg23[%dma_wait3A_455, %dma_wait3A_456] : memref<5248x128xf32, #tpu.memory_space<vmem_shared>> -> memref<5248x128xf32, #tpu.memory_space<vmem_shared>>
        tpu.wait_indirect_dma semaphore(%arg19 : memref<!tpu.dma_semaphore, #tpu.memory_space<semaphore_mem>>) src(%arg9 : memref<32x128xf32, #tpu.memory_space<vmem>>) dst(%dma_wait3A_457 : memref<5248x128xf32, #tpu.memory_space<vmem_shared>>)
        %dma_wait3A_458 = arith.constant 0 : i32
        %dma_wait3A_459 = arith.constant 1 : i32
        %dma_wait3A_460 = arith.constant 1 : i32
        %dma_wait3A_461 = arith.constant 0 : i32
        %dma_wait3A_462 = tpu.memref_slice %arg8[%dma_wait3A_458, %dma_wait3A_459, %dma_wait3A_460, %dma_wait3A_461] : memref<2x4x3x32xi32, #tpu.memory_space<vmem>> -> memref<1x1x1x32xi32, #tpu.memory_space<vmem>>
        %dma_wait3A_463 = tpu.memref_squeeze %dma_wait3A_462 : memref<1x1x1x32xi32, #tpu.memory_space<vmem>> -> memref<32xi32, #tpu.memory_space<vmem>>
        %dma_wait3A_464 = arith.constant 0 : i32
        %dma_wait3A_465 = arith.constant 0 : i32
        %dma_wait3A_466 = tpu.memref_slice %arg23[%dma_wait3A_464, %dma_wait3A_465] : memref<5248x128xf32, #tpu.memory_space<vmem_shared>> -> memref<5248x128xf32, #tpu.memory_space<vmem_shared>>
        tpu.wait_indirect_dma semaphore(%arg20 : memref<!tpu.dma_semaphore, #tpu.memory_space<semaphore_mem>>) src(%arg10 : memref<32x128xf32, #tpu.memory_space<vmem>>) dst(%dma_wait3A_466 : memref<5248x128xf32, #tpu.memory_space<vmem_shared>>)
        %dma_wait3A_467 = arith.constant 0 : i32
        %dma_wait3A_468 = arith.constant 2 : i32
        %dma_wait3A_469 = arith.constant 1 : i32
        %dma_wait3A_470 = arith.constant 0 : i32
        %dma_wait3A_471 = tpu.memref_slice %arg8[%dma_wait3A_467, %dma_wait3A_468, %dma_wait3A_469, %dma_wait3A_470] : memref<2x4x3x32xi32, #tpu.memory_space<vmem>> -> memref<1x1x1x32xi32, #tpu.memory_space<vmem>>
        %dma_wait3A_472 = tpu.memref_squeeze %dma_wait3A_471 : memref<1x1x1x32xi32, #tpu.memory_space<vmem>> -> memref<32xi32, #tpu.memory_space<vmem>>
        %dma_wait3A_473 = arith.constant 0 : i32
        %dma_wait3A_474 = arith.constant 0 : i32
        %dma_wait3A_475 = tpu.memref_slice %arg23[%dma_wait3A_473, %dma_wait3A_474] : memref<5248x128xf32, #tpu.memory_space<vmem_shared>> -> memref<5248x128xf32, #tpu.memory_space<vmem_shared>>
        tpu.wait_indirect_dma semaphore(%arg21 : memref<!tpu.dma_semaphore, #tpu.memory_space<semaphore_mem>>) src(%arg11 : memref<32x128xf32, #tpu.memory_space<vmem>>) dst(%dma_wait3A_475 : memref<5248x128xf32, #tpu.memory_space<vmem_shared>>)
        %dma_wait3A_476 = arith.constant 0 : i32
        %dma_wait3A_477 = arith.constant 3 : i32
        %dma_wait3A_478 = arith.constant 1 : i32
        %dma_wait3A_479 = arith.constant 0 : i32
        %dma_wait3A_480 = tpu.memref_slice %arg8[%dma_wait3A_476, %dma_wait3A_477, %dma_wait3A_478, %dma_wait3A_479] : memref<2x4x3x32xi32, #tpu.memory_space<vmem>> -> memref<1x1x1x32xi32, #tpu.memory_space<vmem>>
        %dma_wait3A_481 = tpu.memref_squeeze %dma_wait3A_480 : memref<1x1x1x32xi32, #tpu.memory_space<vmem>> -> memref<32xi32, #tpu.memory_space<vmem>>
        %dma_wait3A_482 = arith.constant 0 : i32
        %dma_wait3A_483 = arith.constant 0 : i32
        %dma_wait3A_484 = tpu.memref_slice %arg23[%dma_wait3A_482, %dma_wait3A_483] : memref<5248x128xf32, #tpu.memory_space<vmem_shared>> -> memref<5248x128xf32, #tpu.memory_space<vmem_shared>>
        tpu.wait_indirect_dma semaphore(%arg22 : memref<!tpu.dma_semaphore, #tpu.memory_space<semaphore_mem>>) src(%arg12 : memref<32x128xf32, #tpu.memory_space<vmem>>) dst(%dma_wait3A_484 : memref<5248x128xf32, #tpu.memory_space<vmem_shared>>)
      } else {
      }
      %add3A_328 = arith.constant 1 : i32
      %add3A_329 = arith.addi %add3A_296, %add3A_328 : i32
      %lt3A = arith.constant 80 : i32
      %lt3A_330 = arith.cmpi slt, %add3A_329, %lt3A : i32
      %convert_element_type3A_331 = arith.extui %lt3A_330 : i1 to i32
      %cond3A_332 = arith.constant 0 : i32
      %cond3A_333 = arith.cmpi ne, %convert_element_type3A_331, %cond3A_332 : i32
      scf.if %cond3A_333 {
        %add3A_449 = arith.constant 1 : i32
        %add3A_450 = arith.addi %add3A_296, %add3A_449 : i32
        %mul3A_451 = arith.constant 4 : i32
        %mul3A_452 = arith.muli %add3A_450, %mul3A_451 : i32
        %dma_start3A_453 = arith.constant 1 : i32
        %dma_start3A_454 = arith.constant 0 : i32
        %dma_start3A_455 = arith.constant 0 : i32
        %dma_start3A_456 = arith.constant 0 : i32
        %dma_start3A_457 = tpu.memref_slice %arg8[%dma_start3A_453, %dma_start3A_454, %dma_start3A_455, %dma_start3A_456] : memref<2x4x3x32xi32, #tpu.memory_space<vmem>> -> memref<1x4x3x32xi32, #tpu.memory_space<vmem>>
        %dma_start3A_458 = tpu.memref_squeeze %dma_start3A_457 : memref<1x4x3x32xi32, #tpu.memory_space<vmem>> -> memref<4x3x32xi32, #tpu.memory_space<vmem>>
        %dma_start3A_459 = arith.constant 0 : i32
        %dma_start3A_460 = arith.constant 0 : i32
        %dma_start3A_461 = arith.constant 0 : i32
        %dma_start3A_462 = tpu.memref_slice %arg3[%add3A, %dma_start3A_459, %dma_start3A_460, %dma_start3A_461] : memref<32x320x3x32xi32, #tpu.memory_space<hbm>> -> memref<1x320x3x32xi32, #tpu.memory_space<hbm>>
        %dma_start3A_463 = tpu.memref_squeeze %dma_start3A_462 : memref<1x320x3x32xi32, #tpu.memory_space<hbm>> -> memref<320x3x32xi32, #tpu.memory_space<hbm>>
        %dma_start3A_464 = arith.constant 0 : i32
        %dma_start3A_465 = arith.constant 0 : i32
        %dma_start3A_466 = tpu.memref_slice %dma_start3A_463[%mul3A_452, %dma_start3A_464, %dma_start3A_465] : memref<320x3x32xi32, #tpu.memory_space<hbm>> -> memref<4x3x32xi32, #tpu.memory_space<hbm>>
        %dma_start3A_467 = arith.constant 0 : i32
        %dma_start3A_468 = arith.constant 0 : i32
        %dma_start3A_469 = arith.constant 0 : i32
        %dma_start3A_470 = tpu.memref_slice %arg8[%dma_start3A_453, %dma_start3A_467, %dma_start3A_468, %dma_start3A_469] : memref<2x4x3x32xi32, #tpu.memory_space<vmem>> -> memref<1x4x3x32xi32, #tpu.memory_space<vmem>>
        %dma_start3A_471 = tpu.memref_squeeze %dma_start3A_470 : memref<1x4x3x32xi32, #tpu.memory_space<vmem>> -> memref<4x3x32xi32, #tpu.memory_space<vmem>>
        %dma_start3A_472 = arith.constant 0 : i32
        %dma_start3A_473 = arith.constant 0 : i32
        %dma_start3A_474 = arith.constant 0 : i32
        %dma_start3A_475 = tpu.memref_slice %arg3[%add3A, %dma_start3A_472, %dma_start3A_473, %dma_start3A_474] : memref<32x320x3x32xi32, #tpu.memory_space<hbm>> -> memref<1x320x3x32xi32, #tpu.memory_space<hbm>>
        %dma_start3A_476 = tpu.memref_squeeze %dma_start3A_475 : memref<1x320x3x32xi32, #tpu.memory_space<hbm>> -> memref<320x3x32xi32, #tpu.memory_space<hbm>>
        %dma_start3A_477 = arith.constant 0 : i32
        %dma_start3A_478 = arith.constant 0 : i32
        %dma_start3A_479 = tpu.memref_slice %dma_start3A_476[%mul3A_452, %dma_start3A_477, %dma_start3A_478] : memref<320x3x32xi32, #tpu.memory_space<hbm>> -> memref<4x3x32xi32, #tpu.memory_space<hbm>>
        tpu.enqueue_dma source(%dma_start3A_479 : memref<4x3x32xi32, #tpu.memory_space<hbm>>) target(%dma_start3A_471 : memref<4x3x32xi32, #tpu.memory_space<vmem>>) target_semaphore(%arg14 : memref<!tpu.dma_semaphore, #tpu.memory_space<semaphore_mem>>)
      } else {
      }
      %dma_start3A_334 = arith.constant 0 : i32
      %dma_start3A_335 = arith.constant 0 : i32
      %dma_start3A_336 = arith.constant 1 : i32
      %dma_start3A_337 = arith.constant 0 : i32
      %dma_start3A_338 = tpu.memref_slice %arg8[%dma_start3A_334, %dma_start3A_335, %dma_start3A_336, %dma_start3A_337] : memref<2x4x3x32xi32, #tpu.memory_space<vmem>> -> memref<1x1x1x32xi32, #tpu.memory_space<vmem>>
      %dma_start3A_339 = tpu.memref_squeeze %dma_start3A_338 : memref<1x1x1x32xi32, #tpu.memory_space<vmem>> -> memref<32xi32, #tpu.memory_space<vmem>>
      %dma_start3A_340 = arith.constant 0 : i32
      %dma_start3A_341 = arith.constant 0 : i32
      %dma_start3A_342 = tpu.memref_slice %arg23[%dma_start3A_340, %dma_start3A_341] : memref<5248x128xf32, #tpu.memory_space<vmem_shared>> -> memref<5248x128xf32, #tpu.memory_space<vmem_shared>>
      tpu.enqueue_indirect_dma source(%arg9 : memref<32x128xf32, #tpu.memory_space<vmem>>) target(%dma_start3A_342 : memref<5248x128xf32, #tpu.memory_space<vmem_shared>>) offsets(%dma_start3A_339 : memref<32xi32, #tpu.memory_space<vmem>>) semaphore(%arg19 : memref<!tpu.dma_semaphore, #tpu.memory_space<semaphore_mem>>) {add = true}
      %dma_start3A_343 = arith.constant 0 : i32
      %dma_start3A_344 = arith.constant 1 : i32
      %dma_start3A_345 = arith.constant 1 : i32
      %dma_start3A_346 = arith.constant 0 : i32
      %dma_start3A_347 = tpu.memref_slice %arg8[%dma_start3A_343, %dma_start3A_344, %dma_start3A_345, %dma_start3A_346] : memref<2x4x3x32xi32, #tpu.memory_space<vmem>> -> memref<1x1x1x32xi32, #tpu.memory_space<vmem>>
      %dma_start3A_348 = tpu.memref_squeeze %dma_start3A_347 : memref<1x1x1x32xi32, #tpu.memory_space<vmem>> -> memref<32xi32, #tpu.memory_space<vmem>>
      %dma_start3A_349 = arith.constant 0 : i32
      %dma_start3A_350 = arith.constant 0 : i32
      %dma_start3A_351 = tpu.memref_slice %arg23[%dma_start3A_349, %dma_start3A_350] : memref<5248x128xf32, #tpu.memory_space<vmem_shared>> -> memref<5248x128xf32, #tpu.memory_space<vmem_shared>>
      tpu.enqueue_indirect_dma source(%arg9 : memref<32x128xf32, #tpu.memory_space<vmem>>) target(%dma_start3A_351 : memref<5248x128xf32, #tpu.memory_space<vmem_shared>>) offsets(%dma_start3A_348 : memref<32xi32, #tpu.memory_space<vmem>>) semaphore(%arg20 : memref<!tpu.dma_semaphore, #tpu.memory_space<semaphore_mem>>) {add = true}
      %dma_start3A_352 = arith.constant 0 : i32
      %dma_start3A_353 = arith.constant 2 : i32
      %dma_start3A_354 = arith.constant 1 : i32
      %dma_start3A_355 = arith.constant 0 : i32
      %dma_start3A_356 = tpu.memref_slice %arg8[%dma_start3A_352, %dma_start3A_353, %dma_start3A_354, %dma_start3A_355] : memref<2x4x3x32xi32, #tpu.memory_space<vmem>> -> memref<1x1x1x32xi32, #tpu.memory_space<vmem>>
      %dma_start3A_357 = tpu.memref_squeeze %dma_start3A_356 : memref<1x1x1x32xi32, #tpu.memory_space<vmem>> -> memref<32xi32, #tpu.memory_space<vmem>>
      %dma_start3A_358 = arith.constant 0 : i32
      %dma_start3A_359 = arith.constant 0 : i32
      %dma_start3A_360 = tpu.memref_slice %arg23[%dma_start3A_358, %dma_start3A_359] : memref<5248x128xf32, #tpu.memory_space<vmem_shared>> -> memref<5248x128xf32, #tpu.memory_space<vmem_shared>>
      tpu.enqueue_indirect_dma source(%arg9 : memref<32x128xf32, #tpu.memory_space<vmem>>) target(%dma_start3A_360 : memref<5248x128xf32, #tpu.memory_space<vmem_shared>>) offsets(%dma_start3A_357 : memref<32xi32, #tpu.memory_space<vmem>>) semaphore(%arg21 : memref<!tpu.dma_semaphore, #tpu.memory_space<semaphore_mem>>) {add = true}
      %dma_start3A_361 = arith.constant 0 : i32
      %dma_start3A_362 = arith.constant 3 : i32
      %dma_start3A_363 = arith.constant 1 : i32
      %dma_start3A_364 = arith.constant 0 : i32
      %dma_start3A_365 = tpu.memref_slice %arg8[%dma_start3A_361, %dma_start3A_362, %dma_start3A_363, %dma_start3A_364] : memref<2x4x3x32xi32, #tpu.memory_space<vmem>> -> memref<1x1x1x32xi32, #tpu.memory_space<vmem>>
      %dma_start3A_366 = tpu.memref_squeeze %dma_start3A_365 : memref<1x1x1x32xi32, #tpu.memory_space<vmem>> -> memref<32xi32, #tpu.memory_space<vmem>>
      %dma_start3A_367 = arith.constant 0 : i32
      %dma_start3A_368 = arith.constant 0 : i32
      %dma_start3A_369 = tpu.memref_slice %arg23[%dma_start3A_367, %dma_start3A_368] : memref<5248x128xf32, #tpu.memory_space<vmem_shared>> -> memref<5248x128xf32, #tpu.memory_space<vmem_shared>>
      tpu.enqueue_indirect_dma source(%arg9 : memref<32x128xf32, #tpu.memory_space<vmem>>) target(%dma_start3A_369 : memref<5248x128xf32, #tpu.memory_space<vmem_shared>>) offsets(%dma_start3A_366 : memref<32xi32, #tpu.memory_space<vmem>>) semaphore(%arg22 : memref<!tpu.dma_semaphore, #tpu.memory_space<semaphore_mem>>) {add = true}
      %add3A_370 = arith.constant 1 : i32
      %add3A_371 = arith.addi %add3A_294, %add3A_370 : i32
      %mul3A_372 = arith.constant 4 : i32
      %mul3A_373 = arith.muli %add3A_371, %mul3A_372 : i32
      %dma_wait3A_374 = arith.constant 1 : i32
      %dma_wait3A_375 = arith.constant 0 : i32
      %dma_wait3A_376 = arith.constant 0 : i32
      %dma_wait3A_377 = arith.constant 0 : i32
      %dma_wait3A_378 = tpu.memref_slice %arg8[%dma_wait3A_374, %dma_wait3A_375, %dma_wait3A_376, %dma_wait3A_377] : memref<2x4x3x32xi32, #tpu.memory_space<vmem>> -> memref<1x4x3x32xi32, #tpu.memory_space<vmem>>
      %dma_wait3A_379 = tpu.memref_squeeze %dma_wait3A_378 : memref<1x4x3x32xi32, #tpu.memory_space<vmem>> -> memref<4x3x32xi32, #tpu.memory_space<vmem>>
      %dma_wait3A_380 = arith.constant 0 : i32
      %dma_wait3A_381 = arith.constant 0 : i32
      %dma_wait3A_382 = arith.constant 0 : i32
      %dma_wait3A_383 = tpu.memref_slice %arg3[%add3A, %dma_wait3A_380, %dma_wait3A_381, %dma_wait3A_382] : memref<32x320x3x32xi32, #tpu.memory_space<hbm>> -> memref<1x320x3x32xi32, #tpu.memory_space<hbm>>
      %dma_wait3A_384 = tpu.memref_squeeze %dma_wait3A_383 : memref<1x320x3x32xi32, #tpu.memory_space<hbm>> -> memref<320x3x32xi32, #tpu.memory_space<hbm>>
      %dma_wait3A_385 = arith.constant 0 : i32
      %dma_wait3A_386 = arith.constant 0 : i32
      %dma_wait3A_387 = tpu.memref_slice %dma_wait3A_384[%mul3A_373, %dma_wait3A_385, %dma_wait3A_386] : memref<320x3x32xi32, #tpu.memory_space<hbm>> -> memref<4x3x32xi32, #tpu.memory_space<hbm>>
      %dma_wait3A_388 = arith.constant 0 : i32
      %dma_wait3A_389 = arith.constant 0 : i32
      %dma_wait3A_390 = arith.constant 0 : i32
      %dma_wait3A_391 = tpu.memref_slice %arg8[%dma_wait3A_374, %dma_wait3A_388, %dma_wait3A_389, %dma_wait3A_390] : memref<2x4x3x32xi32, #tpu.memory_space<vmem>> -> memref<1x4x3x32xi32, #tpu.memory_space<vmem>>
      %dma_wait3A_392 = tpu.memref_squeeze %dma_wait3A_391 : memref<1x4x3x32xi32, #tpu.memory_space<vmem>> -> memref<4x3x32xi32, #tpu.memory_space<vmem>>
      %dma_wait3A_393 = arith.constant 0 : i32
      %dma_wait3A_394 = arith.constant 0 : i32
      %dma_wait3A_395 = arith.constant 0 : i32
      %dma_wait3A_396 = tpu.memref_slice %arg3[%add3A, %dma_wait3A_393, %dma_wait3A_394, %dma_wait3A_395] : memref<32x320x3x32xi32, #tpu.memory_space<hbm>> -> memref<1x320x3x32xi32, #tpu.memory_space<hbm>>
      %dma_wait3A_397 = tpu.memref_squeeze %dma_wait3A_396 : memref<1x320x3x32xi32, #tpu.memory_space<hbm>> -> memref<320x3x32xi32, #tpu.memory_space<hbm>>
      %dma_wait3A_398 = arith.constant 0 : i32
      %dma_wait3A_399 = arith.constant 0 : i32
      %dma_wait3A_400 = tpu.memref_slice %dma_wait3A_397[%mul3A_373, %dma_wait3A_398, %dma_wait3A_399] : memref<320x3x32xi32, #tpu.memory_space<hbm>> -> memref<4x3x32xi32, #tpu.memory_space<hbm>>
      tpu.wait_dma2 semaphore(%arg14 : memref<!tpu.dma_semaphore, #tpu.memory_space<semaphore_mem>>) src(%dma_wait3A_400 : memref<4x3x32xi32, #tpu.memory_space<hbm>>) dst(%dma_wait3A_392 : memref<4x3x32xi32, #tpu.memory_space<vmem>>)
      %gt3A_401 = arith.constant 0 : i32
      %gt3A_402 = arith.cmpi sgt, %add3A_371, %gt3A_401 : i32
      %convert_element_type3A_403 = arith.extui %gt3A_402 : i1 to i32
      %cond3A_404 = arith.constant 0 : i32
      %cond3A_405 = arith.cmpi ne, %convert_element_type3A_403, %cond3A_404 : i32
      scf.if %cond3A_405 {
        %dma_wait3A_449 = arith.constant 0 : i32
        %dma_wait3A_450 = arith.constant 0 : i32
        %dma_wait3A_451 = arith.constant 1 : i32
        %dma_wait3A_452 = arith.constant 0 : i32
        %dma_wait3A_453 = tpu.memref_slice %arg8[%dma_wait3A_449, %dma_wait3A_450, %dma_wait3A_451, %dma_wait3A_452] : memref<2x4x3x32xi32, #tpu.memory_space<vmem>> -> memref<1x1x1x32xi32, #tpu.memory_space<vmem>>
        %dma_wait3A_454 = tpu.memref_squeeze %dma_wait3A_453 : memref<1x1x1x32xi32, #tpu.memory_space<vmem>> -> memref<32xi32, #tpu.memory_space<vmem>>
        %dma_wait3A_455 = arith.constant 0 : i32
        %dma_wait3A_456 = arith.constant 0 : i32
        %dma_wait3A_457 = tpu.memref_slice %arg23[%dma_wait3A_455, %dma_wait3A_456] : memref<5248x128xf32, #tpu.memory_space<vmem_shared>> -> memref<5248x128xf32, #tpu.memory_space<vmem_shared>>
        tpu.wait_indirect_dma semaphore(%arg19 : memref<!tpu.dma_semaphore, #tpu.memory_space<semaphore_mem>>) src(%arg9 : memref<32x128xf32, #tpu.memory_space<vmem>>) dst(%dma_wait3A_457 : memref<5248x128xf32, #tpu.memory_space<vmem_shared>>)
        %dma_wait3A_458 = arith.constant 0 : i32
        %dma_wait3A_459 = arith.constant 1 : i32
        %dma_wait3A_460 = arith.constant 1 : i32
        %dma_wait3A_461 = arith.constant 0 : i32
        %dma_wait3A_462 = tpu.memref_slice %arg8[%dma_wait3A_458, %dma_wait3A_459, %dma_wait3A_460, %dma_wait3A_461] : memref<2x4x3x32xi32, #tpu.memory_space<vmem>> -> memref<1x1x1x32xi32, #tpu.memory_space<vmem>>
        %dma_wait3A_463 = tpu.memref_squeeze %dma_wait3A_462 : memref<1x1x1x32xi32, #tpu.memory_space<vmem>> -> memref<32xi32, #tpu.memory_space<vmem>>
        %dma_wait3A_464 = arith.constant 0 : i32
        %dma_wait3A_465 = arith.constant 0 : i32
        %dma_wait3A_466 = tpu.memref_slice %arg23[%dma_wait3A_464, %dma_wait3A_465] : memref<5248x128xf32, #tpu.memory_space<vmem_shared>> -> memref<5248x128xf32, #tpu.memory_space<vmem_shared>>
        tpu.wait_indirect_dma semaphore(%arg20 : memref<!tpu.dma_semaphore, #tpu.memory_space<semaphore_mem>>) src(%arg10 : memref<32x128xf32, #tpu.memory_space<vmem>>) dst(%dma_wait3A_466 : memref<5248x128xf32, #tpu.memory_space<vmem_shared>>)
        %dma_wait3A_467 = arith.constant 0 : i32
        %dma_wait3A_468 = arith.constant 2 : i32
        %dma_wait3A_469 = arith.constant 1 : i32
        %dma_wait3A_470 = arith.constant 0 : i32
        %dma_wait3A_471 = tpu.memref_slice %arg8[%dma_wait3A_467, %dma_wait3A_468, %dma_wait3A_469, %dma_wait3A_470] : memref<2x4x3x32xi32, #tpu.memory_space<vmem>> -> memref<1x1x1x32xi32, #tpu.memory_space<vmem>>
        %dma_wait3A_472 = tpu.memref_squeeze %dma_wait3A_471 : memref<1x1x1x32xi32, #tpu.memory_space<vmem>> -> memref<32xi32, #tpu.memory_space<vmem>>
        %dma_wait3A_473 = arith.constant 0 : i32
        %dma_wait3A_474 = arith.constant 0 : i32
        %dma_wait3A_475 = tpu.memref_slice %arg23[%dma_wait3A_473, %dma_wait3A_474] : memref<5248x128xf32, #tpu.memory_space<vmem_shared>> -> memref<5248x128xf32, #tpu.memory_space<vmem_shared>>
        tpu.wait_indirect_dma semaphore(%arg21 : memref<!tpu.dma_semaphore, #tpu.memory_space<semaphore_mem>>) src(%arg11 : memref<32x128xf32, #tpu.memory_space<vmem>>) dst(%dma_wait3A_475 : memref<5248x128xf32, #tpu.memory_space<vmem_shared>>)
        %dma_wait3A_476 = arith.constant 0 : i32
        %dma_wait3A_477 = arith.constant 3 : i32
        %dma_wait3A_478 = arith.constant 1 : i32
        %dma_wait3A_479 = arith.constant 0 : i32
        %dma_wait3A_480 = tpu.memref_slice %arg8[%dma_wait3A_476, %dma_wait3A_477, %dma_wait3A_478, %dma_wait3A_479] : memref<2x4x3x32xi32, #tpu.memory_space<vmem>> -> memref<1x1x1x32xi32, #tpu.memory_space<vmem>>
        %dma_wait3A_481 = tpu.memref_squeeze %dma_wait3A_480 : memref<1x1x1x32xi32, #tpu.memory_space<vmem>> -> memref<32xi32, #tpu.memory_space<vmem>>
        %dma_wait3A_482 = arith.constant 0 : i32
        %dma_wait3A_483 = arith.constant 0 : i32
        %dma_wait3A_484 = tpu.memref_slice %arg23[%dma_wait3A_482, %dma_wait3A_483] : memref<5248x128xf32, #tpu.memory_space<vmem_shared>> -> memref<5248x128xf32, #tpu.memory_space<vmem_shared>>
        tpu.wait_indirect_dma semaphore(%arg22 : memref<!tpu.dma_semaphore, #tpu.memory_space<semaphore_mem>>) src(%arg12 : memref<32x128xf32, #tpu.memory_space<vmem>>) dst(%dma_wait3A_484 : memref<5248x128xf32, #tpu.memory_space<vmem_shared>>)
      } else {
      }
      %add3A_406 = arith.constant 1 : i32
      %add3A_407 = arith.addi %add3A_371, %add3A_406 : i32
      %lt3A_408 = arith.constant 80 : i32
      %lt3A_409 = arith.cmpi slt, %add3A_407, %lt3A_408 : i32
      %convert_element_type3A_410 = arith.extui %lt3A_409 : i1 to i32
      %cond3A_411 = arith.constant 0 : i32
      %cond3A_412 = arith.cmpi ne, %convert_element_type3A_410, %cond3A_411 : i32
      scf.if %cond3A_412 {
        %add3A_449 = arith.constant 1 : i32
        %add3A_450 = arith.addi %add3A_371, %add3A_449 : i32
        %mul3A_451 = arith.constant 4 : i32
        %mul3A_452 = arith.muli %add3A_450, %mul3A_451 : i32
        %dma_start3A_453 = arith.constant 0 : i32
        %dma_start3A_454 = arith.constant 0 : i32
        %dma_start3A_455 = arith.constant 0 : i32
        %dma_start3A_456 = arith.constant 0 : i32
        %dma_start3A_457 = tpu.memref_slice %arg8[%dma_start3A_453, %dma_start3A_454, %dma_start3A_455, %dma_start3A_456] : memref<2x4x3x32xi32, #tpu.memory_space<vmem>> -> memref<1x4x3x32xi32, #tpu.memory_space<vmem>>
        %dma_start3A_458 = tpu.memref_squeeze %dma_start3A_457 : memref<1x4x3x32xi32, #tpu.memory_space<vmem>> -> memref<4x3x32xi32, #tpu.memory_space<vmem>>
        %dma_start3A_459 = arith.constant 0 : i32
        %dma_start3A_460 = arith.constant 0 : i32
        %dma_start3A_461 = arith.constant 0 : i32
        %dma_start3A_462 = tpu.memref_slice %arg3[%add3A, %dma_start3A_459, %dma_start3A_460, %dma_start3A_461] : memref<32x320x3x32xi32, #tpu.memory_space<hbm>> -> memref<1x320x3x32xi32, #tpu.memory_space<hbm>>
        %dma_start3A_463 = tpu.memref_squeeze %dma_start3A_462 : memref<1x320x3x32xi32, #tpu.memory_space<hbm>> -> memref<320x3x32xi32, #tpu.memory_space<hbm>>
        %dma_start3A_464 = arith.constant 0 : i32
        %dma_start3A_465 = arith.constant 0 : i32
        %dma_start3A_466 = tpu.memref_slice %dma_start3A_463[%mul3A_452, %dma_start3A_464, %dma_start3A_465] : memref<320x3x32xi32, #tpu.memory_space<hbm>> -> memref<4x3x32xi32, #tpu.memory_space<hbm>>
        %dma_start3A_467 = arith.constant 0 : i32
        %dma_start3A_468 = arith.constant 0 : i32
        %dma_start3A_469 = arith.constant 0 : i32
        %dma_start3A_470 = tpu.memref_slice %arg8[%dma_start3A_453, %dma_start3A_467, %dma_start3A_468, %dma_start3A_469] : memref<2x4x3x32xi32, #tpu.memory_space<vmem>> -> memref<1x4x3x32xi32, #tpu.memory_space<vmem>>
        %dma_start3A_471 = tpu.memref_squeeze %dma_start3A_470 : memref<1x4x3x32xi32, #tpu.memory_space<vmem>> -> memref<4x3x32xi32, #tpu.memory_space<vmem>>
        %dma_start3A_472 = arith.constant 0 : i32
        %dma_start3A_473 = arith.constant 0 : i32
        %dma_start3A_474 = arith.constant 0 : i32
        %dma_start3A_475 = tpu.memref_slice %arg3[%add3A, %dma_start3A_472, %dma_start3A_473, %dma_start3A_474] : memref<32x320x3x32xi32, #tpu.memory_space<hbm>> -> memref<1x320x3x32xi32, #tpu.memory_space<hbm>>
        %dma_start3A_476 = tpu.memref_squeeze %dma_start3A_475 : memref<1x320x3x32xi32, #tpu.memory_space<hbm>> -> memref<320x3x32xi32, #tpu.memory_space<hbm>>
        %dma_start3A_477 = arith.constant 0 : i32
        %dma_start3A_478 = arith.constant 0 : i32
        %dma_start3A_479 = tpu.memref_slice %dma_start3A_476[%mul3A_452, %dma_start3A_477, %dma_start3A_478] : memref<320x3x32xi32, #tpu.memory_space<hbm>> -> memref<4x3x32xi32, #tpu.memory_space<hbm>>
        tpu.enqueue_dma source(%dma_start3A_479 : memref<4x3x32xi32, #tpu.memory_space<hbm>>) target(%dma_start3A_471 : memref<4x3x32xi32, #tpu.memory_space<vmem>>) target_semaphore(%arg13 : memref<!tpu.dma_semaphore, #tpu.memory_space<semaphore_mem>>)
      } else {
      }
      %dma_start3A_413 = arith.constant 1 : i32
      %dma_start3A_414 = arith.constant 0 : i32
      %dma_start3A_415 = arith.constant 1 : i32
      %dma_start3A_416 = arith.constant 0 : i32
      %dma_start3A_417 = tpu.memref_slice %arg8[%dma_start3A_413, %dma_start3A_414, %dma_start3A_415, %dma_start3A_416] : memref<2x4x3x32xi32, #tpu.memory_space<vmem>> -> memref<1x1x1x32xi32, #tpu.memory_space<vmem>>
      %dma_start3A_418 = tpu.memref_squeeze %dma_start3A_417 : memref<1x1x1x32xi32, #tpu.memory_space<vmem>> -> memref<32xi32, #tpu.memory_space<vmem>>
      %dma_start3A_419 = arith.constant 0 : i32
      %dma_start3A_420 = arith.constant 0 : i32
      %dma_start3A_421 = tpu.memref_slice %arg23[%dma_start3A_419, %dma_start3A_420] : memref<5248x128xf32, #tpu.memory_space<vmem_shared>> -> memref<5248x128xf32, #tpu.memory_space<vmem_shared>>
      tpu.enqueue_indirect_dma source(%arg9 : memref<32x128xf32, #tpu.memory_space<vmem>>) target(%dma_start3A_421 : memref<5248x128xf32, #tpu.memory_space<vmem_shared>>) offsets(%dma_start3A_418 : memref<32xi32, #tpu.memory_space<vmem>>) semaphore(%arg19 : memref<!tpu.dma_semaphore, #tpu.memory_space<semaphore_mem>>) {add = true}
      %dma_start3A_422 = arith.constant 1 : i32
      %dma_start3A_423 = arith.constant 1 : i32
      %dma_start3A_424 = arith.constant 1 : i32
      %dma_start3A_425 = arith.constant 0 : i32
      %dma_start3A_426 = tpu.memref_slice %arg8[%dma_start3A_422, %dma_start3A_423, %dma_start3A_424, %dma_start3A_425] : memref<2x4x3x32xi32, #tpu.memory_space<vmem>> -> memref<1x1x1x32xi32, #tpu.memory_space<vmem>>
      %dma_start3A_427 = tpu.memref_squeeze %dma_start3A_426 : memref<1x1x1x32xi32, #tpu.memory_space<vmem>> -> memref<32xi32, #tpu.memory_space<vmem>>
      %dma_start3A_428 = arith.constant 0 : i32
      %dma_start3A_429 = arith.constant 0 : i32
      %dma_start3A_430 = tpu.memref_slice %arg23[%dma_start3A_428, %dma_start3A_429] : memref<5248x128xf32, #tpu.memory_space<vmem_shared>> -> memref<5248x128xf32, #tpu.memory_space<vmem_shared>>
      tpu.enqueue_indirect_dma source(%arg9 : memref<32x128xf32, #tpu.memory_space<vmem>>) target(%dma_start3A_430 : memref<5248x128xf32, #tpu.memory_space<vmem_shared>>) offsets(%dma_start3A_427 : memref<32xi32, #tpu.memory_space<vmem>>) semaphore(%arg20 : memref<!tpu.dma_semaphore, #tpu.memory_space<semaphore_mem>>) {add = true}
      %dma_start3A_431 = arith.constant 1 : i32
      %dma_start3A_432 = arith.constant 2 : i32
      %dma_start3A_433 = arith.constant 1 : i32
      %dma_start3A_434 = arith.constant 0 : i32
      %dma_start3A_435 = tpu.memref_slice %arg8[%dma_start3A_431, %dma_start3A_432, %dma_start3A_433, %dma_start3A_434] : memref<2x4x3x32xi32, #tpu.memory_space<vmem>> -> memref<1x1x1x32xi32, #tpu.memory_space<vmem>>
      %dma_start3A_436 = tpu.memref_squeeze %dma_start3A_435 : memref<1x1x1x32xi32, #tpu.memory_space<vmem>> -> memref<32xi32, #tpu.memory_space<vmem>>
      %dma_start3A_437 = arith.constant 0 : i32
      %dma_start3A_438 = arith.constant 0 : i32
      %dma_start3A_439 = tpu.memref_slice %arg23[%dma_start3A_437, %dma_start3A_438] : memref<5248x128xf32, #tpu.memory_space<vmem_shared>> -> memref<5248x128xf32, #tpu.memory_space<vmem_shared>>
      tpu.enqueue_indirect_dma source(%arg9 : memref<32x128xf32, #tpu.memory_space<vmem>>) target(%dma_start3A_439 : memref<5248x128xf32, #tpu.memory_space<vmem_shared>>) offsets(%dma_start3A_436 : memref<32xi32, #tpu.memory_space<vmem>>) semaphore(%arg21 : memref<!tpu.dma_semaphore, #tpu.memory_space<semaphore_mem>>) {add = true}
      %dma_start3A_440 = arith.constant 1 : i32
      %dma_start3A_441 = arith.constant 3 : i32
      %dma_start3A_442 = arith.constant 1 : i32
      %dma_start3A_443 = arith.constant 0 : i32
      %dma_start3A_444 = tpu.memref_slice %arg8[%dma_start3A_440, %dma_start3A_441, %dma_start3A_442, %dma_start3A_443] : memref<2x4x3x32xi32, #tpu.memory_space<vmem>> -> memref<1x1x1x32xi32, #tpu.memory_space<vmem>>
      %dma_start3A_445 = tpu.memref_squeeze %dma_start3A_444 : memref<1x1x1x32xi32, #tpu.memory_space<vmem>> -> memref<32xi32, #tpu.memory_space<vmem>>
      %dma_start3A_446 = arith.constant 0 : i32
      %dma_start3A_447 = arith.constant 0 : i32
      %dma_start3A_448 = tpu.memref_slice %arg23[%dma_start3A_446, %dma_start3A_447] : memref<5248x128xf32, #tpu.memory_space<vmem_shared>> -> memref<5248x128xf32, #tpu.memory_space<vmem_shared>>
      tpu.enqueue_indirect_dma source(%arg9 : memref<32x128xf32, #tpu.memory_space<vmem>>) target(%dma_start3A_448 : memref<5248x128xf32, #tpu.memory_space<vmem_shared>>) offsets(%dma_start3A_445 : memref<32xi32, #tpu.memory_space<vmem>>) semaphore(%arg22 : memref<!tpu.dma_semaphore, #tpu.memory_space<semaphore_mem>>) {add = true}
    }
    %scan3A_178 = arith.constant 40 : i32
    %dma_wait3A_179 = arith.constant 0 : i32
    %dma_wait3A_180 = arith.constant 0 : i32
    %dma_wait3A_181 = arith.constant 1 : i32
    %dma_wait3A_182 = arith.constant 0 : i32
    %dma_wait3A_183 = tpu.memref_slice %arg8[%dma_wait3A_179, %dma_wait3A_180, %dma_wait3A_181, %dma_wait3A_182] : memref<2x4x3x32xi32, #tpu.memory_space<vmem>> -> memref<1x1x1x32xi32, #tpu.memory_space<vmem>>
    %dma_wait3A_184 = tpu.memref_squeeze %dma_wait3A_183 : memref<1x1x1x32xi32, #tpu.memory_space<vmem>> -> memref<32xi32, #tpu.memory_space<vmem>>
    %dma_wait3A_185 = arith.constant 0 : i32
    %dma_wait3A_186 = arith.constant 0 : i32
    %dma_wait3A_187 = tpu.memref_slice %arg23[%dma_wait3A_185, %dma_wait3A_186] : memref<5248x128xf32, #tpu.memory_space<vmem_shared>> -> memref<5248x128xf32, #tpu.memory_space<vmem_shared>>
    tpu.wait_indirect_dma semaphore(%arg19 : memref<!tpu.dma_semaphore, #tpu.memory_space<semaphore_mem>>) src(%arg9 : memref<32x128xf32, #tpu.memory_space<vmem>>) dst(%dma_wait3A_187 : memref<5248x128xf32, #tpu.memory_space<vmem_shared>>)
    %dma_wait3A_188 = arith.constant 0 : i32
    %dma_wait3A_189 = arith.constant 1 : i32
    %dma_wait3A_190 = arith.constant 1 : i32
    %dma_wait3A_191 = arith.constant 0 : i32
    %dma_wait3A_192 = tpu.memref_slice %arg8[%dma_wait3A_188, %dma_wait3A_189, %dma_wait3A_190, %dma_wait3A_191] : memref<2x4x3x32xi32, #tpu.memory_space<vmem>> -> memref<1x1x1x32xi32, #tpu.memory_space<vmem>>
    %dma_wait3A_193 = tpu.memref_squeeze %dma_wait3A_192 : memref<1x1x1x32xi32, #tpu.memory_space<vmem>> -> memref<32xi32, #tpu.memory_space<vmem>>
    %dma_wait3A_194 = arith.constant 0 : i32
    %dma_wait3A_195 = arith.constant 0 : i32
    %dma_wait3A_196 = tpu.memref_slice %arg23[%dma_wait3A_194, %dma_wait3A_195] : memref<5248x128xf32, #tpu.memory_space<vmem_shared>> -> memref<5248x128xf32, #tpu.memory_space<vmem_shared>>
    tpu.wait_indirect_dma semaphore(%arg20 : memref<!tpu.dma_semaphore, #tpu.memory_space<semaphore_mem>>) src(%arg10 : memref<32x128xf32, #tpu.memory_space<vmem>>) dst(%dma_wait3A_196 : memref<5248x128xf32, #tpu.memory_space<vmem_shared>>)
    %dma_wait3A_197 = arith.constant 0 : i32
    %dma_wait3A_198 = arith.constant 2 : i32
    %dma_wait3A_199 = arith.constant 1 : i32
    %dma_wait3A_200 = arith.constant 0 : i32
    %dma_wait3A_201 = tpu.memref_slice %arg8[%dma_wait3A_197, %dma_wait3A_198, %dma_wait3A_199, %dma_wait3A_200] : memref<2x4x3x32xi32, #tpu.memory_space<vmem>> -> memref<1x1x1x32xi32, #tpu.memory_space<vmem>>
    %dma_wait3A_202 = tpu.memref_squeeze %dma_wait3A_201 : memref<1x1x1x32xi32, #tpu.memory_space<vmem>> -> memref<32xi32, #tpu.memory_space<vmem>>
    %dma_wait3A_203 = arith.constant 0 : i32
    %dma_wait3A_204 = arith.constant 0 : i32
    %dma_wait3A_205 = tpu.memref_slice %arg23[%dma_wait3A_203, %dma_wait3A_204] : memref<5248x128xf32, #tpu.memory_space<vmem_shared>> -> memref<5248x128xf32, #tpu.memory_space<vmem_shared>>
    tpu.wait_indirect_dma semaphore(%arg21 : memref<!tpu.dma_semaphore, #tpu.memory_space<semaphore_mem>>) src(%arg11 : memref<32x128xf32, #tpu.memory_space<vmem>>) dst(%dma_wait3A_205 : memref<5248x128xf32, #tpu.memory_space<vmem_shared>>)
    %dma_wait3A_206 = arith.constant 0 : i32
    %dma_wait3A_207 = arith.constant 3 : i32
    %dma_wait3A_208 = arith.constant 1 : i32
    %dma_wait3A_209 = arith.constant 0 : i32
    %dma_wait3A_210 = tpu.memref_slice %arg8[%dma_wait3A_206, %dma_wait3A_207, %dma_wait3A_208, %dma_wait3A_209] : memref<2x4x3x32xi32, #tpu.memory_space<vmem>> -> memref<1x1x1x32xi32, #tpu.memory_space<vmem>>
    %dma_wait3A_211 = tpu.memref_squeeze %dma_wait3A_210 : memref<1x1x1x32xi32, #tpu.memory_space<vmem>> -> memref<32xi32, #tpu.memory_space<vmem>>
    %dma_wait3A_212 = arith.constant 0 : i32
    %dma_wait3A_213 = arith.constant 0 : i32
    %dma_wait3A_214 = tpu.memref_slice %arg23[%dma_wait3A_212, %dma_wait3A_213] : memref<5248x128xf32, #tpu.memory_space<vmem_shared>> -> memref<5248x128xf32, #tpu.memory_space<vmem_shared>>
    tpu.wait_indirect_dma semaphore(%arg22 : memref<!tpu.dma_semaphore, #tpu.memory_space<semaphore_mem>>) src(%arg12 : memref<32x128xf32, #tpu.memory_space<vmem>>) dst(%dma_wait3A_214 : memref<5248x128xf32, #tpu.memory_space<vmem_shared>>)
    %barrier3A_215 = arith.constant 0 : index
    tpu.barrier barrier_id(%barrier3A_215)
    %run_scoped3A_216 = arith.constant 0 : i32
    "tpu.region"() ({
      %run_scoped3A_290 = tpu.sem_alloc : memref<!tpu.dma_semaphore, #tpu.memory_space<semaphore_mem>>
      %dma_start3A_291 = arith.constant 0 : i32
      %dma_start3A_292 = arith.constant 0 : i32
      %dma_start3A_293 = tpu.memref_slice %arg7[%arg0, %run_scoped3A_216, %dma_start3A_291, %dma_start3A_292] : memref<2x2x5248x128xf32, #tpu.memory_space<hbm>> -> memref<1x1x5248x128xf32, #tpu.memory_space<hbm>>
      %dma_start3A_294 = tpu.memref_squeeze %dma_start3A_293 : memref<1x1x5248x128xf32, #tpu.memory_space<hbm>> -> memref<5248x128xf32, #tpu.memory_space<hbm>>
      %dma_start3A_295 = arith.constant 0 : i32
      %dma_start3A_296 = tpu.memref_slice %dma_start3A_294[%mul3A_2, %dma_start3A_295] : memref<5248x128xf32, #tpu.memory_space<hbm>> -> memref<328x128xf32, #tpu.memory_space<hbm>>
      %dma_start3A_297 = arith.constant 0 : i32
      %dma_start3A_298 = tpu.memref_slice %arg23[%mul3A_2, %dma_start3A_297] : memref<5248x128xf32, #tpu.memory_space<vmem_shared>> -> memref<328x128xf32, #tpu.memory_space<vmem_shared>>
      tpu.enqueue_dma source(%dma_start3A_298 : memref<328x128xf32, #tpu.memory_space<vmem_shared>>) target(%dma_start3A_296 : memref<328x128xf32, #tpu.memory_space<hbm>>) target_semaphore(%run_scoped3A_290 : memref<!tpu.dma_semaphore, #tpu.memory_space<semaphore_mem>>)
      %dma_wait3A_299 = arith.constant 0 : i32
      %dma_wait3A_300 = arith.constant 0 : i32
      %dma_wait3A_301 = tpu.memref_slice %arg7[%arg0, %run_scoped3A_216, %dma_wait3A_299, %dma_wait3A_300] : memref<2x2x5248x128xf32, #tpu.memory_space<hbm>> -> memref<1x1x5248x128xf32, #tpu.memory_space<hbm>>
      %dma_wait3A_302 = tpu.memref_squeeze %dma_wait3A_301 : memref<1x1x5248x128xf32, #tpu.memory_space<hbm>> -> memref<5248x128xf32, #tpu.memory_space<hbm>>
      %dma_wait3A_303 = arith.constant 0 : i32
      %dma_wait3A_304 = tpu.memref_slice %dma_wait3A_302[%mul3A_2, %dma_wait3A_303] : memref<5248x128xf32, #tpu.memory_space<hbm>> -> memref<328x128xf32, #tpu.memory_space<hbm>>
      %dma_wait3A_305 = arith.constant 0 : i32
      %dma_wait3A_306 = tpu.memref_slice %arg23[%mul3A_2, %dma_wait3A_305] : memref<5248x128xf32, #tpu.memory_space<vmem_shared>> -> memref<328x128xf32, #tpu.memory_space<vmem_shared>>
      tpu.wait_dma2 semaphore(%run_scoped3A_290 : memref<!tpu.dma_semaphore, #tpu.memory_space<semaphore_mem>>) src(%dma_wait3A_306 : memref<328x128xf32, #tpu.memory_space<vmem_shared>>) dst(%dma_wait3A_304 : memref<328x128xf32, #tpu.memory_space<hbm>>)
      tpu.yield
    }) : () -> ()
    "tpu.region"() ({
      %run_scoped3A_290 = tpu.sem_alloc : memref<!tpu.dma_semaphore, #tpu.memory_space<semaphore_mem>>
      %dma_start3A_291 = arith.constant 0 : i32
      %dma_start3A_292 = tpu.memref_slice %arg23[%mul3A_2, %dma_start3A_291] : memref<5248x128xf32, #tpu.memory_space<vmem_shared>> -> memref<328x128xf32, #tpu.memory_space<vmem_shared>>
      tpu.enqueue_dma source(%arg4 : memref<328x128xf32, #tpu.memory_space<hbm>>) target(%dma_start3A_292 : memref<328x128xf32, #tpu.memory_space<vmem_shared>>) target_semaphore(%run_scoped3A_290 : memref<!tpu.dma_semaphore, #tpu.memory_space<semaphore_mem>>)
      %dma_wait3A_293 = arith.constant 0 : i32
      %dma_wait3A_294 = tpu.memref_slice %arg23[%mul3A_2, %dma_wait3A_293] : memref<5248x128xf32, #tpu.memory_space<vmem_shared>> -> memref<328x128xf32, #tpu.memory_space<vmem_shared>>
      tpu.wait_dma2 semaphore(%run_scoped3A_290 : memref<!tpu.dma_semaphore, #tpu.memory_space<semaphore_mem>>) src(%arg4 : memref<328x128xf32, #tpu.memory_space<hbm>>) dst(%dma_wait3A_294 : memref<328x128xf32, #tpu.memory_space<vmem_shared>>)
      tpu.yield
    }) : () -> ()
    %barrier3A_217 = arith.constant 0 : index
    tpu.barrier barrier_id(%barrier3A_217)
    %dma_start3A_218 = arith.constant 0 : i32
    %dma_start3A_219 = arith.constant 0 : i32
    %dma_start3A_220 = arith.constant 0 : i32
    %dma_start3A_221 = arith.constant 0 : i32
    %dma_start3A_222 = tpu.memref_slice %arg8[%dma_start3A_218, %dma_start3A_219, %dma_start3A_220, %dma_start3A_221] : memref<2x4x3x32xi32, #tpu.memory_space<vmem>> -> memref<1x4x3x32xi32, #tpu.memory_space<vmem>>
    %dma_start3A_223 = tpu.memref_squeeze %dma_start3A_222 : memref<1x4x3x32xi32, #tpu.memory_space<vmem>> -> memref<4x3x32xi32, #tpu.memory_space<vmem>>
    %dma_start3A_224 = arith.constant 0 : i32
    %dma_start3A_225 = arith.constant 0 : i32
    %dma_start3A_226 = arith.constant 0 : i32
    %dma_start3A_227 = tpu.memref_slice %arg3[%add3A, %dma_start3A_224, %dma_start3A_225, %dma_start3A_226] : memref<32x320x3x32xi32, #tpu.memory_space<hbm>> -> memref<1x320x3x32xi32, #tpu.memory_space<hbm>>
    %dma_start3A_228 = tpu.memref_squeeze %dma_start3A_227 : memref<1x320x3x32xi32, #tpu.memory_space<hbm>> -> memref<320x3x32xi32, #tpu.memory_space<hbm>>
    %dma_start3A_229 = arith.constant 0 : i32
    %dma_start3A_230 = arith.constant 0 : i32
    %dma_start3A_231 = arith.constant 0 : i32
    %dma_start3A_232 = tpu.memref_slice %dma_start3A_228[%dma_start3A_229, %dma_start3A_230, %dma_start3A_231] : memref<320x3x32xi32, #tpu.memory_space<hbm>> -> memref<4x3x32xi32, #tpu.memory_space<hbm>>
    %dma_start3A_233 = arith.constant 0 : i32
    %dma_start3A_234 = arith.constant 0 : i32
    %dma_start3A_235 = arith.constant 0 : i32
    %dma_start3A_236 = tpu.memref_slice %arg8[%dma_start3A_218, %dma_start3A_233, %dma_start3A_234, %dma_start3A_235] : memref<2x4x3x32xi32, #tpu.memory_space<vmem>> -> memref<1x4x3x32xi32, #tpu.memory_space<vmem>>
    %dma_start3A_237 = tpu.memref_squeeze %dma_start3A_236 : memref<1x4x3x32xi32, #tpu.memory_space<vmem>> -> memref<4x3x32xi32, #tpu.memory_space<vmem>>
    %dma_start3A_238 = arith.constant 0 : i32
    %dma_start3A_239 = arith.constant 0 : i32
    %dma_start3A_240 = arith.constant 0 : i32
    %dma_start3A_241 = tpu.memref_slice %arg3[%add3A, %dma_start3A_238, %dma_start3A_239, %dma_start3A_240] : memref<32x320x3x32xi32, #tpu.memory_space<hbm>> -> memref<1x320x3x32xi32, #tpu.memory_space<hbm>>
    %dma_start3A_242 = tpu.memref_squeeze %dma_start3A_241 : memref<1x320x3x32xi32, #tpu.memory_space<hbm>> -> memref<320x3x32xi32, #tpu.memory_space<hbm>>
    %dma_start3A_243 = arith.constant 0 : i32
    %dma_start3A_244 = arith.constant 0 : i32
    %dma_start3A_245 = arith.constant 0 : i32
    %dma_start3A_246 = tpu.memref_slice %dma_start3A_242[%dma_start3A_243, %dma_start3A_244, %dma_start3A_245] : memref<320x3x32xi32, #tpu.memory_space<hbm>> -> memref<4x3x32xi32, #tpu.memory_space<hbm>>
    tpu.enqueue_dma source(%dma_start3A_246 : memref<4x3x32xi32, #tpu.memory_space<hbm>>) target(%dma_start3A_237 : memref<4x3x32xi32, #tpu.memory_space<vmem>>) target_semaphore(%arg13 : memref<!tpu.dma_semaphore, #tpu.memory_space<semaphore_mem>>)
    %scan3A_247 = arith.constant 0 : i32
    %scan3A_248 = arith.constant 40 : i32
    %scan3A_249 = arith.addi %scan3A_247, %scan3A_248 : i32
    %scan3A_250 = arith.constant 1 : i32
    scf.for %scan3A_290 = %scan3A_247 to %scan3A_249 step %scan3A_250  : i32 {
      %mul3A_291 = arith.constant 2 : i32
      %mul3A_292 = arith.muli %scan3A_290, %mul3A_291 : i32
      %add3A_293 = arith.constant 0 : i32
      %add3A_294 = arith.addi %add3A_293, %mul3A_292 : i32
      %add3A_295 = arith.constant 0 : i32
      %add3A_296 = arith.addi %add3A_294, %add3A_295 : i32
      %mul3A_297 = arith.constant 4 : i32
      %mul3A_298 = arith.muli %add3A_296, %mul3A_297 : i32
      %dma_wait3A_299 = arith.constant 0 : i32
      %dma_wait3A_300 = arith.constant 0 : i32
      %dma_wait3A_301 = arith.constant 0 : i32
      %dma_wait3A_302 = arith.constant 0 : i32
      %dma_wait3A_303 = tpu.memref_slice %arg8[%dma_wait3A_299, %dma_wait3A_300, %dma_wait3A_301, %dma_wait3A_302] : memref<2x4x3x32xi32, #tpu.memory_space<vmem>> -> memref<1x4x3x32xi32, #tpu.memory_space<vmem>>
      %dma_wait3A_304 = tpu.memref_squeeze %dma_wait3A_303 : memref<1x4x3x32xi32, #tpu.memory_space<vmem>> -> memref<4x3x32xi32, #tpu.memory_space<vmem>>
      %dma_wait3A_305 = arith.constant 0 : i32
      %dma_wait3A_306 = arith.constant 0 : i32
      %dma_wait3A_307 = arith.constant 0 : i32
      %dma_wait3A_308 = tpu.memref_slice %arg3[%add3A, %dma_wait3A_305, %dma_wait3A_306, %dma_wait3A_307] : memref<32x320x3x32xi32, #tpu.memory_space<hbm>> -> memref<1x320x3x32xi32, #tpu.memory_space<hbm>>
      %dma_wait3A_309 = tpu.memref_squeeze %dma_wait3A_308 : memref<1x320x3x32xi32, #tpu.memory_space<hbm>> -> memref<320x3x32xi32, #tpu.memory_space<hbm>>
      %dma_wait3A_310 = arith.constant 0 : i32
      %dma_wait3A_311 = arith.constant 0 : i32
      %dma_wait3A_312 = tpu.memref_slice %dma_wait3A_309[%mul3A_298, %dma_wait3A_310, %dma_wait3A_311] : memref<320x3x32xi32, #tpu.memory_space<hbm>> -> memref<4x3x32xi32, #tpu.memory_space<hbm>>
      %dma_wait3A_313 = arith.constant 0 : i32
      %dma_wait3A_314 = arith.constant 0 : i32
      %dma_wait3A_315 = arith.constant 0 : i32
      %dma_wait3A_316 = tpu.memref_slice %arg8[%dma_wait3A_299, %dma_wait3A_313, %dma_wait3A_314, %dma_wait3A_315] : memref<2x4x3x32xi32, #tpu.memory_space<vmem>> -> memref<1x4x3x32xi32, #tpu.memory_space<vmem>>
      %dma_wait3A_317 = tpu.memref_squeeze %dma_wait3A_316 : memref<1x4x3x32xi32, #tpu.memory_space<vmem>> -> memref<4x3x32xi32, #tpu.memory_space<vmem>>
      %dma_wait3A_318 = arith.constant 0 : i32
      %dma_wait3A_319 = arith.constant 0 : i32
      %dma_wait3A_320 = arith.constant 0 : i32
      %dma_wait3A_321 = tpu.memref_slice %arg3[%add3A, %dma_wait3A_318, %dma_wait3A_319, %dma_wait3A_320] : memref<32x320x3x32xi32, #tpu.memory_space<hbm>> -> memref<1x320x3x32xi32, #tpu.memory_space<hbm>>
      %dma_wait3A_322 = tpu.memref_squeeze %dma_wait3A_321 : memref<1x320x3x32xi32, #tpu.memory_space<hbm>> -> memref<320x3x32xi32, #tpu.memory_space<hbm>>
      %dma_wait3A_323 = arith.constant 0 : i32
      %dma_wait3A_324 = arith.constant 0 : i32
      %dma_wait3A_325 = tpu.memref_slice %dma_wait3A_322[%mul3A_298, %dma_wait3A_323, %dma_wait3A_324] : memref<320x3x32xi32, #tpu.memory_space<hbm>> -> memref<4x3x32xi32, #tpu.memory_space<hbm>>
      tpu.wait_dma2 semaphore(%arg13 : memref<!tpu.dma_semaphore, #tpu.memory_space<semaphore_mem>>) src(%dma_wait3A_325 : memref<4x3x32xi32, #tpu.memory_space<hbm>>) dst(%dma_wait3A_317 : memref<4x3x32xi32, #tpu.memory_space<vmem>>)
      %gt3A = arith.constant 0 : i32
      %gt3A_326 = arith.cmpi sgt, %add3A_296, %gt3A : i32
      %convert_element_type3A = arith.extui %gt3A_326 : i1 to i32
      %cond3A = arith.constant 0 : i32
      %cond3A_327 = arith.cmpi ne, %convert_element_type3A, %cond3A : i32
      scf.if %cond3A_327 {
        %dma_wait3A_449 = arith.constant 0 : i32
        %dma_wait3A_450 = arith.constant 0 : i32
        %dma_wait3A_451 = arith.constant 1 : i32
        %dma_wait3A_452 = arith.constant 0 : i32
        %dma_wait3A_453 = tpu.memref_slice %arg8[%dma_wait3A_449, %dma_wait3A_450, %dma_wait3A_451, %dma_wait3A_452] : memref<2x4x3x32xi32, #tpu.memory_space<vmem>> -> memref<1x1x1x32xi32, #tpu.memory_space<vmem>>
        %dma_wait3A_454 = tpu.memref_squeeze %dma_wait3A_453 : memref<1x1x1x32xi32, #tpu.memory_space<vmem>> -> memref<32xi32, #tpu.memory_space<vmem>>
        %dma_wait3A_455 = arith.constant 0 : i32
        %dma_wait3A_456 = arith.constant 0 : i32
        %dma_wait3A_457 = tpu.memref_slice %arg23[%dma_wait3A_455, %dma_wait3A_456] : memref<5248x128xf32, #tpu.memory_space<vmem_shared>> -> memref<5248x128xf32, #tpu.memory_space<vmem_shared>>
        tpu.wait_indirect_dma semaphore(%arg19 : memref<!tpu.dma_semaphore, #tpu.memory_space<semaphore_mem>>) src(%arg9 : memref<32x128xf32, #tpu.memory_space<vmem>>) dst(%dma_wait3A_457 : memref<5248x128xf32, #tpu.memory_space<vmem_shared>>)
        %dma_wait3A_458 = arith.constant 0 : i32
        %dma_wait3A_459 = arith.constant 1 : i32
        %dma_wait3A_460 = arith.constant 1 : i32
        %dma_wait3A_461 = arith.constant 0 : i32
        %dma_wait3A_462 = tpu.memref_slice %arg8[%dma_wait3A_458, %dma_wait3A_459, %dma_wait3A_460, %dma_wait3A_461] : memref<2x4x3x32xi32, #tpu.memory_space<vmem>> -> memref<1x1x1x32xi32, #tpu.memory_space<vmem>>
        %dma_wait3A_463 = tpu.memref_squeeze %dma_wait3A_462 : memref<1x1x1x32xi32, #tpu.memory_space<vmem>> -> memref<32xi32, #tpu.memory_space<vmem>>
        %dma_wait3A_464 = arith.constant 0 : i32
        %dma_wait3A_465 = arith.constant 0 : i32
        %dma_wait3A_466 = tpu.memref_slice %arg23[%dma_wait3A_464, %dma_wait3A_465] : memref<5248x128xf32, #tpu.memory_space<vmem_shared>> -> memref<5248x128xf32, #tpu.memory_space<vmem_shared>>
        tpu.wait_indirect_dma semaphore(%arg20 : memref<!tpu.dma_semaphore, #tpu.memory_space<semaphore_mem>>) src(%arg10 : memref<32x128xf32, #tpu.memory_space<vmem>>) dst(%dma_wait3A_466 : memref<5248x128xf32, #tpu.memory_space<vmem_shared>>)
        %dma_wait3A_467 = arith.constant 0 : i32
        %dma_wait3A_468 = arith.constant 2 : i32
        %dma_wait3A_469 = arith.constant 1 : i32
        %dma_wait3A_470 = arith.constant 0 : i32
        %dma_wait3A_471 = tpu.memref_slice %arg8[%dma_wait3A_467, %dma_wait3A_468, %dma_wait3A_469, %dma_wait3A_470] : memref<2x4x3x32xi32, #tpu.memory_space<vmem>> -> memref<1x1x1x32xi32, #tpu.memory_space<vmem>>
        %dma_wait3A_472 = tpu.memref_squeeze %dma_wait3A_471 : memref<1x1x1x32xi32, #tpu.memory_space<vmem>> -> memref<32xi32, #tpu.memory_space<vmem>>
        %dma_wait3A_473 = arith.constant 0 : i32
        %dma_wait3A_474 = arith.constant 0 : i32
        %dma_wait3A_475 = tpu.memref_slice %arg23[%dma_wait3A_473, %dma_wait3A_474] : memref<5248x128xf32, #tpu.memory_space<vmem_shared>> -> memref<5248x128xf32, #tpu.memory_space<vmem_shared>>
        tpu.wait_indirect_dma semaphore(%arg21 : memref<!tpu.dma_semaphore, #tpu.memory_space<semaphore_mem>>) src(%arg11 : memref<32x128xf32, #tpu.memory_space<vmem>>) dst(%dma_wait3A_475 : memref<5248x128xf32, #tpu.memory_space<vmem_shared>>)
        %dma_wait3A_476 = arith.constant 0 : i32
        %dma_wait3A_477 = arith.constant 3 : i32
        %dma_wait3A_478 = arith.constant 1 : i32
        %dma_wait3A_479 = arith.constant 0 : i32
        %dma_wait3A_480 = tpu.memref_slice %arg8[%dma_wait3A_476, %dma_wait3A_477, %dma_wait3A_478, %dma_wait3A_479] : memref<2x4x3x32xi32, #tpu.memory_space<vmem>> -> memref<1x1x1x32xi32, #tpu.memory_space<vmem>>
        %dma_wait3A_481 = tpu.memref_squeeze %dma_wait3A_480 : memref<1x1x1x32xi32, #tpu.memory_space<vmem>> -> memref<32xi32, #tpu.memory_space<vmem>>
        %dma_wait3A_482 = arith.constant 0 : i32
        %dma_wait3A_483 = arith.constant 0 : i32
        %dma_wait3A_484 = tpu.memref_slice %arg23[%dma_wait3A_482, %dma_wait3A_483] : memref<5248x128xf32, #tpu.memory_space<vmem_shared>> -> memref<5248x128xf32, #tpu.memory_space<vmem_shared>>
        tpu.wait_indirect_dma semaphore(%arg22 : memref<!tpu.dma_semaphore, #tpu.memory_space<semaphore_mem>>) src(%arg12 : memref<32x128xf32, #tpu.memory_space<vmem>>) dst(%dma_wait3A_484 : memref<5248x128xf32, #tpu.memory_space<vmem_shared>>)
      } else {
      }
      %add3A_328 = arith.constant 1 : i32
      %add3A_329 = arith.addi %add3A_296, %add3A_328 : i32
      %lt3A = arith.constant 80 : i32
      %lt3A_330 = arith.cmpi slt, %add3A_329, %lt3A : i32
      %convert_element_type3A_331 = arith.extui %lt3A_330 : i1 to i32
      %cond3A_332 = arith.constant 0 : i32
      %cond3A_333 = arith.cmpi ne, %convert_element_type3A_331, %cond3A_332 : i32
      scf.if %cond3A_333 {
        %add3A_449 = arith.constant 1 : i32
        %add3A_450 = arith.addi %add3A_296, %add3A_449 : i32
        %mul3A_451 = arith.constant 4 : i32
        %mul3A_452 = arith.muli %add3A_450, %mul3A_451 : i32
        %dma_start3A_453 = arith.constant 1 : i32
        %dma_start3A_454 = arith.constant 0 : i32
        %dma_start3A_455 = arith.constant 0 : i32
        %dma_start3A_456 = arith.constant 0 : i32
        %dma_start3A_457 = tpu.memref_slice %arg8[%dma_start3A_453, %dma_start3A_454, %dma_start3A_455, %dma_start3A_456] : memref<2x4x3x32xi32, #tpu.memory_space<vmem>> -> memref<1x4x3x32xi32, #tpu.memory_space<vmem>>
        %dma_start3A_458 = tpu.memref_squeeze %dma_start3A_457 : memref<1x4x3x32xi32, #tpu.memory_space<vmem>> -> memref<4x3x32xi32, #tpu.memory_space<vmem>>
        %dma_start3A_459 = arith.constant 0 : i32
        %dma_start3A_460 = arith.constant 0 : i32
        %dma_start3A_461 = arith.constant 0 : i32
        %dma_start3A_462 = tpu.memref_slice %arg3[%add3A, %dma_start3A_459, %dma_start3A_460, %dma_start3A_461] : memref<32x320x3x32xi32, #tpu.memory_space<hbm>> -> memref<1x320x3x32xi32, #tpu.memory_space<hbm>>
        %dma_start3A_463 = tpu.memref_squeeze %dma_start3A_462 : memref<1x320x3x32xi32, #tpu.memory_space<hbm>> -> memref<320x3x32xi32, #tpu.memory_space<hbm>>
        %dma_start3A_464 = arith.constant 0 : i32
        %dma_start3A_465 = arith.constant 0 : i32
        %dma_start3A_466 = tpu.memref_slice %dma_start3A_463[%mul3A_452, %dma_start3A_464, %dma_start3A_465] : memref<320x3x32xi32, #tpu.memory_space<hbm>> -> memref<4x3x32xi32, #tpu.memory_space<hbm>>
        %dma_start3A_467 = arith.constant 0 : i32
        %dma_start3A_468 = arith.constant 0 : i32
        %dma_start3A_469 = arith.constant 0 : i32
        %dma_start3A_470 = tpu.memref_slice %arg8[%dma_start3A_453, %dma_start3A_467, %dma_start3A_468, %dma_start3A_469] : memref<2x4x3x32xi32, #tpu.memory_space<vmem>> -> memref<1x4x3x32xi32, #tpu.memory_space<vmem>>
        %dma_start3A_471 = tpu.memref_squeeze %dma_start3A_470 : memref<1x4x3x32xi32, #tpu.memory_space<vmem>> -> memref<4x3x32xi32, #tpu.memory_space<vmem>>
        %dma_start3A_472 = arith.constant 0 : i32
        %dma_start3A_473 = arith.constant 0 : i32
        %dma_start3A_474 = arith.constant 0 : i32
        %dma_start3A_475 = tpu.memref_slice %arg3[%add3A, %dma_start3A_472, %dma_start3A_473, %dma_start3A_474] : memref<32x320x3x32xi32, #tpu.memory_space<hbm>> -> memref<1x320x3x32xi32, #tpu.memory_space<hbm>>
        %dma_start3A_476 = tpu.memref_squeeze %dma_start3A_475 : memref<1x320x3x32xi32, #tpu.memory_space<hbm>> -> memref<320x3x32xi32, #tpu.memory_space<hbm>>
        %dma_start3A_477 = arith.constant 0 : i32
        %dma_start3A_478 = arith.constant 0 : i32
        %dma_start3A_479 = tpu.memref_slice %dma_start3A_476[%mul3A_452, %dma_start3A_477, %dma_start3A_478] : memref<320x3x32xi32, #tpu.memory_space<hbm>> -> memref<4x3x32xi32, #tpu.memory_space<hbm>>
        tpu.enqueue_dma source(%dma_start3A_479 : memref<4x3x32xi32, #tpu.memory_space<hbm>>) target(%dma_start3A_471 : memref<4x3x32xi32, #tpu.memory_space<vmem>>) target_semaphore(%arg14 : memref<!tpu.dma_semaphore, #tpu.memory_space<semaphore_mem>>)
      } else {
      }
      %dma_start3A_334 = arith.constant 0 : i32
      %dma_start3A_335 = arith.constant 0 : i32
      %dma_start3A_336 = arith.constant 2 : i32
      %dma_start3A_337 = arith.constant 0 : i32
      %dma_start3A_338 = tpu.memref_slice %arg8[%dma_start3A_334, %dma_start3A_335, %dma_start3A_336, %dma_start3A_337] : memref<2x4x3x32xi32, #tpu.memory_space<vmem>> -> memref<1x1x1x32xi32, #tpu.memory_space<vmem>>
      %dma_start3A_339 = tpu.memref_squeeze %dma_start3A_338 : memref<1x1x1x32xi32, #tpu.memory_space<vmem>> -> memref<32xi32, #tpu.memory_space<vmem>>
      %dma_start3A_340 = arith.constant 0 : i32
      %dma_start3A_341 = arith.constant 0 : i32
      %dma_start3A_342 = tpu.memref_slice %arg23[%dma_start3A_340, %dma_start3A_341] : memref<5248x128xf32, #tpu.memory_space<vmem_shared>> -> memref<5248x128xf32, #tpu.memory_space<vmem_shared>>
      tpu.enqueue_indirect_dma source(%arg9 : memref<32x128xf32, #tpu.memory_space<vmem>>) target(%dma_start3A_342 : memref<5248x128xf32, #tpu.memory_space<vmem_shared>>) offsets(%dma_start3A_339 : memref<32xi32, #tpu.memory_space<vmem>>) semaphore(%arg19 : memref<!tpu.dma_semaphore, #tpu.memory_space<semaphore_mem>>) {add = true}
      %dma_start3A_343 = arith.constant 0 : i32
      %dma_start3A_344 = arith.constant 1 : i32
      %dma_start3A_345 = arith.constant 2 : i32
      %dma_start3A_346 = arith.constant 0 : i32
      %dma_start3A_347 = tpu.memref_slice %arg8[%dma_start3A_343, %dma_start3A_344, %dma_start3A_345, %dma_start3A_346] : memref<2x4x3x32xi32, #tpu.memory_space<vmem>> -> memref<1x1x1x32xi32, #tpu.memory_space<vmem>>
      %dma_start3A_348 = tpu.memref_squeeze %dma_start3A_347 : memref<1x1x1x32xi32, #tpu.memory_space<vmem>> -> memref<32xi32, #tpu.memory_space<vmem>>
      %dma_start3A_349 = arith.constant 0 : i32
      %dma_start3A_350 = arith.constant 0 : i32
      %dma_start3A_351 = tpu.memref_slice %arg23[%dma_start3A_349, %dma_start3A_350] : memref<5248x128xf32, #tpu.memory_space<vmem_shared>> -> memref<5248x128xf32, #tpu.memory_space<vmem_shared>>
      tpu.enqueue_indirect_dma source(%arg9 : memref<32x128xf32, #tpu.memory_space<vmem>>) target(%dma_start3A_351 : memref<5248x128xf32, #tpu.memory_space<vmem_shared>>) offsets(%dma_start3A_348 : memref<32xi32, #tpu.memory_space<vmem>>) semaphore(%arg20 : memref<!tpu.dma_semaphore, #tpu.memory_space<semaphore_mem>>) {add = true}
      %dma_start3A_352 = arith.constant 0 : i32
      %dma_start3A_353 = arith.constant 2 : i32
      %dma_start3A_354 = arith.constant 2 : i32
      %dma_start3A_355 = arith.constant 0 : i32
      %dma_start3A_356 = tpu.memref_slice %arg8[%dma_start3A_352, %dma_start3A_353, %dma_start3A_354, %dma_start3A_355] : memref<2x4x3x32xi32, #tpu.memory_space<vmem>> -> memref<1x1x1x32xi32, #tpu.memory_space<vmem>>
      %dma_start3A_357 = tpu.memref_squeeze %dma_start3A_356 : memref<1x1x1x32xi32, #tpu.memory_space<vmem>> -> memref<32xi32, #tpu.memory_space<vmem>>
      %dma_start3A_358 = arith.constant 0 : i32
      %dma_start3A_359 = arith.constant 0 : i32
      %dma_start3A_360 = tpu.memref_slice %arg23[%dma_start3A_358, %dma_start3A_359] : memref<5248x128xf32, #tpu.memory_space<vmem_shared>> -> memref<5248x128xf32, #tpu.memory_space<vmem_shared>>
      tpu.enqueue_indirect_dma source(%arg9 : memref<32x128xf32, #tpu.memory_space<vmem>>) target(%dma_start3A_360 : memref<5248x128xf32, #tpu.memory_space<vmem_shared>>) offsets(%dma_start3A_357 : memref<32xi32, #tpu.memory_space<vmem>>) semaphore(%arg21 : memref<!tpu.dma_semaphore, #tpu.memory_space<semaphore_mem>>) {add = true}
      %dma_start3A_361 = arith.constant 0 : i32
      %dma_start3A_362 = arith.constant 3 : i32
      %dma_start3A_363 = arith.constant 2 : i32
      %dma_start3A_364 = arith.constant 0 : i32
      %dma_start3A_365 = tpu.memref_slice %arg8[%dma_start3A_361, %dma_start3A_362, %dma_start3A_363, %dma_start3A_364] : memref<2x4x3x32xi32, #tpu.memory_space<vmem>> -> memref<1x1x1x32xi32, #tpu.memory_space<vmem>>
      %dma_start3A_366 = tpu.memref_squeeze %dma_start3A_365 : memref<1x1x1x32xi32, #tpu.memory_space<vmem>> -> memref<32xi32, #tpu.memory_space<vmem>>
      %dma_start3A_367 = arith.constant 0 : i32
      %dma_start3A_368 = arith.constant 0 : i32
      %dma_start3A_369 = tpu.memref_slice %arg23[%dma_start3A_367, %dma_start3A_368] : memref<5248x128xf32, #tpu.memory_space<vmem_shared>> -> memref<5248x128xf32, #tpu.memory_space<vmem_shared>>
      tpu.enqueue_indirect_dma source(%arg9 : memref<32x128xf32, #tpu.memory_space<vmem>>) target(%dma_start3A_369 : memref<5248x128xf32, #tpu.memory_space<vmem_shared>>) offsets(%dma_start3A_366 : memref<32xi32, #tpu.memory_space<vmem>>) semaphore(%arg22 : memref<!tpu.dma_semaphore, #tpu.memory_space<semaphore_mem>>) {add = true}
      %add3A_370 = arith.constant 1 : i32
      %add3A_371 = arith.addi %add3A_294, %add3A_370 : i32
      %mul3A_372 = arith.constant 4 : i32
      %mul3A_373 = arith.muli %add3A_371, %mul3A_372 : i32
      %dma_wait3A_374 = arith.constant 1 : i32
      %dma_wait3A_375 = arith.constant 0 : i32
      %dma_wait3A_376 = arith.constant 0 : i32
      %dma_wait3A_377 = arith.constant 0 : i32
      %dma_wait3A_378 = tpu.memref_slice %arg8[%dma_wait3A_374, %dma_wait3A_375, %dma_wait3A_376, %dma_wait3A_377] : memref<2x4x3x32xi32, #tpu.memory_space<vmem>> -> memref<1x4x3x32xi32, #tpu.memory_space<vmem>>
      %dma_wait3A_379 = tpu.memref_squeeze %dma_wait3A_378 : memref<1x4x3x32xi32, #tpu.memory_space<vmem>> -> memref<4x3x32xi32, #tpu.memory_space<vmem>>
      %dma_wait3A_380 = arith.constant 0 : i32
      %dma_wait3A_381 = arith.constant 0 : i32
      %dma_wait3A_382 = arith.constant 0 : i32
      %dma_wait3A_383 = tpu.memref_slice %arg3[%add3A, %dma_wait3A_380, %dma_wait3A_381, %dma_wait3A_382] : memref<32x320x3x32xi32, #tpu.memory_space<hbm>> -> memref<1x320x3x32xi32, #tpu.memory_space<hbm>>
      %dma_wait3A_384 = tpu.memref_squeeze %dma_wait3A_383 : memref<1x320x3x32xi32, #tpu.memory_space<hbm>> -> memref<320x3x32xi32, #tpu.memory_space<hbm>>
      %dma_wait3A_385 = arith.constant 0 : i32
      %dma_wait3A_386 = arith.constant 0 : i32
      %dma_wait3A_387 = tpu.memref_slice %dma_wait3A_384[%mul3A_373, %dma_wait3A_385, %dma_wait3A_386] : memref<320x3x32xi32, #tpu.memory_space<hbm>> -> memref<4x3x32xi32, #tpu.memory_space<hbm>>
      %dma_wait3A_388 = arith.constant 0 : i32
      %dma_wait3A_389 = arith.constant 0 : i32
      %dma_wait3A_390 = arith.constant 0 : i32
      %dma_wait3A_391 = tpu.memref_slice %arg8[%dma_wait3A_374, %dma_wait3A_388, %dma_wait3A_389, %dma_wait3A_390] : memref<2x4x3x32xi32, #tpu.memory_space<vmem>> -> memref<1x4x3x32xi32, #tpu.memory_space<vmem>>
      %dma_wait3A_392 = tpu.memref_squeeze %dma_wait3A_391 : memref<1x4x3x32xi32, #tpu.memory_space<vmem>> -> memref<4x3x32xi32, #tpu.memory_space<vmem>>
      %dma_wait3A_393 = arith.constant 0 : i32
      %dma_wait3A_394 = arith.constant 0 : i32
      %dma_wait3A_395 = arith.constant 0 : i32
      %dma_wait3A_396 = tpu.memref_slice %arg3[%add3A, %dma_wait3A_393, %dma_wait3A_394, %dma_wait3A_395] : memref<32x320x3x32xi32, #tpu.memory_space<hbm>> -> memref<1x320x3x32xi32, #tpu.memory_space<hbm>>
      %dma_wait3A_397 = tpu.memref_squeeze %dma_wait3A_396 : memref<1x320x3x32xi32, #tpu.memory_space<hbm>> -> memref<320x3x32xi32, #tpu.memory_space<hbm>>
      %dma_wait3A_398 = arith.constant 0 : i32
      %dma_wait3A_399 = arith.constant 0 : i32
      %dma_wait3A_400 = tpu.memref_slice %dma_wait3A_397[%mul3A_373, %dma_wait3A_398, %dma_wait3A_399] : memref<320x3x32xi32, #tpu.memory_space<hbm>> -> memref<4x3x32xi32, #tpu.memory_space<hbm>>
      tpu.wait_dma2 semaphore(%arg14 : memref<!tpu.dma_semaphore, #tpu.memory_space<semaphore_mem>>) src(%dma_wait3A_400 : memref<4x3x32xi32, #tpu.memory_space<hbm>>) dst(%dma_wait3A_392 : memref<4x3x32xi32, #tpu.memory_space<vmem>>)
      %gt3A_401 = arith.constant 0 : i32
      %gt3A_402 = arith.cmpi sgt, %add3A_371, %gt3A_401 : i32
      %convert_element_type3A_403 = arith.extui %gt3A_402 : i1 to i32
      %cond3A_404 = arith.constant 0 : i32
      %cond3A_405 = arith.cmpi ne, %convert_element_type3A_403, %cond3A_404 : i32
      scf.if %cond3A_405 {
        %dma_wait3A_449 = arith.constant 0 : i32
        %dma_wait3A_450 = arith.constant 0 : i32
        %dma_wait3A_451 = arith.constant 1 : i32
        %dma_wait3A_452 = arith.constant 0 : i32
        %dma_wait3A_453 = tpu.memref_slice %arg8[%dma_wait3A_449, %dma_wait3A_450, %dma_wait3A_451, %dma_wait3A_452] : memref<2x4x3x32xi32, #tpu.memory_space<vmem>> -> memref<1x1x1x32xi32, #tpu.memory_space<vmem>>
        %dma_wait3A_454 = tpu.memref_squeeze %dma_wait3A_453 : memref<1x1x1x32xi32, #tpu.memory_space<vmem>> -> memref<32xi32, #tpu.memory_space<vmem>>
        %dma_wait3A_455 = arith.constant 0 : i32
        %dma_wait3A_456 = arith.constant 0 : i32
        %dma_wait3A_457 = tpu.memref_slice %arg23[%dma_wait3A_455, %dma_wait3A_456] : memref<5248x128xf32, #tpu.memory_space<vmem_shared>> -> memref<5248x128xf32, #tpu.memory_space<vmem_shared>>
        tpu.wait_indirect_dma semaphore(%arg19 : memref<!tpu.dma_semaphore, #tpu.memory_space<semaphore_mem>>) src(%arg9 : memref<32x128xf32, #tpu.memory_space<vmem>>) dst(%dma_wait3A_457 : memref<5248x128xf32, #tpu.memory_space<vmem_shared>>)
        %dma_wait3A_458 = arith.constant 0 : i32
        %dma_wait3A_459 = arith.constant 1 : i32
        %dma_wait3A_460 = arith.constant 1 : i32
        %dma_wait3A_461 = arith.constant 0 : i32
        %dma_wait3A_462 = tpu.memref_slice %arg8[%dma_wait3A_458, %dma_wait3A_459, %dma_wait3A_460, %dma_wait3A_461] : memref<2x4x3x32xi32, #tpu.memory_space<vmem>> -> memref<1x1x1x32xi32, #tpu.memory_space<vmem>>
        %dma_wait3A_463 = tpu.memref_squeeze %dma_wait3A_462 : memref<1x1x1x32xi32, #tpu.memory_space<vmem>> -> memref<32xi32, #tpu.memory_space<vmem>>
        %dma_wait3A_464 = arith.constant 0 : i32
        %dma_wait3A_465 = arith.constant 0 : i32
        %dma_wait3A_466 = tpu.memref_slice %arg23[%dma_wait3A_464, %dma_wait3A_465] : memref<5248x128xf32, #tpu.memory_space<vmem_shared>> -> memref<5248x128xf32, #tpu.memory_space<vmem_shared>>
        tpu.wait_indirect_dma semaphore(%arg20 : memref<!tpu.dma_semaphore, #tpu.memory_space<semaphore_mem>>) src(%arg10 : memref<32x128xf32, #tpu.memory_space<vmem>>) dst(%dma_wait3A_466 : memref<5248x128xf32, #tpu.memory_space<vmem_shared>>)
        %dma_wait3A_467 = arith.constant 0 : i32
        %dma_wait3A_468 = arith.constant 2 : i32
        %dma_wait3A_469 = arith.constant 1 : i32
        %dma_wait3A_470 = arith.constant 0 : i32
        %dma_wait3A_471 = tpu.memref_slice %arg8[%dma_wait3A_467, %dma_wait3A_468, %dma_wait3A_469, %dma_wait3A_470] : memref<2x4x3x32xi32, #tpu.memory_space<vmem>> -> memref<1x1x1x32xi32, #tpu.memory_space<vmem>>
        %dma_wait3A_472 = tpu.memref_squeeze %dma_wait3A_471 : memref<1x1x1x32xi32, #tpu.memory_space<vmem>> -> memref<32xi32, #tpu.memory_space<vmem>>
        %dma_wait3A_473 = arith.constant 0 : i32
        %dma_wait3A_474 = arith.constant 0 : i32
        %dma_wait3A_475 = tpu.memref_slice %arg23[%dma_wait3A_473, %dma_wait3A_474] : memref<5248x128xf32, #tpu.memory_space<vmem_shared>> -> memref<5248x128xf32, #tpu.memory_space<vmem_shared>>
        tpu.wait_indirect_dma semaphore(%arg21 : memref<!tpu.dma_semaphore, #tpu.memory_space<semaphore_mem>>) src(%arg11 : memref<32x128xf32, #tpu.memory_space<vmem>>) dst(%dma_wait3A_475 : memref<5248x128xf32, #tpu.memory_space<vmem_shared>>)
        %dma_wait3A_476 = arith.constant 0 : i32
        %dma_wait3A_477 = arith.constant 3 : i32
        %dma_wait3A_478 = arith.constant 1 : i32
        %dma_wait3A_479 = arith.constant 0 : i32
        %dma_wait3A_480 = tpu.memref_slice %arg8[%dma_wait3A_476, %dma_wait3A_477, %dma_wait3A_478, %dma_wait3A_479] : memref<2x4x3x32xi32, #tpu.memory_space<vmem>> -> memref<1x1x1x32xi32, #tpu.memory_space<vmem>>
        %dma_wait3A_481 = tpu.memref_squeeze %dma_wait3A_480 : memref<1x1x1x32xi32, #tpu.memory_space<vmem>> -> memref<32xi32, #tpu.memory_space<vmem>>
        %dma_wait3A_482 = arith.constant 0 : i32
        %dma_wait3A_483 = arith.constant 0 : i32
        %dma_wait3A_484 = tpu.memref_slice %arg23[%dma_wait3A_482, %dma_wait3A_483] : memref<5248x128xf32, #tpu.memory_space<vmem_shared>> -> memref<5248x128xf32, #tpu.memory_space<vmem_shared>>
        tpu.wait_indirect_dma semaphore(%arg22 : memref<!tpu.dma_semaphore, #tpu.memory_space<semaphore_mem>>) src(%arg12 : memref<32x128xf32, #tpu.memory_space<vmem>>) dst(%dma_wait3A_484 : memref<5248x128xf32, #tpu.memory_space<vmem_shared>>)
      } else {
      }
      %add3A_406 = arith.constant 1 : i32
      %add3A_407 = arith.addi %add3A_371, %add3A_406 : i32
      %lt3A_408 = arith.constant 80 : i32
      %lt3A_409 = arith.cmpi slt, %add3A_407, %lt3A_408 : i32
      %convert_element_type3A_410 = arith.extui %lt3A_409 : i1 to i32
      %cond3A_411 = arith.constant 0 : i32
      %cond3A_412 = arith.cmpi ne, %convert_element_type3A_410, %cond3A_411 : i32
      scf.if %cond3A_412 {
        %add3A_449 = arith.constant 1 : i32
        %add3A_450 = arith.addi %add3A_371, %add3A_449 : i32
        %mul3A_451 = arith.constant 4 : i32
        %mul3A_452 = arith.muli %add3A_450, %mul3A_451 : i32
        %dma_start3A_453 = arith.constant 0 : i32
        %dma_start3A_454 = arith.constant 0 : i32
        %dma_start3A_455 = arith.constant 0 : i32
        %dma_start3A_456 = arith.constant 0 : i32
        %dma_start3A_457 = tpu.memref_slice %arg8[%dma_start3A_453, %dma_start3A_454, %dma_start3A_455, %dma_start3A_456] : memref<2x4x3x32xi32, #tpu.memory_space<vmem>> -> memref<1x4x3x32xi32, #tpu.memory_space<vmem>>
        %dma_start3A_458 = tpu.memref_squeeze %dma_start3A_457 : memref<1x4x3x32xi32, #tpu.memory_space<vmem>> -> memref<4x3x32xi32, #tpu.memory_space<vmem>>
        %dma_start3A_459 = arith.constant 0 : i32
        %dma_start3A_460 = arith.constant 0 : i32
        %dma_start3A_461 = arith.constant 0 : i32
        %dma_start3A_462 = tpu.memref_slice %arg3[%add3A, %dma_start3A_459, %dma_start3A_460, %dma_start3A_461] : memref<32x320x3x32xi32, #tpu.memory_space<hbm>> -> memref<1x320x3x32xi32, #tpu.memory_space<hbm>>
        %dma_start3A_463 = tpu.memref_squeeze %dma_start3A_462 : memref<1x320x3x32xi32, #tpu.memory_space<hbm>> -> memref<320x3x32xi32, #tpu.memory_space<hbm>>
        %dma_start3A_464 = arith.constant 0 : i32
        %dma_start3A_465 = arith.constant 0 : i32
        %dma_start3A_466 = tpu.memref_slice %dma_start3A_463[%mul3A_452, %dma_start3A_464, %dma_start3A_465] : memref<320x3x32xi32, #tpu.memory_space<hbm>> -> memref<4x3x32xi32, #tpu.memory_space<hbm>>
        %dma_start3A_467 = arith.constant 0 : i32
        %dma_start3A_468 = arith.constant 0 : i32
        %dma_start3A_469 = arith.constant 0 : i32
        %dma_start3A_470 = tpu.memref_slice %arg8[%dma_start3A_453, %dma_start3A_467, %dma_start3A_468, %dma_start3A_469] : memref<2x4x3x32xi32, #tpu.memory_space<vmem>> -> memref<1x4x3x32xi32, #tpu.memory_space<vmem>>
        %dma_start3A_471 = tpu.memref_squeeze %dma_start3A_470 : memref<1x4x3x32xi32, #tpu.memory_space<vmem>> -> memref<4x3x32xi32, #tpu.memory_space<vmem>>
        %dma_start3A_472 = arith.constant 0 : i32
        %dma_start3A_473 = arith.constant 0 : i32
        %dma_start3A_474 = arith.constant 0 : i32
        %dma_start3A_475 = tpu.memref_slice %arg3[%add3A, %dma_start3A_472, %dma_start3A_473, %dma_start3A_474] : memref<32x320x3x32xi32, #tpu.memory_space<hbm>> -> memref<1x320x3x32xi32, #tpu.memory_space<hbm>>
        %dma_start3A_476 = tpu.memref_squeeze %dma_start3A_475 : memref<1x320x3x32xi32, #tpu.memory_space<hbm>> -> memref<320x3x32xi32, #tpu.memory_space<hbm>>
        %dma_start3A_477 = arith.constant 0 : i32
        %dma_start3A_478 = arith.constant 0 : i32
        %dma_start3A_479 = tpu.memref_slice %dma_start3A_476[%mul3A_452, %dma_start3A_477, %dma_start3A_478] : memref<320x3x32xi32, #tpu.memory_space<hbm>> -> memref<4x3x32xi32, #tpu.memory_space<hbm>>
        tpu.enqueue_dma source(%dma_start3A_479 : memref<4x3x32xi32, #tpu.memory_space<hbm>>) target(%dma_start3A_471 : memref<4x3x32xi32, #tpu.memory_space<vmem>>) target_semaphore(%arg13 : memref<!tpu.dma_semaphore, #tpu.memory_space<semaphore_mem>>)
      } else {
      }
      %dma_start3A_413 = arith.constant 1 : i32
      %dma_start3A_414 = arith.constant 0 : i32
      %dma_start3A_415 = arith.constant 2 : i32
      %dma_start3A_416 = arith.constant 0 : i32
      %dma_start3A_417 = tpu.memref_slice %arg8[%dma_start3A_413, %dma_start3A_414, %dma_start3A_415, %dma_start3A_416] : memref<2x4x3x32xi32, #tpu.memory_space<vmem>> -> memref<1x1x1x32xi32, #tpu.memory_space<vmem>>
      %dma_start3A_418 = tpu.memref_squeeze %dma_start3A_417 : memref<1x1x1x32xi32, #tpu.memory_space<vmem>> -> memref<32xi32, #tpu.memory_space<vmem>>
      %dma_start3A_419 = arith.constant 0 : i32
      %dma_start3A_420 = arith.constant 0 : i32
      %dma_start3A_421 = tpu.memref_slice %arg23[%dma_start3A_419, %dma_start3A_420] : memref<5248x128xf32, #tpu.memory_space<vmem_shared>> -> memref<5248x128xf32, #tpu.memory_space<vmem_shared>>
      tpu.enqueue_indirect_dma source(%arg9 : memref<32x128xf32, #tpu.memory_space<vmem>>) target(%dma_start3A_421 : memref<5248x128xf32, #tpu.memory_space<vmem_shared>>) offsets(%dma_start3A_418 : memref<32xi32, #tpu.memory_space<vmem>>) semaphore(%arg19 : memref<!tpu.dma_semaphore, #tpu.memory_space<semaphore_mem>>) {add = true}
      %dma_start3A_422 = arith.constant 1 : i32
      %dma_start3A_423 = arith.constant 1 : i32
      %dma_start3A_424 = arith.constant 2 : i32
      %dma_start3A_425 = arith.constant 0 : i32
      %dma_start3A_426 = tpu.memref_slice %arg8[%dma_start3A_422, %dma_start3A_423, %dma_start3A_424, %dma_start3A_425] : memref<2x4x3x32xi32, #tpu.memory_space<vmem>> -> memref<1x1x1x32xi32, #tpu.memory_space<vmem>>
      %dma_start3A_427 = tpu.memref_squeeze %dma_start3A_426 : memref<1x1x1x32xi32, #tpu.memory_space<vmem>> -> memref<32xi32, #tpu.memory_space<vmem>>
      %dma_start3A_428 = arith.constant 0 : i32
      %dma_start3A_429 = arith.constant 0 : i32
      %dma_start3A_430 = tpu.memref_slice %arg23[%dma_start3A_428, %dma_start3A_429] : memref<5248x128xf32, #tpu.memory_space<vmem_shared>> -> memref<5248x128xf32, #tpu.memory_space<vmem_shared>>
      tpu.enqueue_indirect_dma source(%arg9 : memref<32x128xf32, #tpu.memory_space<vmem>>) target(%dma_start3A_430 : memref<5248x128xf32, #tpu.memory_space<vmem_shared>>) offsets(%dma_start3A_427 : memref<32xi32, #tpu.memory_space<vmem>>) semaphore(%arg20 : memref<!tpu.dma_semaphore, #tpu.memory_space<semaphore_mem>>) {add = true}
      %dma_start3A_431 = arith.constant 1 : i32
      %dma_start3A_432 = arith.constant 2 : i32
      %dma_start3A_433 = arith.constant 2 : i32
      %dma_start3A_434 = arith.constant 0 : i32
      %dma_start3A_435 = tpu.memref_slice %arg8[%dma_start3A_431, %dma_start3A_432, %dma_start3A_433, %dma_start3A_434] : memref<2x4x3x32xi32, #tpu.memory_space<vmem>> -> memref<1x1x1x32xi32, #tpu.memory_space<vmem>>
      %dma_start3A_436 = tpu.memref_squeeze %dma_start3A_435 : memref<1x1x1x32xi32, #tpu.memory_space<vmem>> -> memref<32xi32, #tpu.memory_space<vmem>>
      %dma_start3A_437 = arith.constant 0 : i32
      %dma_start3A_438 = arith.constant 0 : i32
      %dma_start3A_439 = tpu.memref_slice %arg23[%dma_start3A_437, %dma_start3A_438] : memref<5248x128xf32, #tpu.memory_space<vmem_shared>> -> memref<5248x128xf32, #tpu.memory_space<vmem_shared>>
      tpu.enqueue_indirect_dma source(%arg9 : memref<32x128xf32, #tpu.memory_space<vmem>>) target(%dma_start3A_439 : memref<5248x128xf32, #tpu.memory_space<vmem_shared>>) offsets(%dma_start3A_436 : memref<32xi32, #tpu.memory_space<vmem>>) semaphore(%arg21 : memref<!tpu.dma_semaphore, #tpu.memory_space<semaphore_mem>>) {add = true}
      %dma_start3A_440 = arith.constant 1 : i32
      %dma_start3A_441 = arith.constant 3 : i32
      %dma_start3A_442 = arith.constant 2 : i32
      %dma_start3A_443 = arith.constant 0 : i32
      %dma_start3A_444 = tpu.memref_slice %arg8[%dma_start3A_440, %dma_start3A_441, %dma_start3A_442, %dma_start3A_443] : memref<2x4x3x32xi32, #tpu.memory_space<vmem>> -> memref<1x1x1x32xi32, #tpu.memory_space<vmem>>
      %dma_start3A_445 = tpu.memref_squeeze %dma_start3A_444 : memref<1x1x1x32xi32, #tpu.memory_space<vmem>> -> memref<32xi32, #tpu.memory_space<vmem>>
      %dma_start3A_446 = arith.constant 0 : i32
      %dma_start3A_447 = arith.constant 0 : i32
      %dma_start3A_448 = tpu.memref_slice %arg23[%dma_start3A_446, %dma_start3A_447] : memref<5248x128xf32, #tpu.memory_space<vmem_shared>> -> memref<5248x128xf32, #tpu.memory_space<vmem_shared>>
      tpu.enqueue_indirect_dma source(%arg9 : memref<32x128xf32, #tpu.memory_space<vmem>>) target(%dma_start3A_448 : memref<5248x128xf32, #tpu.memory_space<vmem_shared>>) offsets(%dma_start3A_445 : memref<32xi32, #tpu.memory_space<vmem>>) semaphore(%arg22 : memref<!tpu.dma_semaphore, #tpu.memory_space<semaphore_mem>>) {add = true}
    }
    %scan3A_251 = arith.constant 40 : i32
    %dma_wait3A_252 = arith.constant 0 : i32
    %dma_wait3A_253 = arith.constant 0 : i32
    %dma_wait3A_254 = arith.constant 1 : i32
    %dma_wait3A_255 = arith.constant 0 : i32
    %dma_wait3A_256 = tpu.memref_slice %arg8[%dma_wait3A_252, %dma_wait3A_253, %dma_wait3A_254, %dma_wait3A_255] : memref<2x4x3x32xi32, #tpu.memory_space<vmem>> -> memref<1x1x1x32xi32, #tpu.memory_space<vmem>>
    %dma_wait3A_257 = tpu.memref_squeeze %dma_wait3A_256 : memref<1x1x1x32xi32, #tpu.memory_space<vmem>> -> memref<32xi32, #tpu.memory_space<vmem>>
    %dma_wait3A_258 = arith.constant 0 : i32
    %dma_wait3A_259 = arith.constant 0 : i32
    %dma_wait3A_260 = tpu.memref_slice %arg23[%dma_wait3A_258, %dma_wait3A_259] : memref<5248x128xf32, #tpu.memory_space<vmem_shared>> -> memref<5248x128xf32, #tpu.memory_space<vmem_shared>>
    tpu.wait_indirect_dma semaphore(%arg19 : memref<!tpu.dma_semaphore, #tpu.memory_space<semaphore_mem>>) src(%arg9 : memref<32x128xf32, #tpu.memory_space<vmem>>) dst(%dma_wait3A_260 : memref<5248x128xf32, #tpu.memory_space<vmem_shared>>)
    %dma_wait3A_261 = arith.constant 0 : i32
    %dma_wait3A_262 = arith.constant 1 : i32
    %dma_wait3A_263 = arith.constant 1 : i32
    %dma_wait3A_264 = arith.constant 0 : i32
    %dma_wait3A_265 = tpu.memref_slice %arg8[%dma_wait3A_261, %dma_wait3A_262, %dma_wait3A_263, %dma_wait3A_264] : memref<2x4x3x32xi32, #tpu.memory_space<vmem>> -> memref<1x1x1x32xi32, #tpu.memory_space<vmem>>
    %dma_wait3A_266 = tpu.memref_squeeze %dma_wait3A_265 : memref<1x1x1x32xi32, #tpu.memory_space<vmem>> -> memref<32xi32, #tpu.memory_space<vmem>>
    %dma_wait3A_267 = arith.constant 0 : i32
    %dma_wait3A_268 = arith.constant 0 : i32
    %dma_wait3A_269 = tpu.memref_slice %arg23[%dma_wait3A_267, %dma_wait3A_268] : memref<5248x128xf32, #tpu.memory_space<vmem_shared>> -> memref<5248x128xf32, #tpu.memory_space<vmem_shared>>
    tpu.wait_indirect_dma semaphore(%arg20 : memref<!tpu.dma_semaphore, #tpu.memory_space<semaphore_mem>>) src(%arg10 : memref<32x128xf32, #tpu.memory_space<vmem>>) dst(%dma_wait3A_269 : memref<5248x128xf32, #tpu.memory_space<vmem_shared>>)
    %dma_wait3A_270 = arith.constant 0 : i32
    %dma_wait3A_271 = arith.constant 2 : i32
    %dma_wait3A_272 = arith.constant 1 : i32
    %dma_wait3A_273 = arith.constant 0 : i32
    %dma_wait3A_274 = tpu.memref_slice %arg8[%dma_wait3A_270, %dma_wait3A_271, %dma_wait3A_272, %dma_wait3A_273] : memref<2x4x3x32xi32, #tpu.memory_space<vmem>> -> memref<1x1x1x32xi32, #tpu.memory_space<vmem>>
    %dma_wait3A_275 = tpu.memref_squeeze %dma_wait3A_274 : memref<1x1x1x32xi32, #tpu.memory_space<vmem>> -> memref<32xi32, #tpu.memory_space<vmem>>
    %dma_wait3A_276 = arith.constant 0 : i32
    %dma_wait3A_277 = arith.constant 0 : i32
    %dma_wait3A_278 = tpu.memref_slice %arg23[%dma_wait3A_276, %dma_wait3A_277] : memref<5248x128xf32, #tpu.memory_space<vmem_shared>> -> memref<5248x128xf32, #tpu.memory_space<vmem_shared>>
    tpu.wait_indirect_dma semaphore(%arg21 : memref<!tpu.dma_semaphore, #tpu.memory_space<semaphore_mem>>) src(%arg11 : memref<32x128xf32, #tpu.memory_space<vmem>>) dst(%dma_wait3A_278 : memref<5248x128xf32, #tpu.memory_space<vmem_shared>>)
    %dma_wait3A_279 = arith.constant 0 : i32
    %dma_wait3A_280 = arith.constant 3 : i32
    %dma_wait3A_281 = arith.constant 1 : i32
    %dma_wait3A_282 = arith.constant 0 : i32
    %dma_wait3A_283 = tpu.memref_slice %arg8[%dma_wait3A_279, %dma_wait3A_280, %dma_wait3A_281, %dma_wait3A_282] : memref<2x4x3x32xi32, #tpu.memory_space<vmem>> -> memref<1x1x1x32xi32, #tpu.memory_space<vmem>>
    %dma_wait3A_284 = tpu.memref_squeeze %dma_wait3A_283 : memref<1x1x1x32xi32, #tpu.memory_space<vmem>> -> memref<32xi32, #tpu.memory_space<vmem>>
    %dma_wait3A_285 = arith.constant 0 : i32
    %dma_wait3A_286 = arith.constant 0 : i32
    %dma_wait3A_287 = tpu.memref_slice %arg23[%dma_wait3A_285, %dma_wait3A_286] : memref<5248x128xf32, #tpu.memory_space<vmem_shared>> -> memref<5248x128xf32, #tpu.memory_space<vmem_shared>>
    tpu.wait_indirect_dma semaphore(%arg22 : memref<!tpu.dma_semaphore, #tpu.memory_space<semaphore_mem>>) src(%arg12 : memref<32x128xf32, #tpu.memory_space<vmem>>) dst(%dma_wait3A_287 : memref<5248x128xf32, #tpu.memory_space<vmem_shared>>)
    %barrier3A_288 = arith.constant 0 : index
    tpu.barrier barrier_id(%barrier3A_288)
    %run_scoped3A_289 = arith.constant 1 : i32
    "tpu.region"() ({
      %run_scoped3A_290 = tpu.sem_alloc : memref<!tpu.dma_semaphore, #tpu.memory_space<semaphore_mem>>
      %dma_start3A_291 = arith.constant 0 : i32
      %dma_start3A_292 = arith.constant 0 : i32
      %dma_start3A_293 = tpu.memref_slice %arg7[%arg0, %run_scoped3A_289, %dma_start3A_291, %dma_start3A_292] : memref<2x2x5248x128xf32, #tpu.memory_space<hbm>> -> memref<1x1x5248x128xf32, #tpu.memory_space<hbm>>
      %dma_start3A_294 = tpu.memref_squeeze %dma_start3A_293 : memref<1x1x5248x128xf32, #tpu.memory_space<hbm>> -> memref<5248x128xf32, #tpu.memory_space<hbm>>
      %dma_start3A_295 = arith.constant 0 : i32
      %dma_start3A_296 = tpu.memref_slice %dma_start3A_294[%mul3A_2, %dma_start3A_295] : memref<5248x128xf32, #tpu.memory_space<hbm>> -> memref<328x128xf32, #tpu.memory_space<hbm>>
      %dma_start3A_297 = arith.constant 0 : i32
      %dma_start3A_298 = tpu.memref_slice %arg23[%mul3A_2, %dma_start3A_297] : memref<5248x128xf32, #tpu.memory_space<vmem_shared>> -> memref<328x128xf32, #tpu.memory_space<vmem_shared>>
      tpu.enqueue_dma source(%dma_start3A_298 : memref<328x128xf32, #tpu.memory_space<vmem_shared>>) target(%dma_start3A_296 : memref<328x128xf32, #tpu.memory_space<hbm>>) target_semaphore(%run_scoped3A_290 : memref<!tpu.dma_semaphore, #tpu.memory_space<semaphore_mem>>)
      %dma_wait3A_299 = arith.constant 0 : i32
      %dma_wait3A_300 = arith.constant 0 : i32
      %dma_wait3A_301 = tpu.memref_slice %arg7[%arg0, %run_scoped3A_289, %dma_wait3A_299, %dma_wait3A_300] : memref<2x2x5248x128xf32, #tpu.memory_space<hbm>> -> memref<1x1x5248x128xf32, #tpu.memory_space<hbm>>
      %dma_wait3A_302 = tpu.memref_squeeze %dma_wait3A_301 : memref<1x1x5248x128xf32, #tpu.memory_space<hbm>> -> memref<5248x128xf32, #tpu.memory_space<hbm>>
      %dma_wait3A_303 = arith.constant 0 : i32
      %dma_wait3A_304 = tpu.memref_slice %dma_wait3A_302[%mul3A_2, %dma_wait3A_303] : memref<5248x128xf32, #tpu.memory_space<hbm>> -> memref<328x128xf32, #tpu.memory_space<hbm>>
      %dma_wait3A_305 = arith.constant 0 : i32
      %dma_wait3A_306 = tpu.memref_slice %arg23[%mul3A_2, %dma_wait3A_305] : memref<5248x128xf32, #tpu.memory_space<vmem_shared>> -> memref<328x128xf32, #tpu.memory_space<vmem_shared>>
      tpu.wait_dma2 semaphore(%run_scoped3A_290 : memref<!tpu.dma_semaphore, #tpu.memory_space<semaphore_mem>>) src(%dma_wait3A_306 : memref<328x128xf32, #tpu.memory_space<vmem_shared>>) dst(%dma_wait3A_304 : memref<328x128xf32, #tpu.memory_space<hbm>>)
      tpu.yield
    }) : () -> ()
    return
  }
}

#map = affine_map<(d0, d1) -> (0, 0)>
#map1 = affine_map<(d0, d1) -> (0, 0, 0, 0)>
module attributes {stable_mosaic.version = 14 : i64} {
  func.func @run(%arg0: i32, %arg1: i32, %arg2: memref<10000x128xf32, #tpu.memory_space<hbm>>, %arg3: memref<32x320x3x32xi32, #tpu.memory_space<hbm>>, %arg4: memref<328x128xf32, #tpu.memory_space<hbm>>, %arg5: memref<32x128xf32, #tpu.memory_space<hbm>>, %arg6: memref<2x2x5248x128xf32, #tpu.memory_space<hbm>>, %arg7: memref<2x4x3x32xi32, #tpu.memory_space<vmem>>, %arg8: memref<32x128xf32, #tpu.memory_space<vmem>>, %arg9: memref<32x128xf32, #tpu.memory_space<vmem>>, %arg10: memref<32x128xf32, #tpu.memory_space<vmem>>, %arg11: memref<32x128xf32, #tpu.memory_space<vmem>>, %arg12: memref<!tpu.dma_semaphore, #tpu.memory_space<semaphore_mem>>, %arg13: memref<!tpu.dma_semaphore, #tpu.memory_space<semaphore_mem>>, %arg14: memref<!tpu.dma_semaphore, #tpu.memory_space<semaphore_mem>>, %arg15: memref<!tpu.dma_semaphore, #tpu.memory_space<semaphore_mem>>, %arg16: memref<!tpu.dma_semaphore, #tpu.memory_space<semaphore_mem>>, %arg17: memref<!tpu.dma_semaphore, #tpu.memory_space<semaphore_mem>>, %arg18: memref<!tpu.dma_semaphore, #tpu.memory_space<semaphore_mem>>, %arg19: memref<!tpu.dma_semaphore, #tpu.memory_space<semaphore_mem>>, %arg20: memref<!tpu.dma_semaphore, #tpu.memory_space<semaphore_mem>>, %arg21: memref<!tpu.dma_semaphore, #tpu.memory_space<semaphore_mem>>, %arg22: memref<5248x128xf32, #tpu.memory_space<vmem_shared>>) attributes {dimension_semantics = [#tpu.dimension_semantics<core_parallel>, #tpu.dimension_semantics<subcore_parallel>], iteration_bounds = array<i64: 2, 16>, scalar_prefetch = 0 : i64, scratch_operands = 16 : i64, tpu.core_type = #tpu.core_type<sc_vector_subcore>, window_params = [{transform_indices = #map}, {transform_indices = #map1}, {transform_indices = #map}, {transform_indices = #map}, {transform_indices = #map1}]} {
    %mul3A = arith.constant 2 : i32
    %mul3A_0 = arith.muli %arg1, %mul3A : i32
    %add3A = arith.addi %mul3A_0, %arg0 : i32
    %mul3A_1 = arith.constant 328 : i32
    %mul3A_2 = arith.muli %arg1, %mul3A_1 : i32
    "tpu.region"() ({
      %run_scoped3A_144 = tpu.sem_alloc : memref<!tpu.dma_semaphore, #tpu.memory_space<semaphore_mem>>
      %dma_start3A_145 = arith.constant 0 : i32
      %dma_start3A_146 = tpu.memref_slice %arg22[%mul3A_2, %dma_start3A_145] : memref<5248x128xf32, #tpu.memory_space<vmem_shared>> -> memref<328x128xf32, #tpu.memory_space<vmem_shared>>
      tpu.enqueue_dma source(%arg4 : memref<328x128xf32, #tpu.memory_space<hbm>>) target(%dma_start3A_146 : memref<328x128xf32, #tpu.memory_space<vmem_shared>>) target_semaphore(%run_scoped3A_144 : memref<!tpu.dma_semaphore, #tpu.memory_space<semaphore_mem>>)
      %dma_wait3A_147 = arith.constant 0 : i32
      %dma_wait3A_148 = tpu.memref_slice %arg22[%mul3A_2, %dma_wait3A_147] : memref<5248x128xf32, #tpu.memory_space<vmem_shared>> -> memref<328x128xf32, #tpu.memory_space<vmem_shared>>
      tpu.wait_dma2 semaphore(%run_scoped3A_144 : memref<!tpu.dma_semaphore, #tpu.memory_space<semaphore_mem>>) src(%arg4 : memref<328x128xf32, #tpu.memory_space<hbm>>) dst(%dma_wait3A_148 : memref<328x128xf32, #tpu.memory_space<vmem_shared>>)
      tpu.yield
    }) : () -> ()
    %barrier3A = arith.constant 0 : index
    tpu.barrier barrier_id(%barrier3A)
    %dma_start3A = arith.constant 0 : i32
    %dma_start3A_3 = arith.constant 0 : i32
    %dma_start3A_4 = arith.constant 0 : i32
    %dma_start3A_5 = arith.constant 0 : i32
    %dma_start3A_6 = tpu.memref_slice %arg7[%dma_start3A, %dma_start3A_3, %dma_start3A_4, %dma_start3A_5] : memref<2x4x3x32xi32, #tpu.memory_space<vmem>> -> memref<1x4x3x32xi32, #tpu.memory_space<vmem>>
    %dma_start3A_7 = tpu.memref_squeeze %dma_start3A_6 : memref<1x4x3x32xi32, #tpu.memory_space<vmem>> -> memref<4x3x32xi32, #tpu.memory_space<vmem>>
    %dma_start3A_8 = arith.constant 0 : i32
    %dma_start3A_9 = arith.constant 0 : i32
    %dma_start3A_10 = arith.constant 0 : i32
    %dma_start3A_11 = tpu.memref_slice %arg3[%add3A, %dma_start3A_8, %dma_start3A_9, %dma_start3A_10] : memref<32x320x3x32xi32, #tpu.memory_space<hbm>> -> memref<1x320x3x32xi32, #tpu.memory_space<hbm>>
    %dma_start3A_12 = tpu.memref_squeeze %dma_start3A_11 : memref<1x320x3x32xi32, #tpu.memory_space<hbm>> -> memref<320x3x32xi32, #tpu.memory_space<hbm>>
    %dma_start3A_13 = arith.constant 0 : i32
    %dma_start3A_14 = arith.constant 0 : i32
    %dma_start3A_15 = arith.constant 0 : i32
    %dma_start3A_16 = tpu.memref_slice %dma_start3A_12[%dma_start3A_13, %dma_start3A_14, %dma_start3A_15] : memref<320x3x32xi32, #tpu.memory_space<hbm>> -> memref<4x3x32xi32, #tpu.memory_space<hbm>>
    %dma_start3A_17 = arith.constant 0 : i32
    %dma_start3A_18 = arith.constant 0 : i32
    %dma_start3A_19 = arith.constant 0 : i32
    %dma_start3A_20 = tpu.memref_slice %arg7[%dma_start3A, %dma_start3A_17, %dma_start3A_18, %dma_start3A_19] : memref<2x4x3x32xi32, #tpu.memory_space<vmem>> -> memref<1x4x3x32xi32, #tpu.memory_space<vmem>>
    %dma_start3A_21 = tpu.memref_squeeze %dma_start3A_20 : memref<1x4x3x32xi32, #tpu.memory_space<vmem>> -> memref<4x3x32xi32, #tpu.memory_space<vmem>>
    %dma_start3A_22 = arith.constant 0 : i32
    %dma_start3A_23 = arith.constant 0 : i32
    %dma_start3A_24 = arith.constant 0 : i32
    %dma_start3A_25 = tpu.memref_slice %arg3[%add3A, %dma_start3A_22, %dma_start3A_23, %dma_start3A_24] : memref<32x320x3x32xi32, #tpu.memory_space<hbm>> -> memref<1x320x3x32xi32, #tpu.memory_space<hbm>>
    %dma_start3A_26 = tpu.memref_squeeze %dma_start3A_25 : memref<1x320x3x32xi32, #tpu.memory_space<hbm>> -> memref<320x3x32xi32, #tpu.memory_space<hbm>>
    %dma_start3A_27 = arith.constant 0 : i32
    %dma_start3A_28 = arith.constant 0 : i32
    %dma_start3A_29 = arith.constant 0 : i32
    %dma_start3A_30 = tpu.memref_slice %dma_start3A_26[%dma_start3A_27, %dma_start3A_28, %dma_start3A_29] : memref<320x3x32xi32, #tpu.memory_space<hbm>> -> memref<4x3x32xi32, #tpu.memory_space<hbm>>
    tpu.enqueue_dma source(%dma_start3A_30 : memref<4x3x32xi32, #tpu.memory_space<hbm>>) target(%dma_start3A_21 : memref<4x3x32xi32, #tpu.memory_space<vmem>>) target_semaphore(%arg12 : memref<!tpu.dma_semaphore, #tpu.memory_space<semaphore_mem>>)
    %scan3A = arith.constant 0 : i32
    %scan3A_31 = arith.constant 40 : i32
    %scan3A_32 = arith.addi %scan3A, %scan3A_31 : i32
    %scan3A_33 = arith.constant 1 : i32
    scf.for %scan3A_144 = %scan3A to %scan3A_32 step %scan3A_33  : i32 {
      %mul3A_145 = arith.constant 2 : i32
      %mul3A_146 = arith.muli %scan3A_144, %mul3A_145 : i32
      %add3A_147 = arith.constant 0 : i32
      %add3A_148 = arith.addi %add3A_147, %mul3A_146 : i32
      %add3A_149 = arith.constant 0 : i32
      %add3A_150 = arith.addi %add3A_148, %add3A_149 : i32
      %mul3A_151 = arith.constant 4 : i32
      %mul3A_152 = arith.muli %add3A_150, %mul3A_151 : i32
      %dma_wait3A_153 = arith.constant 0 : i32
      %dma_wait3A_154 = arith.constant 0 : i32
      %dma_wait3A_155 = arith.constant 0 : i32
      %dma_wait3A_156 = arith.constant 0 : i32
      %dma_wait3A_157 = tpu.memref_slice %arg7[%dma_wait3A_153, %dma_wait3A_154, %dma_wait3A_155, %dma_wait3A_156] : memref<2x4x3x32xi32, #tpu.memory_space<vmem>> -> memref<1x4x3x32xi32, #tpu.memory_space<vmem>>
      %dma_wait3A_158 = tpu.memref_squeeze %dma_wait3A_157 : memref<1x4x3x32xi32, #tpu.memory_space<vmem>> -> memref<4x3x32xi32, #tpu.memory_space<vmem>>
      %dma_wait3A_159 = arith.constant 0 : i32
      %dma_wait3A_160 = arith.constant 0 : i32
      %dma_wait3A_161 = arith.constant 0 : i32
      %dma_wait3A_162 = tpu.memref_slice %arg3[%add3A, %dma_wait3A_159, %dma_wait3A_160, %dma_wait3A_161] : memref<32x320x3x32xi32, #tpu.memory_space<hbm>> -> memref<1x320x3x32xi32, #tpu.memory_space<hbm>>
      %dma_wait3A_163 = tpu.memref_squeeze %dma_wait3A_162 : memref<1x320x3x32xi32, #tpu.memory_space<hbm>> -> memref<320x3x32xi32, #tpu.memory_space<hbm>>
      %dma_wait3A_164 = arith.constant 0 : i32
      %dma_wait3A_165 = arith.constant 0 : i32
      %dma_wait3A_166 = tpu.memref_slice %dma_wait3A_163[%mul3A_152, %dma_wait3A_164, %dma_wait3A_165] : memref<320x3x32xi32, #tpu.memory_space<hbm>> -> memref<4x3x32xi32, #tpu.memory_space<hbm>>
      %dma_wait3A_167 = arith.constant 0 : i32
      %dma_wait3A_168 = arith.constant 0 : i32
      %dma_wait3A_169 = arith.constant 0 : i32
      %dma_wait3A_170 = tpu.memref_slice %arg7[%dma_wait3A_153, %dma_wait3A_167, %dma_wait3A_168, %dma_wait3A_169] : memref<2x4x3x32xi32, #tpu.memory_space<vmem>> -> memref<1x4x3x32xi32, #tpu.memory_space<vmem>>
      %dma_wait3A_171 = tpu.memref_squeeze %dma_wait3A_170 : memref<1x4x3x32xi32, #tpu.memory_space<vmem>> -> memref<4x3x32xi32, #tpu.memory_space<vmem>>
      %dma_wait3A_172 = arith.constant 0 : i32
      %dma_wait3A_173 = arith.constant 0 : i32
      %dma_wait3A_174 = arith.constant 0 : i32
      %dma_wait3A_175 = tpu.memref_slice %arg3[%add3A, %dma_wait3A_172, %dma_wait3A_173, %dma_wait3A_174] : memref<32x320x3x32xi32, #tpu.memory_space<hbm>> -> memref<1x320x3x32xi32, #tpu.memory_space<hbm>>
      %dma_wait3A_176 = tpu.memref_squeeze %dma_wait3A_175 : memref<1x320x3x32xi32, #tpu.memory_space<hbm>> -> memref<320x3x32xi32, #tpu.memory_space<hbm>>
      %dma_wait3A_177 = arith.constant 0 : i32
      %dma_wait3A_178 = arith.constant 0 : i32
      %dma_wait3A_179 = tpu.memref_slice %dma_wait3A_176[%mul3A_152, %dma_wait3A_177, %dma_wait3A_178] : memref<320x3x32xi32, #tpu.memory_space<hbm>> -> memref<4x3x32xi32, #tpu.memory_space<hbm>>
      tpu.wait_dma2 semaphore(%arg12 : memref<!tpu.dma_semaphore, #tpu.memory_space<semaphore_mem>>) src(%dma_wait3A_179 : memref<4x3x32xi32, #tpu.memory_space<hbm>>) dst(%dma_wait3A_171 : memref<4x3x32xi32, #tpu.memory_space<vmem>>)
      %gt3A = arith.constant 0 : i32
      %gt3A_180 = arith.cmpi sgt, %add3A_150, %gt3A : i32
      %convert_element_type3A = arith.extui %gt3A_180 : i1 to i32
      %cond3A = arith.constant 0 : i32
      %cond3A_181 = arith.cmpi ne, %convert_element_type3A, %cond3A : i32
      scf.if %cond3A_181 {
        %dma_wait3A_447 = arith.constant 0 : i32
        %dma_wait3A_448 = arith.constant 0 : i32
        %dma_wait3A_449 = arith.constant 1 : i32
        %dma_wait3A_450 = arith.constant 0 : i32
        %dma_wait3A_451 = tpu.memref_slice %arg7[%dma_wait3A_447, %dma_wait3A_448, %dma_wait3A_449, %dma_wait3A_450] : memref<2x4x3x32xi32, #tpu.memory_space<vmem>> -> memref<1x1x1x32xi32, #tpu.memory_space<vmem>>
        %dma_wait3A_452 = tpu.memref_squeeze %dma_wait3A_451 : memref<1x1x1x32xi32, #tpu.memory_space<vmem>> -> memref<32xi32, #tpu.memory_space<vmem>>
        %dma_wait3A_453 = arith.constant 0 : i32
        %dma_wait3A_454 = arith.constant 0 : i32
        %dma_wait3A_455 = tpu.memref_slice %arg22[%dma_wait3A_453, %dma_wait3A_454] : memref<5248x128xf32, #tpu.memory_space<vmem_shared>> -> memref<5248x128xf32, #tpu.memory_space<vmem_shared>>
        tpu.wait_indirect_dma semaphore(%arg18 : memref<!tpu.dma_semaphore, #tpu.memory_space<semaphore_mem>>) src(%arg8 : memref<32x128xf32, #tpu.memory_space<vmem>>) dst(%dma_wait3A_455 : memref<5248x128xf32, #tpu.memory_space<vmem_shared>>)
        %dma_wait3A_456 = arith.constant 0 : i32
        %dma_wait3A_457 = arith.constant 1 : i32
        %dma_wait3A_458 = arith.constant 1 : i32
        %dma_wait3A_459 = arith.constant 0 : i32
        %dma_wait3A_460 = tpu.memref_slice %arg7[%dma_wait3A_456, %dma_wait3A_457, %dma_wait3A_458, %dma_wait3A_459] : memref<2x4x3x32xi32, #tpu.memory_space<vmem>> -> memref<1x1x1x32xi32, #tpu.memory_space<vmem>>
        %dma_wait3A_461 = tpu.memref_squeeze %dma_wait3A_460 : memref<1x1x1x32xi32, #tpu.memory_space<vmem>> -> memref<32xi32, #tpu.memory_space<vmem>>
        %dma_wait3A_462 = arith.constant 0 : i32
        %dma_wait3A_463 = arith.constant 0 : i32
        %dma_wait3A_464 = tpu.memref_slice %arg22[%dma_wait3A_462, %dma_wait3A_463] : memref<5248x128xf32, #tpu.memory_space<vmem_shared>> -> memref<5248x128xf32, #tpu.memory_space<vmem_shared>>
        tpu.wait_indirect_dma semaphore(%arg19 : memref<!tpu.dma_semaphore, #tpu.memory_space<semaphore_mem>>) src(%arg9 : memref<32x128xf32, #tpu.memory_space<vmem>>) dst(%dma_wait3A_464 : memref<5248x128xf32, #tpu.memory_space<vmem_shared>>)
        %dma_wait3A_465 = arith.constant 0 : i32
        %dma_wait3A_466 = arith.constant 2 : i32
        %dma_wait3A_467 = arith.constant 1 : i32
        %dma_wait3A_468 = arith.constant 0 : i32
        %dma_wait3A_469 = tpu.memref_slice %arg7[%dma_wait3A_465, %dma_wait3A_466, %dma_wait3A_467, %dma_wait3A_468] : memref<2x4x3x32xi32, #tpu.memory_space<vmem>> -> memref<1x1x1x32xi32, #tpu.memory_space<vmem>>
        %dma_wait3A_470 = tpu.memref_squeeze %dma_wait3A_469 : memref<1x1x1x32xi32, #tpu.memory_space<vmem>> -> memref<32xi32, #tpu.memory_space<vmem>>
        %dma_wait3A_471 = arith.constant 0 : i32
        %dma_wait3A_472 = arith.constant 0 : i32
        %dma_wait3A_473 = tpu.memref_slice %arg22[%dma_wait3A_471, %dma_wait3A_472] : memref<5248x128xf32, #tpu.memory_space<vmem_shared>> -> memref<5248x128xf32, #tpu.memory_space<vmem_shared>>
        tpu.wait_indirect_dma semaphore(%arg20 : memref<!tpu.dma_semaphore, #tpu.memory_space<semaphore_mem>>) src(%arg10 : memref<32x128xf32, #tpu.memory_space<vmem>>) dst(%dma_wait3A_473 : memref<5248x128xf32, #tpu.memory_space<vmem_shared>>)
        %dma_wait3A_474 = arith.constant 0 : i32
        %dma_wait3A_475 = arith.constant 3 : i32
        %dma_wait3A_476 = arith.constant 1 : i32
        %dma_wait3A_477 = arith.constant 0 : i32
        %dma_wait3A_478 = tpu.memref_slice %arg7[%dma_wait3A_474, %dma_wait3A_475, %dma_wait3A_476, %dma_wait3A_477] : memref<2x4x3x32xi32, #tpu.memory_space<vmem>> -> memref<1x1x1x32xi32, #tpu.memory_space<vmem>>
        %dma_wait3A_479 = tpu.memref_squeeze %dma_wait3A_478 : memref<1x1x1x32xi32, #tpu.memory_space<vmem>> -> memref<32xi32, #tpu.memory_space<vmem>>
        %dma_wait3A_480 = arith.constant 0 : i32
        %dma_wait3A_481 = arith.constant 0 : i32
        %dma_wait3A_482 = tpu.memref_slice %arg22[%dma_wait3A_480, %dma_wait3A_481] : memref<5248x128xf32, #tpu.memory_space<vmem_shared>> -> memref<5248x128xf32, #tpu.memory_space<vmem_shared>>
        tpu.wait_indirect_dma semaphore(%arg21 : memref<!tpu.dma_semaphore, #tpu.memory_space<semaphore_mem>>) src(%arg11 : memref<32x128xf32, #tpu.memory_space<vmem>>) dst(%dma_wait3A_482 : memref<5248x128xf32, #tpu.memory_space<vmem_shared>>)
      } else {
      }
      %add3A_182 = arith.constant 1 : i32
      %add3A_183 = arith.addi %add3A_150, %add3A_182 : i32
      %lt3A = arith.constant 80 : i32
      %lt3A_184 = arith.cmpi slt, %add3A_183, %lt3A : i32
      %convert_element_type3A_185 = arith.extui %lt3A_184 : i1 to i32
      %cond3A_186 = arith.constant 0 : i32
      %cond3A_187 = arith.cmpi ne, %convert_element_type3A_185, %cond3A_186 : i32
      scf.if %cond3A_187 {
        %add3A_447 = arith.constant 1 : i32
        %add3A_448 = arith.addi %add3A_150, %add3A_447 : i32
        %mul3A_449 = arith.constant 4 : i32
        %mul3A_450 = arith.muli %add3A_448, %mul3A_449 : i32
        %dma_start3A_451 = arith.constant 1 : i32
        %dma_start3A_452 = arith.constant 0 : i32
        %dma_start3A_453 = arith.constant 0 : i32
        %dma_start3A_454 = arith.constant 0 : i32
        %dma_start3A_455 = tpu.memref_slice %arg7[%dma_start3A_451, %dma_start3A_452, %dma_start3A_453, %dma_start3A_454] : memref<2x4x3x32xi32, #tpu.memory_space<vmem>> -> memref<1x4x3x32xi32, #tpu.memory_space<vmem>>
        %dma_start3A_456 = tpu.memref_squeeze %dma_start3A_455 : memref<1x4x3x32xi32, #tpu.memory_space<vmem>> -> memref<4x3x32xi32, #tpu.memory_space<vmem>>
        %dma_start3A_457 = arith.constant 0 : i32
        %dma_start3A_458 = arith.constant 0 : i32
        %dma_start3A_459 = arith.constant 0 : i32
        %dma_start3A_460 = tpu.memref_slice %arg3[%add3A, %dma_start3A_457, %dma_start3A_458, %dma_start3A_459] : memref<32x320x3x32xi32, #tpu.memory_space<hbm>> -> memref<1x320x3x32xi32, #tpu.memory_space<hbm>>
        %dma_start3A_461 = tpu.memref_squeeze %dma_start3A_460 : memref<1x320x3x32xi32, #tpu.memory_space<hbm>> -> memref<320x3x32xi32, #tpu.memory_space<hbm>>
        %dma_start3A_462 = arith.constant 0 : i32
        %dma_start3A_463 = arith.constant 0 : i32
        %dma_start3A_464 = tpu.memref_slice %dma_start3A_461[%mul3A_450, %dma_start3A_462, %dma_start3A_463] : memref<320x3x32xi32, #tpu.memory_space<hbm>> -> memref<4x3x32xi32, #tpu.memory_space<hbm>>
        %dma_start3A_465 = arith.constant 0 : i32
        %dma_start3A_466 = arith.constant 0 : i32
        %dma_start3A_467 = arith.constant 0 : i32
        %dma_start3A_468 = tpu.memref_slice %arg7[%dma_start3A_451, %dma_start3A_465, %dma_start3A_466, %dma_start3A_467] : memref<2x4x3x32xi32, #tpu.memory_space<vmem>> -> memref<1x4x3x32xi32, #tpu.memory_space<vmem>>
        %dma_start3A_469 = tpu.memref_squeeze %dma_start3A_468 : memref<1x4x3x32xi32, #tpu.memory_space<vmem>> -> memref<4x3x32xi32, #tpu.memory_space<vmem>>
        %dma_start3A_470 = arith.constant 0 : i32
        %dma_start3A_471 = arith.constant 0 : i32
        %dma_start3A_472 = arith.constant 0 : i32
        %dma_start3A_473 = tpu.memref_slice %arg3[%add3A, %dma_start3A_470, %dma_start3A_471, %dma_start3A_472] : memref<32x320x3x32xi32, #tpu.memory_space<hbm>> -> memref<1x320x3x32xi32, #tpu.memory_space<hbm>>
        %dma_start3A_474 = tpu.memref_squeeze %dma_start3A_473 : memref<1x320x3x32xi32, #tpu.memory_space<hbm>> -> memref<320x3x32xi32, #tpu.memory_space<hbm>>
        %dma_start3A_475 = arith.constant 0 : i32
        %dma_start3A_476 = arith.constant 0 : i32
        %dma_start3A_477 = tpu.memref_slice %dma_start3A_474[%mul3A_450, %dma_start3A_475, %dma_start3A_476] : memref<320x3x32xi32, #tpu.memory_space<hbm>> -> memref<4x3x32xi32, #tpu.memory_space<hbm>>
        tpu.enqueue_dma source(%dma_start3A_477 : memref<4x3x32xi32, #tpu.memory_space<hbm>>) target(%dma_start3A_469 : memref<4x3x32xi32, #tpu.memory_space<vmem>>) target_semaphore(%arg13 : memref<!tpu.dma_semaphore, #tpu.memory_space<semaphore_mem>>)
      } else {
      }
      %dma_start3A_188 = arith.constant 0 : i32
      %dma_start3A_189 = arith.constant 0 : i32
      %dma_start3A_190 = arith.constant 0 : i32
      %dma_start3A_191 = arith.constant 0 : i32
      %dma_start3A_192 = tpu.memref_slice %arg7[%dma_start3A_188, %dma_start3A_189, %dma_start3A_190, %dma_start3A_191] : memref<2x4x3x32xi32, #tpu.memory_space<vmem>> -> memref<1x1x1x32xi32, #tpu.memory_space<vmem>>
      %dma_start3A_193 = tpu.memref_squeeze %dma_start3A_192 : memref<1x1x1x32xi32, #tpu.memory_space<vmem>> -> memref<32xi32, #tpu.memory_space<vmem>>
      %dma_start3A_194 = arith.constant 0 : i32
      %dma_start3A_195 = arith.constant 0 : i32
      %dma_start3A_196 = tpu.memref_slice %arg2[%dma_start3A_194, %dma_start3A_195] : memref<10000x128xf32, #tpu.memory_space<hbm>> -> memref<10000x128xf32, #tpu.memory_space<hbm>>
      tpu.enqueue_indirect_dma source(%dma_start3A_196 : memref<10000x128xf32, #tpu.memory_space<hbm>>) target(%arg8 : memref<32x128xf32, #tpu.memory_space<vmem>>) offsets(%dma_start3A_193 : memref<32xi32, #tpu.memory_space<vmem>>) semaphore(%arg14 : memref<!tpu.dma_semaphore, #tpu.memory_space<semaphore_mem>>)
      %dma_start3A_197 = arith.constant 0 : i32
      %dma_start3A_198 = arith.constant 1 : i32
      %dma_start3A_199 = arith.constant 0 : i32
      %dma_start3A_200 = arith.constant 0 : i32
      %dma_start3A_201 = tpu.memref_slice %arg7[%dma_start3A_197, %dma_start3A_198, %dma_start3A_199, %dma_start3A_200] : memref<2x4x3x32xi32, #tpu.memory_space<vmem>> -> memref<1x1x1x32xi32, #tpu.memory_space<vmem>>
      %dma_start3A_202 = tpu.memref_squeeze %dma_start3A_201 : memref<1x1x1x32xi32, #tpu.memory_space<vmem>> -> memref<32xi32, #tpu.memory_space<vmem>>
      %dma_start3A_203 = arith.constant 0 : i32
      %dma_start3A_204 = arith.constant 0 : i32
      %dma_start3A_205 = tpu.memref_slice %arg2[%dma_start3A_203, %dma_start3A_204] : memref<10000x128xf32, #tpu.memory_space<hbm>> -> memref<10000x128xf32, #tpu.memory_space<hbm>>
      tpu.enqueue_indirect_dma source(%dma_start3A_205 : memref<10000x128xf32, #tpu.memory_space<hbm>>) target(%arg9 : memref<32x128xf32, #tpu.memory_space<vmem>>) offsets(%dma_start3A_202 : memref<32xi32, #tpu.memory_space<vmem>>) semaphore(%arg15 : memref<!tpu.dma_semaphore, #tpu.memory_space<semaphore_mem>>)
      %dma_start3A_206 = arith.constant 0 : i32
      %dma_start3A_207 = arith.constant 2 : i32
      %dma_start3A_208 = arith.constant 0 : i32
      %dma_start3A_209 = arith.constant 0 : i32
      %dma_start3A_210 = tpu.memref_slice %arg7[%dma_start3A_206, %dma_start3A_207, %dma_start3A_208, %dma_start3A_209] : memref<2x4x3x32xi32, #tpu.memory_space<vmem>> -> memref<1x1x1x32xi32, #tpu.memory_space<vmem>>
      %dma_start3A_211 = tpu.memref_squeeze %dma_start3A_210 : memref<1x1x1x32xi32, #tpu.memory_space<vmem>> -> memref<32xi32, #tpu.memory_space<vmem>>
      %dma_start3A_212 = arith.constant 0 : i32
      %dma_start3A_213 = arith.constant 0 : i32
      %dma_start3A_214 = tpu.memref_slice %arg2[%dma_start3A_212, %dma_start3A_213] : memref<10000x128xf32, #tpu.memory_space<hbm>> -> memref<10000x128xf32, #tpu.memory_space<hbm>>
      tpu.enqueue_indirect_dma source(%dma_start3A_214 : memref<10000x128xf32, #tpu.memory_space<hbm>>) target(%arg10 : memref<32x128xf32, #tpu.memory_space<vmem>>) offsets(%dma_start3A_211 : memref<32xi32, #tpu.memory_space<vmem>>) semaphore(%arg16 : memref<!tpu.dma_semaphore, #tpu.memory_space<semaphore_mem>>)
      %dma_start3A_215 = arith.constant 0 : i32
      %dma_start3A_216 = arith.constant 3 : i32
      %dma_start3A_217 = arith.constant 0 : i32
      %dma_start3A_218 = arith.constant 0 : i32
      %dma_start3A_219 = tpu.memref_slice %arg7[%dma_start3A_215, %dma_start3A_216, %dma_start3A_217, %dma_start3A_218] : memref<2x4x3x32xi32, #tpu.memory_space<vmem>> -> memref<1x1x1x32xi32, #tpu.memory_space<vmem>>
      %dma_start3A_220 = tpu.memref_squeeze %dma_start3A_219 : memref<1x1x1x32xi32, #tpu.memory_space<vmem>> -> memref<32xi32, #tpu.memory_space<vmem>>
      %dma_start3A_221 = arith.constant 0 : i32
      %dma_start3A_222 = arith.constant 0 : i32
      %dma_start3A_223 = tpu.memref_slice %arg2[%dma_start3A_221, %dma_start3A_222] : memref<10000x128xf32, #tpu.memory_space<hbm>> -> memref<10000x128xf32, #tpu.memory_space<hbm>>
      tpu.enqueue_indirect_dma source(%dma_start3A_223 : memref<10000x128xf32, #tpu.memory_space<hbm>>) target(%arg11 : memref<32x128xf32, #tpu.memory_space<vmem>>) offsets(%dma_start3A_220 : memref<32xi32, #tpu.memory_space<vmem>>) semaphore(%arg17 : memref<!tpu.dma_semaphore, #tpu.memory_space<semaphore_mem>>)
      %dma_wait3A_224 = arith.constant 0 : i32
      %dma_wait3A_225 = arith.constant 0 : i32
      %dma_wait3A_226 = arith.constant 0 : i32
      %dma_wait3A_227 = arith.constant 0 : i32
      %dma_wait3A_228 = tpu.memref_slice %arg7[%dma_wait3A_224, %dma_wait3A_225, %dma_wait3A_226, %dma_wait3A_227] : memref<2x4x3x32xi32, #tpu.memory_space<vmem>> -> memref<1x1x1x32xi32, #tpu.memory_space<vmem>>
      %dma_wait3A_229 = tpu.memref_squeeze %dma_wait3A_228 : memref<1x1x1x32xi32, #tpu.memory_space<vmem>> -> memref<32xi32, #tpu.memory_space<vmem>>
      %dma_wait3A_230 = arith.constant 0 : i32
      %dma_wait3A_231 = arith.constant 0 : i32
      %dma_wait3A_232 = tpu.memref_slice %arg2[%dma_wait3A_230, %dma_wait3A_231] : memref<10000x128xf32, #tpu.memory_space<hbm>> -> memref<10000x128xf32, #tpu.memory_space<hbm>>
      tpu.wait_indirect_dma semaphore(%arg14 : memref<!tpu.dma_semaphore, #tpu.memory_space<semaphore_mem>>) src(%dma_wait3A_232 : memref<10000x128xf32, #tpu.memory_space<hbm>>) dst(%arg8 : memref<32x128xf32, #tpu.memory_space<vmem>>)
      %dma_start3A_233 = arith.constant 0 : i32
      %dma_start3A_234 = arith.constant 0 : i32
      %dma_start3A_235 = arith.constant 1 : i32
      %dma_start3A_236 = arith.constant 0 : i32
      %dma_start3A_237 = tpu.memref_slice %arg7[%dma_start3A_233, %dma_start3A_234, %dma_start3A_235, %dma_start3A_236] : memref<2x4x3x32xi32, #tpu.memory_space<vmem>> -> memref<1x1x1x32xi32, #tpu.memory_space<vmem>>
      %dma_start3A_238 = tpu.memref_squeeze %dma_start3A_237 : memref<1x1x1x32xi32, #tpu.memory_space<vmem>> -> memref<32xi32, #tpu.memory_space<vmem>>
      %dma_start3A_239 = arith.constant 0 : i32
      %dma_start3A_240 = arith.constant 0 : i32
      %dma_start3A_241 = tpu.memref_slice %arg22[%dma_start3A_239, %dma_start3A_240] : memref<5248x128xf32, #tpu.memory_space<vmem_shared>> -> memref<5248x128xf32, #tpu.memory_space<vmem_shared>>
      tpu.enqueue_indirect_dma source(%arg8 : memref<32x128xf32, #tpu.memory_space<vmem>>) target(%dma_start3A_241 : memref<5248x128xf32, #tpu.memory_space<vmem_shared>>) offsets(%dma_start3A_238 : memref<32xi32, #tpu.memory_space<vmem>>) semaphore(%arg18 : memref<!tpu.dma_semaphore, #tpu.memory_space<semaphore_mem>>) {add = true}
      %dma_wait3A_242 = arith.constant 0 : i32
      %dma_wait3A_243 = arith.constant 1 : i32
      %dma_wait3A_244 = arith.constant 0 : i32
      %dma_wait3A_245 = arith.constant 0 : i32
      %dma_wait3A_246 = tpu.memref_slice %arg7[%dma_wait3A_242, %dma_wait3A_243, %dma_wait3A_244, %dma_wait3A_245] : memref<2x4x3x32xi32, #tpu.memory_space<vmem>> -> memref<1x1x1x32xi32, #tpu.memory_space<vmem>>
      %dma_wait3A_247 = tpu.memref_squeeze %dma_wait3A_246 : memref<1x1x1x32xi32, #tpu.memory_space<vmem>> -> memref<32xi32, #tpu.memory_space<vmem>>
      %dma_wait3A_248 = arith.constant 0 : i32
      %dma_wait3A_249 = arith.constant 0 : i32
      %dma_wait3A_250 = tpu.memref_slice %arg2[%dma_wait3A_248, %dma_wait3A_249] : memref<10000x128xf32, #tpu.memory_space<hbm>> -> memref<10000x128xf32, #tpu.memory_space<hbm>>
      tpu.wait_indirect_dma semaphore(%arg15 : memref<!tpu.dma_semaphore, #tpu.memory_space<semaphore_mem>>) src(%dma_wait3A_250 : memref<10000x128xf32, #tpu.memory_space<hbm>>) dst(%arg9 : memref<32x128xf32, #tpu.memory_space<vmem>>)
      %dma_start3A_251 = arith.constant 0 : i32
      %dma_start3A_252 = arith.constant 1 : i32
      %dma_start3A_253 = arith.constant 1 : i32
      %dma_start3A_254 = arith.constant 0 : i32
      %dma_start3A_255 = tpu.memref_slice %arg7[%dma_start3A_251, %dma_start3A_252, %dma_start3A_253, %dma_start3A_254] : memref<2x4x3x32xi32, #tpu.memory_space<vmem>> -> memref<1x1x1x32xi32, #tpu.memory_space<vmem>>
      %dma_start3A_256 = tpu.memref_squeeze %dma_start3A_255 : memref<1x1x1x32xi32, #tpu.memory_space<vmem>> -> memref<32xi32, #tpu.memory_space<vmem>>
      %dma_start3A_257 = arith.constant 0 : i32
      %dma_start3A_258 = arith.constant 0 : i32
      %dma_start3A_259 = tpu.memref_slice %arg22[%dma_start3A_257, %dma_start3A_258] : memref<5248x128xf32, #tpu.memory_space<vmem_shared>> -> memref<5248x128xf32, #tpu.memory_space<vmem_shared>>
      tpu.enqueue_indirect_dma source(%arg9 : memref<32x128xf32, #tpu.memory_space<vmem>>) target(%dma_start3A_259 : memref<5248x128xf32, #tpu.memory_space<vmem_shared>>) offsets(%dma_start3A_256 : memref<32xi32, #tpu.memory_space<vmem>>) semaphore(%arg19 : memref<!tpu.dma_semaphore, #tpu.memory_space<semaphore_mem>>) {add = true}
      %dma_wait3A_260 = arith.constant 0 : i32
      %dma_wait3A_261 = arith.constant 2 : i32
      %dma_wait3A_262 = arith.constant 0 : i32
      %dma_wait3A_263 = arith.constant 0 : i32
      %dma_wait3A_264 = tpu.memref_slice %arg7[%dma_wait3A_260, %dma_wait3A_261, %dma_wait3A_262, %dma_wait3A_263] : memref<2x4x3x32xi32, #tpu.memory_space<vmem>> -> memref<1x1x1x32xi32, #tpu.memory_space<vmem>>
      %dma_wait3A_265 = tpu.memref_squeeze %dma_wait3A_264 : memref<1x1x1x32xi32, #tpu.memory_space<vmem>> -> memref<32xi32, #tpu.memory_space<vmem>>
      %dma_wait3A_266 = arith.constant 0 : i32
      %dma_wait3A_267 = arith.constant 0 : i32
      %dma_wait3A_268 = tpu.memref_slice %arg2[%dma_wait3A_266, %dma_wait3A_267] : memref<10000x128xf32, #tpu.memory_space<hbm>> -> memref<10000x128xf32, #tpu.memory_space<hbm>>
      tpu.wait_indirect_dma semaphore(%arg16 : memref<!tpu.dma_semaphore, #tpu.memory_space<semaphore_mem>>) src(%dma_wait3A_268 : memref<10000x128xf32, #tpu.memory_space<hbm>>) dst(%arg10 : memref<32x128xf32, #tpu.memory_space<vmem>>)
      %dma_start3A_269 = arith.constant 0 : i32
      %dma_start3A_270 = arith.constant 2 : i32
      %dma_start3A_271 = arith.constant 1 : i32
      %dma_start3A_272 = arith.constant 0 : i32
      %dma_start3A_273 = tpu.memref_slice %arg7[%dma_start3A_269, %dma_start3A_270, %dma_start3A_271, %dma_start3A_272] : memref<2x4x3x32xi32, #tpu.memory_space<vmem>> -> memref<1x1x1x32xi32, #tpu.memory_space<vmem>>
      %dma_start3A_274 = tpu.memref_squeeze %dma_start3A_273 : memref<1x1x1x32xi32, #tpu.memory_space<vmem>> -> memref<32xi32, #tpu.memory_space<vmem>>
      %dma_start3A_275 = arith.constant 0 : i32
      %dma_start3A_276 = arith.constant 0 : i32
      %dma_start3A_277 = tpu.memref_slice %arg22[%dma_start3A_275, %dma_start3A_276] : memref<5248x128xf32, #tpu.memory_space<vmem_shared>> -> memref<5248x128xf32, #tpu.memory_space<vmem_shared>>
      tpu.enqueue_indirect_dma source(%arg10 : memref<32x128xf32, #tpu.memory_space<vmem>>) target(%dma_start3A_277 : memref<5248x128xf32, #tpu.memory_space<vmem_shared>>) offsets(%dma_start3A_274 : memref<32xi32, #tpu.memory_space<vmem>>) semaphore(%arg20 : memref<!tpu.dma_semaphore, #tpu.memory_space<semaphore_mem>>) {add = true}
      %dma_wait3A_278 = arith.constant 0 : i32
      %dma_wait3A_279 = arith.constant 3 : i32
      %dma_wait3A_280 = arith.constant 0 : i32
      %dma_wait3A_281 = arith.constant 0 : i32
      %dma_wait3A_282 = tpu.memref_slice %arg7[%dma_wait3A_278, %dma_wait3A_279, %dma_wait3A_280, %dma_wait3A_281] : memref<2x4x3x32xi32, #tpu.memory_space<vmem>> -> memref<1x1x1x32xi32, #tpu.memory_space<vmem>>
      %dma_wait3A_283 = tpu.memref_squeeze %dma_wait3A_282 : memref<1x1x1x32xi32, #tpu.memory_space<vmem>> -> memref<32xi32, #tpu.memory_space<vmem>>
      %dma_wait3A_284 = arith.constant 0 : i32
      %dma_wait3A_285 = arith.constant 0 : i32
      %dma_wait3A_286 = tpu.memref_slice %arg2[%dma_wait3A_284, %dma_wait3A_285] : memref<10000x128xf32, #tpu.memory_space<hbm>> -> memref<10000x128xf32, #tpu.memory_space<hbm>>
      tpu.wait_indirect_dma semaphore(%arg17 : memref<!tpu.dma_semaphore, #tpu.memory_space<semaphore_mem>>) src(%dma_wait3A_286 : memref<10000x128xf32, #tpu.memory_space<hbm>>) dst(%arg11 : memref<32x128xf32, #tpu.memory_space<vmem>>)
      %dma_start3A_287 = arith.constant 0 : i32
      %dma_start3A_288 = arith.constant 3 : i32
      %dma_start3A_289 = arith.constant 1 : i32
      %dma_start3A_290 = arith.constant 0 : i32
      %dma_start3A_291 = tpu.memref_slice %arg7[%dma_start3A_287, %dma_start3A_288, %dma_start3A_289, %dma_start3A_290] : memref<2x4x3x32xi32, #tpu.memory_space<vmem>> -> memref<1x1x1x32xi32, #tpu.memory_space<vmem>>
      %dma_start3A_292 = tpu.memref_squeeze %dma_start3A_291 : memref<1x1x1x32xi32, #tpu.memory_space<vmem>> -> memref<32xi32, #tpu.memory_space<vmem>>
      %dma_start3A_293 = arith.constant 0 : i32
      %dma_start3A_294 = arith.constant 0 : i32
      %dma_start3A_295 = tpu.memref_slice %arg22[%dma_start3A_293, %dma_start3A_294] : memref<5248x128xf32, #tpu.memory_space<vmem_shared>> -> memref<5248x128xf32, #tpu.memory_space<vmem_shared>>
      tpu.enqueue_indirect_dma source(%arg11 : memref<32x128xf32, #tpu.memory_space<vmem>>) target(%dma_start3A_295 : memref<5248x128xf32, #tpu.memory_space<vmem_shared>>) offsets(%dma_start3A_292 : memref<32xi32, #tpu.memory_space<vmem>>) semaphore(%arg21 : memref<!tpu.dma_semaphore, #tpu.memory_space<semaphore_mem>>) {add = true}
      %add3A_296 = arith.constant 1 : i32
      %add3A_297 = arith.addi %add3A_148, %add3A_296 : i32
      %mul3A_298 = arith.constant 4 : i32
      %mul3A_299 = arith.muli %add3A_297, %mul3A_298 : i32
      %dma_wait3A_300 = arith.constant 1 : i32
      %dma_wait3A_301 = arith.constant 0 : i32
      %dma_wait3A_302 = arith.constant 0 : i32
      %dma_wait3A_303 = arith.constant 0 : i32
      %dma_wait3A_304 = tpu.memref_slice %arg7[%dma_wait3A_300, %dma_wait3A_301, %dma_wait3A_302, %dma_wait3A_303] : memref<2x4x3x32xi32, #tpu.memory_space<vmem>> -> memref<1x4x3x32xi32, #tpu.memory_space<vmem>>
      %dma_wait3A_305 = tpu.memref_squeeze %dma_wait3A_304 : memref<1x4x3x32xi32, #tpu.memory_space<vmem>> -> memref<4x3x32xi32, #tpu.memory_space<vmem>>
      %dma_wait3A_306 = arith.constant 0 : i32
      %dma_wait3A_307 = arith.constant 0 : i32
      %dma_wait3A_308 = arith.constant 0 : i32
      %dma_wait3A_309 = tpu.memref_slice %arg3[%add3A, %dma_wait3A_306, %dma_wait3A_307, %dma_wait3A_308] : memref<32x320x3x32xi32, #tpu.memory_space<hbm>> -> memref<1x320x3x32xi32, #tpu.memory_space<hbm>>
      %dma_wait3A_310 = tpu.memref_squeeze %dma_wait3A_309 : memref<1x320x3x32xi32, #tpu.memory_space<hbm>> -> memref<320x3x32xi32, #tpu.memory_space<hbm>>
      %dma_wait3A_311 = arith.constant 0 : i32
      %dma_wait3A_312 = arith.constant 0 : i32
      %dma_wait3A_313 = tpu.memref_slice %dma_wait3A_310[%mul3A_299, %dma_wait3A_311, %dma_wait3A_312] : memref<320x3x32xi32, #tpu.memory_space<hbm>> -> memref<4x3x32xi32, #tpu.memory_space<hbm>>
      %dma_wait3A_314 = arith.constant 0 : i32
      %dma_wait3A_315 = arith.constant 0 : i32
      %dma_wait3A_316 = arith.constant 0 : i32
      %dma_wait3A_317 = tpu.memref_slice %arg7[%dma_wait3A_300, %dma_wait3A_314, %dma_wait3A_315, %dma_wait3A_316] : memref<2x4x3x32xi32, #tpu.memory_space<vmem>> -> memref<1x4x3x32xi32, #tpu.memory_space<vmem>>
      %dma_wait3A_318 = tpu.memref_squeeze %dma_wait3A_317 : memref<1x4x3x32xi32, #tpu.memory_space<vmem>> -> memref<4x3x32xi32, #tpu.memory_space<vmem>>
      %dma_wait3A_319 = arith.constant 0 : i32
      %dma_wait3A_320 = arith.constant 0 : i32
      %dma_wait3A_321 = arith.constant 0 : i32
      %dma_wait3A_322 = tpu.memref_slice %arg3[%add3A, %dma_wait3A_319, %dma_wait3A_320, %dma_wait3A_321] : memref<32x320x3x32xi32, #tpu.memory_space<hbm>> -> memref<1x320x3x32xi32, #tpu.memory_space<hbm>>
      %dma_wait3A_323 = tpu.memref_squeeze %dma_wait3A_322 : memref<1x320x3x32xi32, #tpu.memory_space<hbm>> -> memref<320x3x32xi32, #tpu.memory_space<hbm>>
      %dma_wait3A_324 = arith.constant 0 : i32
      %dma_wait3A_325 = arith.constant 0 : i32
      %dma_wait3A_326 = tpu.memref_slice %dma_wait3A_323[%mul3A_299, %dma_wait3A_324, %dma_wait3A_325] : memref<320x3x32xi32, #tpu.memory_space<hbm>> -> memref<4x3x32xi32, #tpu.memory_space<hbm>>
      tpu.wait_dma2 semaphore(%arg13 : memref<!tpu.dma_semaphore, #tpu.memory_space<semaphore_mem>>) src(%dma_wait3A_326 : memref<4x3x32xi32, #tpu.memory_space<hbm>>) dst(%dma_wait3A_318 : memref<4x3x32xi32, #tpu.memory_space<vmem>>)
      %gt3A_327 = arith.constant 0 : i32
      %gt3A_328 = arith.cmpi sgt, %add3A_297, %gt3A_327 : i32
      %convert_element_type3A_329 = arith.extui %gt3A_328 : i1 to i32
      %cond3A_330 = arith.constant 0 : i32
      %cond3A_331 = arith.cmpi ne, %convert_element_type3A_329, %cond3A_330 : i32
      scf.if %cond3A_331 {
        %dma_wait3A_447 = arith.constant 0 : i32
        %dma_wait3A_448 = arith.constant 0 : i32
        %dma_wait3A_449 = arith.constant 1 : i32
        %dma_wait3A_450 = arith.constant 0 : i32
        %dma_wait3A_451 = tpu.memref_slice %arg7[%dma_wait3A_447, %dma_wait3A_448, %dma_wait3A_449, %dma_wait3A_450] : memref<2x4x3x32xi32, #tpu.memory_space<vmem>> -> memref<1x1x1x32xi32, #tpu.memory_space<vmem>>
        %dma_wait3A_452 = tpu.memref_squeeze %dma_wait3A_451 : memref<1x1x1x32xi32, #tpu.memory_space<vmem>> -> memref<32xi32, #tpu.memory_space<vmem>>
        %dma_wait3A_453 = arith.constant 0 : i32
        %dma_wait3A_454 = arith.constant 0 : i32
        %dma_wait3A_455 = tpu.memref_slice %arg22[%dma_wait3A_453, %dma_wait3A_454] : memref<5248x128xf32, #tpu.memory_space<vmem_shared>> -> memref<5248x128xf32, #tpu.memory_space<vmem_shared>>
        tpu.wait_indirect_dma semaphore(%arg18 : memref<!tpu.dma_semaphore, #tpu.memory_space<semaphore_mem>>) src(%arg8 : memref<32x128xf32, #tpu.memory_space<vmem>>) dst(%dma_wait3A_455 : memref<5248x128xf32, #tpu.memory_space<vmem_shared>>)
        %dma_wait3A_456 = arith.constant 0 : i32
        %dma_wait3A_457 = arith.constant 1 : i32
        %dma_wait3A_458 = arith.constant 1 : i32
        %dma_wait3A_459 = arith.constant 0 : i32
        %dma_wait3A_460 = tpu.memref_slice %arg7[%dma_wait3A_456, %dma_wait3A_457, %dma_wait3A_458, %dma_wait3A_459] : memref<2x4x3x32xi32, #tpu.memory_space<vmem>> -> memref<1x1x1x32xi32, #tpu.memory_space<vmem>>
        %dma_wait3A_461 = tpu.memref_squeeze %dma_wait3A_460 : memref<1x1x1x32xi32, #tpu.memory_space<vmem>> -> memref<32xi32, #tpu.memory_space<vmem>>
        %dma_wait3A_462 = arith.constant 0 : i32
        %dma_wait3A_463 = arith.constant 0 : i32
        %dma_wait3A_464 = tpu.memref_slice %arg22[%dma_wait3A_462, %dma_wait3A_463] : memref<5248x128xf32, #tpu.memory_space<vmem_shared>> -> memref<5248x128xf32, #tpu.memory_space<vmem_shared>>
        tpu.wait_indirect_dma semaphore(%arg19 : memref<!tpu.dma_semaphore, #tpu.memory_space<semaphore_mem>>) src(%arg9 : memref<32x128xf32, #tpu.memory_space<vmem>>) dst(%dma_wait3A_464 : memref<5248x128xf32, #tpu.memory_space<vmem_shared>>)
        %dma_wait3A_465 = arith.constant 0 : i32
        %dma_wait3A_466 = arith.constant 2 : i32
        %dma_wait3A_467 = arith.constant 1 : i32
        %dma_wait3A_468 = arith.constant 0 : i32
        %dma_wait3A_469 = tpu.memref_slice %arg7[%dma_wait3A_465, %dma_wait3A_466, %dma_wait3A_467, %dma_wait3A_468] : memref<2x4x3x32xi32, #tpu.memory_space<vmem>> -> memref<1x1x1x32xi32, #tpu.memory_space<vmem>>
        %dma_wait3A_470 = tpu.memref_squeeze %dma_wait3A_469 : memref<1x1x1x32xi32, #tpu.memory_space<vmem>> -> memref<32xi32, #tpu.memory_space<vmem>>
        %dma_wait3A_471 = arith.constant 0 : i32
        %dma_wait3A_472 = arith.constant 0 : i32
        %dma_wait3A_473 = tpu.memref_slice %arg22[%dma_wait3A_471, %dma_wait3A_472] : memref<5248x128xf32, #tpu.memory_space<vmem_shared>> -> memref<5248x128xf32, #tpu.memory_space<vmem_shared>>
        tpu.wait_indirect_dma semaphore(%arg20 : memref<!tpu.dma_semaphore, #tpu.memory_space<semaphore_mem>>) src(%arg10 : memref<32x128xf32, #tpu.memory_space<vmem>>) dst(%dma_wait3A_473 : memref<5248x128xf32, #tpu.memory_space<vmem_shared>>)
        %dma_wait3A_474 = arith.constant 0 : i32
        %dma_wait3A_475 = arith.constant 3 : i32
        %dma_wait3A_476 = arith.constant 1 : i32
        %dma_wait3A_477 = arith.constant 0 : i32
        %dma_wait3A_478 = tpu.memref_slice %arg7[%dma_wait3A_474, %dma_wait3A_475, %dma_wait3A_476, %dma_wait3A_477] : memref<2x4x3x32xi32, #tpu.memory_space<vmem>> -> memref<1x1x1x32xi32, #tpu.memory_space<vmem>>
        %dma_wait3A_479 = tpu.memref_squeeze %dma_wait3A_478 : memref<1x1x1x32xi32, #tpu.memory_space<vmem>> -> memref<32xi32, #tpu.memory_space<vmem>>
        %dma_wait3A_480 = arith.constant 0 : i32
        %dma_wait3A_481 = arith.constant 0 : i32
        %dma_wait3A_482 = tpu.memref_slice %arg22[%dma_wait3A_480, %dma_wait3A_481] : memref<5248x128xf32, #tpu.memory_space<vmem_shared>> -> memref<5248x128xf32, #tpu.memory_space<vmem_shared>>
        tpu.wait_indirect_dma semaphore(%arg21 : memref<!tpu.dma_semaphore, #tpu.memory_space<semaphore_mem>>) src(%arg11 : memref<32x128xf32, #tpu.memory_space<vmem>>) dst(%dma_wait3A_482 : memref<5248x128xf32, #tpu.memory_space<vmem_shared>>)
      } else {
      }
      %add3A_332 = arith.constant 1 : i32
      %add3A_333 = arith.addi %add3A_297, %add3A_332 : i32
      %lt3A_334 = arith.constant 80 : i32
      %lt3A_335 = arith.cmpi slt, %add3A_333, %lt3A_334 : i32
      %convert_element_type3A_336 = arith.extui %lt3A_335 : i1 to i32
      %cond3A_337 = arith.constant 0 : i32
      %cond3A_338 = arith.cmpi ne, %convert_element_type3A_336, %cond3A_337 : i32
      scf.if %cond3A_338 {
        %add3A_447 = arith.constant 1 : i32
        %add3A_448 = arith.addi %add3A_297, %add3A_447 : i32
        %mul3A_449 = arith.constant 4 : i32
        %mul3A_450 = arith.muli %add3A_448, %mul3A_449 : i32
        %dma_start3A_451 = arith.constant 0 : i32
        %dma_start3A_452 = arith.constant 0 : i32
        %dma_start3A_453 = arith.constant 0 : i32
        %dma_start3A_454 = arith.constant 0 : i32
        %dma_start3A_455 = tpu.memref_slice %arg7[%dma_start3A_451, %dma_start3A_452, %dma_start3A_453, %dma_start3A_454] : memref<2x4x3x32xi32, #tpu.memory_space<vmem>> -> memref<1x4x3x32xi32, #tpu.memory_space<vmem>>
        %dma_start3A_456 = tpu.memref_squeeze %dma_start3A_455 : memref<1x4x3x32xi32, #tpu.memory_space<vmem>> -> memref<4x3x32xi32, #tpu.memory_space<vmem>>
        %dma_start3A_457 = arith.constant 0 : i32
        %dma_start3A_458 = arith.constant 0 : i32
        %dma_start3A_459 = arith.constant 0 : i32
        %dma_start3A_460 = tpu.memref_slice %arg3[%add3A, %dma_start3A_457, %dma_start3A_458, %dma_start3A_459] : memref<32x320x3x32xi32, #tpu.memory_space<hbm>> -> memref<1x320x3x32xi32, #tpu.memory_space<hbm>>
        %dma_start3A_461 = tpu.memref_squeeze %dma_start3A_460 : memref<1x320x3x32xi32, #tpu.memory_space<hbm>> -> memref<320x3x32xi32, #tpu.memory_space<hbm>>
        %dma_start3A_462 = arith.constant 0 : i32
        %dma_start3A_463 = arith.constant 0 : i32
        %dma_start3A_464 = tpu.memref_slice %dma_start3A_461[%mul3A_450, %dma_start3A_462, %dma_start3A_463] : memref<320x3x32xi32, #tpu.memory_space<hbm>> -> memref<4x3x32xi32, #tpu.memory_space<hbm>>
        %dma_start3A_465 = arith.constant 0 : i32
        %dma_start3A_466 = arith.constant 0 : i32
        %dma_start3A_467 = arith.constant 0 : i32
        %dma_start3A_468 = tpu.memref_slice %arg7[%dma_start3A_451, %dma_start3A_465, %dma_start3A_466, %dma_start3A_467] : memref<2x4x3x32xi32, #tpu.memory_space<vmem>> -> memref<1x4x3x32xi32, #tpu.memory_space<vmem>>
        %dma_start3A_469 = tpu.memref_squeeze %dma_start3A_468 : memref<1x4x3x32xi32, #tpu.memory_space<vmem>> -> memref<4x3x32xi32, #tpu.memory_space<vmem>>
        %dma_start3A_470 = arith.constant 0 : i32
        %dma_start3A_471 = arith.constant 0 : i32
        %dma_start3A_472 = arith.constant 0 : i32
        %dma_start3A_473 = tpu.memref_slice %arg3[%add3A, %dma_start3A_470, %dma_start3A_471, %dma_start3A_472] : memref<32x320x3x32xi32, #tpu.memory_space<hbm>> -> memref<1x320x3x32xi32, #tpu.memory_space<hbm>>
        %dma_start3A_474 = tpu.memref_squeeze %dma_start3A_473 : memref<1x320x3x32xi32, #tpu.memory_space<hbm>> -> memref<320x3x32xi32, #tpu.memory_space<hbm>>
        %dma_start3A_475 = arith.constant 0 : i32
        %dma_start3A_476 = arith.constant 0 : i32
        %dma_start3A_477 = tpu.memref_slice %dma_start3A_474[%mul3A_450, %dma_start3A_475, %dma_start3A_476] : memref<320x3x32xi32, #tpu.memory_space<hbm>> -> memref<4x3x32xi32, #tpu.memory_space<hbm>>
        tpu.enqueue_dma source(%dma_start3A_477 : memref<4x3x32xi32, #tpu.memory_space<hbm>>) target(%dma_start3A_469 : memref<4x3x32xi32, #tpu.memory_space<vmem>>) target_semaphore(%arg12 : memref<!tpu.dma_semaphore, #tpu.memory_space<semaphore_mem>>)
      } else {
      }
      %dma_start3A_339 = arith.constant 1 : i32
      %dma_start3A_340 = arith.constant 0 : i32
      %dma_start3A_341 = arith.constant 0 : i32
      %dma_start3A_342 = arith.constant 0 : i32
      %dma_start3A_343 = tpu.memref_slice %arg7[%dma_start3A_339, %dma_start3A_340, %dma_start3A_341, %dma_start3A_342] : memref<2x4x3x32xi32, #tpu.memory_space<vmem>> -> memref<1x1x1x32xi32, #tpu.memory_space<vmem>>
      %dma_start3A_344 = tpu.memref_squeeze %dma_start3A_343 : memref<1x1x1x32xi32, #tpu.memory_space<vmem>> -> memref<32xi32, #tpu.memory_space<vmem>>
      %dma_start3A_345 = arith.constant 0 : i32
      %dma_start3A_346 = arith.constant 0 : i32
      %dma_start3A_347 = tpu.memref_slice %arg2[%dma_start3A_345, %dma_start3A_346] : memref<10000x128xf32, #tpu.memory_space<hbm>> -> memref<10000x128xf32, #tpu.memory_space<hbm>>
      tpu.enqueue_indirect_dma source(%dma_start3A_347 : memref<10000x128xf32, #tpu.memory_space<hbm>>) target(%arg8 : memref<32x128xf32, #tpu.memory_space<vmem>>) offsets(%dma_start3A_344 : memref<32xi32, #tpu.memory_space<vmem>>) semaphore(%arg14 : memref<!tpu.dma_semaphore, #tpu.memory_space<semaphore_mem>>)
      %dma_start3A_348 = arith.constant 1 : i32
      %dma_start3A_349 = arith.constant 1 : i32
      %dma_start3A_350 = arith.constant 0 : i32
      %dma_start3A_351 = arith.constant 0 : i32
      %dma_start3A_352 = tpu.memref_slice %arg7[%dma_start3A_348, %dma_start3A_349, %dma_start3A_350, %dma_start3A_351] : memref<2x4x3x32xi32, #tpu.memory_space<vmem>> -> memref<1x1x1x32xi32, #tpu.memory_space<vmem>>
      %dma_start3A_353 = tpu.memref_squeeze %dma_start3A_352 : memref<1x1x1x32xi32, #tpu.memory_space<vmem>> -> memref<32xi32, #tpu.memory_space<vmem>>
      %dma_start3A_354 = arith.constant 0 : i32
      %dma_start3A_355 = arith.constant 0 : i32
      %dma_start3A_356 = tpu.memref_slice %arg2[%dma_start3A_354, %dma_start3A_355] : memref<10000x128xf32, #tpu.memory_space<hbm>> -> memref<10000x128xf32, #tpu.memory_space<hbm>>
      tpu.enqueue_indirect_dma source(%dma_start3A_356 : memref<10000x128xf32, #tpu.memory_space<hbm>>) target(%arg9 : memref<32x128xf32, #tpu.memory_space<vmem>>) offsets(%dma_start3A_353 : memref<32xi32, #tpu.memory_space<vmem>>) semaphore(%arg15 : memref<!tpu.dma_semaphore, #tpu.memory_space<semaphore_mem>>)
      %dma_start3A_357 = arith.constant 1 : i32
      %dma_start3A_358 = arith.constant 2 : i32
      %dma_start3A_359 = arith.constant 0 : i32
      %dma_start3A_360 = arith.constant 0 : i32
      %dma_start3A_361 = tpu.memref_slice %arg7[%dma_start3A_357, %dma_start3A_358, %dma_start3A_359, %dma_start3A_360] : memref<2x4x3x32xi32, #tpu.memory_space<vmem>> -> memref<1x1x1x32xi32, #tpu.memory_space<vmem>>
      %dma_start3A_362 = tpu.memref_squeeze %dma_start3A_361 : memref<1x1x1x32xi32, #tpu.memory_space<vmem>> -> memref<32xi32, #tpu.memory_space<vmem>>
      %dma_start3A_363 = arith.constant 0 : i32
      %dma_start3A_364 = arith.constant 0 : i32
      %dma_start3A_365 = tpu.memref_slice %arg2[%dma_start3A_363, %dma_start3A_364] : memref<10000x128xf32, #tpu.memory_space<hbm>> -> memref<10000x128xf32, #tpu.memory_space<hbm>>
      tpu.enqueue_indirect_dma source(%dma_start3A_365 : memref<10000x128xf32, #tpu.memory_space<hbm>>) target(%arg10 : memref<32x128xf32, #tpu.memory_space<vmem>>) offsets(%dma_start3A_362 : memref<32xi32, #tpu.memory_space<vmem>>) semaphore(%arg16 : memref<!tpu.dma_semaphore, #tpu.memory_space<semaphore_mem>>)
      %dma_start3A_366 = arith.constant 1 : i32
      %dma_start3A_367 = arith.constant 3 : i32
      %dma_start3A_368 = arith.constant 0 : i32
      %dma_start3A_369 = arith.constant 0 : i32
      %dma_start3A_370 = tpu.memref_slice %arg7[%dma_start3A_366, %dma_start3A_367, %dma_start3A_368, %dma_start3A_369] : memref<2x4x3x32xi32, #tpu.memory_space<vmem>> -> memref<1x1x1x32xi32, #tpu.memory_space<vmem>>
      %dma_start3A_371 = tpu.memref_squeeze %dma_start3A_370 : memref<1x1x1x32xi32, #tpu.memory_space<vmem>> -> memref<32xi32, #tpu.memory_space<vmem>>
      %dma_start3A_372 = arith.constant 0 : i32
      %dma_start3A_373 = arith.constant 0 : i32
      %dma_start3A_374 = tpu.memref_slice %arg2[%dma_start3A_372, %dma_start3A_373] : memref<10000x128xf32, #tpu.memory_space<hbm>> -> memref<10000x128xf32, #tpu.memory_space<hbm>>
      tpu.enqueue_indirect_dma source(%dma_start3A_374 : memref<10000x128xf32, #tpu.memory_space<hbm>>) target(%arg11 : memref<32x128xf32, #tpu.memory_space<vmem>>) offsets(%dma_start3A_371 : memref<32xi32, #tpu.memory_space<vmem>>) semaphore(%arg17 : memref<!tpu.dma_semaphore, #tpu.memory_space<semaphore_mem>>)
      %dma_wait3A_375 = arith.constant 1 : i32
      %dma_wait3A_376 = arith.constant 0 : i32
      %dma_wait3A_377 = arith.constant 0 : i32
      %dma_wait3A_378 = arith.constant 0 : i32
      %dma_wait3A_379 = tpu.memref_slice %arg7[%dma_wait3A_375, %dma_wait3A_376, %dma_wait3A_377, %dma_wait3A_378] : memref<2x4x3x32xi32, #tpu.memory_space<vmem>> -> memref<1x1x1x32xi32, #tpu.memory_space<vmem>>
      %dma_wait3A_380 = tpu.memref_squeeze %dma_wait3A_379 : memref<1x1x1x32xi32, #tpu.memory_space<vmem>> -> memref<32xi32, #tpu.memory_space<vmem>>
      %dma_wait3A_381 = arith.constant 0 : i32
      %dma_wait3A_382 = arith.constant 0 : i32
      %dma_wait3A_383 = tpu.memref_slice %arg2[%dma_wait3A_381, %dma_wait3A_382] : memref<10000x128xf32, #tpu.memory_space<hbm>> -> memref<10000x128xf32, #tpu.memory_space<hbm>>
      tpu.wait_indirect_dma semaphore(%arg14 : memref<!tpu.dma_semaphore, #tpu.memory_space<semaphore_mem>>) src(%dma_wait3A_383 : memref<10000x128xf32, #tpu.memory_space<hbm>>) dst(%arg8 : memref<32x128xf32, #tpu.memory_space<vmem>>)
      %dma_start3A_384 = arith.constant 1 : i32
      %dma_start3A_385 = arith.constant 0 : i32
      %dma_start3A_386 = arith.constant 1 : i32
      %dma_start3A_387 = arith.constant 0 : i32
      %dma_start3A_388 = tpu.memref_slice %arg7[%dma_start3A_384, %dma_start3A_385, %dma_start3A_386, %dma_start3A_387] : memref<2x4x3x32xi32, #tpu.memory_space<vmem>> -> memref<1x1x1x32xi32, #tpu.memory_space<vmem>>
      %dma_start3A_389 = tpu.memref_squeeze %dma_start3A_388 : memref<1x1x1x32xi32, #tpu.memory_space<vmem>> -> memref<32xi32, #tpu.memory_space<vmem>>
      %dma_start3A_390 = arith.constant 0 : i32
      %dma_start3A_391 = arith.constant 0 : i32
      %dma_start3A_392 = tpu.memref_slice %arg22[%dma_start3A_390, %dma_start3A_391] : memref<5248x128xf32, #tpu.memory_space<vmem_shared>> -> memref<5248x128xf32, #tpu.memory_space<vmem_shared>>
      tpu.enqueue_indirect_dma source(%arg8 : memref<32x128xf32, #tpu.memory_space<vmem>>) target(%dma_start3A_392 : memref<5248x128xf32, #tpu.memory_space<vmem_shared>>) offsets(%dma_start3A_389 : memref<32xi32, #tpu.memory_space<vmem>>) semaphore(%arg18 : memref<!tpu.dma_semaphore, #tpu.memory_space<semaphore_mem>>) {add = true}
      %dma_wait3A_393 = arith.constant 1 : i32
      %dma_wait3A_394 = arith.constant 1 : i32
      %dma_wait3A_395 = arith.constant 0 : i32
      %dma_wait3A_396 = arith.constant 0 : i32
      %dma_wait3A_397 = tpu.memref_slice %arg7[%dma_wait3A_393, %dma_wait3A_394, %dma_wait3A_395, %dma_wait3A_396] : memref<2x4x3x32xi32, #tpu.memory_space<vmem>> -> memref<1x1x1x32xi32, #tpu.memory_space<vmem>>
      %dma_wait3A_398 = tpu.memref_squeeze %dma_wait3A_397 : memref<1x1x1x32xi32, #tpu.memory_space<vmem>> -> memref<32xi32, #tpu.memory_space<vmem>>
      %dma_wait3A_399 = arith.constant 0 : i32
      %dma_wait3A_400 = arith.constant 0 : i32
      %dma_wait3A_401 = tpu.memref_slice %arg2[%dma_wait3A_399, %dma_wait3A_400] : memref<10000x128xf32, #tpu.memory_space<hbm>> -> memref<10000x128xf32, #tpu.memory_space<hbm>>
      tpu.wait_indirect_dma semaphore(%arg15 : memref<!tpu.dma_semaphore, #tpu.memory_space<semaphore_mem>>) src(%dma_wait3A_401 : memref<10000x128xf32, #tpu.memory_space<hbm>>) dst(%arg9 : memref<32x128xf32, #tpu.memory_space<vmem>>)
      %dma_start3A_402 = arith.constant 1 : i32
      %dma_start3A_403 = arith.constant 1 : i32
      %dma_start3A_404 = arith.constant 1 : i32
      %dma_start3A_405 = arith.constant 0 : i32
      %dma_start3A_406 = tpu.memref_slice %arg7[%dma_start3A_402, %dma_start3A_403, %dma_start3A_404, %dma_start3A_405] : memref<2x4x3x32xi32, #tpu.memory_space<vmem>> -> memref<1x1x1x32xi32, #tpu.memory_space<vmem>>
      %dma_start3A_407 = tpu.memref_squeeze %dma_start3A_406 : memref<1x1x1x32xi32, #tpu.memory_space<vmem>> -> memref<32xi32, #tpu.memory_space<vmem>>
      %dma_start3A_408 = arith.constant 0 : i32
      %dma_start3A_409 = arith.constant 0 : i32
      %dma_start3A_410 = tpu.memref_slice %arg22[%dma_start3A_408, %dma_start3A_409] : memref<5248x128xf32, #tpu.memory_space<vmem_shared>> -> memref<5248x128xf32, #tpu.memory_space<vmem_shared>>
      tpu.enqueue_indirect_dma source(%arg9 : memref<32x128xf32, #tpu.memory_space<vmem>>) target(%dma_start3A_410 : memref<5248x128xf32, #tpu.memory_space<vmem_shared>>) offsets(%dma_start3A_407 : memref<32xi32, #tpu.memory_space<vmem>>) semaphore(%arg19 : memref<!tpu.dma_semaphore, #tpu.memory_space<semaphore_mem>>) {add = true}
      %dma_wait3A_411 = arith.constant 1 : i32
      %dma_wait3A_412 = arith.constant 2 : i32
      %dma_wait3A_413 = arith.constant 0 : i32
      %dma_wait3A_414 = arith.constant 0 : i32
      %dma_wait3A_415 = tpu.memref_slice %arg7[%dma_wait3A_411, %dma_wait3A_412, %dma_wait3A_413, %dma_wait3A_414] : memref<2x4x3x32xi32, #tpu.memory_space<vmem>> -> memref<1x1x1x32xi32, #tpu.memory_space<vmem>>
      %dma_wait3A_416 = tpu.memref_squeeze %dma_wait3A_415 : memref<1x1x1x32xi32, #tpu.memory_space<vmem>> -> memref<32xi32, #tpu.memory_space<vmem>>
      %dma_wait3A_417 = arith.constant 0 : i32
      %dma_wait3A_418 = arith.constant 0 : i32
      %dma_wait3A_419 = tpu.memref_slice %arg2[%dma_wait3A_417, %dma_wait3A_418] : memref<10000x128xf32, #tpu.memory_space<hbm>> -> memref<10000x128xf32, #tpu.memory_space<hbm>>
      tpu.wait_indirect_dma semaphore(%arg16 : memref<!tpu.dma_semaphore, #tpu.memory_space<semaphore_mem>>) src(%dma_wait3A_419 : memref<10000x128xf32, #tpu.memory_space<hbm>>) dst(%arg10 : memref<32x128xf32, #tpu.memory_space<vmem>>)
      %dma_start3A_420 = arith.constant 1 : i32
      %dma_start3A_421 = arith.constant 2 : i32
      %dma_start3A_422 = arith.constant 1 : i32
      %dma_start3A_423 = arith.constant 0 : i32
      %dma_start3A_424 = tpu.memref_slice %arg7[%dma_start3A_420, %dma_start3A_421, %dma_start3A_422, %dma_start3A_423] : memref<2x4x3x32xi32, #tpu.memory_space<vmem>> -> memref<1x1x1x32xi32, #tpu.memory_space<vmem>>
      %dma_start3A_425 = tpu.memref_squeeze %dma_start3A_424 : memref<1x1x1x32xi32, #tpu.memory_space<vmem>> -> memref<32xi32, #tpu.memory_space<vmem>>
      %dma_start3A_426 = arith.constant 0 : i32
      %dma_start3A_427 = arith.constant 0 : i32
      %dma_start3A_428 = tpu.memref_slice %arg22[%dma_start3A_426, %dma_start3A_427] : memref<5248x128xf32, #tpu.memory_space<vmem_shared>> -> memref<5248x128xf32, #tpu.memory_space<vmem_shared>>
      tpu.enqueue_indirect_dma source(%arg10 : memref<32x128xf32, #tpu.memory_space<vmem>>) target(%dma_start3A_428 : memref<5248x128xf32, #tpu.memory_space<vmem_shared>>) offsets(%dma_start3A_425 : memref<32xi32, #tpu.memory_space<vmem>>) semaphore(%arg20 : memref<!tpu.dma_semaphore, #tpu.memory_space<semaphore_mem>>) {add = true}
      %dma_wait3A_429 = arith.constant 1 : i32
      %dma_wait3A_430 = arith.constant 3 : i32
      %dma_wait3A_431 = arith.constant 0 : i32
      %dma_wait3A_432 = arith.constant 0 : i32
      %dma_wait3A_433 = tpu.memref_slice %arg7[%dma_wait3A_429, %dma_wait3A_430, %dma_wait3A_431, %dma_wait3A_432] : memref<2x4x3x32xi32, #tpu.memory_space<vmem>> -> memref<1x1x1x32xi32, #tpu.memory_space<vmem>>
      %dma_wait3A_434 = tpu.memref_squeeze %dma_wait3A_433 : memref<1x1x1x32xi32, #tpu.memory_space<vmem>> -> memref<32xi32, #tpu.memory_space<vmem>>
      %dma_wait3A_435 = arith.constant 0 : i32
      %dma_wait3A_436 = arith.constant 0 : i32
      %dma_wait3A_437 = tpu.memref_slice %arg2[%dma_wait3A_435, %dma_wait3A_436] : memref<10000x128xf32, #tpu.memory_space<hbm>> -> memref<10000x128xf32, #tpu.memory_space<hbm>>
      tpu.wait_indirect_dma semaphore(%arg17 : memref<!tpu.dma_semaphore, #tpu.memory_space<semaphore_mem>>) src(%dma_wait3A_437 : memref<10000x128xf32, #tpu.memory_space<hbm>>) dst(%arg11 : memref<32x128xf32, #tpu.memory_space<vmem>>)
      %dma_start3A_438 = arith.constant 1 : i32
      %dma_start3A_439 = arith.constant 3 : i32
      %dma_start3A_440 = arith.constant 1 : i32
      %dma_start3A_441 = arith.constant 0 : i32
      %dma_start3A_442 = tpu.memref_slice %arg7[%dma_start3A_438, %dma_start3A_439, %dma_start3A_440, %dma_start3A_441] : memref<2x4x3x32xi32, #tpu.memory_space<vmem>> -> memref<1x1x1x32xi32, #tpu.memory_space<vmem>>
      %dma_start3A_443 = tpu.memref_squeeze %dma_start3A_442 : memref<1x1x1x32xi32, #tpu.memory_space<vmem>> -> memref<32xi32, #tpu.memory_space<vmem>>
      %dma_start3A_444 = arith.constant 0 : i32
      %dma_start3A_445 = arith.constant 0 : i32
      %dma_start3A_446 = tpu.memref_slice %arg22[%dma_start3A_444, %dma_start3A_445] : memref<5248x128xf32, #tpu.memory_space<vmem_shared>> -> memref<5248x128xf32, #tpu.memory_space<vmem_shared>>
      tpu.enqueue_indirect_dma source(%arg11 : memref<32x128xf32, #tpu.memory_space<vmem>>) target(%dma_start3A_446 : memref<5248x128xf32, #tpu.memory_space<vmem_shared>>) offsets(%dma_start3A_443 : memref<32xi32, #tpu.memory_space<vmem>>) semaphore(%arg21 : memref<!tpu.dma_semaphore, #tpu.memory_space<semaphore_mem>>) {add = true}
    }
    %scan3A_34 = arith.constant 40 : i32
    %dma_wait3A = arith.constant 0 : i32
    %dma_wait3A_35 = arith.constant 0 : i32
    %dma_wait3A_36 = arith.constant 1 : i32
    %dma_wait3A_37 = arith.constant 0 : i32
    %dma_wait3A_38 = tpu.memref_slice %arg7[%dma_wait3A, %dma_wait3A_35, %dma_wait3A_36, %dma_wait3A_37] : memref<2x4x3x32xi32, #tpu.memory_space<vmem>> -> memref<1x1x1x32xi32, #tpu.memory_space<vmem>>
    %dma_wait3A_39 = tpu.memref_squeeze %dma_wait3A_38 : memref<1x1x1x32xi32, #tpu.memory_space<vmem>> -> memref<32xi32, #tpu.memory_space<vmem>>
    %dma_wait3A_40 = arith.constant 0 : i32
    %dma_wait3A_41 = arith.constant 0 : i32
    %dma_wait3A_42 = tpu.memref_slice %arg22[%dma_wait3A_40, %dma_wait3A_41] : memref<5248x128xf32, #tpu.memory_space<vmem_shared>> -> memref<5248x128xf32, #tpu.memory_space<vmem_shared>>
    tpu.wait_indirect_dma semaphore(%arg18 : memref<!tpu.dma_semaphore, #tpu.memory_space<semaphore_mem>>) src(%arg8 : memref<32x128xf32, #tpu.memory_space<vmem>>) dst(%dma_wait3A_42 : memref<5248x128xf32, #tpu.memory_space<vmem_shared>>)
    %dma_wait3A_43 = arith.constant 0 : i32
    %dma_wait3A_44 = arith.constant 1 : i32
    %dma_wait3A_45 = arith.constant 1 : i32
    %dma_wait3A_46 = arith.constant 0 : i32
    %dma_wait3A_47 = tpu.memref_slice %arg7[%dma_wait3A_43, %dma_wait3A_44, %dma_wait3A_45, %dma_wait3A_46] : memref<2x4x3x32xi32, #tpu.memory_space<vmem>> -> memref<1x1x1x32xi32, #tpu.memory_space<vmem>>
    %dma_wait3A_48 = tpu.memref_squeeze %dma_wait3A_47 : memref<1x1x1x32xi32, #tpu.memory_space<vmem>> -> memref<32xi32, #tpu.memory_space<vmem>>
    %dma_wait3A_49 = arith.constant 0 : i32
    %dma_wait3A_50 = arith.constant 0 : i32
    %dma_wait3A_51 = tpu.memref_slice %arg22[%dma_wait3A_49, %dma_wait3A_50] : memref<5248x128xf32, #tpu.memory_space<vmem_shared>> -> memref<5248x128xf32, #tpu.memory_space<vmem_shared>>
    tpu.wait_indirect_dma semaphore(%arg19 : memref<!tpu.dma_semaphore, #tpu.memory_space<semaphore_mem>>) src(%arg9 : memref<32x128xf32, #tpu.memory_space<vmem>>) dst(%dma_wait3A_51 : memref<5248x128xf32, #tpu.memory_space<vmem_shared>>)
    %dma_wait3A_52 = arith.constant 0 : i32
    %dma_wait3A_53 = arith.constant 2 : i32
    %dma_wait3A_54 = arith.constant 1 : i32
    %dma_wait3A_55 = arith.constant 0 : i32
    %dma_wait3A_56 = tpu.memref_slice %arg7[%dma_wait3A_52, %dma_wait3A_53, %dma_wait3A_54, %dma_wait3A_55] : memref<2x4x3x32xi32, #tpu.memory_space<vmem>> -> memref<1x1x1x32xi32, #tpu.memory_space<vmem>>
    %dma_wait3A_57 = tpu.memref_squeeze %dma_wait3A_56 : memref<1x1x1x32xi32, #tpu.memory_space<vmem>> -> memref<32xi32, #tpu.memory_space<vmem>>
    %dma_wait3A_58 = arith.constant 0 : i32
    %dma_wait3A_59 = arith.constant 0 : i32
    %dma_wait3A_60 = tpu.memref_slice %arg22[%dma_wait3A_58, %dma_wait3A_59] : memref<5248x128xf32, #tpu.memory_space<vmem_shared>> -> memref<5248x128xf32, #tpu.memory_space<vmem_shared>>
    tpu.wait_indirect_dma semaphore(%arg20 : memref<!tpu.dma_semaphore, #tpu.memory_space<semaphore_mem>>) src(%arg10 : memref<32x128xf32, #tpu.memory_space<vmem>>) dst(%dma_wait3A_60 : memref<5248x128xf32, #tpu.memory_space<vmem_shared>>)
    %dma_wait3A_61 = arith.constant 0 : i32
    %dma_wait3A_62 = arith.constant 3 : i32
    %dma_wait3A_63 = arith.constant 1 : i32
    %dma_wait3A_64 = arith.constant 0 : i32
    %dma_wait3A_65 = tpu.memref_slice %arg7[%dma_wait3A_61, %dma_wait3A_62, %dma_wait3A_63, %dma_wait3A_64] : memref<2x4x3x32xi32, #tpu.memory_space<vmem>> -> memref<1x1x1x32xi32, #tpu.memory_space<vmem>>
    %dma_wait3A_66 = tpu.memref_squeeze %dma_wait3A_65 : memref<1x1x1x32xi32, #tpu.memory_space<vmem>> -> memref<32xi32, #tpu.memory_space<vmem>>
    %dma_wait3A_67 = arith.constant 0 : i32
    %dma_wait3A_68 = arith.constant 0 : i32
    %dma_wait3A_69 = tpu.memref_slice %arg22[%dma_wait3A_67, %dma_wait3A_68] : memref<5248x128xf32, #tpu.memory_space<vmem_shared>> -> memref<5248x128xf32, #tpu.memory_space<vmem_shared>>
    tpu.wait_indirect_dma semaphore(%arg21 : memref<!tpu.dma_semaphore, #tpu.memory_space<semaphore_mem>>) src(%arg11 : memref<32x128xf32, #tpu.memory_space<vmem>>) dst(%dma_wait3A_69 : memref<5248x128xf32, #tpu.memory_space<vmem_shared>>)
    %barrier3A_70 = arith.constant 0 : index
    tpu.barrier barrier_id(%barrier3A_70)
    %run_scoped3A = arith.constant 0 : i32
    "tpu.region"() ({
      %run_scoped3A_144 = tpu.sem_alloc : memref<!tpu.dma_semaphore, #tpu.memory_space<semaphore_mem>>
      %dma_start3A_145 = arith.constant 0 : i32
      %dma_start3A_146 = arith.constant 0 : i32
      %dma_start3A_147 = tpu.memref_slice %arg6[%arg0, %run_scoped3A, %dma_start3A_145, %dma_start3A_146] : memref<2x2x5248x128xf32, #tpu.memory_space<hbm>> -> memref<1x1x5248x128xf32, #tpu.memory_space<hbm>>
      %dma_start3A_148 = tpu.memref_squeeze %dma_start3A_147 : memref<1x1x5248x128xf32, #tpu.memory_space<hbm>> -> memref<5248x128xf32, #tpu.memory_space<hbm>>
      %dma_start3A_149 = arith.constant 0 : i32
      %dma_start3A_150 = tpu.memref_slice %dma_start3A_148[%mul3A_2, %dma_start3A_149] : memref<5248x128xf32, #tpu.memory_space<hbm>> -> memref<328x128xf32, #tpu.memory_space<hbm>>
      %dma_start3A_151 = arith.constant 0 : i32
      %dma_start3A_152 = tpu.memref_slice %arg22[%mul3A_2, %dma_start3A_151] : memref<5248x128xf32, #tpu.memory_space<vmem_shared>> -> memref<328x128xf32, #tpu.memory_space<vmem_shared>>
      tpu.enqueue_dma source(%dma_start3A_152 : memref<328x128xf32, #tpu.memory_space<vmem_shared>>) target(%dma_start3A_150 : memref<328x128xf32, #tpu.memory_space<hbm>>) target_semaphore(%run_scoped3A_144 : memref<!tpu.dma_semaphore, #tpu.memory_space<semaphore_mem>>)
      %dma_wait3A_153 = arith.constant 0 : i32
      %dma_wait3A_154 = arith.constant 0 : i32
      %dma_wait3A_155 = tpu.memref_slice %arg6[%arg0, %run_scoped3A, %dma_wait3A_153, %dma_wait3A_154] : memref<2x2x5248x128xf32, #tpu.memory_space<hbm>> -> memref<1x1x5248x128xf32, #tpu.memory_space<hbm>>
      %dma_wait3A_156 = tpu.memref_squeeze %dma_wait3A_155 : memref<1x1x5248x128xf32, #tpu.memory_space<hbm>> -> memref<5248x128xf32, #tpu.memory_space<hbm>>
      %dma_wait3A_157 = arith.constant 0 : i32
      %dma_wait3A_158 = tpu.memref_slice %dma_wait3A_156[%mul3A_2, %dma_wait3A_157] : memref<5248x128xf32, #tpu.memory_space<hbm>> -> memref<328x128xf32, #tpu.memory_space<hbm>>
      %dma_wait3A_159 = arith.constant 0 : i32
      %dma_wait3A_160 = tpu.memref_slice %arg22[%mul3A_2, %dma_wait3A_159] : memref<5248x128xf32, #tpu.memory_space<vmem_shared>> -> memref<328x128xf32, #tpu.memory_space<vmem_shared>>
      tpu.wait_dma2 semaphore(%run_scoped3A_144 : memref<!tpu.dma_semaphore, #tpu.memory_space<semaphore_mem>>) src(%dma_wait3A_160 : memref<328x128xf32, #tpu.memory_space<vmem_shared>>) dst(%dma_wait3A_158 : memref<328x128xf32, #tpu.memory_space<hbm>>)
      tpu.yield
    }) : () -> ()
    "tpu.region"() ({
      %run_scoped3A_144 = tpu.sem_alloc : memref<!tpu.dma_semaphore, #tpu.memory_space<semaphore_mem>>
      %dma_start3A_145 = arith.constant 0 : i32
      %dma_start3A_146 = tpu.memref_slice %arg22[%mul3A_2, %dma_start3A_145] : memref<5248x128xf32, #tpu.memory_space<vmem_shared>> -> memref<328x128xf32, #tpu.memory_space<vmem_shared>>
      tpu.enqueue_dma source(%arg4 : memref<328x128xf32, #tpu.memory_space<hbm>>) target(%dma_start3A_146 : memref<328x128xf32, #tpu.memory_space<vmem_shared>>) target_semaphore(%run_scoped3A_144 : memref<!tpu.dma_semaphore, #tpu.memory_space<semaphore_mem>>)
      %dma_wait3A_147 = arith.constant 0 : i32
      %dma_wait3A_148 = tpu.memref_slice %arg22[%mul3A_2, %dma_wait3A_147] : memref<5248x128xf32, #tpu.memory_space<vmem_shared>> -> memref<328x128xf32, #tpu.memory_space<vmem_shared>>
      tpu.wait_dma2 semaphore(%run_scoped3A_144 : memref<!tpu.dma_semaphore, #tpu.memory_space<semaphore_mem>>) src(%arg4 : memref<328x128xf32, #tpu.memory_space<hbm>>) dst(%dma_wait3A_148 : memref<328x128xf32, #tpu.memory_space<vmem_shared>>)
      tpu.yield
    }) : () -> ()
    %barrier3A_71 = arith.constant 0 : index
    tpu.barrier barrier_id(%barrier3A_71)
    %dma_start3A_72 = arith.constant 0 : i32
    %dma_start3A_73 = arith.constant 0 : i32
    %dma_start3A_74 = arith.constant 0 : i32
    %dma_start3A_75 = arith.constant 0 : i32
    %dma_start3A_76 = tpu.memref_slice %arg7[%dma_start3A_72, %dma_start3A_73, %dma_start3A_74, %dma_start3A_75] : memref<2x4x3x32xi32, #tpu.memory_space<vmem>> -> memref<1x4x3x32xi32, #tpu.memory_space<vmem>>
    %dma_start3A_77 = tpu.memref_squeeze %dma_start3A_76 : memref<1x4x3x32xi32, #tpu.memory_space<vmem>> -> memref<4x3x32xi32, #tpu.memory_space<vmem>>
    %dma_start3A_78 = arith.constant 0 : i32
    %dma_start3A_79 = arith.constant 0 : i32
    %dma_start3A_80 = arith.constant 0 : i32
    %dma_start3A_81 = tpu.memref_slice %arg3[%add3A, %dma_start3A_78, %dma_start3A_79, %dma_start3A_80] : memref<32x320x3x32xi32, #tpu.memory_space<hbm>> -> memref<1x320x3x32xi32, #tpu.memory_space<hbm>>
    %dma_start3A_82 = tpu.memref_squeeze %dma_start3A_81 : memref<1x320x3x32xi32, #tpu.memory_space<hbm>> -> memref<320x3x32xi32, #tpu.memory_space<hbm>>
    %dma_start3A_83 = arith.constant 0 : i32
    %dma_start3A_84 = arith.constant 0 : i32
    %dma_start3A_85 = arith.constant 0 : i32
    %dma_start3A_86 = tpu.memref_slice %dma_start3A_82[%dma_start3A_83, %dma_start3A_84, %dma_start3A_85] : memref<320x3x32xi32, #tpu.memory_space<hbm>> -> memref<4x3x32xi32, #tpu.memory_space<hbm>>
    %dma_start3A_87 = arith.constant 0 : i32
    %dma_start3A_88 = arith.constant 0 : i32
    %dma_start3A_89 = arith.constant 0 : i32
    %dma_start3A_90 = tpu.memref_slice %arg7[%dma_start3A_72, %dma_start3A_87, %dma_start3A_88, %dma_start3A_89] : memref<2x4x3x32xi32, #tpu.memory_space<vmem>> -> memref<1x4x3x32xi32, #tpu.memory_space<vmem>>
    %dma_start3A_91 = tpu.memref_squeeze %dma_start3A_90 : memref<1x4x3x32xi32, #tpu.memory_space<vmem>> -> memref<4x3x32xi32, #tpu.memory_space<vmem>>
    %dma_start3A_92 = arith.constant 0 : i32
    %dma_start3A_93 = arith.constant 0 : i32
    %dma_start3A_94 = arith.constant 0 : i32
    %dma_start3A_95 = tpu.memref_slice %arg3[%add3A, %dma_start3A_92, %dma_start3A_93, %dma_start3A_94] : memref<32x320x3x32xi32, #tpu.memory_space<hbm>> -> memref<1x320x3x32xi32, #tpu.memory_space<hbm>>
    %dma_start3A_96 = tpu.memref_squeeze %dma_start3A_95 : memref<1x320x3x32xi32, #tpu.memory_space<hbm>> -> memref<320x3x32xi32, #tpu.memory_space<hbm>>
    %dma_start3A_97 = arith.constant 0 : i32
    %dma_start3A_98 = arith.constant 0 : i32
    %dma_start3A_99 = arith.constant 0 : i32
    %dma_start3A_100 = tpu.memref_slice %dma_start3A_96[%dma_start3A_97, %dma_start3A_98, %dma_start3A_99] : memref<320x3x32xi32, #tpu.memory_space<hbm>> -> memref<4x3x32xi32, #tpu.memory_space<hbm>>
    tpu.enqueue_dma source(%dma_start3A_100 : memref<4x3x32xi32, #tpu.memory_space<hbm>>) target(%dma_start3A_91 : memref<4x3x32xi32, #tpu.memory_space<vmem>>) target_semaphore(%arg12 : memref<!tpu.dma_semaphore, #tpu.memory_space<semaphore_mem>>)
    %scan3A_101 = arith.constant 0 : i32
    %scan3A_102 = arith.constant 40 : i32
    %scan3A_103 = arith.addi %scan3A_101, %scan3A_102 : i32
    %scan3A_104 = arith.constant 1 : i32
    scf.for %scan3A_144 = %scan3A_101 to %scan3A_103 step %scan3A_104  : i32 {
      %mul3A_145 = arith.constant 2 : i32
      %mul3A_146 = arith.muli %scan3A_144, %mul3A_145 : i32
      %add3A_147 = arith.constant 0 : i32
      %add3A_148 = arith.addi %add3A_147, %mul3A_146 : i32
      %add3A_149 = arith.constant 0 : i32
      %add3A_150 = arith.addi %add3A_148, %add3A_149 : i32
      %mul3A_151 = arith.constant 4 : i32
      %mul3A_152 = arith.muli %add3A_150, %mul3A_151 : i32
      %dma_wait3A_153 = arith.constant 0 : i32
      %dma_wait3A_154 = arith.constant 0 : i32
      %dma_wait3A_155 = arith.constant 0 : i32
      %dma_wait3A_156 = arith.constant 0 : i32
      %dma_wait3A_157 = tpu.memref_slice %arg7[%dma_wait3A_153, %dma_wait3A_154, %dma_wait3A_155, %dma_wait3A_156] : memref<2x4x3x32xi32, #tpu.memory_space<vmem>> -> memref<1x4x3x32xi32, #tpu.memory_space<vmem>>
      %dma_wait3A_158 = tpu.memref_squeeze %dma_wait3A_157 : memref<1x4x3x32xi32, #tpu.memory_space<vmem>> -> memref<4x3x32xi32, #tpu.memory_space<vmem>>
      %dma_wait3A_159 = arith.constant 0 : i32
      %dma_wait3A_160 = arith.constant 0 : i32
      %dma_wait3A_161 = arith.constant 0 : i32
      %dma_wait3A_162 = tpu.memref_slice %arg3[%add3A, %dma_wait3A_159, %dma_wait3A_160, %dma_wait3A_161] : memref<32x320x3x32xi32, #tpu.memory_space<hbm>> -> memref<1x320x3x32xi32, #tpu.memory_space<hbm>>
      %dma_wait3A_163 = tpu.memref_squeeze %dma_wait3A_162 : memref<1x320x3x32xi32, #tpu.memory_space<hbm>> -> memref<320x3x32xi32, #tpu.memory_space<hbm>>
      %dma_wait3A_164 = arith.constant 0 : i32
      %dma_wait3A_165 = arith.constant 0 : i32
      %dma_wait3A_166 = tpu.memref_slice %dma_wait3A_163[%mul3A_152, %dma_wait3A_164, %dma_wait3A_165] : memref<320x3x32xi32, #tpu.memory_space<hbm>> -> memref<4x3x32xi32, #tpu.memory_space<hbm>>
      %dma_wait3A_167 = arith.constant 0 : i32
      %dma_wait3A_168 = arith.constant 0 : i32
      %dma_wait3A_169 = arith.constant 0 : i32
      %dma_wait3A_170 = tpu.memref_slice %arg7[%dma_wait3A_153, %dma_wait3A_167, %dma_wait3A_168, %dma_wait3A_169] : memref<2x4x3x32xi32, #tpu.memory_space<vmem>> -> memref<1x4x3x32xi32, #tpu.memory_space<vmem>>
      %dma_wait3A_171 = tpu.memref_squeeze %dma_wait3A_170 : memref<1x4x3x32xi32, #tpu.memory_space<vmem>> -> memref<4x3x32xi32, #tpu.memory_space<vmem>>
      %dma_wait3A_172 = arith.constant 0 : i32
      %dma_wait3A_173 = arith.constant 0 : i32
      %dma_wait3A_174 = arith.constant 0 : i32
      %dma_wait3A_175 = tpu.memref_slice %arg3[%add3A, %dma_wait3A_172, %dma_wait3A_173, %dma_wait3A_174] : memref<32x320x3x32xi32, #tpu.memory_space<hbm>> -> memref<1x320x3x32xi32, #tpu.memory_space<hbm>>
      %dma_wait3A_176 = tpu.memref_squeeze %dma_wait3A_175 : memref<1x320x3x32xi32, #tpu.memory_space<hbm>> -> memref<320x3x32xi32, #tpu.memory_space<hbm>>
      %dma_wait3A_177 = arith.constant 0 : i32
      %dma_wait3A_178 = arith.constant 0 : i32
      %dma_wait3A_179 = tpu.memref_slice %dma_wait3A_176[%mul3A_152, %dma_wait3A_177, %dma_wait3A_178] : memref<320x3x32xi32, #tpu.memory_space<hbm>> -> memref<4x3x32xi32, #tpu.memory_space<hbm>>
      tpu.wait_dma2 semaphore(%arg12 : memref<!tpu.dma_semaphore, #tpu.memory_space<semaphore_mem>>) src(%dma_wait3A_179 : memref<4x3x32xi32, #tpu.memory_space<hbm>>) dst(%dma_wait3A_171 : memref<4x3x32xi32, #tpu.memory_space<vmem>>)
      %gt3A = arith.constant 0 : i32
      %gt3A_180 = arith.cmpi sgt, %add3A_150, %gt3A : i32
      %convert_element_type3A = arith.extui %gt3A_180 : i1 to i32
      %cond3A = arith.constant 0 : i32
      %cond3A_181 = arith.cmpi ne, %convert_element_type3A, %cond3A : i32
      scf.if %cond3A_181 {
        %dma_wait3A_447 = arith.constant 0 : i32
        %dma_wait3A_448 = arith.constant 0 : i32
        %dma_wait3A_449 = arith.constant 1 : i32
        %dma_wait3A_450 = arith.constant 0 : i32
        %dma_wait3A_451 = tpu.memref_slice %arg7[%dma_wait3A_447, %dma_wait3A_448, %dma_wait3A_449, %dma_wait3A_450] : memref<2x4x3x32xi32, #tpu.memory_space<vmem>> -> memref<1x1x1x32xi32, #tpu.memory_space<vmem>>
        %dma_wait3A_452 = tpu.memref_squeeze %dma_wait3A_451 : memref<1x1x1x32xi32, #tpu.memory_space<vmem>> -> memref<32xi32, #tpu.memory_space<vmem>>
        %dma_wait3A_453 = arith.constant 0 : i32
        %dma_wait3A_454 = arith.constant 0 : i32
        %dma_wait3A_455 = tpu.memref_slice %arg22[%dma_wait3A_453, %dma_wait3A_454] : memref<5248x128xf32, #tpu.memory_space<vmem_shared>> -> memref<5248x128xf32, #tpu.memory_space<vmem_shared>>
        tpu.wait_indirect_dma semaphore(%arg18 : memref<!tpu.dma_semaphore, #tpu.memory_space<semaphore_mem>>) src(%arg8 : memref<32x128xf32, #tpu.memory_space<vmem>>) dst(%dma_wait3A_455 : memref<5248x128xf32, #tpu.memory_space<vmem_shared>>)
        %dma_wait3A_456 = arith.constant 0 : i32
        %dma_wait3A_457 = arith.constant 1 : i32
        %dma_wait3A_458 = arith.constant 1 : i32
        %dma_wait3A_459 = arith.constant 0 : i32
        %dma_wait3A_460 = tpu.memref_slice %arg7[%dma_wait3A_456, %dma_wait3A_457, %dma_wait3A_458, %dma_wait3A_459] : memref<2x4x3x32xi32, #tpu.memory_space<vmem>> -> memref<1x1x1x32xi32, #tpu.memory_space<vmem>>
        %dma_wait3A_461 = tpu.memref_squeeze %dma_wait3A_460 : memref<1x1x1x32xi32, #tpu.memory_space<vmem>> -> memref<32xi32, #tpu.memory_space<vmem>>
        %dma_wait3A_462 = arith.constant 0 : i32
        %dma_wait3A_463 = arith.constant 0 : i32
        %dma_wait3A_464 = tpu.memref_slice %arg22[%dma_wait3A_462, %dma_wait3A_463] : memref<5248x128xf32, #tpu.memory_space<vmem_shared>> -> memref<5248x128xf32, #tpu.memory_space<vmem_shared>>
        tpu.wait_indirect_dma semaphore(%arg19 : memref<!tpu.dma_semaphore, #tpu.memory_space<semaphore_mem>>) src(%arg9 : memref<32x128xf32, #tpu.memory_space<vmem>>) dst(%dma_wait3A_464 : memref<5248x128xf32, #tpu.memory_space<vmem_shared>>)
        %dma_wait3A_465 = arith.constant 0 : i32
        %dma_wait3A_466 = arith.constant 2 : i32
        %dma_wait3A_467 = arith.constant 1 : i32
        %dma_wait3A_468 = arith.constant 0 : i32
        %dma_wait3A_469 = tpu.memref_slice %arg7[%dma_wait3A_465, %dma_wait3A_466, %dma_wait3A_467, %dma_wait3A_468] : memref<2x4x3x32xi32, #tpu.memory_space<vmem>> -> memref<1x1x1x32xi32, #tpu.memory_space<vmem>>
        %dma_wait3A_470 = tpu.memref_squeeze %dma_wait3A_469 : memref<1x1x1x32xi32, #tpu.memory_space<vmem>> -> memref<32xi32, #tpu.memory_space<vmem>>
        %dma_wait3A_471 = arith.constant 0 : i32
        %dma_wait3A_472 = arith.constant 0 : i32
        %dma_wait3A_473 = tpu.memref_slice %arg22[%dma_wait3A_471, %dma_wait3A_472] : memref<5248x128xf32, #tpu.memory_space<vmem_shared>> -> memref<5248x128xf32, #tpu.memory_space<vmem_shared>>
        tpu.wait_indirect_dma semaphore(%arg20 : memref<!tpu.dma_semaphore, #tpu.memory_space<semaphore_mem>>) src(%arg10 : memref<32x128xf32, #tpu.memory_space<vmem>>) dst(%dma_wait3A_473 : memref<5248x128xf32, #tpu.memory_space<vmem_shared>>)
        %dma_wait3A_474 = arith.constant 0 : i32
        %dma_wait3A_475 = arith.constant 3 : i32
        %dma_wait3A_476 = arith.constant 1 : i32
        %dma_wait3A_477 = arith.constant 0 : i32
        %dma_wait3A_478 = tpu.memref_slice %arg7[%dma_wait3A_474, %dma_wait3A_475, %dma_wait3A_476, %dma_wait3A_477] : memref<2x4x3x32xi32, #tpu.memory_space<vmem>> -> memref<1x1x1x32xi32, #tpu.memory_space<vmem>>
        %dma_wait3A_479 = tpu.memref_squeeze %dma_wait3A_478 : memref<1x1x1x32xi32, #tpu.memory_space<vmem>> -> memref<32xi32, #tpu.memory_space<vmem>>
        %dma_wait3A_480 = arith.constant 0 : i32
        %dma_wait3A_481 = arith.constant 0 : i32
        %dma_wait3A_482 = tpu.memref_slice %arg22[%dma_wait3A_480, %dma_wait3A_481] : memref<5248x128xf32, #tpu.memory_space<vmem_shared>> -> memref<5248x128xf32, #tpu.memory_space<vmem_shared>>
        tpu.wait_indirect_dma semaphore(%arg21 : memref<!tpu.dma_semaphore, #tpu.memory_space<semaphore_mem>>) src(%arg11 : memref<32x128xf32, #tpu.memory_space<vmem>>) dst(%dma_wait3A_482 : memref<5248x128xf32, #tpu.memory_space<vmem_shared>>)
      } else {
      }
      %add3A_182 = arith.constant 1 : i32
      %add3A_183 = arith.addi %add3A_150, %add3A_182 : i32
      %lt3A = arith.constant 80 : i32
      %lt3A_184 = arith.cmpi slt, %add3A_183, %lt3A : i32
      %convert_element_type3A_185 = arith.extui %lt3A_184 : i1 to i32
      %cond3A_186 = arith.constant 0 : i32
      %cond3A_187 = arith.cmpi ne, %convert_element_type3A_185, %cond3A_186 : i32
      scf.if %cond3A_187 {
        %add3A_447 = arith.constant 1 : i32
        %add3A_448 = arith.addi %add3A_150, %add3A_447 : i32
        %mul3A_449 = arith.constant 4 : i32
        %mul3A_450 = arith.muli %add3A_448, %mul3A_449 : i32
        %dma_start3A_451 = arith.constant 1 : i32
        %dma_start3A_452 = arith.constant 0 : i32
        %dma_start3A_453 = arith.constant 0 : i32
        %dma_start3A_454 = arith.constant 0 : i32
        %dma_start3A_455 = tpu.memref_slice %arg7[%dma_start3A_451, %dma_start3A_452, %dma_start3A_453, %dma_start3A_454] : memref<2x4x3x32xi32, #tpu.memory_space<vmem>> -> memref<1x4x3x32xi32, #tpu.memory_space<vmem>>
        %dma_start3A_456 = tpu.memref_squeeze %dma_start3A_455 : memref<1x4x3x32xi32, #tpu.memory_space<vmem>> -> memref<4x3x32xi32, #tpu.memory_space<vmem>>
        %dma_start3A_457 = arith.constant 0 : i32
        %dma_start3A_458 = arith.constant 0 : i32
        %dma_start3A_459 = arith.constant 0 : i32
        %dma_start3A_460 = tpu.memref_slice %arg3[%add3A, %dma_start3A_457, %dma_start3A_458, %dma_start3A_459] : memref<32x320x3x32xi32, #tpu.memory_space<hbm>> -> memref<1x320x3x32xi32, #tpu.memory_space<hbm>>
        %dma_start3A_461 = tpu.memref_squeeze %dma_start3A_460 : memref<1x320x3x32xi32, #tpu.memory_space<hbm>> -> memref<320x3x32xi32, #tpu.memory_space<hbm>>
        %dma_start3A_462 = arith.constant 0 : i32
        %dma_start3A_463 = arith.constant 0 : i32
        %dma_start3A_464 = tpu.memref_slice %dma_start3A_461[%mul3A_450, %dma_start3A_462, %dma_start3A_463] : memref<320x3x32xi32, #tpu.memory_space<hbm>> -> memref<4x3x32xi32, #tpu.memory_space<hbm>>
        %dma_start3A_465 = arith.constant 0 : i32
        %dma_start3A_466 = arith.constant 0 : i32
        %dma_start3A_467 = arith.constant 0 : i32
        %dma_start3A_468 = tpu.memref_slice %arg7[%dma_start3A_451, %dma_start3A_465, %dma_start3A_466, %dma_start3A_467] : memref<2x4x3x32xi32, #tpu.memory_space<vmem>> -> memref<1x4x3x32xi32, #tpu.memory_space<vmem>>
        %dma_start3A_469 = tpu.memref_squeeze %dma_start3A_468 : memref<1x4x3x32xi32, #tpu.memory_space<vmem>> -> memref<4x3x32xi32, #tpu.memory_space<vmem>>
        %dma_start3A_470 = arith.constant 0 : i32
        %dma_start3A_471 = arith.constant 0 : i32
        %dma_start3A_472 = arith.constant 0 : i32
        %dma_start3A_473 = tpu.memref_slice %arg3[%add3A, %dma_start3A_470, %dma_start3A_471, %dma_start3A_472] : memref<32x320x3x32xi32, #tpu.memory_space<hbm>> -> memref<1x320x3x32xi32, #tpu.memory_space<hbm>>
        %dma_start3A_474 = tpu.memref_squeeze %dma_start3A_473 : memref<1x320x3x32xi32, #tpu.memory_space<hbm>> -> memref<320x3x32xi32, #tpu.memory_space<hbm>>
        %dma_start3A_475 = arith.constant 0 : i32
        %dma_start3A_476 = arith.constant 0 : i32
        %dma_start3A_477 = tpu.memref_slice %dma_start3A_474[%mul3A_450, %dma_start3A_475, %dma_start3A_476] : memref<320x3x32xi32, #tpu.memory_space<hbm>> -> memref<4x3x32xi32, #tpu.memory_space<hbm>>
        tpu.enqueue_dma source(%dma_start3A_477 : memref<4x3x32xi32, #tpu.memory_space<hbm>>) target(%dma_start3A_469 : memref<4x3x32xi32, #tpu.memory_space<vmem>>) target_semaphore(%arg13 : memref<!tpu.dma_semaphore, #tpu.memory_space<semaphore_mem>>)
      } else {
      }
      %dma_start3A_188 = arith.constant 0 : i32
      %dma_start3A_189 = arith.constant 0 : i32
      %dma_start3A_190 = arith.constant 0 : i32
      %dma_start3A_191 = arith.constant 0 : i32
      %dma_start3A_192 = tpu.memref_slice %arg7[%dma_start3A_188, %dma_start3A_189, %dma_start3A_190, %dma_start3A_191] : memref<2x4x3x32xi32, #tpu.memory_space<vmem>> -> memref<1x1x1x32xi32, #tpu.memory_space<vmem>>
      %dma_start3A_193 = tpu.memref_squeeze %dma_start3A_192 : memref<1x1x1x32xi32, #tpu.memory_space<vmem>> -> memref<32xi32, #tpu.memory_space<vmem>>
      %dma_start3A_194 = arith.constant 0 : i32
      %dma_start3A_195 = arith.constant 0 : i32
      %dma_start3A_196 = tpu.memref_slice %arg2[%dma_start3A_194, %dma_start3A_195] : memref<10000x128xf32, #tpu.memory_space<hbm>> -> memref<10000x128xf32, #tpu.memory_space<hbm>>
      tpu.enqueue_indirect_dma source(%dma_start3A_196 : memref<10000x128xf32, #tpu.memory_space<hbm>>) target(%arg8 : memref<32x128xf32, #tpu.memory_space<vmem>>) offsets(%dma_start3A_193 : memref<32xi32, #tpu.memory_space<vmem>>) semaphore(%arg14 : memref<!tpu.dma_semaphore, #tpu.memory_space<semaphore_mem>>)
      %dma_start3A_197 = arith.constant 0 : i32
      %dma_start3A_198 = arith.constant 1 : i32
      %dma_start3A_199 = arith.constant 0 : i32
      %dma_start3A_200 = arith.constant 0 : i32
      %dma_start3A_201 = tpu.memref_slice %arg7[%dma_start3A_197, %dma_start3A_198, %dma_start3A_199, %dma_start3A_200] : memref<2x4x3x32xi32, #tpu.memory_space<vmem>> -> memref<1x1x1x32xi32, #tpu.memory_space<vmem>>
      %dma_start3A_202 = tpu.memref_squeeze %dma_start3A_201 : memref<1x1x1x32xi32, #tpu.memory_space<vmem>> -> memref<32xi32, #tpu.memory_space<vmem>>
      %dma_start3A_203 = arith.constant 0 : i32
      %dma_start3A_204 = arith.constant 0 : i32
      %dma_start3A_205 = tpu.memref_slice %arg2[%dma_start3A_203, %dma_start3A_204] : memref<10000x128xf32, #tpu.memory_space<hbm>> -> memref<10000x128xf32, #tpu.memory_space<hbm>>
      tpu.enqueue_indirect_dma source(%dma_start3A_205 : memref<10000x128xf32, #tpu.memory_space<hbm>>) target(%arg9 : memref<32x128xf32, #tpu.memory_space<vmem>>) offsets(%dma_start3A_202 : memref<32xi32, #tpu.memory_space<vmem>>) semaphore(%arg15 : memref<!tpu.dma_semaphore, #tpu.memory_space<semaphore_mem>>)
      %dma_start3A_206 = arith.constant 0 : i32
      %dma_start3A_207 = arith.constant 2 : i32
      %dma_start3A_208 = arith.constant 0 : i32
      %dma_start3A_209 = arith.constant 0 : i32
      %dma_start3A_210 = tpu.memref_slice %arg7[%dma_start3A_206, %dma_start3A_207, %dma_start3A_208, %dma_start3A_209] : memref<2x4x3x32xi32, #tpu.memory_space<vmem>> -> memref<1x1x1x32xi32, #tpu.memory_space<vmem>>
      %dma_start3A_211 = tpu.memref_squeeze %dma_start3A_210 : memref<1x1x1x32xi32, #tpu.memory_space<vmem>> -> memref<32xi32, #tpu.memory_space<vmem>>
      %dma_start3A_212 = arith.constant 0 : i32
      %dma_start3A_213 = arith.constant 0 : i32
      %dma_start3A_214 = tpu.memref_slice %arg2[%dma_start3A_212, %dma_start3A_213] : memref<10000x128xf32, #tpu.memory_space<hbm>> -> memref<10000x128xf32, #tpu.memory_space<hbm>>
      tpu.enqueue_indirect_dma source(%dma_start3A_214 : memref<10000x128xf32, #tpu.memory_space<hbm>>) target(%arg10 : memref<32x128xf32, #tpu.memory_space<vmem>>) offsets(%dma_start3A_211 : memref<32xi32, #tpu.memory_space<vmem>>) semaphore(%arg16 : memref<!tpu.dma_semaphore, #tpu.memory_space<semaphore_mem>>)
      %dma_start3A_215 = arith.constant 0 : i32
      %dma_start3A_216 = arith.constant 3 : i32
      %dma_start3A_217 = arith.constant 0 : i32
      %dma_start3A_218 = arith.constant 0 : i32
      %dma_start3A_219 = tpu.memref_slice %arg7[%dma_start3A_215, %dma_start3A_216, %dma_start3A_217, %dma_start3A_218] : memref<2x4x3x32xi32, #tpu.memory_space<vmem>> -> memref<1x1x1x32xi32, #tpu.memory_space<vmem>>
      %dma_start3A_220 = tpu.memref_squeeze %dma_start3A_219 : memref<1x1x1x32xi32, #tpu.memory_space<vmem>> -> memref<32xi32, #tpu.memory_space<vmem>>
      %dma_start3A_221 = arith.constant 0 : i32
      %dma_start3A_222 = arith.constant 0 : i32
      %dma_start3A_223 = tpu.memref_slice %arg2[%dma_start3A_221, %dma_start3A_222] : memref<10000x128xf32, #tpu.memory_space<hbm>> -> memref<10000x128xf32, #tpu.memory_space<hbm>>
      tpu.enqueue_indirect_dma source(%dma_start3A_223 : memref<10000x128xf32, #tpu.memory_space<hbm>>) target(%arg11 : memref<32x128xf32, #tpu.memory_space<vmem>>) offsets(%dma_start3A_220 : memref<32xi32, #tpu.memory_space<vmem>>) semaphore(%arg17 : memref<!tpu.dma_semaphore, #tpu.memory_space<semaphore_mem>>)
      %dma_wait3A_224 = arith.constant 0 : i32
      %dma_wait3A_225 = arith.constant 0 : i32
      %dma_wait3A_226 = arith.constant 0 : i32
      %dma_wait3A_227 = arith.constant 0 : i32
      %dma_wait3A_228 = tpu.memref_slice %arg7[%dma_wait3A_224, %dma_wait3A_225, %dma_wait3A_226, %dma_wait3A_227] : memref<2x4x3x32xi32, #tpu.memory_space<vmem>> -> memref<1x1x1x32xi32, #tpu.memory_space<vmem>>
      %dma_wait3A_229 = tpu.memref_squeeze %dma_wait3A_228 : memref<1x1x1x32xi32, #tpu.memory_space<vmem>> -> memref<32xi32, #tpu.memory_space<vmem>>
      %dma_wait3A_230 = arith.constant 0 : i32
      %dma_wait3A_231 = arith.constant 0 : i32
      %dma_wait3A_232 = tpu.memref_slice %arg2[%dma_wait3A_230, %dma_wait3A_231] : memref<10000x128xf32, #tpu.memory_space<hbm>> -> memref<10000x128xf32, #tpu.memory_space<hbm>>
      tpu.wait_indirect_dma semaphore(%arg14 : memref<!tpu.dma_semaphore, #tpu.memory_space<semaphore_mem>>) src(%dma_wait3A_232 : memref<10000x128xf32, #tpu.memory_space<hbm>>) dst(%arg8 : memref<32x128xf32, #tpu.memory_space<vmem>>)
      %dma_start3A_233 = arith.constant 0 : i32
      %dma_start3A_234 = arith.constant 0 : i32
      %dma_start3A_235 = arith.constant 2 : i32
      %dma_start3A_236 = arith.constant 0 : i32
      %dma_start3A_237 = tpu.memref_slice %arg7[%dma_start3A_233, %dma_start3A_234, %dma_start3A_235, %dma_start3A_236] : memref<2x4x3x32xi32, #tpu.memory_space<vmem>> -> memref<1x1x1x32xi32, #tpu.memory_space<vmem>>
      %dma_start3A_238 = tpu.memref_squeeze %dma_start3A_237 : memref<1x1x1x32xi32, #tpu.memory_space<vmem>> -> memref<32xi32, #tpu.memory_space<vmem>>
      %dma_start3A_239 = arith.constant 0 : i32
      %dma_start3A_240 = arith.constant 0 : i32
      %dma_start3A_241 = tpu.memref_slice %arg22[%dma_start3A_239, %dma_start3A_240] : memref<5248x128xf32, #tpu.memory_space<vmem_shared>> -> memref<5248x128xf32, #tpu.memory_space<vmem_shared>>
      tpu.enqueue_indirect_dma source(%arg8 : memref<32x128xf32, #tpu.memory_space<vmem>>) target(%dma_start3A_241 : memref<5248x128xf32, #tpu.memory_space<vmem_shared>>) offsets(%dma_start3A_238 : memref<32xi32, #tpu.memory_space<vmem>>) semaphore(%arg18 : memref<!tpu.dma_semaphore, #tpu.memory_space<semaphore_mem>>) {add = true}
      %dma_wait3A_242 = arith.constant 0 : i32
      %dma_wait3A_243 = arith.constant 1 : i32
      %dma_wait3A_244 = arith.constant 0 : i32
      %dma_wait3A_245 = arith.constant 0 : i32
      %dma_wait3A_246 = tpu.memref_slice %arg7[%dma_wait3A_242, %dma_wait3A_243, %dma_wait3A_244, %dma_wait3A_245] : memref<2x4x3x32xi32, #tpu.memory_space<vmem>> -> memref<1x1x1x32xi32, #tpu.memory_space<vmem>>
      %dma_wait3A_247 = tpu.memref_squeeze %dma_wait3A_246 : memref<1x1x1x32xi32, #tpu.memory_space<vmem>> -> memref<32xi32, #tpu.memory_space<vmem>>
      %dma_wait3A_248 = arith.constant 0 : i32
      %dma_wait3A_249 = arith.constant 0 : i32
      %dma_wait3A_250 = tpu.memref_slice %arg2[%dma_wait3A_248, %dma_wait3A_249] : memref<10000x128xf32, #tpu.memory_space<hbm>> -> memref<10000x128xf32, #tpu.memory_space<hbm>>
      tpu.wait_indirect_dma semaphore(%arg15 : memref<!tpu.dma_semaphore, #tpu.memory_space<semaphore_mem>>) src(%dma_wait3A_250 : memref<10000x128xf32, #tpu.memory_space<hbm>>) dst(%arg9 : memref<32x128xf32, #tpu.memory_space<vmem>>)
      %dma_start3A_251 = arith.constant 0 : i32
      %dma_start3A_252 = arith.constant 1 : i32
      %dma_start3A_253 = arith.constant 2 : i32
      %dma_start3A_254 = arith.constant 0 : i32
      %dma_start3A_255 = tpu.memref_slice %arg7[%dma_start3A_251, %dma_start3A_252, %dma_start3A_253, %dma_start3A_254] : memref<2x4x3x32xi32, #tpu.memory_space<vmem>> -> memref<1x1x1x32xi32, #tpu.memory_space<vmem>>
      %dma_start3A_256 = tpu.memref_squeeze %dma_start3A_255 : memref<1x1x1x32xi32, #tpu.memory_space<vmem>> -> memref<32xi32, #tpu.memory_space<vmem>>
      %dma_start3A_257 = arith.constant 0 : i32
      %dma_start3A_258 = arith.constant 0 : i32
      %dma_start3A_259 = tpu.memref_slice %arg22[%dma_start3A_257, %dma_start3A_258] : memref<5248x128xf32, #tpu.memory_space<vmem_shared>> -> memref<5248x128xf32, #tpu.memory_space<vmem_shared>>
      tpu.enqueue_indirect_dma source(%arg9 : memref<32x128xf32, #tpu.memory_space<vmem>>) target(%dma_start3A_259 : memref<5248x128xf32, #tpu.memory_space<vmem_shared>>) offsets(%dma_start3A_256 : memref<32xi32, #tpu.memory_space<vmem>>) semaphore(%arg19 : memref<!tpu.dma_semaphore, #tpu.memory_space<semaphore_mem>>) {add = true}
      %dma_wait3A_260 = arith.constant 0 : i32
      %dma_wait3A_261 = arith.constant 2 : i32
      %dma_wait3A_262 = arith.constant 0 : i32
      %dma_wait3A_263 = arith.constant 0 : i32
      %dma_wait3A_264 = tpu.memref_slice %arg7[%dma_wait3A_260, %dma_wait3A_261, %dma_wait3A_262, %dma_wait3A_263] : memref<2x4x3x32xi32, #tpu.memory_space<vmem>> -> memref<1x1x1x32xi32, #tpu.memory_space<vmem>>
      %dma_wait3A_265 = tpu.memref_squeeze %dma_wait3A_264 : memref<1x1x1x32xi32, #tpu.memory_space<vmem>> -> memref<32xi32, #tpu.memory_space<vmem>>
      %dma_wait3A_266 = arith.constant 0 : i32
      %dma_wait3A_267 = arith.constant 0 : i32
      %dma_wait3A_268 = tpu.memref_slice %arg2[%dma_wait3A_266, %dma_wait3A_267] : memref<10000x128xf32, #tpu.memory_space<hbm>> -> memref<10000x128xf32, #tpu.memory_space<hbm>>
      tpu.wait_indirect_dma semaphore(%arg16 : memref<!tpu.dma_semaphore, #tpu.memory_space<semaphore_mem>>) src(%dma_wait3A_268 : memref<10000x128xf32, #tpu.memory_space<hbm>>) dst(%arg10 : memref<32x128xf32, #tpu.memory_space<vmem>>)
      %dma_start3A_269 = arith.constant 0 : i32
      %dma_start3A_270 = arith.constant 2 : i32
      %dma_start3A_271 = arith.constant 2 : i32
      %dma_start3A_272 = arith.constant 0 : i32
      %dma_start3A_273 = tpu.memref_slice %arg7[%dma_start3A_269, %dma_start3A_270, %dma_start3A_271, %dma_start3A_272] : memref<2x4x3x32xi32, #tpu.memory_space<vmem>> -> memref<1x1x1x32xi32, #tpu.memory_space<vmem>>
      %dma_start3A_274 = tpu.memref_squeeze %dma_start3A_273 : memref<1x1x1x32xi32, #tpu.memory_space<vmem>> -> memref<32xi32, #tpu.memory_space<vmem>>
      %dma_start3A_275 = arith.constant 0 : i32
      %dma_start3A_276 = arith.constant 0 : i32
      %dma_start3A_277 = tpu.memref_slice %arg22[%dma_start3A_275, %dma_start3A_276] : memref<5248x128xf32, #tpu.memory_space<vmem_shared>> -> memref<5248x128xf32, #tpu.memory_space<vmem_shared>>
      tpu.enqueue_indirect_dma source(%arg10 : memref<32x128xf32, #tpu.memory_space<vmem>>) target(%dma_start3A_277 : memref<5248x128xf32, #tpu.memory_space<vmem_shared>>) offsets(%dma_start3A_274 : memref<32xi32, #tpu.memory_space<vmem>>) semaphore(%arg20 : memref<!tpu.dma_semaphore, #tpu.memory_space<semaphore_mem>>) {add = true}
      %dma_wait3A_278 = arith.constant 0 : i32
      %dma_wait3A_279 = arith.constant 3 : i32
      %dma_wait3A_280 = arith.constant 0 : i32
      %dma_wait3A_281 = arith.constant 0 : i32
      %dma_wait3A_282 = tpu.memref_slice %arg7[%dma_wait3A_278, %dma_wait3A_279, %dma_wait3A_280, %dma_wait3A_281] : memref<2x4x3x32xi32, #tpu.memory_space<vmem>> -> memref<1x1x1x32xi32, #tpu.memory_space<vmem>>
      %dma_wait3A_283 = tpu.memref_squeeze %dma_wait3A_282 : memref<1x1x1x32xi32, #tpu.memory_space<vmem>> -> memref<32xi32, #tpu.memory_space<vmem>>
      %dma_wait3A_284 = arith.constant 0 : i32
      %dma_wait3A_285 = arith.constant 0 : i32
      %dma_wait3A_286 = tpu.memref_slice %arg2[%dma_wait3A_284, %dma_wait3A_285] : memref<10000x128xf32, #tpu.memory_space<hbm>> -> memref<10000x128xf32, #tpu.memory_space<hbm>>
      tpu.wait_indirect_dma semaphore(%arg17 : memref<!tpu.dma_semaphore, #tpu.memory_space<semaphore_mem>>) src(%dma_wait3A_286 : memref<10000x128xf32, #tpu.memory_space<hbm>>) dst(%arg11 : memref<32x128xf32, #tpu.memory_space<vmem>>)
      %dma_start3A_287 = arith.constant 0 : i32
      %dma_start3A_288 = arith.constant 3 : i32
      %dma_start3A_289 = arith.constant 2 : i32
      %dma_start3A_290 = arith.constant 0 : i32
      %dma_start3A_291 = tpu.memref_slice %arg7[%dma_start3A_287, %dma_start3A_288, %dma_start3A_289, %dma_start3A_290] : memref<2x4x3x32xi32, #tpu.memory_space<vmem>> -> memref<1x1x1x32xi32, #tpu.memory_space<vmem>>
      %dma_start3A_292 = tpu.memref_squeeze %dma_start3A_291 : memref<1x1x1x32xi32, #tpu.memory_space<vmem>> -> memref<32xi32, #tpu.memory_space<vmem>>
      %dma_start3A_293 = arith.constant 0 : i32
      %dma_start3A_294 = arith.constant 0 : i32
      %dma_start3A_295 = tpu.memref_slice %arg22[%dma_start3A_293, %dma_start3A_294] : memref<5248x128xf32, #tpu.memory_space<vmem_shared>> -> memref<5248x128xf32, #tpu.memory_space<vmem_shared>>
      tpu.enqueue_indirect_dma source(%arg11 : memref<32x128xf32, #tpu.memory_space<vmem>>) target(%dma_start3A_295 : memref<5248x128xf32, #tpu.memory_space<vmem_shared>>) offsets(%dma_start3A_292 : memref<32xi32, #tpu.memory_space<vmem>>) semaphore(%arg21 : memref<!tpu.dma_semaphore, #tpu.memory_space<semaphore_mem>>) {add = true}
      %add3A_296 = arith.constant 1 : i32
      %add3A_297 = arith.addi %add3A_148, %add3A_296 : i32
      %mul3A_298 = arith.constant 4 : i32
      %mul3A_299 = arith.muli %add3A_297, %mul3A_298 : i32
      %dma_wait3A_300 = arith.constant 1 : i32
      %dma_wait3A_301 = arith.constant 0 : i32
      %dma_wait3A_302 = arith.constant 0 : i32
      %dma_wait3A_303 = arith.constant 0 : i32
      %dma_wait3A_304 = tpu.memref_slice %arg7[%dma_wait3A_300, %dma_wait3A_301, %dma_wait3A_302, %dma_wait3A_303] : memref<2x4x3x32xi32, #tpu.memory_space<vmem>> -> memref<1x4x3x32xi32, #tpu.memory_space<vmem>>
      %dma_wait3A_305 = tpu.memref_squeeze %dma_wait3A_304 : memref<1x4x3x32xi32, #tpu.memory_space<vmem>> -> memref<4x3x32xi32, #tpu.memory_space<vmem>>
      %dma_wait3A_306 = arith.constant 0 : i32
      %dma_wait3A_307 = arith.constant 0 : i32
      %dma_wait3A_308 = arith.constant 0 : i32
      %dma_wait3A_309 = tpu.memref_slice %arg3[%add3A, %dma_wait3A_306, %dma_wait3A_307, %dma_wait3A_308] : memref<32x320x3x32xi32, #tpu.memory_space<hbm>> -> memref<1x320x3x32xi32, #tpu.memory_space<hbm>>
      %dma_wait3A_310 = tpu.memref_squeeze %dma_wait3A_309 : memref<1x320x3x32xi32, #tpu.memory_space<hbm>> -> memref<320x3x32xi32, #tpu.memory_space<hbm>>
      %dma_wait3A_311 = arith.constant 0 : i32
      %dma_wait3A_312 = arith.constant 0 : i32
      %dma_wait3A_313 = tpu.memref_slice %dma_wait3A_310[%mul3A_299, %dma_wait3A_311, %dma_wait3A_312] : memref<320x3x32xi32, #tpu.memory_space<hbm>> -> memref<4x3x32xi32, #tpu.memory_space<hbm>>
      %dma_wait3A_314 = arith.constant 0 : i32
      %dma_wait3A_315 = arith.constant 0 : i32
      %dma_wait3A_316 = arith.constant 0 : i32
      %dma_wait3A_317 = tpu.memref_slice %arg7[%dma_wait3A_300, %dma_wait3A_314, %dma_wait3A_315, %dma_wait3A_316] : memref<2x4x3x32xi32, #tpu.memory_space<vmem>> -> memref<1x4x3x32xi32, #tpu.memory_space<vmem>>
      %dma_wait3A_318 = tpu.memref_squeeze %dma_wait3A_317 : memref<1x4x3x32xi32, #tpu.memory_space<vmem>> -> memref<4x3x32xi32, #tpu.memory_space<vmem>>
      %dma_wait3A_319 = arith.constant 0 : i32
      %dma_wait3A_320 = arith.constant 0 : i32
      %dma_wait3A_321 = arith.constant 0 : i32
      %dma_wait3A_322 = tpu.memref_slice %arg3[%add3A, %dma_wait3A_319, %dma_wait3A_320, %dma_wait3A_321] : memref<32x320x3x32xi32, #tpu.memory_space<hbm>> -> memref<1x320x3x32xi32, #tpu.memory_space<hbm>>
      %dma_wait3A_323 = tpu.memref_squeeze %dma_wait3A_322 : memref<1x320x3x32xi32, #tpu.memory_space<hbm>> -> memref<320x3x32xi32, #tpu.memory_space<hbm>>
      %dma_wait3A_324 = arith.constant 0 : i32
      %dma_wait3A_325 = arith.constant 0 : i32
      %dma_wait3A_326 = tpu.memref_slice %dma_wait3A_323[%mul3A_299, %dma_wait3A_324, %dma_wait3A_325] : memref<320x3x32xi32, #tpu.memory_space<hbm>> -> memref<4x3x32xi32, #tpu.memory_space<hbm>>
      tpu.wait_dma2 semaphore(%arg13 : memref<!tpu.dma_semaphore, #tpu.memory_space<semaphore_mem>>) src(%dma_wait3A_326 : memref<4x3x32xi32, #tpu.memory_space<hbm>>) dst(%dma_wait3A_318 : memref<4x3x32xi32, #tpu.memory_space<vmem>>)
      %gt3A_327 = arith.constant 0 : i32
      %gt3A_328 = arith.cmpi sgt, %add3A_297, %gt3A_327 : i32
      %convert_element_type3A_329 = arith.extui %gt3A_328 : i1 to i32
      %cond3A_330 = arith.constant 0 : i32
      %cond3A_331 = arith.cmpi ne, %convert_element_type3A_329, %cond3A_330 : i32
      scf.if %cond3A_331 {
        %dma_wait3A_447 = arith.constant 0 : i32
        %dma_wait3A_448 = arith.constant 0 : i32
        %dma_wait3A_449 = arith.constant 1 : i32
        %dma_wait3A_450 = arith.constant 0 : i32
        %dma_wait3A_451 = tpu.memref_slice %arg7[%dma_wait3A_447, %dma_wait3A_448, %dma_wait3A_449, %dma_wait3A_450] : memref<2x4x3x32xi32, #tpu.memory_space<vmem>> -> memref<1x1x1x32xi32, #tpu.memory_space<vmem>>
        %dma_wait3A_452 = tpu.memref_squeeze %dma_wait3A_451 : memref<1x1x1x32xi32, #tpu.memory_space<vmem>> -> memref<32xi32, #tpu.memory_space<vmem>>
        %dma_wait3A_453 = arith.constant 0 : i32
        %dma_wait3A_454 = arith.constant 0 : i32
        %dma_wait3A_455 = tpu.memref_slice %arg22[%dma_wait3A_453, %dma_wait3A_454] : memref<5248x128xf32, #tpu.memory_space<vmem_shared>> -> memref<5248x128xf32, #tpu.memory_space<vmem_shared>>
        tpu.wait_indirect_dma semaphore(%arg18 : memref<!tpu.dma_semaphore, #tpu.memory_space<semaphore_mem>>) src(%arg8 : memref<32x128xf32, #tpu.memory_space<vmem>>) dst(%dma_wait3A_455 : memref<5248x128xf32, #tpu.memory_space<vmem_shared>>)
        %dma_wait3A_456 = arith.constant 0 : i32
        %dma_wait3A_457 = arith.constant 1 : i32
        %dma_wait3A_458 = arith.constant 1 : i32
        %dma_wait3A_459 = arith.constant 0 : i32
        %dma_wait3A_460 = tpu.memref_slice %arg7[%dma_wait3A_456, %dma_wait3A_457, %dma_wait3A_458, %dma_wait3A_459] : memref<2x4x3x32xi32, #tpu.memory_space<vmem>> -> memref<1x1x1x32xi32, #tpu.memory_space<vmem>>
        %dma_wait3A_461 = tpu.memref_squeeze %dma_wait3A_460 : memref<1x1x1x32xi32, #tpu.memory_space<vmem>> -> memref<32xi32, #tpu.memory_space<vmem>>
        %dma_wait3A_462 = arith.constant 0 : i32
        %dma_wait3A_463 = arith.constant 0 : i32
        %dma_wait3A_464 = tpu.memref_slice %arg22[%dma_wait3A_462, %dma_wait3A_463] : memref<5248x128xf32, #tpu.memory_space<vmem_shared>> -> memref<5248x128xf32, #tpu.memory_space<vmem_shared>>
        tpu.wait_indirect_dma semaphore(%arg19 : memref<!tpu.dma_semaphore, #tpu.memory_space<semaphore_mem>>) src(%arg9 : memref<32x128xf32, #tpu.memory_space<vmem>>) dst(%dma_wait3A_464 : memref<5248x128xf32, #tpu.memory_space<vmem_shared>>)
        %dma_wait3A_465 = arith.constant 0 : i32
        %dma_wait3A_466 = arith.constant 2 : i32
        %dma_wait3A_467 = arith.constant 1 : i32
        %dma_wait3A_468 = arith.constant 0 : i32
        %dma_wait3A_469 = tpu.memref_slice %arg7[%dma_wait3A_465, %dma_wait3A_466, %dma_wait3A_467, %dma_wait3A_468] : memref<2x4x3x32xi32, #tpu.memory_space<vmem>> -> memref<1x1x1x32xi32, #tpu.memory_space<vmem>>
        %dma_wait3A_470 = tpu.memref_squeeze %dma_wait3A_469 : memref<1x1x1x32xi32, #tpu.memory_space<vmem>> -> memref<32xi32, #tpu.memory_space<vmem>>
        %dma_wait3A_471 = arith.constant 0 : i32
        %dma_wait3A_472 = arith.constant 0 : i32
        %dma_wait3A_473 = tpu.memref_slice %arg22[%dma_wait3A_471, %dma_wait3A_472] : memref<5248x128xf32, #tpu.memory_space<vmem_shared>> -> memref<5248x128xf32, #tpu.memory_space<vmem_shared>>
        tpu.wait_indirect_dma semaphore(%arg20 : memref<!tpu.dma_semaphore, #tpu.memory_space<semaphore_mem>>) src(%arg10 : memref<32x128xf32, #tpu.memory_space<vmem>>) dst(%dma_wait3A_473 : memref<5248x128xf32, #tpu.memory_space<vmem_shared>>)
        %dma_wait3A_474 = arith.constant 0 : i32
        %dma_wait3A_475 = arith.constant 3 : i32
        %dma_wait3A_476 = arith.constant 1 : i32
        %dma_wait3A_477 = arith.constant 0 : i32
        %dma_wait3A_478 = tpu.memref_slice %arg7[%dma_wait3A_474, %dma_wait3A_475, %dma_wait3A_476, %dma_wait3A_477] : memref<2x4x3x32xi32, #tpu.memory_space<vmem>> -> memref<1x1x1x32xi32, #tpu.memory_space<vmem>>
        %dma_wait3A_479 = tpu.memref_squeeze %dma_wait3A_478 : memref<1x1x1x32xi32, #tpu.memory_space<vmem>> -> memref<32xi32, #tpu.memory_space<vmem>>
        %dma_wait3A_480 = arith.constant 0 : i32
        %dma_wait3A_481 = arith.constant 0 : i32
        %dma_wait3A_482 = tpu.memref_slice %arg22[%dma_wait3A_480, %dma_wait3A_481] : memref<5248x128xf32, #tpu.memory_space<vmem_shared>> -> memref<5248x128xf32, #tpu.memory_space<vmem_shared>>
        tpu.wait_indirect_dma semaphore(%arg21 : memref<!tpu.dma_semaphore, #tpu.memory_space<semaphore_mem>>) src(%arg11 : memref<32x128xf32, #tpu.memory_space<vmem>>) dst(%dma_wait3A_482 : memref<5248x128xf32, #tpu.memory_space<vmem_shared>>)
      } else {
      }
      %add3A_332 = arith.constant 1 : i32
      %add3A_333 = arith.addi %add3A_297, %add3A_332 : i32
      %lt3A_334 = arith.constant 80 : i32
      %lt3A_335 = arith.cmpi slt, %add3A_333, %lt3A_334 : i32
      %convert_element_type3A_336 = arith.extui %lt3A_335 : i1 to i32
      %cond3A_337 = arith.constant 0 : i32
      %cond3A_338 = arith.cmpi ne, %convert_element_type3A_336, %cond3A_337 : i32
      scf.if %cond3A_338 {
        %add3A_447 = arith.constant 1 : i32
        %add3A_448 = arith.addi %add3A_297, %add3A_447 : i32
        %mul3A_449 = arith.constant 4 : i32
        %mul3A_450 = arith.muli %add3A_448, %mul3A_449 : i32
        %dma_start3A_451 = arith.constant 0 : i32
        %dma_start3A_452 = arith.constant 0 : i32
        %dma_start3A_453 = arith.constant 0 : i32
        %dma_start3A_454 = arith.constant 0 : i32
        %dma_start3A_455 = tpu.memref_slice %arg7[%dma_start3A_451, %dma_start3A_452, %dma_start3A_453, %dma_start3A_454] : memref<2x4x3x32xi32, #tpu.memory_space<vmem>> -> memref<1x4x3x32xi32, #tpu.memory_space<vmem>>
        %dma_start3A_456 = tpu.memref_squeeze %dma_start3A_455 : memref<1x4x3x32xi32, #tpu.memory_space<vmem>> -> memref<4x3x32xi32, #tpu.memory_space<vmem>>
        %dma_start3A_457 = arith.constant 0 : i32
        %dma_start3A_458 = arith.constant 0 : i32
        %dma_start3A_459 = arith.constant 0 : i32
        %dma_start3A_460 = tpu.memref_slice %arg3[%add3A, %dma_start3A_457, %dma_start3A_458, %dma_start3A_459] : memref<32x320x3x32xi32, #tpu.memory_space<hbm>> -> memref<1x320x3x32xi32, #tpu.memory_space<hbm>>
        %dma_start3A_461 = tpu.memref_squeeze %dma_start3A_460 : memref<1x320x3x32xi32, #tpu.memory_space<hbm>> -> memref<320x3x32xi32, #tpu.memory_space<hbm>>
        %dma_start3A_462 = arith.constant 0 : i32
        %dma_start3A_463 = arith.constant 0 : i32
        %dma_start3A_464 = tpu.memref_slice %dma_start3A_461[%mul3A_450, %dma_start3A_462, %dma_start3A_463] : memref<320x3x32xi32, #tpu.memory_space<hbm>> -> memref<4x3x32xi32, #tpu.memory_space<hbm>>
        %dma_start3A_465 = arith.constant 0 : i32
        %dma_start3A_466 = arith.constant 0 : i32
        %dma_start3A_467 = arith.constant 0 : i32
        %dma_start3A_468 = tpu.memref_slice %arg7[%dma_start3A_451, %dma_start3A_465, %dma_start3A_466, %dma_start3A_467] : memref<2x4x3x32xi32, #tpu.memory_space<vmem>> -> memref<1x4x3x32xi32, #tpu.memory_space<vmem>>
        %dma_start3A_469 = tpu.memref_squeeze %dma_start3A_468 : memref<1x4x3x32xi32, #tpu.memory_space<vmem>> -> memref<4x3x32xi32, #tpu.memory_space<vmem>>
        %dma_start3A_470 = arith.constant 0 : i32
        %dma_start3A_471 = arith.constant 0 : i32
        %dma_start3A_472 = arith.constant 0 : i32
        %dma_start3A_473 = tpu.memref_slice %arg3[%add3A, %dma_start3A_470, %dma_start3A_471, %dma_start3A_472] : memref<32x320x3x32xi32, #tpu.memory_space<hbm>> -> memref<1x320x3x32xi32, #tpu.memory_space<hbm>>
        %dma_start3A_474 = tpu.memref_squeeze %dma_start3A_473 : memref<1x320x3x32xi32, #tpu.memory_space<hbm>> -> memref<320x3x32xi32, #tpu.memory_space<hbm>>
        %dma_start3A_475 = arith.constant 0 : i32
        %dma_start3A_476 = arith.constant 0 : i32
        %dma_start3A_477 = tpu.memref_slice %dma_start3A_474[%mul3A_450, %dma_start3A_475, %dma_start3A_476] : memref<320x3x32xi32, #tpu.memory_space<hbm>> -> memref<4x3x32xi32, #tpu.memory_space<hbm>>
        tpu.enqueue_dma source(%dma_start3A_477 : memref<4x3x32xi32, #tpu.memory_space<hbm>>) target(%dma_start3A_469 : memref<4x3x32xi32, #tpu.memory_space<vmem>>) target_semaphore(%arg12 : memref<!tpu.dma_semaphore, #tpu.memory_space<semaphore_mem>>)
      } else {
      }
      %dma_start3A_339 = arith.constant 1 : i32
      %dma_start3A_340 = arith.constant 0 : i32
      %dma_start3A_341 = arith.constant 0 : i32
      %dma_start3A_342 = arith.constant 0 : i32
      %dma_start3A_343 = tpu.memref_slice %arg7[%dma_start3A_339, %dma_start3A_340, %dma_start3A_341, %dma_start3A_342] : memref<2x4x3x32xi32, #tpu.memory_space<vmem>> -> memref<1x1x1x32xi32, #tpu.memory_space<vmem>>
      %dma_start3A_344 = tpu.memref_squeeze %dma_start3A_343 : memref<1x1x1x32xi32, #tpu.memory_space<vmem>> -> memref<32xi32, #tpu.memory_space<vmem>>
      %dma_start3A_345 = arith.constant 0 : i32
      %dma_start3A_346 = arith.constant 0 : i32
      %dma_start3A_347 = tpu.memref_slice %arg2[%dma_start3A_345, %dma_start3A_346] : memref<10000x128xf32, #tpu.memory_space<hbm>> -> memref<10000x128xf32, #tpu.memory_space<hbm>>
      tpu.enqueue_indirect_dma source(%dma_start3A_347 : memref<10000x128xf32, #tpu.memory_space<hbm>>) target(%arg8 : memref<32x128xf32, #tpu.memory_space<vmem>>) offsets(%dma_start3A_344 : memref<32xi32, #tpu.memory_space<vmem>>) semaphore(%arg14 : memref<!tpu.dma_semaphore, #tpu.memory_space<semaphore_mem>>)
      %dma_start3A_348 = arith.constant 1 : i32
      %dma_start3A_349 = arith.constant 1 : i32
      %dma_start3A_350 = arith.constant 0 : i32
      %dma_start3A_351 = arith.constant 0 : i32
      %dma_start3A_352 = tpu.memref_slice %arg7[%dma_start3A_348, %dma_start3A_349, %dma_start3A_350, %dma_start3A_351] : memref<2x4x3x32xi32, #tpu.memory_space<vmem>> -> memref<1x1x1x32xi32, #tpu.memory_space<vmem>>
      %dma_start3A_353 = tpu.memref_squeeze %dma_start3A_352 : memref<1x1x1x32xi32, #tpu.memory_space<vmem>> -> memref<32xi32, #tpu.memory_space<vmem>>
      %dma_start3A_354 = arith.constant 0 : i32
      %dma_start3A_355 = arith.constant 0 : i32
      %dma_start3A_356 = tpu.memref_slice %arg2[%dma_start3A_354, %dma_start3A_355] : memref<10000x128xf32, #tpu.memory_space<hbm>> -> memref<10000x128xf32, #tpu.memory_space<hbm>>
      tpu.enqueue_indirect_dma source(%dma_start3A_356 : memref<10000x128xf32, #tpu.memory_space<hbm>>) target(%arg9 : memref<32x128xf32, #tpu.memory_space<vmem>>) offsets(%dma_start3A_353 : memref<32xi32, #tpu.memory_space<vmem>>) semaphore(%arg15 : memref<!tpu.dma_semaphore, #tpu.memory_space<semaphore_mem>>)
      %dma_start3A_357 = arith.constant 1 : i32
      %dma_start3A_358 = arith.constant 2 : i32
      %dma_start3A_359 = arith.constant 0 : i32
      %dma_start3A_360 = arith.constant 0 : i32
      %dma_start3A_361 = tpu.memref_slice %arg7[%dma_start3A_357, %dma_start3A_358, %dma_start3A_359, %dma_start3A_360] : memref<2x4x3x32xi32, #tpu.memory_space<vmem>> -> memref<1x1x1x32xi32, #tpu.memory_space<vmem>>
      %dma_start3A_362 = tpu.memref_squeeze %dma_start3A_361 : memref<1x1x1x32xi32, #tpu.memory_space<vmem>> -> memref<32xi32, #tpu.memory_space<vmem>>
      %dma_start3A_363 = arith.constant 0 : i32
      %dma_start3A_364 = arith.constant 0 : i32
      %dma_start3A_365 = tpu.memref_slice %arg2[%dma_start3A_363, %dma_start3A_364] : memref<10000x128xf32, #tpu.memory_space<hbm>> -> memref<10000x128xf32, #tpu.memory_space<hbm>>
      tpu.enqueue_indirect_dma source(%dma_start3A_365 : memref<10000x128xf32, #tpu.memory_space<hbm>>) target(%arg10 : memref<32x128xf32, #tpu.memory_space<vmem>>) offsets(%dma_start3A_362 : memref<32xi32, #tpu.memory_space<vmem>>) semaphore(%arg16 : memref<!tpu.dma_semaphore, #tpu.memory_space<semaphore_mem>>)
      %dma_start3A_366 = arith.constant 1 : i32
      %dma_start3A_367 = arith.constant 3 : i32
      %dma_start3A_368 = arith.constant 0 : i32
      %dma_start3A_369 = arith.constant 0 : i32
      %dma_start3A_370 = tpu.memref_slice %arg7[%dma_start3A_366, %dma_start3A_367, %dma_start3A_368, %dma_start3A_369] : memref<2x4x3x32xi32, #tpu.memory_space<vmem>> -> memref<1x1x1x32xi32, #tpu.memory_space<vmem>>
      %dma_start3A_371 = tpu.memref_squeeze %dma_start3A_370 : memref<1x1x1x32xi32, #tpu.memory_space<vmem>> -> memref<32xi32, #tpu.memory_space<vmem>>
      %dma_start3A_372 = arith.constant 0 : i32
      %dma_start3A_373 = arith.constant 0 : i32
      %dma_start3A_374 = tpu.memref_slice %arg2[%dma_start3A_372, %dma_start3A_373] : memref<10000x128xf32, #tpu.memory_space<hbm>> -> memref<10000x128xf32, #tpu.memory_space<hbm>>
      tpu.enqueue_indirect_dma source(%dma_start3A_374 : memref<10000x128xf32, #tpu.memory_space<hbm>>) target(%arg11 : memref<32x128xf32, #tpu.memory_space<vmem>>) offsets(%dma_start3A_371 : memref<32xi32, #tpu.memory_space<vmem>>) semaphore(%arg17 : memref<!tpu.dma_semaphore, #tpu.memory_space<semaphore_mem>>)
      %dma_wait3A_375 = arith.constant 1 : i32
      %dma_wait3A_376 = arith.constant 0 : i32
      %dma_wait3A_377 = arith.constant 0 : i32
      %dma_wait3A_378 = arith.constant 0 : i32
      %dma_wait3A_379 = tpu.memref_slice %arg7[%dma_wait3A_375, %dma_wait3A_376, %dma_wait3A_377, %dma_wait3A_378] : memref<2x4x3x32xi32, #tpu.memory_space<vmem>> -> memref<1x1x1x32xi32, #tpu.memory_space<vmem>>
      %dma_wait3A_380 = tpu.memref_squeeze %dma_wait3A_379 : memref<1x1x1x32xi32, #tpu.memory_space<vmem>> -> memref<32xi32, #tpu.memory_space<vmem>>
      %dma_wait3A_381 = arith.constant 0 : i32
      %dma_wait3A_382 = arith.constant 0 : i32
      %dma_wait3A_383 = tpu.memref_slice %arg2[%dma_wait3A_381, %dma_wait3A_382] : memref<10000x128xf32, #tpu.memory_space<hbm>> -> memref<10000x128xf32, #tpu.memory_space<hbm>>
      tpu.wait_indirect_dma semaphore(%arg14 : memref<!tpu.dma_semaphore, #tpu.memory_space<semaphore_mem>>) src(%dma_wait3A_383 : memref<10000x128xf32, #tpu.memory_space<hbm>>) dst(%arg8 : memref<32x128xf32, #tpu.memory_space<vmem>>)
      %dma_start3A_384 = arith.constant 1 : i32
      %dma_start3A_385 = arith.constant 0 : i32
      %dma_start3A_386 = arith.constant 2 : i32
      %dma_start3A_387 = arith.constant 0 : i32
      %dma_start3A_388 = tpu.memref_slice %arg7[%dma_start3A_384, %dma_start3A_385, %dma_start3A_386, %dma_start3A_387] : memref<2x4x3x32xi32, #tpu.memory_space<vmem>> -> memref<1x1x1x32xi32, #tpu.memory_space<vmem>>
      %dma_start3A_389 = tpu.memref_squeeze %dma_start3A_388 : memref<1x1x1x32xi32, #tpu.memory_space<vmem>> -> memref<32xi32, #tpu.memory_space<vmem>>
      %dma_start3A_390 = arith.constant 0 : i32
      %dma_start3A_391 = arith.constant 0 : i32
      %dma_start3A_392 = tpu.memref_slice %arg22[%dma_start3A_390, %dma_start3A_391] : memref<5248x128xf32, #tpu.memory_space<vmem_shared>> -> memref<5248x128xf32, #tpu.memory_space<vmem_shared>>
      tpu.enqueue_indirect_dma source(%arg8 : memref<32x128xf32, #tpu.memory_space<vmem>>) target(%dma_start3A_392 : memref<5248x128xf32, #tpu.memory_space<vmem_shared>>) offsets(%dma_start3A_389 : memref<32xi32, #tpu.memory_space<vmem>>) semaphore(%arg18 : memref<!tpu.dma_semaphore, #tpu.memory_space<semaphore_mem>>) {add = true}
      %dma_wait3A_393 = arith.constant 1 : i32
      %dma_wait3A_394 = arith.constant 1 : i32
      %dma_wait3A_395 = arith.constant 0 : i32
      %dma_wait3A_396 = arith.constant 0 : i32
      %dma_wait3A_397 = tpu.memref_slice %arg7[%dma_wait3A_393, %dma_wait3A_394, %dma_wait3A_395, %dma_wait3A_396] : memref<2x4x3x32xi32, #tpu.memory_space<vmem>> -> memref<1x1x1x32xi32, #tpu.memory_space<vmem>>
      %dma_wait3A_398 = tpu.memref_squeeze %dma_wait3A_397 : memref<1x1x1x32xi32, #tpu.memory_space<vmem>> -> memref<32xi32, #tpu.memory_space<vmem>>
      %dma_wait3A_399 = arith.constant 0 : i32
      %dma_wait3A_400 = arith.constant 0 : i32
      %dma_wait3A_401 = tpu.memref_slice %arg2[%dma_wait3A_399, %dma_wait3A_400] : memref<10000x128xf32, #tpu.memory_space<hbm>> -> memref<10000x128xf32, #tpu.memory_space<hbm>>
      tpu.wait_indirect_dma semaphore(%arg15 : memref<!tpu.dma_semaphore, #tpu.memory_space<semaphore_mem>>) src(%dma_wait3A_401 : memref<10000x128xf32, #tpu.memory_space<hbm>>) dst(%arg9 : memref<32x128xf32, #tpu.memory_space<vmem>>)
      %dma_start3A_402 = arith.constant 1 : i32
      %dma_start3A_403 = arith.constant 1 : i32
      %dma_start3A_404 = arith.constant 2 : i32
      %dma_start3A_405 = arith.constant 0 : i32
      %dma_start3A_406 = tpu.memref_slice %arg7[%dma_start3A_402, %dma_start3A_403, %dma_start3A_404, %dma_start3A_405] : memref<2x4x3x32xi32, #tpu.memory_space<vmem>> -> memref<1x1x1x32xi32, #tpu.memory_space<vmem>>
      %dma_start3A_407 = tpu.memref_squeeze %dma_start3A_406 : memref<1x1x1x32xi32, #tpu.memory_space<vmem>> -> memref<32xi32, #tpu.memory_space<vmem>>
      %dma_start3A_408 = arith.constant 0 : i32
      %dma_start3A_409 = arith.constant 0 : i32
      %dma_start3A_410 = tpu.memref_slice %arg22[%dma_start3A_408, %dma_start3A_409] : memref<5248x128xf32, #tpu.memory_space<vmem_shared>> -> memref<5248x128xf32, #tpu.memory_space<vmem_shared>>
      tpu.enqueue_indirect_dma source(%arg9 : memref<32x128xf32, #tpu.memory_space<vmem>>) target(%dma_start3A_410 : memref<5248x128xf32, #tpu.memory_space<vmem_shared>>) offsets(%dma_start3A_407 : memref<32xi32, #tpu.memory_space<vmem>>) semaphore(%arg19 : memref<!tpu.dma_semaphore, #tpu.memory_space<semaphore_mem>>) {add = true}
      %dma_wait3A_411 = arith.constant 1 : i32
      %dma_wait3A_412 = arith.constant 2 : i32
      %dma_wait3A_413 = arith.constant 0 : i32
      %dma_wait3A_414 = arith.constant 0 : i32
      %dma_wait3A_415 = tpu.memref_slice %arg7[%dma_wait3A_411, %dma_wait3A_412, %dma_wait3A_413, %dma_wait3A_414] : memref<2x4x3x32xi32, #tpu.memory_space<vmem>> -> memref<1x1x1x32xi32, #tpu.memory_space<vmem>>
      %dma_wait3A_416 = tpu.memref_squeeze %dma_wait3A_415 : memref<1x1x1x32xi32, #tpu.memory_space<vmem>> -> memref<32xi32, #tpu.memory_space<vmem>>
      %dma_wait3A_417 = arith.constant 0 : i32
      %dma_wait3A_418 = arith.constant 0 : i32
      %dma_wait3A_419 = tpu.memref_slice %arg2[%dma_wait3A_417, %dma_wait3A_418] : memref<10000x128xf32, #tpu.memory_space<hbm>> -> memref<10000x128xf32, #tpu.memory_space<hbm>>
      tpu.wait_indirect_dma semaphore(%arg16 : memref<!tpu.dma_semaphore, #tpu.memory_space<semaphore_mem>>) src(%dma_wait3A_419 : memref<10000x128xf32, #tpu.memory_space<hbm>>) dst(%arg10 : memref<32x128xf32, #tpu.memory_space<vmem>>)
      %dma_start3A_420 = arith.constant 1 : i32
      %dma_start3A_421 = arith.constant 2 : i32
      %dma_start3A_422 = arith.constant 2 : i32
      %dma_start3A_423 = arith.constant 0 : i32
      %dma_start3A_424 = tpu.memref_slice %arg7[%dma_start3A_420, %dma_start3A_421, %dma_start3A_422, %dma_start3A_423] : memref<2x4x3x32xi32, #tpu.memory_space<vmem>> -> memref<1x1x1x32xi32, #tpu.memory_space<vmem>>
      %dma_start3A_425 = tpu.memref_squeeze %dma_start3A_424 : memref<1x1x1x32xi32, #tpu.memory_space<vmem>> -> memref<32xi32, #tpu.memory_space<vmem>>
      %dma_start3A_426 = arith.constant 0 : i32
      %dma_start3A_427 = arith.constant 0 : i32
      %dma_start3A_428 = tpu.memref_slice %arg22[%dma_start3A_426, %dma_start3A_427] : memref<5248x128xf32, #tpu.memory_space<vmem_shared>> -> memref<5248x128xf32, #tpu.memory_space<vmem_shared>>
      tpu.enqueue_indirect_dma source(%arg10 : memref<32x128xf32, #tpu.memory_space<vmem>>) target(%dma_start3A_428 : memref<5248x128xf32, #tpu.memory_space<vmem_shared>>) offsets(%dma_start3A_425 : memref<32xi32, #tpu.memory_space<vmem>>) semaphore(%arg20 : memref<!tpu.dma_semaphore, #tpu.memory_space<semaphore_mem>>) {add = true}
      %dma_wait3A_429 = arith.constant 1 : i32
      %dma_wait3A_430 = arith.constant 3 : i32
      %dma_wait3A_431 = arith.constant 0 : i32
      %dma_wait3A_432 = arith.constant 0 : i32
      %dma_wait3A_433 = tpu.memref_slice %arg7[%dma_wait3A_429, %dma_wait3A_430, %dma_wait3A_431, %dma_wait3A_432] : memref<2x4x3x32xi32, #tpu.memory_space<vmem>> -> memref<1x1x1x32xi32, #tpu.memory_space<vmem>>
      %dma_wait3A_434 = tpu.memref_squeeze %dma_wait3A_433 : memref<1x1x1x32xi32, #tpu.memory_space<vmem>> -> memref<32xi32, #tpu.memory_space<vmem>>
      %dma_wait3A_435 = arith.constant 0 : i32
      %dma_wait3A_436 = arith.constant 0 : i32
      %dma_wait3A_437 = tpu.memref_slice %arg2[%dma_wait3A_435, %dma_wait3A_436] : memref<10000x128xf32, #tpu.memory_space<hbm>> -> memref<10000x128xf32, #tpu.memory_space<hbm>>
      tpu.wait_indirect_dma semaphore(%arg17 : memref<!tpu.dma_semaphore, #tpu.memory_space<semaphore_mem>>) src(%dma_wait3A_437 : memref<10000x128xf32, #tpu.memory_space<hbm>>) dst(%arg11 : memref<32x128xf32, #tpu.memory_space<vmem>>)
      %dma_start3A_438 = arith.constant 1 : i32
      %dma_start3A_439 = arith.constant 3 : i32
      %dma_start3A_440 = arith.constant 2 : i32
      %dma_start3A_441 = arith.constant 0 : i32
      %dma_start3A_442 = tpu.memref_slice %arg7[%dma_start3A_438, %dma_start3A_439, %dma_start3A_440, %dma_start3A_441] : memref<2x4x3x32xi32, #tpu.memory_space<vmem>> -> memref<1x1x1x32xi32, #tpu.memory_space<vmem>>
      %dma_start3A_443 = tpu.memref_squeeze %dma_start3A_442 : memref<1x1x1x32xi32, #tpu.memory_space<vmem>> -> memref<32xi32, #tpu.memory_space<vmem>>
      %dma_start3A_444 = arith.constant 0 : i32
      %dma_start3A_445 = arith.constant 0 : i32
      %dma_start3A_446 = tpu.memref_slice %arg22[%dma_start3A_444, %dma_start3A_445] : memref<5248x128xf32, #tpu.memory_space<vmem_shared>> -> memref<5248x128xf32, #tpu.memory_space<vmem_shared>>
      tpu.enqueue_indirect_dma source(%arg11 : memref<32x128xf32, #tpu.memory_space<vmem>>) target(%dma_start3A_446 : memref<5248x128xf32, #tpu.memory_space<vmem_shared>>) offsets(%dma_start3A_443 : memref<32xi32, #tpu.memory_space<vmem>>) semaphore(%arg21 : memref<!tpu.dma_semaphore, #tpu.memory_space<semaphore_mem>>) {add = true}
    }
    %scan3A_105 = arith.constant 40 : i32
    %dma_wait3A_106 = arith.constant 0 : i32
    %dma_wait3A_107 = arith.constant 0 : i32
    %dma_wait3A_108 = arith.constant 1 : i32
    %dma_wait3A_109 = arith.constant 0 : i32
    %dma_wait3A_110 = tpu.memref_slice %arg7[%dma_wait3A_106, %dma_wait3A_107, %dma_wait3A_108, %dma_wait3A_109] : memref<2x4x3x32xi32, #tpu.memory_space<vmem>> -> memref<1x1x1x32xi32, #tpu.memory_space<vmem>>
    %dma_wait3A_111 = tpu.memref_squeeze %dma_wait3A_110 : memref<1x1x1x32xi32, #tpu.memory_space<vmem>> -> memref<32xi32, #tpu.memory_space<vmem>>
    %dma_wait3A_112 = arith.constant 0 : i32
    %dma_wait3A_113 = arith.constant 0 : i32
    %dma_wait3A_114 = tpu.memref_slice %arg22[%dma_wait3A_112, %dma_wait3A_113] : memref<5248x128xf32, #tpu.memory_space<vmem_shared>> -> memref<5248x128xf32, #tpu.memory_space<vmem_shared>>
    tpu.wait_indirect_dma semaphore(%arg18 : memref<!tpu.dma_semaphore, #tpu.memory_space<semaphore_mem>>) src(%arg8 : memref<32x128xf32, #tpu.memory_space<vmem>>) dst(%dma_wait3A_114 : memref<5248x128xf32, #tpu.memory_space<vmem_shared>>)
    %dma_wait3A_115 = arith.constant 0 : i32
    %dma_wait3A_116 = arith.constant 1 : i32
    %dma_wait3A_117 = arith.constant 1 : i32
    %dma_wait3A_118 = arith.constant 0 : i32
    %dma_wait3A_119 = tpu.memref_slice %arg7[%dma_wait3A_115, %dma_wait3A_116, %dma_wait3A_117, %dma_wait3A_118] : memref<2x4x3x32xi32, #tpu.memory_space<vmem>> -> memref<1x1x1x32xi32, #tpu.memory_space<vmem>>
    %dma_wait3A_120 = tpu.memref_squeeze %dma_wait3A_119 : memref<1x1x1x32xi32, #tpu.memory_space<vmem>> -> memref<32xi32, #tpu.memory_space<vmem>>
    %dma_wait3A_121 = arith.constant 0 : i32
    %dma_wait3A_122 = arith.constant 0 : i32
    %dma_wait3A_123 = tpu.memref_slice %arg22[%dma_wait3A_121, %dma_wait3A_122] : memref<5248x128xf32, #tpu.memory_space<vmem_shared>> -> memref<5248x128xf32, #tpu.memory_space<vmem_shared>>
    tpu.wait_indirect_dma semaphore(%arg19 : memref<!tpu.dma_semaphore, #tpu.memory_space<semaphore_mem>>) src(%arg9 : memref<32x128xf32, #tpu.memory_space<vmem>>) dst(%dma_wait3A_123 : memref<5248x128xf32, #tpu.memory_space<vmem_shared>>)
    %dma_wait3A_124 = arith.constant 0 : i32
    %dma_wait3A_125 = arith.constant 2 : i32
    %dma_wait3A_126 = arith.constant 1 : i32
    %dma_wait3A_127 = arith.constant 0 : i32
    %dma_wait3A_128 = tpu.memref_slice %arg7[%dma_wait3A_124, %dma_wait3A_125, %dma_wait3A_126, %dma_wait3A_127] : memref<2x4x3x32xi32, #tpu.memory_space<vmem>> -> memref<1x1x1x32xi32, #tpu.memory_space<vmem>>
    %dma_wait3A_129 = tpu.memref_squeeze %dma_wait3A_128 : memref<1x1x1x32xi32, #tpu.memory_space<vmem>> -> memref<32xi32, #tpu.memory_space<vmem>>
    %dma_wait3A_130 = arith.constant 0 : i32
    %dma_wait3A_131 = arith.constant 0 : i32
    %dma_wait3A_132 = tpu.memref_slice %arg22[%dma_wait3A_130, %dma_wait3A_131] : memref<5248x128xf32, #tpu.memory_space<vmem_shared>> -> memref<5248x128xf32, #tpu.memory_space<vmem_shared>>
    tpu.wait_indirect_dma semaphore(%arg20 : memref<!tpu.dma_semaphore, #tpu.memory_space<semaphore_mem>>) src(%arg10 : memref<32x128xf32, #tpu.memory_space<vmem>>) dst(%dma_wait3A_132 : memref<5248x128xf32, #tpu.memory_space<vmem_shared>>)
    %dma_wait3A_133 = arith.constant 0 : i32
    %dma_wait3A_134 = arith.constant 3 : i32
    %dma_wait3A_135 = arith.constant 1 : i32
    %dma_wait3A_136 = arith.constant 0 : i32
    %dma_wait3A_137 = tpu.memref_slice %arg7[%dma_wait3A_133, %dma_wait3A_134, %dma_wait3A_135, %dma_wait3A_136] : memref<2x4x3x32xi32, #tpu.memory_space<vmem>> -> memref<1x1x1x32xi32, #tpu.memory_space<vmem>>
    %dma_wait3A_138 = tpu.memref_squeeze %dma_wait3A_137 : memref<1x1x1x32xi32, #tpu.memory_space<vmem>> -> memref<32xi32, #tpu.memory_space<vmem>>
    %dma_wait3A_139 = arith.constant 0 : i32
    %dma_wait3A_140 = arith.constant 0 : i32
    %dma_wait3A_141 = tpu.memref_slice %arg22[%dma_wait3A_139, %dma_wait3A_140] : memref<5248x128xf32, #tpu.memory_space<vmem_shared>> -> memref<5248x128xf32, #tpu.memory_space<vmem_shared>>
    tpu.wait_indirect_dma semaphore(%arg21 : memref<!tpu.dma_semaphore, #tpu.memory_space<semaphore_mem>>) src(%arg11 : memref<32x128xf32, #tpu.memory_space<vmem>>) dst(%dma_wait3A_141 : memref<5248x128xf32, #tpu.memory_space<vmem_shared>>)
    %barrier3A_142 = arith.constant 0 : index
    tpu.barrier barrier_id(%barrier3A_142)
    %run_scoped3A_143 = arith.constant 1 : i32
    "tpu.region"() ({
      %run_scoped3A_144 = tpu.sem_alloc : memref<!tpu.dma_semaphore, #tpu.memory_space<semaphore_mem>>
      %dma_start3A_145 = arith.constant 0 : i32
      %dma_start3A_146 = arith.constant 0 : i32
      %dma_start3A_147 = tpu.memref_slice %arg6[%arg0, %run_scoped3A_143, %dma_start3A_145, %dma_start3A_146] : memref<2x2x5248x128xf32, #tpu.memory_space<hbm>> -> memref<1x1x5248x128xf32, #tpu.memory_space<hbm>>
      %dma_start3A_148 = tpu.memref_squeeze %dma_start3A_147 : memref<1x1x5248x128xf32, #tpu.memory_space<hbm>> -> memref<5248x128xf32, #tpu.memory_space<hbm>>
      %dma_start3A_149 = arith.constant 0 : i32
      %dma_start3A_150 = tpu.memref_slice %dma_start3A_148[%mul3A_2, %dma_start3A_149] : memref<5248x128xf32, #tpu.memory_space<hbm>> -> memref<328x128xf32, #tpu.memory_space<hbm>>
      %dma_start3A_151 = arith.constant 0 : i32
      %dma_start3A_152 = tpu.memref_slice %arg22[%mul3A_2, %dma_start3A_151] : memref<5248x128xf32, #tpu.memory_space<vmem_shared>> -> memref<328x128xf32, #tpu.memory_space<vmem_shared>>
      tpu.enqueue_dma source(%dma_start3A_152 : memref<328x128xf32, #tpu.memory_space<vmem_shared>>) target(%dma_start3A_150 : memref<328x128xf32, #tpu.memory_space<hbm>>) target_semaphore(%run_scoped3A_144 : memref<!tpu.dma_semaphore, #tpu.memory_space<semaphore_mem>>)
      %dma_wait3A_153 = arith.constant 0 : i32
      %dma_wait3A_154 = arith.constant 0 : i32
      %dma_wait3A_155 = tpu.memref_slice %arg6[%arg0, %run_scoped3A_143, %dma_wait3A_153, %dma_wait3A_154] : memref<2x2x5248x128xf32, #tpu.memory_space<hbm>> -> memref<1x1x5248x128xf32, #tpu.memory_space<hbm>>
      %dma_wait3A_156 = tpu.memref_squeeze %dma_wait3A_155 : memref<1x1x5248x128xf32, #tpu.memory_space<hbm>> -> memref<5248x128xf32, #tpu.memory_space<hbm>>
      %dma_wait3A_157 = arith.constant 0 : i32
      %dma_wait3A_158 = tpu.memref_slice %dma_wait3A_156[%mul3A_2, %dma_wait3A_157] : memref<5248x128xf32, #tpu.memory_space<hbm>> -> memref<328x128xf32, #tpu.memory_space<hbm>>
      %dma_wait3A_159 = arith.constant 0 : i32
      %dma_wait3A_160 = tpu.memref_slice %arg22[%mul3A_2, %dma_wait3A_159] : memref<5248x128xf32, #tpu.memory_space<vmem_shared>> -> memref<328x128xf32, #tpu.memory_space<vmem_shared>>
      tpu.wait_dma2 semaphore(%run_scoped3A_144 : memref<!tpu.dma_semaphore, #tpu.memory_space<semaphore_mem>>) src(%dma_wait3A_160 : memref<328x128xf32, #tpu.memory_space<vmem_shared>>) dst(%dma_wait3A_158 : memref<328x128xf32, #tpu.memory_space<hbm>>)
      tpu.yield
    }) : () -> ()
    return
  }
}

module attributes {stable_mosaic.version = 14 : i64} {
  func.func @body(%arg0: i32, %arg1: memref<640x128xf32, #tpu.memory_space<vmem>>, %arg2: memref<2x1x640x128xf32, #tpu.memory_space<vmem>>, %arg3: memref<2x1x640x128xf32, #tpu.memory_space<vmem>>, %arg4: memref<128x256xf32, #tpu.memory_space<vmem>>, %arg5: memref<128x256xf32, #tpu.memory_space<vmem>>, %arg6: memref<256xf32, #tpu.memory_space<vmem>>, %arg7: memref<256x128xf32, #tpu.memory_space<vmem>>, %arg8: memref<256x128xf32, #tpu.memory_space<vmem>>, %arg9: memref<128xf32, #tpu.memory_space<vmem>>, %arg10: memref<640x128xf32, #tpu.memory_space<vmem>>, %arg11: memref<640x128xf32, #tpu.memory_space<vmem>>) attributes {dimension_semantics = [#tpu.dimension_semantics<arbitrary>], iteration_bounds = array<i64: 16>, scalar_prefetch = 0 : i64, scratch_operands = 0 : i64, tpu.core_type = #tpu.core_type<tc>, window_params = [{transform_indices = @transform_0, window_bounds = array<i64: 640, 128>}, {transform_indices = @transform_1, window_bounds = array<i64: 2, 1, 640, 128>}, {transform_indices = @transform_2, window_bounds = array<i64: 2, 1, 640, 128>}, {pipeline_mode = #tpu.pipeline_mode<synchronous>, transform_indices = @transform_3, window_bounds = array<i64: 128, 256>}, {pipeline_mode = #tpu.pipeline_mode<synchronous>, transform_indices = @transform_4, window_bounds = array<i64: 128, 256>}, {pipeline_mode = #tpu.pipeline_mode<synchronous>, transform_indices = @transform_5, window_bounds = array<i64: 256>}, {pipeline_mode = #tpu.pipeline_mode<synchronous>, transform_indices = @transform_6, window_bounds = array<i64: 256, 128>}, {pipeline_mode = #tpu.pipeline_mode<synchronous>, transform_indices = @transform_7, window_bounds = array<i64: 256, 128>}, {pipeline_mode = #tpu.pipeline_mode<synchronous>, transform_indices = @transform_8, window_bounds = array<i64: 128>}, {transform_indices = @transform_9, window_bounds = array<i64: 640, 128>}, {transform_indices = @transform_10, window_bounds = array<i64: 640, 128>}]} {
    %get3A = arith.constant 0 : index
    %get3A_0 = arith.constant 0 : index
    %get3A_1 = arith.constant 0 : index
    %get3A_2 = arith.constant 0 : index
    %get3A_3 = vector.load %arg2[%get3A, %get3A_0, %get3A_1, %get3A_2] : memref<2x1x640x128xf32, #tpu.memory_space<vmem>>, vector<1x1x640x128xf32>
    %get3A_4 = vector.shape_cast %get3A_3 : vector<1x1x640x128xf32> to vector<640x128xf32>
    %get3A_5 = arith.constant 1 : index
    %get3A_6 = arith.constant 0 : index
    %get3A_7 = arith.constant 0 : index
    %get3A_8 = arith.constant 0 : index
    %get3A_9 = vector.load %arg2[%get3A_5, %get3A_6, %get3A_7, %get3A_8] : memref<2x1x640x128xf32, #tpu.memory_space<vmem>>, vector<1x1x640x128xf32>
    %get3A_10 = vector.shape_cast %get3A_9 : vector<1x1x640x128xf32> to vector<640x128xf32>
    %add3A = arith.addf %get3A_4, %get3A_10 : vector<640x128xf32>
    %get3A_11 = arith.constant 0 : index
    %get3A_12 = arith.constant 0 : index
    %get3A_13 = arith.constant 0 : index
    %get3A_14 = arith.constant 0 : index
    %get3A_15 = vector.load %arg3[%get3A_11, %get3A_12, %get3A_13, %get3A_14] : memref<2x1x640x128xf32, #tpu.memory_space<vmem>>, vector<1x1x640x1xf32>
    %get3A_16 = vector.shape_cast %get3A_15 : vector<1x1x640x1xf32> to vector<640x1xf32>
    %get3A_17 = arith.constant 1 : index
    %get3A_18 = arith.constant 0 : index
    %get3A_19 = arith.constant 0 : index
    %get3A_20 = arith.constant 0 : index
    %get3A_21 = vector.load %arg3[%get3A_17, %get3A_18, %get3A_19, %get3A_20] : memref<2x1x640x128xf32, #tpu.memory_space<vmem>>, vector<1x1x640x1xf32>
    %get3A_22 = vector.shape_cast %get3A_21 : vector<1x1x640x1xf32> to vector<640x1xf32>
    %add3A_23 = arith.addf %get3A_16, %get3A_22 : vector<640x1xf32>
    %max3A = arith.constant 1.000000e+00 : f32
    %max3A_24 = vector.broadcast %max3A : f32 to vector<640x1xf32>
    %max3A_25 = arith.maximumf %add3A_23, %max3A_24 : vector<640x1xf32>
    %div3A = vector.broadcast %max3A_25 : vector<640x1xf32> to vector<640x128xf32>
    %div3A_26 = arith.divf %add3A, %div3A : vector<640x128xf32>
    %get3A_27 = arith.constant 0 : index
    %get3A_28 = arith.constant 0 : index
    %get3A_29 = vector.load %arg1[%get3A_27, %get3A_28] : memref<640x128xf32, #tpu.memory_space<vmem>>, vector<640x128xf32>
    %get3A_30 = arith.constant 0 : index
    %get3A_31 = arith.constant 0 : index
    %get3A_32 = vector.load %arg4[%get3A_30, %get3A_31] : memref<128x256xf32, #tpu.memory_space<vmem>>, vector<128x256xf32>
    %dot_general3A = arith.constant dense<0.000000e+00> : vector<640x256xf32>
    %dot_general3A_33 = tpu.matmul %get3A_29, %get3A_32, %dot_general3A {dimension_numbers = #tpu.dot_dimension_numbers<[1], [0], [0], [1], [0, 0, 1, 1], [], []>, transpose_lhs_hint = false} : vector<640x128xf32>, vector<128x256xf32>, vector<640x256xf32> -> vector<640x256xf32>
    %get3A_34 = arith.constant 0 : index
    %get3A_35 = arith.constant 0 : index
    %get3A_36 = vector.load %arg5[%get3A_34, %get3A_35] : memref<128x256xf32, #tpu.memory_space<vmem>>, vector<128x256xf32>
    %dot_general3A_37 = arith.constant dense<0.000000e+00> : vector<640x256xf32>
    %dot_general3A_38 = tpu.matmul %div3A_26, %get3A_36, %dot_general3A_37 {dimension_numbers = #tpu.dot_dimension_numbers<[1], [0], [0], [1], [0, 0, 1, 1], [], []>, transpose_lhs_hint = false} : vector<640x128xf32>, vector<128x256xf32>, vector<640x256xf32> -> vector<640x256xf32>
    %add3A_39 = arith.addf %dot_general3A_33, %dot_general3A_38 : vector<640x256xf32>
    %get3A_40 = arith.constant 0 : index
    %get3A_41 = vector.load %arg6[%get3A_40] : memref<256xf32, #tpu.memory_space<vmem>>, vector<256xf32>
    %broadcast_in_dim3A = vector.shape_cast %get3A_41 : vector<256xf32> to vector<1x256xf32>
    %add3A_42 = vector.broadcast %broadcast_in_dim3A : vector<1x256xf32> to vector<640x256xf32>
    %add3A_43 = arith.addf %add3A_39, %add3A_42 : vector<640x256xf32>
    %max3A_44 = arith.constant 0.000000e+00 : f32
    %max3A_45 = vector.broadcast %max3A_44 : f32 to vector<640x256xf32>
    %max3A_46 = arith.maximumf %add3A_43, %max3A_45 : vector<640x256xf32>
    %get3A_47 = arith.constant 0 : index
    %get3A_48 = arith.constant 0 : index
    %get3A_49 = vector.load %arg7[%get3A_47, %get3A_48] : memref<256x128xf32, #tpu.memory_space<vmem>>, vector<256x128xf32>
    %dot_general3A_50 = arith.constant dense<0.000000e+00> : vector<640x128xf32>
    %dot_general3A_51 = tpu.matmul %max3A_46, %get3A_49, %dot_general3A_50 {dimension_numbers = #tpu.dot_dimension_numbers<[1], [0], [0], [1], [0, 0, 1, 1], [], []>, transpose_lhs_hint = false} : vector<640x256xf32>, vector<256x128xf32>, vector<640x128xf32> -> vector<640x128xf32>
    %get3A_52 = arith.constant 0 : index
    %get3A_53 = vector.load %arg9[%get3A_52] : memref<128xf32, #tpu.memory_space<vmem>>, vector<128xf32>
    %broadcast_in_dim3A_54 = vector.shape_cast %get3A_53 : vector<128xf32> to vector<1x128xf32>
    %add3A_55 = vector.broadcast %broadcast_in_dim3A_54 : vector<1x128xf32> to vector<640x128xf32>
    %add3A_56 = arith.addf %dot_general3A_51, %add3A_55 : vector<640x128xf32>
    %swap3A = arith.constant 0 : index
    %swap3A_57 = arith.constant 0 : index
    %swap3A_58 = vector.load %arg10[%swap3A, %swap3A_57] : memref<640x128xf32, #tpu.memory_space<vmem>>, vector<640x128xf32>
    tpu.vector_store %arg10[%swap3A, %swap3A_57], %add3A_56 {strides = array<i32>} : memref<640x128xf32, #tpu.memory_space<vmem>>, vector<640x128xf32>,
    %get3A_59 = arith.constant 0 : index
    %get3A_60 = arith.constant 0 : index
    %get3A_61 = vector.load %arg8[%get3A_59, %get3A_60] : memref<256x128xf32, #tpu.memory_space<vmem>>, vector<256x128xf32>
    %dot_general3A_62 = arith.constant dense<0.000000e+00> : vector<640x128xf32>
    %dot_general3A_63 = tpu.matmul %max3A_46, %get3A_61, %dot_general3A_62 {dimension_numbers = #tpu.dot_dimension_numbers<[1], [0], [0], [1], [0, 0, 1, 1], [], []>, transpose_lhs_hint = false} : vector<640x256xf32>, vector<256x128xf32>, vector<640x128xf32> -> vector<640x128xf32>
    %swap3A_64 = arith.constant 0 : index
    %swap3A_65 = arith.constant 0 : index
    %swap3A_66 = vector.load %arg11[%swap3A_64, %swap3A_65] : memref<640x128xf32, #tpu.memory_space<vmem>>, vector<640x128xf32>
    tpu.vector_store %arg11[%swap3A_64, %swap3A_65], %dot_general3A_63 {strides = array<i32>} : memref<640x128xf32, #tpu.memory_space<vmem>>, vector<640x128xf32>,
    return
  }
  func.func @transform_0(%arg0: i32) -> (i32, i32) {
    %c0_i32 = arith.constant 0 : i32
    %c0_i32_0 = arith.constant 0 : i32
    return %arg0, %c0_i32 : i32, i32
  }
  func.func @transform_1(%arg0: i32) -> (i32, i32, i32, i32) {
    %jit3A = arith.constant 8 : i32
    %div3A = arith.divsi %arg0, %jit3A : i32
    %sign3A = arith.constant 0 : i32
    %sign3A_0 = arith.cmpi sgt, %arg0, %sign3A : i32
    %sign3A_1 = arith.extui %sign3A_0 : i1 to i32
    %sign3A_2 = arith.constant 0 : i32
    %sign3A_3 = arith.cmpi slt, %arg0, %sign3A_2 : i32
    %sign3A_4 = arith.extui %sign3A_3 : i1 to i32
    %sign3A_5 = arith.subi %sign3A_1, %sign3A_4 : i32
    %sign3A_6 = arith.constant 0 : i32
    %sign3A_7 = arith.cmpi sgt, %jit3A, %sign3A_6 : i32
    %sign3A_8 = arith.extui %sign3A_7 : i1 to i32
    %sign3A_9 = arith.constant 0 : i32
    %sign3A_10 = arith.cmpi slt, %jit3A, %sign3A_9 : i32
    %sign3A_11 = arith.extui %sign3A_10 : i1 to i32
    %sign3A_12 = arith.subi %sign3A_8, %sign3A_11 : i32
    %ne3A = arith.cmpi ne, %sign3A_5, %sign3A_12 : i32
    %rem3A = arith.remsi %arg0, %jit3A : i32
    %ne3A_13 = arith.constant 0 : i32
    %ne3A_14 = arith.cmpi ne, %rem3A, %ne3A_13 : i32
    %and3A = arith.andi %ne3A, %ne3A_14 : i1
    %sub3A = arith.constant 1 : i32
    %sub3A_15 = arith.subi %div3A, %sub3A : i32
    %select_n3A = arith.select %and3A, %sub3A_15, %div3A : i32
    %jit3A_16 = arith.constant 8 : i32
    %eq3A = arith.constant 0 : i32
    %eq3A_17 = arith.cmpi eq, %jit3A_16, %eq3A : i32
    %jit3A_18 = arith.constant 1 : i32
    %select_n3A_19 = arith.select %eq3A_17, %jit3A_18, %jit3A_16 : i32
    %rem3A_20 = arith.remsi %arg0, %select_n3A_19 : i32
    %ne3A_21 = arith.constant 0 : i32
    %ne3A_22 = arith.cmpi ne, %rem3A_20, %ne3A_21 : i32
    %lt3A = arith.constant 0 : i32
    %lt3A_23 = arith.cmpi slt, %rem3A_20, %lt3A : i32
    %lt3A_24 = arith.constant 0 : i32
    %lt3A_25 = arith.cmpi slt, %select_n3A_19, %lt3A_24 : i32
    %ne3A_26 = arith.xori %lt3A_23, %lt3A_25 : i1
    %and3A_27 = arith.andi %ne3A_26, %ne3A_22 : i1
    %add3A = arith.addi %rem3A_20, %select_n3A_19 : i32
    %select_n3A_28 = arith.select %and3A_27, %add3A, %rem3A_20 : i32
    %c0_i32 = arith.constant 0 : i32
    %c0_i32_29 = arith.constant 0 : i32
    %c0_i32_30 = arith.constant 0 : i32
    return %c0_i32, %select_n3A, %select_n3A_28, %c0_i32_29 : i32, i32, i32, i32
  }
  func.func @transform_2(%arg0: i32) -> (i32, i32, i32, i32) {
    %jit3A = arith.constant 8 : i32
    %div3A = arith.divsi %arg0, %jit3A : i32
    %sign3A = arith.constant 0 : i32
    %sign3A_0 = arith.cmpi sgt, %arg0, %sign3A : i32
    %sign3A_1 = arith.extui %sign3A_0 : i1 to i32
    %sign3A_2 = arith.constant 0 : i32
    %sign3A_3 = arith.cmpi slt, %arg0, %sign3A_2 : i32
    %sign3A_4 = arith.extui %sign3A_3 : i1 to i32
    %sign3A_5 = arith.subi %sign3A_1, %sign3A_4 : i32
    %sign3A_6 = arith.constant 0 : i32
    %sign3A_7 = arith.cmpi sgt, %jit3A, %sign3A_6 : i32
    %sign3A_8 = arith.extui %sign3A_7 : i1 to i32
    %sign3A_9 = arith.constant 0 : i32
    %sign3A_10 = arith.cmpi slt, %jit3A, %sign3A_9 : i32
    %sign3A_11 = arith.extui %sign3A_10 : i1 to i32
    %sign3A_12 = arith.subi %sign3A_8, %sign3A_11 : i32
    %ne3A = arith.cmpi ne, %sign3A_5, %sign3A_12 : i32
    %rem3A = arith.remsi %arg0, %jit3A : i32
    %ne3A_13 = arith.constant 0 : i32
    %ne3A_14 = arith.cmpi ne, %rem3A, %ne3A_13 : i32
    %and3A = arith.andi %ne3A, %ne3A_14 : i1
    %sub3A = arith.constant 1 : i32
    %sub3A_15 = arith.subi %div3A, %sub3A : i32
    %select_n3A = arith.select %and3A, %sub3A_15, %div3A : i32
    %jit3A_16 = arith.constant 8 : i32
    %eq3A = arith.constant 0 : i32
    %eq3A_17 = arith.cmpi eq, %jit3A_16, %eq3A : i32
    %jit3A_18 = arith.constant 1 : i32
    %select_n3A_19 = arith.select %eq3A_17, %jit3A_18, %jit3A_16 : i32
    %rem3A_20 = arith.remsi %arg0, %select_n3A_19 : i32
    %ne3A_21 = arith.constant 0 : i32
    %ne3A_22 = arith.cmpi ne, %rem3A_20, %ne3A_21 : i32
    %lt3A = arith.constant 0 : i32
    %lt3A_23 = arith.cmpi slt, %rem3A_20, %lt3A : i32
    %lt3A_24 = arith.constant 0 : i32
    %lt3A_25 = arith.cmpi slt, %select_n3A_19, %lt3A_24 : i32
    %ne3A_26 = arith.xori %lt3A_23, %lt3A_25 : i1
    %and3A_27 = arith.andi %ne3A_26, %ne3A_22 : i1
    %add3A = arith.addi %rem3A_20, %select_n3A_19 : i32
    %select_n3A_28 = arith.select %and3A_27, %add3A, %rem3A_20 : i32
    %c0_i32 = arith.constant 0 : i32
    %c0_i32_29 = arith.constant 0 : i32
    %c0_i32_30 = arith.constant 0 : i32
    return %c0_i32, %select_n3A, %select_n3A_28, %c0_i32_29 : i32, i32, i32, i32
  }
  func.func @transform_3(%arg0: i32) -> (i32, i32) {
    %c0_i32 = arith.constant 0 : i32
    %c0_i32_0 = arith.constant 0 : i32
    %c0_i32_1 = arith.constant 0 : i32
    return %c0_i32, %c0_i32_0 : i32, i32
  }
  func.func @transform_4(%arg0: i32) -> (i32, i32) {
    %c0_i32 = arith.constant 0 : i32
    %c0_i32_0 = arith.constant 0 : i32
    %c0_i32_1 = arith.constant 0 : i32
    return %c0_i32, %c0_i32_0 : i32, i32
  }
  func.func @transform_5(%arg0: i32) -> i32 {
    %c0_i32 = arith.constant 0 : i32
    %c0_i32_0 = arith.constant 0 : i32
    return %c0_i32 : i32
  }
  func.func @transform_6(%arg0: i32) -> (i32, i32) {
    %c0_i32 = arith.constant 0 : i32
    %c0_i32_0 = arith.constant 0 : i32
    %c0_i32_1 = arith.constant 0 : i32
    return %c0_i32, %c0_i32_0 : i32, i32
  }
  func.func @transform_7(%arg0: i32) -> (i32, i32) {
    %c0_i32 = arith.constant 0 : i32
    %c0_i32_0 = arith.constant 0 : i32
    %c0_i32_1 = arith.constant 0 : i32
    return %c0_i32, %c0_i32_0 : i32, i32
  }
  func.func @transform_8(%arg0: i32) -> i32 {
    %c0_i32 = arith.constant 0 : i32
    %c0_i32_0 = arith.constant 0 : i32
    return %c0_i32 : i32
  }
  func.func @transform_9(%arg0: i32) -> (i32, i32) {
    %c0_i32 = arith.constant 0 : i32
    %c0_i32_0 = arith.constant 0 : i32
    return %arg0, %c0_i32 : i32, i32
  }
  func.func @transform_10(%arg0: i32) -> (i32, i32) {
    %c0_i32 = arith.constant 0 : i32
    %c0_i32_0 = arith.constant 0 : i32
    return %arg0, %c0_i32 : i32, i32
  }
}

module attributes {stable_mosaic.version = 14 : i64} {
  func.func @body(%arg0: i32, %arg1: memref<640x128xf32, #tpu.memory_space<vmem>>, %arg2: memref<2x1x640x128xf32, #tpu.memory_space<vmem>>, %arg3: memref<2x1x640x128xf32, #tpu.memory_space<vmem>>, %arg4: memref<640x128xf32, #tpu.memory_space<vmem>>) attributes {dimension_semantics = [#tpu.dimension_semantics<arbitrary>], iteration_bounds = array<i64: 16>, scalar_prefetch = 0 : i64, scratch_operands = 0 : i64, tpu.core_type = #tpu.core_type<tc>, window_params = [{transform_indices = @transform_0, window_bounds = array<i64: 640, 128>}, {transform_indices = @transform_1, window_bounds = array<i64: 2, 1, 640, 128>}, {transform_indices = @transform_2, window_bounds = array<i64: 2, 1, 640, 128>}, {transform_indices = @transform_3, window_bounds = array<i64: 640, 128>}]} {
    %get3A = arith.constant 0 : index
    %get3A_0 = arith.constant 0 : index
    %get3A_1 = arith.constant 0 : index
    %get3A_2 = arith.constant 0 : index
    %get3A_3 = vector.load %arg2[%get3A, %get3A_0, %get3A_1, %get3A_2] : memref<2x1x640x128xf32, #tpu.memory_space<vmem>>, vector<1x1x640x128xf32>
    %get3A_4 = vector.shape_cast %get3A_3 : vector<1x1x640x128xf32> to vector<640x128xf32>
    %get3A_5 = arith.constant 1 : index
    %get3A_6 = arith.constant 0 : index
    %get3A_7 = arith.constant 0 : index
    %get3A_8 = arith.constant 0 : index
    %get3A_9 = vector.load %arg2[%get3A_5, %get3A_6, %get3A_7, %get3A_8] : memref<2x1x640x128xf32, #tpu.memory_space<vmem>>, vector<1x1x640x128xf32>
    %get3A_10 = vector.shape_cast %get3A_9 : vector<1x1x640x128xf32> to vector<640x128xf32>
    %add3A = arith.addf %get3A_4, %get3A_10 : vector<640x128xf32>
    %get3A_11 = arith.constant 0 : index
    %get3A_12 = arith.constant 0 : index
    %get3A_13 = arith.constant 0 : index
    %get3A_14 = arith.constant 0 : index
    %get3A_15 = vector.load %arg3[%get3A_11, %get3A_12, %get3A_13, %get3A_14] : memref<2x1x640x128xf32, #tpu.memory_space<vmem>>, vector<1x1x640x1xf32>
    %get3A_16 = vector.shape_cast %get3A_15 : vector<1x1x640x1xf32> to vector<640x1xf32>
    %get3A_17 = arith.constant 1 : index
    %get3A_18 = arith.constant 0 : index
    %get3A_19 = arith.constant 0 : index
    %get3A_20 = arith.constant 0 : index
    %get3A_21 = vector.load %arg3[%get3A_17, %get3A_18, %get3A_19, %get3A_20] : memref<2x1x640x128xf32, #tpu.memory_space<vmem>>, vector<1x1x640x1xf32>
    %get3A_22 = vector.shape_cast %get3A_21 : vector<1x1x640x1xf32> to vector<640x1xf32>
    %add3A_23 = arith.addf %get3A_16, %get3A_22 : vector<640x1xf32>
    %get3A_24 = arith.constant 0 : index
    %get3A_25 = arith.constant 0 : index
    %get3A_26 = vector.load %arg1[%get3A_24, %get3A_25] : memref<640x128xf32, #tpu.memory_space<vmem>>, vector<640x128xf32>
    %max3A = arith.constant 1.000000e+00 : f32
    %max3A_27 = vector.broadcast %max3A : f32 to vector<640x1xf32>
    %max3A_28 = arith.maximumf %add3A_23, %max3A_27 : vector<640x1xf32>
    %div3A = vector.broadcast %max3A_28 : vector<640x1xf32> to vector<640x128xf32>
    %div3A_29 = arith.divf %add3A, %div3A : vector<640x128xf32>
    %add3A_30 = arith.addf %get3A_26, %div3A_29 : vector<640x128xf32>
    %swap3A = arith.constant 0 : index
    %swap3A_31 = arith.constant 0 : index
    %swap3A_32 = vector.load %arg4[%swap3A, %swap3A_31] : memref<640x128xf32, #tpu.memory_space<vmem>>, vector<640x128xf32>
    tpu.vector_store %arg4[%swap3A, %swap3A_31], %add3A_30 {strides = array<i32>} : memref<640x128xf32, #tpu.memory_space<vmem>>, vector<640x128xf32>,
    return
  }
  func.func @transform_0(%arg0: i32) -> (i32, i32) {
    %c0_i32 = arith.constant 0 : i32
    %c0_i32_0 = arith.constant 0 : i32
    return %arg0, %c0_i32 : i32, i32
  }
  func.func @transform_1(%arg0: i32) -> (i32, i32, i32, i32) {
    %jit3A = arith.constant 8 : i32
    %div3A = arith.divsi %arg0, %jit3A : i32
    %sign3A = arith.constant 0 : i32
    %sign3A_0 = arith.cmpi sgt, %arg0, %sign3A : i32
    %sign3A_1 = arith.extui %sign3A_0 : i1 to i32
    %sign3A_2 = arith.constant 0 : i32
    %sign3A_3 = arith.cmpi slt, %arg0, %sign3A_2 : i32
    %sign3A_4 = arith.extui %sign3A_3 : i1 to i32
    %sign3A_5 = arith.subi %sign3A_1, %sign3A_4 : i32
    %sign3A_6 = arith.constant 0 : i32
    %sign3A_7 = arith.cmpi sgt, %jit3A, %sign3A_6 : i32
    %sign3A_8 = arith.extui %sign3A_7 : i1 to i32
    %sign3A_9 = arith.constant 0 : i32
    %sign3A_10 = arith.cmpi slt, %jit3A, %sign3A_9 : i32
    %sign3A_11 = arith.extui %sign3A_10 : i1 to i32
    %sign3A_12 = arith.subi %sign3A_8, %sign3A_11 : i32
    %ne3A = arith.cmpi ne, %sign3A_5, %sign3A_12 : i32
    %rem3A = arith.remsi %arg0, %jit3A : i32
    %ne3A_13 = arith.constant 0 : i32
    %ne3A_14 = arith.cmpi ne, %rem3A, %ne3A_13 : i32
    %and3A = arith.andi %ne3A, %ne3A_14 : i1
    %sub3A = arith.constant 1 : i32
    %sub3A_15 = arith.subi %div3A, %sub3A : i32
    %select_n3A = arith.select %and3A, %sub3A_15, %div3A : i32
    %jit3A_16 = arith.constant 8 : i32
    %eq3A = arith.constant 0 : i32
    %eq3A_17 = arith.cmpi eq, %jit3A_16, %eq3A : i32
    %jit3A_18 = arith.constant 1 : i32
    %select_n3A_19 = arith.select %eq3A_17, %jit3A_18, %jit3A_16 : i32
    %rem3A_20 = arith.remsi %arg0, %select_n3A_19 : i32
    %ne3A_21 = arith.constant 0 : i32
    %ne3A_22 = arith.cmpi ne, %rem3A_20, %ne3A_21 : i32
    %lt3A = arith.constant 0 : i32
    %lt3A_23 = arith.cmpi slt, %rem3A_20, %lt3A : i32
    %lt3A_24 = arith.constant 0 : i32
    %lt3A_25 = arith.cmpi slt, %select_n3A_19, %lt3A_24 : i32
    %ne3A_26 = arith.xori %lt3A_23, %lt3A_25 : i1
    %and3A_27 = arith.andi %ne3A_26, %ne3A_22 : i1
    %add3A = arith.addi %rem3A_20, %select_n3A_19 : i32
    %select_n3A_28 = arith.select %and3A_27, %add3A, %rem3A_20 : i32
    %c0_i32 = arith.constant 0 : i32
    %c0_i32_29 = arith.constant 0 : i32
    %c0_i32_30 = arith.constant 0 : i32
    return %c0_i32, %select_n3A, %select_n3A_28, %c0_i32_29 : i32, i32, i32, i32
  }
  func.func @transform_2(%arg0: i32) -> (i32, i32, i32, i32) {
    %jit3A = arith.constant 8 : i32
    %div3A = arith.divsi %arg0, %jit3A : i32
    %sign3A = arith.constant 0 : i32
    %sign3A_0 = arith.cmpi sgt, %arg0, %sign3A : i32
    %sign3A_1 = arith.extui %sign3A_0 : i1 to i32
    %sign3A_2 = arith.constant 0 : i32
    %sign3A_3 = arith.cmpi slt, %arg0, %sign3A_2 : i32
    %sign3A_4 = arith.extui %sign3A_3 : i1 to i32
    %sign3A_5 = arith.subi %sign3A_1, %sign3A_4 : i32
    %sign3A_6 = arith.constant 0 : i32
    %sign3A_7 = arith.cmpi sgt, %jit3A, %sign3A_6 : i32
    %sign3A_8 = arith.extui %sign3A_7 : i1 to i32
    %sign3A_9 = arith.constant 0 : i32
    %sign3A_10 = arith.cmpi slt, %jit3A, %sign3A_9 : i32
    %sign3A_11 = arith.extui %sign3A_10 : i1 to i32
    %sign3A_12 = arith.subi %sign3A_8, %sign3A_11 : i32
    %ne3A = arith.cmpi ne, %sign3A_5, %sign3A_12 : i32
    %rem3A = arith.remsi %arg0, %jit3A : i32
    %ne3A_13 = arith.constant 0 : i32
    %ne3A_14 = arith.cmpi ne, %rem3A, %ne3A_13 : i32
    %and3A = arith.andi %ne3A, %ne3A_14 : i1
    %sub3A = arith.constant 1 : i32
    %sub3A_15 = arith.subi %div3A, %sub3A : i32
    %select_n3A = arith.select %and3A, %sub3A_15, %div3A : i32
    %jit3A_16 = arith.constant 8 : i32
    %eq3A = arith.constant 0 : i32
    %eq3A_17 = arith.cmpi eq, %jit3A_16, %eq3A : i32
    %jit3A_18 = arith.constant 1 : i32
    %select_n3A_19 = arith.select %eq3A_17, %jit3A_18, %jit3A_16 : i32
    %rem3A_20 = arith.remsi %arg0, %select_n3A_19 : i32
    %ne3A_21 = arith.constant 0 : i32
    %ne3A_22 = arith.cmpi ne, %rem3A_20, %ne3A_21 : i32
    %lt3A = arith.constant 0 : i32
    %lt3A_23 = arith.cmpi slt, %rem3A_20, %lt3A : i32
    %lt3A_24 = arith.constant 0 : i32
    %lt3A_25 = arith.cmpi slt, %select_n3A_19, %lt3A_24 : i32
    %ne3A_26 = arith.xori %lt3A_23, %lt3A_25 : i1
    %and3A_27 = arith.andi %ne3A_26, %ne3A_22 : i1
    %add3A = arith.addi %rem3A_20, %select_n3A_19 : i32
    %select_n3A_28 = arith.select %and3A_27, %add3A, %rem3A_20 : i32
    %c0_i32 = arith.constant 0 : i32
    %c0_i32_29 = arith.constant 0 : i32
    %c0_i32_30 = arith.constant 0 : i32
    return %c0_i32, %select_n3A, %select_n3A_28, %c0_i32_29 : i32, i32, i32, i32
  }
  func.func @transform_3(%arg0: i32) -> (i32, i32) {
    %c0_i32 = arith.constant 0 : i32
    %c0_i32_0 = arith.constant 0 : i32
    return %arg0, %c0_i32 : i32, i32
  }
}

</mosaic_0001>

<sc_bundles>
// kernel: kernel.6.cloned.1.call-start
scs
__scs_entry_jumppad:
0x0: {  	(pc) =	sbr.rel $0x88, $3  }
0x1: {  	(tag) =	ssettag $0x0;
	lr =	simm.s32 $0x1  }
0x2: {  	[smem:$0x3F99] =	sst lr;
	_ =	strace $0xD0000000  }
0x3: {  	_ = 	snop  }
0x4: {  	_ = 	snop  }
0x5: {  	_ = 	snop  }
0x6: {  	_ = 	snop  }
0x7: {  	_ = 	snop  }
__scs_overlays_trampoline_lowered:
0x8: {  	[smem:$0x3FA8] =	sst s0  }
0x9: {  	[smem:$0x3FA9] =	sst s1  }
0xa: {  	[smem:$0x3FAA] =	sst s2  }
0xb: {  	[smem:$0x3FAB] =	sst s3  }
0xc: {  	[smem:$0x3FAC] =	sst s4  }
0xd: {  	[smem:$0x3FAD] =	sst s5  }
0xe: {  	[smem:$0x3FAE] =	sst s6  }
0xf: {  	[smem:$0x3FAF] =	sst s7  }
0x10: {  	[smem:$0x3FB0] =	sst s8  }
0x11: {  	[smem:$0x3FB1] =	sst s9;
	s0 =	simm.s32 @!p0 $0x0  }
0x12: {  	s1 =	sld [smem:$0x3F97];
	s0 =	simm.s32 @p0 $0x1  }
0x13: {  	[smem:$0x3FB2] =	sst s0;
	s0 =	simm.s32 @!p1 $0x0  }
0x14: {  	s2 =	sld [smem:$0x3F96];
	s0 =	simm.s32 @p1 $0x1  }
0x15: {  	[smem:$0x3FB3] =	sst s0;
	s0 =	simm.s32 @!p2 $0x0  }
0x16: {  	s3 =	sld [smem:$0x3FDB];
	s0 =	simm.s32 @p2 $0x1  }
0x17: {  	s4 =	simm.s32 $0x1BF5;
	[smem:$0x3FB5] =	sst s0  }
0x18: {  	s0 =	sld [smem:$0x3F98];
	_ =	swait.ge [sflag:s4], $0x0  }
0x19: {  	s7 =	sld [smem:$0x3F99]  }
0x1a: {  	s8 =	sadd.s32 $0xFFFFE003, lr  }
0x1b: {  	s9 =	sadd.s32 $0xFFFFFEF7, lr;
	s5 =	simm.s32 $0xFFFFFFFF;
	p2 =	slt.u32 s8, $0xFFFFF086  }
0x1c: {  	p1 =	slt.u32 s9, $0xF7A;
	s5 =	simm.s32 @!p2 $0x0  }
0x1d: {  	s5 =	simm.s32 @p1 $0x1;
	p0 =	seq.s32 s7, s2  }
0x1e: {  	s7 =	smul.u32 @!p0 $0xF7A, s2;
	p2 =	seq.s32 @!p0 s5, $0x0  }
0x1f: {  	s9 =	smul.u32 $0xF7A, s1;
	s8 =	simm.s32 @!p0 $0x1BF5;
	p2 =	por !p2, p0  }
0x20: {  	[sflag:s8] =	ssyncset.s32 @!p0 $0xFFFFF086;
	s6 =	sadd.s32 @!p0 s3, s7;
	s7 =	simm.s32 @!p0 $0x108  }
0x21: {  	s3 =	sadd.s32 s3, s9;
	s6 =	sadd.s32 @!p0 $0x88, s6;
	s7 =	simm.s32 @p2 $0x1082  }
0x22: {  	[simem:s7], [sflag:s8] =	dma.local @!p0 [hbm:s6], $0xF7A  }
0x23: {  	s9 =	sor.u32 $0xD0000000, s2;
	s6 =	simm.s32 $0x108;
	_ =	swait.ge @!p0 [sflag:s8], $0x0  }
0x24: {  	s3 =	sadd.s32 $0x88, s3;
	s6 =	simm.s32 @!p1 $0x1082;
	[sflag:s4] =	ssyncset.s32 $0xFFFFF086  }
0x25: {  	[simem:s6], [sflag:s4] =	dma.local [hbm:s3], $0xF7A  }
0x26: {  	[smem:$0x3F99] =	sst s1;
	(tag) =	ssettag s2;
	_ =	strace s9  }
0x27: {  	s1 =	sld [smem:$0x3FA9]  }
0x28: {  	s2 =	sld [smem:$0x3FAA]  }
0x29: {  	s4 =	sld [smem:$0x3FAC]  }
0x2a: {  	p0 =	seq.s32 s5, $0x0;
	s5 =	sld [smem:$0x3FAD]  }
0x2b: {  	s6 =	sld [smem:$0x3FAE]  }
0x2c: {  	s7 =	sld [smem:$0x3FAF]  }
0x2d: {  	s3 =	simm.s32 $0x108;
	s8 =	sld [smem:$0x3FB0]  }
0x2e: {  	s3 =	simm.s32 @!p0 $0x1082;
	s9 =	sld [smem:$0x3FB1]  }
0x2f: {  	lr =	sadd.s32 s0, s3;
	s0 =	sld [smem:$0x3FA8]  }
0x30: {  	s3 =	sld [smem:$0x3FAB]  }
0x31: {  	[smem:$0x3FB4] =	sst s10  }
0x32: {  	s10 =	sld [smem:$0x3FB2];
	_ =	sdelay $0x3  }
0x33: {  	p0 =	seq.s32 s10, $0x1;
	s10 =	sld [smem:$0x3FB4];
	_ =	sdelay $0x3  }
0x34: {  	[smem:$0x3FB4] =	sst s10  }
0x35: {  	s10 =	sld [smem:$0x3FB3];
	_ =	sdelay $0x3  }
0x36: {  	p1 =	seq.s32 s10, $0x1;
	s10 =	sld [smem:$0x3FB4];
	_ =	sdelay $0x3  }
0x37: {  	[smem:$0x3FB4] =	sst s10  }
0x38: {  	s10 =	sld [smem:$0x3FB5]  }
0x39: {  	_ = 	snop;
	(pc) =	sbr.ind lr, $3  }
0x3a: {  	_ = 	snop  }
0x3b: {  	_ = 	snop  }
0x3c: {  	p2 =	seq.s32 s10, $0x1;
	s10 =	sld [smem:$0x3FB4]  }
0x3d: {  	_ =	shalt  }
0x3e: {  	_ =	shalt  }
0x3f: {  	_ =	shalt  }
0x40: {  	_ =	shalt  }
0x41: {  	_ =	shalt  }
0x42: {  	_ =	shalt  }
0x43: {  	_ =	shalt  }
0x44: {  	_ =	shalt  }
0x45: {  	_ =	shalt  }
0x46: {  	_ =	shalt  }
0x47: {  	_ =	shalt  }
0x48: {  	_ =	shalt  }
0x49: {  	_ =	shalt  }
0x4a: {  	_ =	shalt  }
0x4b: {  	_ =	shalt  }
0x4c: {  	_ =	shalt  }
0x4d: {  	_ =	shalt  }
0x4e: {  	_ =	shalt  }
0x4f: {  	_ =	shalt  }
0x50: {  	_ =	shalt  }
0x51: {  	_ =	shalt  }
0x52: {  	_ =	shalt  }
0x53: {  	_ =	shalt  }
0x54: {  	_ =	shalt  }
0x55: {  	_ =	shalt  }
0x56: {  	_ =	shalt  }
0x57: {  	_ =	shalt  }
0x58: {  	_ =	shalt  }
0x59: {  	_ =	shalt  }
0x5a: {  	_ =	shalt  }
0x5b: {  	_ =	shalt  }
0x5c: {  	_ =	shalt  }
0x5d: {  	_ =	shalt  }
0x5e: {  	_ =	shalt  }
0x5f: {  	_ =	shalt  }
0x60: {  	_ =	shalt  }
0x61: {  	_ =	shalt  }
0x62: {  	_ =	shalt  }
0x63: {  	_ =	shalt  }
0x64: {  	_ =	shalt  }
0x65: {  	_ =	shalt  }
0x66: {  	_ =	shalt  }
0x67: {  	_ =	shalt  }
0x68: {  	_ =	shalt  }
0x69: {  	_ =	shalt  }
0x6a: {  	_ =	shalt  }
0x6b: {  	_ =	shalt  }
0x6c: {  	_ =	shalt  }
0x6d: {  	_ =	shalt  }
0x6e: {  	_ =	shalt  }
0x6f: {  	_ =	shalt  }
0x70: {  	_ =	shalt  }
0x71: {  	_ =	shalt  }
0x72: {  	_ =	shalt  }
0x73: {  	_ =	shalt  }
0x74: {  	_ =	shalt  }
0x75: {  	_ =	shalt  }
0x76: {  	_ =	shalt  }
0x77: {  	_ =	shalt  }
0x78: {  	_ =	shalt  }
0x79: {  	_ =	shalt  }
0x7a: {  	_ =	shalt  }
0x7b: {  	_ =	shalt  }
0x7c: {  	_ =	shalt  }
0x7d: {  	_ =	shalt  }
0x7e: {  	_ =	shalt  }
0x7f: {  	_ =	shalt  }
0x80: {  	_ =	shalt  }
0x81: {  	_ =	shalt  }
0x82: {  	_ =	shalt  }
0x83: {  	_ =	shalt  }
0x84: {  	_ =	shalt  }
0x85: {  	_ =	shalt  }
0x86: {  	_ =	shalt  }
0x87: {  	_ =	shalt  }
.Lfunc_end0:
.L_simem_size_0:
called_computation_lowered:
.L_overlay_start_0:
0x88: {  	s2 =	sld [smem:$0x3FD9]  }
0x89: {  	s3 =	sld [smem:$0x3FFE];
	_ =	sdelay $0x1  }
0x8a: {  	s1 =	srdreg.scid  }
0x8b: {  	s0 =	sand.u32 $0x1, s1  }
0x8c: {  	s17 =	sshll.u32 s0, $0xA;
	s2 =	sadd.s32 s3, s2  }
0x8d: {  	s2 =	sadd.s32 s2, s17  }
0x8e: {  	[smem:$0x3FC0] =	sst s2  }
0x8f: {  	_ = 	snop  }
0x90: {  	s2 =	sld [smem:$0x3FC9];
	(tm) =	ssettm $0x1  }
0x91: {  	s18 =	sld [smem:$0x3FFB];
	_ =	sdelay $0x3  }
0x92: {  	_ =	strace s18  }
0x93: {  	s3 =	sld [smem:$0x3FFC];
	_ =	sdelay $0x3  }
0x94: {  	_ =	strace s3  }
0x95: {  	s3 =	sld [smem:$0x3FFD];
	_ =	sdelay $0x3  }
0x96: {  	_ =	strace s3  }
0x97: {  	_ =	strace $0x8FFFFFFF  }
0x98: {  	s19 =	sld [smem:$0x3FDB];
	_ =	sdelay $0x1  }
0x99: {  	s4 =	simm.s32 $_scs_section_size  }
0x9a: {  	s5 =	simm.s32 $_size__tile_overlayer_lowered;
	s6 =	simm.s32 $_tile_overlayer_lowered  }
0x9b: {  	s22 =	simm.s32 $0x1BFF;
	s21 =	sshll.u32 s6, $0x1;
	s3 =	sadd.s32 s4, s19  }
0x9c: {  	s7 =	simm.s32 $0x0;
	s20 =	sshll.u32 s5, $0x1;
	s5 =	sadd.s32 s21, s3  }
0x9d: {  	[timem:s7], [sflag:s22] =	dma.local [hbm:s5], s20  }
0x9e: {  	_ =	swait.ge [sflag:s22], s20  }
0x9f: {  	s4 =	ssub.s32 $0x0, s20;
	[sflag:s22] =	ssyncset.done $0x0  }
0xa0: {  	[sflag:s22] =	ssyncadd.s32 s4;
	_ =	sdelay $0x1  }
0xa1: {  	s23 =	simm.s32 $0x1B8B  }
0xa2: {  	_ =	swait.ge [sflag:s23], $0x1  }
0xa3: {  	[sflag:s23] =	ssyncset.done $0x0  }
0xa4: {  	s25 =	simm.s32 $0x1B8E;
	s24 =	sld [smem:$0x3FFE];
	[sflag:s23] =	ssyncadd.s32 $0xFFFFFFFF  }
0xa5: {  	s26 =	simm.s32 $execute0_lowered;
	[smem:$0x3FD2] =	sst s25  }
0xa6: {  	s5 =	sshll.u32 s26, $0x1;
	_ =	strace $0x80000046;
	[dreg:$0x1] =	wrdreg $0xFFFFFFFF  }
0xa7: {  	s28 =	simm.s32 $_size_execute0_lowered;
	s3 =	sadd.s32 s3, s5;
	[dreg:$0x0] =	wrdreg $0x0  }
0xa8: {  	s5 =	sshll.u32 s28, $0x1;
	[dreg:$0x2] =	wrdreg s3  }
0xa9: {  	[dreg:$0x3] =	wrdreg s5  }
0xaa: {  	[dreg:$0x4] =	wrdreg $0xC0  }
0xab: {  	_ =	task [dreg:s7], $0x5FFFF  }
0xac: {  	[dreg:$0x1] =	wrdreg $0xFFFFFFFF  }
0xad: {  	[dreg:$0x0] =	wrdreg $0x60  }
0xae: {  	[dreg:$0x2] =	wrdreg s2  }
0xaf: {  	[dreg:$0x3] =	wrdreg s24  }
0xb0: {  	[dreg:$0x4] =	wrdreg $0x50000  }
0xb1: {  	[dreg:$0x5] =	wrdreg $0x9  }
0xb2: {  	_ =	task.clear_ibuf [dreg:s7], $0x6FFFF;
	_ =	strace $0x90000046  }
0xb3: {  	s29 =	simm.s32 $0x9;
	_ =	strace $0x80000048  }
0xb4: {  	_ =	swait.ge [sflag:s29], $0x1  }
0xb5: {  	[sflag:s29] =	ssyncadd.s32 $0xFFFFFFFF  }
0xb6: {  	_ =	strace $0x90000048  }
0xb7: {  	_ =	sfence  }
0xb8: {  	s30 =	sld [smem:$0x0];
	_ =	sdelay $0x2  }
0xb9: {  	s31 =	sshll.u32 s1, $0xD;
	s1 =	sshrl.u32 s1, $0x2  }
0xba: {  	s3 =	sand.u32 $0x4000, s31;
	s1 =	sadd.s32 s1, s30  }
0xbb: {  	s0 =	sor.u32 s3, s0;
	s1 =	sshll.u32 s1, $0x11  }
0xbc: {  	s0 =	sor.u32 s1, s0  }
0xbd: {  	s0 =	sadd.s32 $0x8F2B, s0  }
0xbe: {  	[sflag:s0] =	ssyncadd.remote.s32 $0x1  }
0xbf: {  	_ =	sfence.sel $0xFFFF  }
0xc0: {  	[dreg:$0x0] =	wrdreg $0xFFFFFFFF;
	(pc) =	sbr.abs _section_cstart, $3  }
0xc1: {  	[dreg:$0x1] =	wrdreg $0xFFFFFFFF  }
0xc2: {  	_ =	task.clear_ibuf [dreg:s7], $0x2FFFF;
	_ =	strace $0x9FFFFFFF  }
0xc3: {  	(tm) =	ssettm $0x7FFFFFFF  }
tec
execute0_lowered:
.L_overlay_start_1:
0x0: {  	(tag) =	ssettag $0x1  }
0x1: {  	s1 =	rddreg [dreg:$0x0]  }
0x2: {  	s0 =	srdreg.scid;
	s2 =	rddreg [dreg:$0x1]  }
0x3: {  	s11 =	stileid.u32;
	s3 =	rddreg [dreg:$0x2];
	s21 =	simm.s32 $0xB  }
0x4: {  	s28 =	simm.s32 $0x20;
	s29 =	simm.s32 $0x1000;
	s30 =	simm.s32 $0x2000  }
0x5: {  	s31 =	simm.s32 $0x3000;
	s12 =	simm.s32 $0x2;
	s14 =	simm.s32 $0x7  }
0x6: {  	s0 =	sand.u32 $0x1, s0;
	s4 =	sshll.u32 s11, $0x1;
	s6 =	sadd.s32 $0xA2200, s2  }
0x7: {  	s15 =	sadd.s32 $0xA2000, s2;
	s7 =	smul.u32 $0x29000, s11;
	s9 =	sadd.s32 $0xA3800, s2  }
0x8: {  	s17 =	sshll.u32 s11, $0x6;
	s11 =	smul.u32 $0x1480, s11;
	s5 =	sor.u32 s0, s4  }
0x9: {  	s4 =	simm.s32 $0x0;
	s16 =	ssub.s32 $0x2, s0;
	s0 =	smul.u32 $0x148000, s0  }
0xa: {  	s13 =	sor.u32 $0x1C0B, s17;
	s17 =	simm.s32 $0x280;
	[smem:$0x7FF] =	sst s4  }
0xb: {  	s5 =	smul.u32 $0x5000, s5;
	_ =	strace $0x80000047;
	[dreg:$0x4] =	wrdreg s6  }
0xc: {  	s8 =	sshrl.u32 s16, $0x1;
	s7 =	sshrl.u32 s7, $0x2;
	[dreg:$0x5] =	wrdreg s15  }
0xd: {  	s6 =	ssub.s32 s16, s8;
	s7 =	sadd.s32 s7, s3;
	s0 =	sshrl.u32 s0, $0x3  }
0xe: {  	s15 =	simm.s32 $0x200;
	s16 =	simm.s32 $0x8;
	[dreg:$0x6] =	wrdreg s13  }
0xf: {  	s5 =	sadd.s32 s5, s2;
	s2 =	sadd.s32 $0xF5800, s2;
	s18 =	sadd.s32 $0x14800, s0  }
0x10: {  	s10 =	sadd.s32 s9, s0;
	s19 =	smax.u32 s6, $0x1;
	s6 =	sshrl.u32 s7, $0x3  }
0x11: {  	s7 =	simm.s32 $0x9;
	s8 =	sadd.s32 $0x2000, s5;
	[dreg:$0x7] =	wrdreg s19  }
0x12: {  	s9 =	sadd.s32 s9, s18;
	s24 =	sadd.s32 s11, s10;
	[dreg:$0x8] =	wrdreg s6  }
0x13: {  	s0 =	sadd.s32 s2, s0;
	s5 =	simm.s32 $0x0;
	[dreg:$0xc] =	wrdreg s24  }
0x14: {  	s2 =	sadd.s32 s2, s18;
	s20 =	sadd.s32 $0x40, s8;
	[dreg:$0x10] =	wrdreg s5  }
0x15: {  	s18 =	simm.s32 $0x1;
	s22 =	sadd.s32 $0x80, s8;
	[dreg:$0x9] =	wrdreg s20  }
0x16: {  	s19 =	simm.s32 $0x480;
	s23 =	sadd.s32 $0xC0, s8;
	[dreg:$0xa] =	wrdreg s22  }
0x17: {  	s10 =	simm.s32 $0xA;
	s25 =	sadd.s32 s11, s9;
	[dreg:$0xb] =	wrdreg s23  }
0x18: {  	s0 =	sadd.s32 s11, s0;
	s26 =	sadd.s32 s11, s2;
	[dreg:$0xd] =	wrdreg s25  }
0x19: {  	s2 =	simm.s32 $0x4000;
	s11 =	simm.s32 $0x80;
	[dreg:$0xe] =	wrdreg s0  }
0x1a: {  	s9 =	simm.s32 $0x4;
	s24 =	simm.s32 $0x6;
	[dreg:$0xf] =	wrdreg s26  }
0x1b: {  	s25 =	simm.s32 $0xC00;
	s26 =	simm.s32 $0xE00;
	s0 =	simm.s32 $0x3  }
0x1c: {  	s22 =	simm.s32 $0x5;
	s20 =	simm.s32 $0x680;
	s23 =	simm.s32 $0x880  }
.LBB2_1:
0x1d: {  	s5 =	rddreg [dreg:$0x4]  }
0x1e: {  	[spmem:s6], [sflag:s13] =	dma.local [hbm:s5], $0x1480  }
0x1f: {  	_ =	swait.ge [sflag:s21], $0x1480  }
0x20: {  	[sflag:s21] =	ssyncset.done $0x0  }
0x21: {  	[sflag:s21] =	ssyncadd.s32 $0xFFFFEB80  }
0x22: {  	[bflag:$0x0] =	sbarrier.arrive $0xFFFF  }
0x23: {  	[tilespmem:s4], [sflag:$0x1] =	stream.linear.gather [hbm4b:s8+s4], $0x180, $0x38;
	[tilespmem:$0xF400] =	vst v63  }
0x24: {  	s13 =	rddreg [dreg:$0x9]  }
0x25: {  	[tilespmem:s15], [sflag:$0x1] =	stream.linear.gather [hbm4b:s13+s4], $0x180, $0x38;
	[tilespmem:$0xF400] =	vst v63  }
0x26: {  	s21 =	rddreg [dreg:$0xa];
	s13 =	simm.s32 $0x400  }
0x27: {  	[tilespmem:s13], [sflag:$0x1] =	stream.linear.gather [hbm4b:s21+s4], $0x180, $0x38;
	[tilespmem:$0xF400] =	vst v63  }
0x28: {  	s6 =	rddreg [dreg:$0xb];
	s21 =	simm.s32 $0x600  }
0x29: {  	[tilespmem:s21], [sflag:$0x1] =	stream.linear.gather [hbm4b:s6+s4], $0x180, $0x38;
	[tilespmem:$0xF400] =	vst v63  }
0x2a: {  	_ =	swait.ge [sflag:s18], $0x600  }
0x2b: {  	p0 =	por $0x1, $0x1;
	[sflag:s18] =	ssyncset.done $0x0  }
0x2c: {  	s6 =	simm.s32 @!p0 $0x7;
	[sflag:s18] =	ssyncadd.s32 $0xFFFFFA00  }
0x2d: {  	_ =	swait.ge @!p0 [sflag:s6], $0x1000  }
0x2e: {  	[sflag:s6] =	ssyncset.done @!p0 $0x0  }
0x2f: {  	[sflag:s6] =	ssyncadd.s32 @!p0 $0xFFFFF000;
	s6 =	simm.s32 @!p0 $0x8  }
0x30: {  	_ =	swait.ge @!p0 [sflag:s6], $0x1000  }
0x31: {  	[sflag:s6] =	ssyncset.done @!p0 $0x0  }
0x32: {  	[sflag:s6] =	ssyncadd.s32 @!p0 $0xFFFFF000;
	s6 =	simm.s32 @!p0 $0x9  }
0x33: {  	_ =	swait.ge @!p0 [sflag:s6], $0x1000  }
0x34: {  	[sflag:s6] =	ssyncset.done @!p0 $0x0  }
0x35: {  	[sflag:s6] =	ssyncadd.s32 @!p0 $0xFFFFF000;
	s6 =	simm.s32 @!p0 $0xA  }
0x36: {  	_ =	swait.ge @!p0 [sflag:s6], $0x1000  }
0x37: {  	s21 =	sadd.s32 $0xFFFFB000, s8;
	[sflag:s6] =	ssyncset.done @!p0 $0x0  }
0x38: {  	s5 =	simm.s32 $0x800;
	[sflag:s6] =	ssyncadd.s32 @!p0 $0xFFFFF000;
	s6 =	sadd.s32 $0x5100, s21  }
0x39: {  	[tilespmem:s5], [sflag:$0x2] =	stream.linear.gather [hbm4b:s6+s4], $0x180, $0x38;
	[tilespmem:$0xF400] =	vst v63  }
0x3a: {  	s6 =	sadd.s32 $0x5140, s21;
	s5 =	simm.s32 $0xA00  }
0x3b: {  	[tilespmem:s5], [sflag:$0x2] =	stream.linear.gather [hbm4b:s6+s4], $0x180, $0x38;
	[tilespmem:$0xF400] =	vst v63  }
0x3c: {  	s5 =	sadd.s32 $0x5180, s21  }
0x3d: {  	[tilespmem:s25], [sflag:$0x2] =	stream.linear.gather [hbm4b:s5+s4], $0x180, $0x38;
	[tilespmem:$0xF400] =	vst v63  }
0x3e: {  	s5 =	sadd.s32 $0x51C0, s21  }
0x3f: {  	[tilespmem:s26], [sflag:$0x2] =	stream.linear.gather [hbm4b:s5+s4], $0x180, $0x38;
	[tilespmem:$0xF400] =	vst v63  }
0x40: {  	_ = 	snop  }
0x41: {  	[tilespmem:s29], [sflag:$0x3] =	stream.indirect.gather [hbm4b:s1+s28], $0x80, s4, s28, $0xb8;
	[tilespmem:$0xF400] =	vst v63  }
0x42: {  	_ = 	snop  }
0x43: {  	[tilespmem:s30], [sflag:$0x4] =	stream.indirect.gather [hbm4b:s1+s28], $0x80, s15, s28, $0xb8;
	[tilespmem:$0xF400] =	vst v63  }
0x44: {  	_ = 	snop  }
0x45: {  	[tilespmem:s31], [sflag:$0x5] =	stream.indirect.gather [hbm4b:s1+s28], $0x80, s13, s28, $0xb8;
	[tilespmem:$0xF400] =	vst v63  }
0x46: {  	s15 =	simm.s32 $0x600  }
0x47: {  	[tilespmem:s2], [sflag:$0x6] =	stream.indirect.gather [hbm4b:s1+s28], $0x80, s15, s28, $0xb8;
	[tilespmem:$0xF400] =	vst v63  }
0x48: {  	_ =	swait.ge [sflag:s0], $0x1000  }
0x49: {  	[sflag:s0] =	ssyncset.done $0x0  }
0x4a: {  	[sflag:s0] =	ssyncadd.s32 $0xFFFFF000  }
0x4b: {  	[spmem:s3] =	stream.indirect.scatter.add.f32 [tilespmem:s29], [sflag:$0x7], $0x80, s11, s28, $0xb8;
	[tilespmem:$0xF400] =	vst v63  }
0x4c: {  	_ =	swait.ge [sflag:s9], $0x1000  }
0x4d: {  	[sflag:s9] =	ssyncset.done $0x0  }
0x4e: {  	[sflag:s9] =	ssyncadd.s32 $0xFFFFF000  }
0x4f: {  	[spmem:s3] =	stream.indirect.scatter.add.f32 [tilespmem:s30], [sflag:$0x8], $0x80, s17, s28, $0xb8;
	[tilespmem:$0xF400] =	vst v63  }
0x50: {  	_ =	swait.ge [sflag:s22], $0x1000  }
0x51: {  	[sflag:s22] =	ssyncset.done $0x0  }
0x52: {  	[sflag:s22] =	ssyncadd.s32 $0xFFFFF000  }
0x53: {  	[spmem:s3] =	stream.indirect.scatter.add.f32 [tilespmem:s31], [sflag:$0x9], $0x80, s19, s28, $0xb8;
	[tilespmem:$0xF400] =	vst v63  }
0x54: {  	_ =	swait.ge [sflag:s24], $0x1000  }
0x55: {  	[sflag:s24] =	ssyncset.done $0x0  }
0x56: {  	[sflag:s24] =	ssyncadd.s32 $0xFFFFF000  }
0x57: {  	[spmem:s3] =	stream.indirect.scatter.add.f32 [tilespmem:s2], [sflag:$0xA], $0x80, s20, s28, $0xb8;
	[tilespmem:$0xF400] =	vst v63  }
0x58: {  	_ =	swait.ge [sflag:s12], $0x600  }
0x59: {  	[sflag:s12] =	ssyncset.done $0x0  }
0x5a: {  	[sflag:s12] =	ssyncadd.s32 $0xFFFFFA00  }
0x5b: {  	_ =	swait.ge [sflag:s14], $0x1000  }
0x5c: {  	[sflag:s14] =	ssyncset.done $0x0  }
0x5d: {  	[sflag:s14] =	ssyncadd.s32 $0xFFFFF000  }
0x5e: {  	_ =	swait.ge [sflag:s16], $0x1000  }
0x5f: {  	[sflag:s16] =	ssyncset.done $0x0  }
0x60: {  	[sflag:s16] =	ssyncadd.s32 $0xFFFFF000  }
0x61: {  	_ =	swait.ge [sflag:s7], $0x1000  }
0x62: {  	[sflag:s7] =	ssyncset.done $0x0  }
0x63: {  	[sflag:s7] =	ssyncadd.s32 $0xFFFFF000  }
0x64: {  	p0 =	por $0x0, $0x0;
	_ =	swait.ge [sflag:s10], $0x1000  }
0x65: {  	s6 =	sadd.s32 @!p0 $0xFFFFB000, s8;
	[sflag:s10] =	ssyncset.done $0x0  }
0x66: {  	s21 =	sadd.s32 @!p0 $0x5200, s6;
	s5 =	simm.s32 @!p0 $0x0;
	[sflag:s10] =	ssyncadd.s32 $0xFFFFF000  }
0x67: {  	[tilespmem:s5], [sflag:$0x1] =	stream.linear.gather @!p0 [hbm4b:s21+s5], $0x180, $0x38;
	[tilespmem:$0xF400] =	vst v63  }
0x68: {  	s11 =	sadd.s32 @!p0 $0x5240, s6;
	s21 =	simm.s32 @!p0 $0x200  }
0x69: {  	[tilespmem:s21], [sflag:$0x1] =	stream.linear.gather @!p0 [hbm4b:s11+s5], $0x180, $0x38;
	[tilespmem:$0xF400] =	vst v63  }
0x6a: {  	s11 =	sadd.s32 @!p0 $0x5280, s6;
	s21 =	simm.s32 @!p0 $0x400  }
0x6b: {  	[tilespmem:s21], [sflag:$0x1] =	stream.linear.gather @!p0 [hbm4b:s11+s5], $0x180, $0x38;
	[tilespmem:$0xF400] =	vst v63  }
0x6c: {  	s6 =	sadd.s32 @!p0 $0x52C0, s6;
	s21 =	simm.s32 @!p0 $0x600  }
0x6d: {  	[tilespmem:s21], [sflag:$0x1] =	stream.linear.gather @!p0 [hbm4b:s6+s5], $0x180, $0x38;
	[tilespmem:$0xF400] =	vst v63  }
0x6e: {  	s19 =	simm.s32 $0x800  }
0x6f: {  	[tilespmem:s29], [sflag:$0x3] =	stream.indirect.gather [hbm4b:s1+s28], $0x80, s19, s28, $0xb8;
	[tilespmem:$0xF400] =	vst v63  }
0x70: {  	s20 =	simm.s32 $0xA00  }
0x71: {  	[tilespmem:s30], [sflag:$0x4] =	stream.indirect.gather [hbm4b:s1+s28], $0x80, s20, s28, $0xb8;
	[tilespmem:$0xF400] =	vst v63  }
0x72: {  	_ = 	snop  }
0x73: {  	[tilespmem:s31], [sflag:$0x5] =	stream.indirect.gather [hbm4b:s1+s28], $0x80, s25, s28, $0xb8;
	[tilespmem:$0xF400] =	vst v63  }
0x74: {  	_ = 	snop  }
0x75: {  	[tilespmem:s2], [sflag:$0x6] =	stream.indirect.gather [hbm4b:s1+s28], $0x80, s26, s28, $0xb8;
	[tilespmem:$0xF400] =	vst v63  }
0x76: {  	_ =	swait.ge [sflag:s0], $0x1000  }
0x77: {  	[sflag:s0] =	ssyncset.done $0x0  }
0x78: {  	[sflag:s0] =	ssyncadd.s32 $0xFFFFF000  }
0x79: {  	[spmem:s3] =	stream.indirect.scatter.add.f32 [tilespmem:s29], [sflag:$0x7], $0x80, s23, s28, $0xb8;
	[tilespmem:$0xF400] =	vst v63  }
0x7a: {  	_ =	swait.ge [sflag:s9], $0x1000  }
0x7b: {  	[sflag:s9] =	ssyncset.done $0x0  }
0x7c: {  	s21 =	simm.s32 $0xA80;
	[sflag:s9] =	ssyncadd.s32 $0xFFFFF000  }
0x7d: {  	[spmem:s3] =	stream.indirect.scatter.add.f32 [tilespmem:s30], [sflag:$0x8], $0x80, s21, s28, $0xb8;
	[tilespmem:$0xF400] =	vst v63  }
0x7e: {  	_ =	swait.ge [sflag:s22], $0x1000  }
0x7f: {  	[sflag:s22] =	ssyncset.done $0x0  }
0x80: {  	s23 =	simm.s32 $0xC80;
	[sflag:s22] =	ssyncadd.s32 $0xFFFFF000  }
0x81: {  	[spmem:s3] =	stream.indirect.scatter.add.f32 [tilespmem:s31], [sflag:$0x9], $0x80, s23, s28, $0xb8;
	[tilespmem:$0xF400] =	vst v63  }
0x82: {  	_ =	swait.ge [sflag:s24], $0x1000  }
0x83: {  	s15 =	simm.s32 $0x680;
	[sflag:s24] =	ssyncset.done $0x0  }
0x84: {  	s17 =	simm.s32 $0x880;
	s6 =	simm.s32 $0xFFFFB200;
	[sflag:s24] =	ssyncadd.s32 $0xFFFFF000  }
.LBB2_2:
0x85: {  	s5 =	simm.s32 $0xE80  }
0x86: {  	[spmem:s3] =	stream.indirect.scatter.add.f32 [tilespmem:s2], [sflag:$0xA], $0x80, s5, s28, $0xb8;
	[tilespmem:$0xF400] =	vst v63  }
0x87: {  	s21 =	smov.u32 s6;
	s6 =	sadd.s32 $0x200, s6;
	_ =	swait.ge [sflag:s18], $0x600  }
0x88: {  	p1 =	seq.s32 s21, $0xFFFFB000;
	p0 =	sne.s32 s6, $0x0;
	[sflag:s18] =	ssyncset.done $0x0  }
0x89: {  	s23 =	simm.s32 @!p1 $0x7;
	[sflag:s18] =	ssyncadd.s32 $0xFFFFFA00  }
0x8a: {  	_ =	swait.ge @!p1 [sflag:s23], $0x1000  }
0x8b: {  	[sflag:s23] =	ssyncset.done @!p1 $0x0  }
0x8c: {  	[sflag:s23] =	ssyncadd.s32 @!p1 $0xFFFFF000;
	s23 =	simm.s32 @!p1 $0x8  }
0x8d: {  	_ =	swait.ge @!p1 [sflag:s23], $0x1000  }
0x8e: {  	[sflag:s23] =	ssyncset.done @!p1 $0x0  }
0x8f: {  	[sflag:s23] =	ssyncadd.s32 @!p1 $0xFFFFF000;
	s23 =	simm.s32 @!p1 $0x9  }
0x90: {  	_ =	swait.ge @!p1 [sflag:s23], $0x1000  }
0x91: {  	[sflag:s23] =	ssyncset.done @!p1 $0x0  }
0x92: {  	[sflag:s23] =	ssyncadd.s32 @!p1 $0xFFFFF000;
	s23 =	simm.s32 @!p1 $0xA  }
0x93: {  	_ =	swait.ge @!p1 [sflag:s23], $0x1000  }
0x94: {  	s5 =	sadd.s32 s21, s8;
	[sflag:s23] =	ssyncset.done @!p1 $0x0  }
0x95: {  	[sflag:s23] =	ssyncadd.s32 @!p1 $0xFFFFF000;
	s23 =	sadd.s32 $0x5100, s5  }
0x96: {  	[tilespmem:s19], [sflag:$0x2] =	stream.linear.gather [hbm4b:s23+s4], $0x180, $0x38;
	[tilespmem:$0xF400] =	vst v63  }
0x97: {  	s23 =	sadd.s32 $0x5140, s5  }
0x98: {  	[tilespmem:s20], [sflag:$0x2] =	stream.linear.gather [hbm4b:s23+s4], $0x180, $0x38;
	[tilespmem:$0xF400] =	vst v63  }
0x99: {  	s23 =	sadd.s32 $0x5180, s5  }
0x9a: {  	[tilespmem:s25], [sflag:$0x2] =	stream.linear.gather [hbm4b:s23+s4], $0x180, $0x38;
	[tilespmem:$0xF400] =	vst v63  }
0x9b: {  	s5 =	sadd.s32 $0x51C0, s5  }
0x9c: {  	[tilespmem:s26], [sflag:$0x2] =	stream.linear.gather [hbm4b:s5+s4], $0x180, $0x38;
	[tilespmem:$0xF400] =	vst v63  }
0x9d: {  	_ = 	snop  }
0x9e: {  	[tilespmem:s29], [sflag:$0x3] =	stream.indirect.gather [hbm4b:s1+s28], $0x80, s4, s28, $0xb8;
	[tilespmem:$0xF400] =	vst v63  }
0x9f: {  	s5 =	simm.s32 $0x200  }
0xa0: {  	[tilespmem:s30], [sflag:$0x4] =	stream.indirect.gather [hbm4b:s1+s28], $0x80, s5, s28, $0xb8;
	[tilespmem:$0xF400] =	vst v63  }
0xa1: {  	s5 =	simm.s32 $0x400  }
0xa2: {  	[tilespmem:s31], [sflag:$0x5] =	stream.indirect.gather [hbm4b:s1+s28], $0x80, s5, s28, $0xb8;
	[tilespmem:$0xF400] =	vst v63  }
0xa3: {  	s5 =	simm.s32 $0x600  }
0xa4: {  	[tilespmem:s2], [sflag:$0x6] =	stream.indirect.gather [hbm4b:s1+s28], $0x80, s5, s28, $0xb8;
	[tilespmem:$0xF400] =	vst v63  }
0xa5: {  	_ =	swait.ge [sflag:s0], $0x1000  }
0xa6: {  	[sflag:s0] =	ssyncset.done $0x0  }
0xa7: {  	s5 =	simm.s32 $0x80;
	[sflag:s0] =	ssyncadd.s32 $0xFFFFF000  }
0xa8: {  	[spmem:s3] =	stream.indirect.scatter.add.f32 [tilespmem:s29], [sflag:$0x7], $0x80, s5, s28, $0xb8;
	[tilespmem:$0xF400] =	vst v63  }
0xa9: {  	_ =	swait.ge [sflag:s9], $0x1000  }
0xaa: {  	[sflag:s9] =	ssyncset.done $0x0  }
0xab: {  	s5 =	simm.s32 $0x280;
	[sflag:s9] =	ssyncadd.s32 $0xFFFFF000  }
0xac: {  	[spmem:s3] =	stream.indirect.scatter.add.f32 [tilespmem:s30], [sflag:$0x8], $0x80, s5, s28, $0xb8;
	[tilespmem:$0xF400] =	vst v63  }
0xad: {  	_ =	swait.ge [sflag:s22], $0x1000  }
0xae: {  	[sflag:s22] =	ssyncset.done $0x0  }
0xaf: {  	s5 =	simm.s32 $0x480;
	[sflag:s22] =	ssyncadd.s32 $0xFFFFF000  }
0xb0: {  	[spmem:s3] =	stream.indirect.scatter.add.f32 [tilespmem:s31], [sflag:$0x9], $0x80, s5, s28, $0xb8;
	[tilespmem:$0xF400] =	vst v63  }
0xb1: {  	_ =	swait.ge [sflag:s24], $0x1000  }
0xb2: {  	[sflag:s24] =	ssyncset.done $0x0  }
0xb3: {  	[sflag:s24] =	ssyncadd.s32 $0xFFFFF000  }
0xb4: {  	[spmem:s3] =	stream.indirect.scatter.add.f32 [tilespmem:s2], [sflag:$0xA], $0x80, s15, s28, $0xb8;
	[tilespmem:$0xF400] =	vst v63  }
0xb5: {  	_ =	swait.ge [sflag:s12], $0x600  }
0xb6: {  	[sflag:s12] =	ssyncset.done $0x0  }
0xb7: {  	[sflag:s12] =	ssyncadd.s32 $0xFFFFFA00  }
0xb8: {  	_ =	swait.ge [sflag:s14], $0x1000  }
0xb9: {  	[sflag:s14] =	ssyncset.done $0x0  }
0xba: {  	[sflag:s14] =	ssyncadd.s32 $0xFFFFF000  }
0xbb: {  	_ =	swait.ge [sflag:s16], $0x1000  }
0xbc: {  	[sflag:s16] =	ssyncset.done $0x0  }
0xbd: {  	[sflag:s16] =	ssyncadd.s32 $0xFFFFF000  }
0xbe: {  	_ =	swait.ge [sflag:s7], $0x1000  }
0xbf: {  	[sflag:s7] =	ssyncset.done $0x0  }
0xc0: {  	[sflag:s7] =	ssyncadd.s32 $0xFFFFF000  }
0xc1: {  	p1 =	seq.s32 s21, $0xFFFFFE00;
	_ =	swait.ge [sflag:s10], $0x1000  }
0xc2: {  	s5 =	sadd.s32 @!p1 s21, s8;
	[sflag:s10] =	ssyncset.done $0x0  }
0xc3: {  	s23 =	simm.s32 @!p1 $0x0;
	s21 =	sadd.s32 @!p1 $0x5200, s5;
	[sflag:s10] =	ssyncadd.s32 $0xFFFFF000  }
0xc4: {  	[tilespmem:s23], [sflag:$0x1] =	stream.linear.gather @!p1 [hbm4b:s21+s23], $0x180, $0x38;
	[tilespmem:$0xF400] =	vst v63  }
0xc5: {  	s11 =	simm.s32 @!p1 $0x200;
	s13 =	sadd.s32 @!p1 $0x5280, s5;
	s21 =	sadd.s32 @!p1 $0x5240, s5  }
0xc6: {  	[tilespmem:s11], [sflag:$0x1] =	stream.linear.gather @!p1 [hbm4b:s21+s23], $0x180, $0x38;
	[tilespmem:$0xF400] =	vst v63  }
0xc7: {  	s5 =	sadd.s32 @!p1 $0x52C0, s5;
	s11 =	simm.s32 @!p1 $0x400  }
0xc8: {  	[tilespmem:s11], [sflag:$0x1] =	stream.linear.gather @!p1 [hbm4b:s13+s23], $0x180, $0x38;
	[tilespmem:$0xF400] =	vst v63  }
0xc9: {  	s11 =	simm.s32 @!p1 $0x600  }
0xca: {  	[tilespmem:s11], [sflag:$0x1] =	stream.linear.gather @!p1 [hbm4b:s5+s23], $0x180, $0x38;
	[tilespmem:$0xF400] =	vst v63  }
0xcb: {  	_ = 	snop  }
0xcc: {  	[tilespmem:s29], [sflag:$0x3] =	stream.indirect.gather [hbm4b:s1+s28], $0x80, s19, s28, $0xb8;
	[tilespmem:$0xF400] =	vst v63  }
0xcd: {  	_ = 	snop  }
0xce: {  	[tilespmem:s30], [sflag:$0x4] =	stream.indirect.gather [hbm4b:s1+s28], $0x80, s20, s28, $0xb8;
	[tilespmem:$0xF400] =	vst v63  }
0xcf: {  	_ = 	snop  }
0xd0: {  	[tilespmem:s31], [sflag:$0x5] =	stream.indirect.gather [hbm4b:s1+s28], $0x80, s25, s28, $0xb8;
	[tilespmem:$0xF400] =	vst v63  }
0xd1: {  	_ = 	snop  }
0xd2: {  	[tilespmem:s2], [sflag:$0x6] =	stream.indirect.gather [hbm4b:s1+s28], $0x80, s26, s28, $0xb8;
	[tilespmem:$0xF400] =	vst v63  }
0xd3: {  	_ =	swait.ge [sflag:s0], $0x1000  }
0xd4: {  	[sflag:s0] =	ssyncset.done $0x0  }
0xd5: {  	[sflag:s0] =	ssyncadd.s32 $0xFFFFF000  }
0xd6: {  	[spmem:s3] =	stream.indirect.scatter.add.f32 [tilespmem:s29], [sflag:$0x7], $0x80, s17, s28, $0xb8;
	[tilespmem:$0xF400] =	vst v63  }
0xd7: {  	_ =	swait.ge [sflag:s9], $0x1000  }
0xd8: {  	[sflag:s9] =	ssyncset.done $0x0  }
0xd9: {  	s5 =	simm.s32 $0xA80;
	[sflag:s9] =	ssyncadd.s32 $0xFFFFF000  }
0xda: {  	[spmem:s3] =	stream.indirect.scatter.add.f32 [tilespmem:s30], [sflag:$0x8], $0x80, s5, s28, $0xb8;
	[tilespmem:$0xF400] =	vst v63  }
0xdb: {  	_ =	swait.ge [sflag:s22], $0x1000  }
0xdc: {  	[sflag:s22] =	ssyncset.done $0x0  }
.Ltmp0:
0xdd: {  	s5 =	simm.s32 $0xC80;
	[sflag:s22] =	ssyncadd.s32 $0xFFFFF000;
	(pc) =	sbr.rel @p0 .LBB2_2-.Ltmp0, $4  }
0xde: {  	[spmem:s3] =	stream.indirect.scatter.add.f32 [tilespmem:s31], [sflag:$0x9], $0x80, s5, s28, $0xb8;
	[tilespmem:$0xF400] =	vst v63  }
0xdf: {  	_ =	swait.ge [sflag:s24], $0x1000  }
0xe0: {  	[sflag:s24] =	ssyncset.done $0x0  }
0xe1: {  	[sflag:s24] =	ssyncadd.s32 $0xFFFFF000  }
0xe2: {  	s5 =	simm.s32 $0xE80  }
0xe3: {  	[spmem:s3] =	stream.indirect.scatter.add.f32 [tilespmem:s2], [sflag:$0xA], $0x80, s5, s28, $0xb8;
	[tilespmem:$0xF400] =	vst v63  }
0xe4: {  	_ =	swait.ge [sflag:s14], $0x1000  }
0xe5: {  	[sflag:s14] =	ssyncset.done $0x0  }
0xe6: {  	[sflag:s14] =	ssyncadd.s32 $0xFFFFF000  }
0xe7: {  	_ =	swait.ge [sflag:s16], $0x1000  }
0xe8: {  	[sflag:s16] =	ssyncset.done $0x0  }
0xe9: {  	[sflag:s16] =	ssyncadd.s32 $0xFFFFF000  }
0xea: {  	_ =	swait.ge [sflag:s7], $0x1000  }
0xeb: {  	[sflag:s7] =	ssyncset.done $0x0  }
0xec: {  	[sflag:s7] =	ssyncadd.s32 $0xFFFFF000  }
0xed: {  	_ =	swait.ge [sflag:s10], $0x1000  }
0xee: {  	[sflag:s10] =	ssyncset.done $0x0  }
0xef: {  	[sflag:s10] =	ssyncadd.s32 $0xFFFFF000  }
0xf0: {  	[bflag:$0x0] =	sbarrier.arrive $0xFFFF  }
0xf1: {  	s6 =	rddreg [dreg:$0x6]  }
0xf2: {  	s11 =	rddreg [dreg:$0x8]  }
0xf3: {  	s13 =	simm.s32 $0xB;
	s21 =	rddreg [dreg:$0xc]  }
0xf4: {  	[hbm:s21], [sflag:s6] =	dma.local [spmem:s11], $0x1480  }
0xf5: {  	_ =	swait.ge [sflag:s13], $0x1480  }
0xf6: {  	[sflag:s13] =	ssyncset.done $0x0  }
0xf7: {  	s23 =	rddreg [dreg:$0x4];
	[sflag:s13] =	ssyncadd.s32 $0xFFFFEB80  }
0xf8: {  	[spmem:s11], [sflag:s6] =	dma.local [hbm:s23], $0x1480  }
0xf9: {  	_ =	swait.ge [sflag:s13], $0x1480  }
0xfa: {  	[sflag:s13] =	ssyncset.done $0x0  }
0xfb: {  	[sflag:s13] =	ssyncadd.s32 $0xFFFFEB80  }
0xfc: {  	[bflag:$0x0] =	sbarrier.arrive $0xFFFF  }
0xfd: {  	[tilespmem:s4], [sflag:$0x1] =	stream.linear.gather [hbm4b:s8+s4], $0x180, $0x38;
	[tilespmem:$0xF400] =	vst v63  }
0xfe: {  	s15 =	simm.s32 $0x200;
	s13 =	rddreg [dreg:$0x9]  }
0xff: {  	[tilespmem:s15], [sflag:$0x1] =	stream.linear.gather [hbm4b:s13+s4], $0x180, $0x38;
	[tilespmem:$0xF400] =	vst v63  }
0x100: {  	s11 =	simm.s32 $0x400;
	s17 =	rddreg [dreg:$0xa]  }
0x101: {  	[tilespmem:s11], [sflag:$0x1] =	stream.linear.gather [hbm4b:s17+s4], $0x180, $0x38;
	[tilespmem:$0xF400] =	vst v63  }
0x102: {  	s21 =	rddreg [dreg:$0xb];
	s13 =	simm.s32 $0x600  }
0x103: {  	[tilespmem:s13], [sflag:$0x1] =	stream.linear.gather [hbm4b:s21+s4], $0x180, $0x38;
	[tilespmem:$0xF400] =	vst v63  }
0x104: {  	_ =	swait.ge [sflag:s18], $0x600  }
0x105: {  	p0 =	por $0x1, $0x1;
	[sflag:s18] =	ssyncset.done $0x0  }
0x106: {  	s5 =	simm.s32 @!p0 $0x7;
	[sflag:s18] =	ssyncadd.s32 $0xFFFFFA00  }
0x107: {  	_ =	swait.ge @!p0 [sflag:s5], $0x1000  }
0x108: {  	[sflag:s5] =	ssyncset.done @!p0 $0x0  }
0x109: {  	[sflag:s5] =	ssyncadd.s32 @!p0 $0xFFFFF000;
	s5 =	simm.s32 @!p0 $0x8  }
0x10a: {  	_ =	swait.ge @!p0 [sflag:s5], $0x1000  }
0x10b: {  	[sflag:s5] =	ssyncset.done @!p0 $0x0  }
0x10c: {  	[sflag:s5] =	ssyncadd.s32 @!p0 $0xFFFFF000;
	s5 =	simm.s32 @!p0 $0x9  }
0x10d: {  	_ =	swait.ge @!p0 [sflag:s5], $0x1000  }
0x10e: {  	[sflag:s5] =	ssyncset.done @!p0 $0x0  }
0x10f: {  	[sflag:s5] =	ssyncadd.s32 @!p0 $0xFFFFF000;
	s5 =	simm.s32 @!p0 $0xA  }
0x110: {  	_ =	swait.ge @!p0 [sflag:s5], $0x1000  }
0x111: {  	s6 =	sadd.s32 $0xFFFFB000, s8;
	[sflag:s5] =	ssyncset.done @!p0 $0x0  }
0x112: {  	s23 =	sadd.s32 $0x5100, s6;
	[sflag:s5] =	ssyncadd.s32 @!p0 $0xFFFFF000  }
0x113: {  	[tilespmem:s19], [sflag:$0x2] =	stream.linear.gather [hbm4b:s23+s4], $0x180, $0x38;
	[tilespmem:$0xF400] =	vst v63  }
0x114: {  	s17 =	sadd.s32 $0x5140, s6  }
0x115: {  	[tilespmem:s20], [sflag:$0x2] =	stream.linear.gather [hbm4b:s17+s4], $0x180, $0x38;
	[tilespmem:$0xF400] =	vst v63  }
0x116: {  	s21 =	sadd.s32 $0x5180, s6  }
0x117: {  	[tilespmem:s25], [sflag:$0x2] =	stream.linear.gather [hbm4b:s21+s4], $0x180, $0x38;
	[tilespmem:$0xF400] =	vst v63  }
0x118: {  	s23 =	sadd.s32 $0x51C0, s6  }
0x119: {  	[tilespmem:s26], [sflag:$0x2] =	stream.linear.gather [hbm4b:s23+s4], $0x180, $0x38;
	[tilespmem:$0xF400] =	vst v63  }
0x11a: {  	_ = 	snop  }
0x11b: {  	[tilespmem:s29], [sflag:$0x3] =	stream.indirect.gather [hbm4b:s1+s28], $0x80, s4, s28, $0xb8;
	[tilespmem:$0xF400] =	vst v63  }
0x11c: {  	_ = 	snop  }
0x11d: {  	[tilespmem:s30], [sflag:$0x4] =	stream.indirect.gather [hbm4b:s1+s28], $0x80, s15, s28, $0xb8;
	[tilespmem:$0xF400] =	vst v63  }
0x11e: {  	_ = 	snop  }
0x11f: {  	[tilespmem:s31], [sflag:$0x5] =	stream.indirect.gather [hbm4b:s1+s28], $0x80, s11, s28, $0xb8;
	[tilespmem:$0xF400] =	vst v63  }
0x120: {  	_ = 	snop  }
0x121: {  	[tilespmem:s2], [sflag:$0x6] =	stream.indirect.gather [hbm4b:s1+s28], $0x80, s13, s28, $0xb8;
	[tilespmem:$0xF400] =	vst v63  }
0x122: {  	_ =	swait.ge [sflag:s0], $0x1000  }
0x123: {  	[sflag:s0] =	ssyncset.done $0x0  }
0x124: {  	s6 =	simm.s32 $0x100;
	[sflag:s0] =	ssyncadd.s32 $0xFFFFF000  }
0x125: {  	[spmem:s3] =	stream.indirect.scatter.add.f32 [tilespmem:s29], [sflag:$0x7], $0x80, s6, s28, $0xb8;
	[tilespmem:$0xF400] =	vst v63  }
0x126: {  	_ =	swait.ge [sflag:s9], $0x1000  }
0x127: {  	[sflag:s9] =	ssyncset.done $0x0  }
0x128: {  	s11 =	simm.s32 $0x300;
	[sflag:s9] =	ssyncadd.s32 $0xFFFFF000  }
0x129: {  	[spmem:s3] =	stream.indirect.scatter.add.f32 [tilespmem:s30], [sflag:$0x8], $0x80, s11, s28, $0xb8;
	[tilespmem:$0xF400] =	vst v63  }
0x12a: {  	_ =	swait.ge [sflag:s22], $0x1000  }
0x12b: {  	[sflag:s22] =	ssyncset.done $0x0  }
0x12c: {  	s13 =	simm.s32 $0x500;
	[sflag:s22] =	ssyncadd.s32 $0xFFFFF000  }
0x12d: {  	[spmem:s3] =	stream.indirect.scatter.add.f32 [tilespmem:s31], [sflag:$0x9], $0x80, s13, s28, $0xb8;
	[tilespmem:$0xF400] =	vst v63  }
0x12e: {  	_ =	swait.ge [sflag:s24], $0x1000  }
0x12f: {  	[sflag:s24] =	ssyncset.done $0x0  }
0x130: {  	s15 =	simm.s32 $0x700;
	[sflag:s24] =	ssyncadd.s32 $0xFFFFF000  }
0x131: {  	[spmem:s3] =	stream.indirect.scatter.add.f32 [tilespmem:s2], [sflag:$0xA], $0x80, s15, s28, $0xb8;
	[tilespmem:$0xF400] =	vst v63  }
0x132: {  	_ =	swait.ge [sflag:s12], $0x600  }
0x133: {  	[sflag:s12] =	ssyncset.done $0x0  }
0x134: {  	[sflag:s12] =	ssyncadd.s32 $0xFFFFFA00  }
0x135: {  	_ =	swait.ge [sflag:s14], $0x1000  }
0x136: {  	[sflag:s14] =	ssyncset.done $0x0  }
0x137: {  	[sflag:s14] =	ssyncadd.s32 $0xFFFFF000  }
0x138: {  	_ =	swait.ge [sflag:s16], $0x1000  }
0x139: {  	[sflag:s16] =	ssyncset.done $0x0  }
0x13a: {  	[sflag:s16] =	ssyncadd.s32 $0xFFFFF000  }
0x13b: {  	_ =	swait.ge [sflag:s7], $0x1000  }
0x13c: {  	[sflag:s7] =	ssyncset.done $0x0  }
0x13d: {  	[sflag:s7] =	ssyncadd.s32 $0xFFFFF000  }
0x13e: {  	p0 =	por $0x0, $0x0;
	_ =	swait.ge [sflag:s10], $0x1000  }
0x13f: {  	s5 =	sadd.s32 @!p0 $0xFFFFB000, s8;
	[sflag:s10] =	ssyncset.done $0x0  }
0x140: {  	s6 =	sadd.s32 @!p0 $0x5200, s5;
	s11 =	simm.s32 @!p0 $0x0;
	[sflag:s10] =	ssyncadd.s32 $0xFFFFF000  }
0x141: {  	[tilespmem:s11], [sflag:$0x1] =	stream.linear.gather @!p0 [hbm4b:s6+s11], $0x180, $0x38;
	[tilespmem:$0xF400] =	vst v63  }
0x142: {  	s13 =	simm.s32 @!p0 $0x200;
	s6 =	sadd.s32 @!p0 $0x5240, s5  }
0x143: {  	[tilespmem:s13], [sflag:$0x1] =	stream.linear.gather @!p0 [hbm4b:s6+s11], $0x180, $0x38;
	[tilespmem:$0xF400] =	vst v63  }
0x144: {  	s6 =	sadd.s32 @!p0 $0x5280, s5;
	s13 =	simm.s32 @!p0 $0x400  }
0x145: {  	[tilespmem:s13], [sflag:$0x1] =	stream.linear.gather @!p0 [hbm4b:s6+s11], $0x180, $0x38;
	[tilespmem:$0xF400] =	vst v63  }
0x146: {  	s5 =	sadd.s32 @!p0 $0x52C0, s5;
	s6 =	simm.s32 @!p0 $0x600  }
0x147: {  	[tilespmem:s6], [sflag:$0x1] =	stream.linear.gather @!p0 [hbm4b:s5+s11], $0x180, $0x38;
	[tilespmem:$0xF400] =	vst v63  }
0x148: {  	_ = 	snop  }
0x149: {  	[tilespmem:s29], [sflag:$0x3] =	stream.indirect.gather [hbm4b:s1+s28], $0x80, s19, s28, $0xb8;
	[tilespmem:$0xF400] =	vst v63  }
0x14a: {  	_ = 	snop  }
0x14b: {  	[tilespmem:s30], [sflag:$0x4] =	stream.indirect.gather [hbm4b:s1+s28], $0x80, s20, s28, $0xb8;
	[tilespmem:$0xF400] =	vst v63  }
0x14c: {  	_ = 	snop  }
0x14d: {  	[tilespmem:s31], [sflag:$0x5] =	stream.indirect.gather [hbm4b:s1+s28], $0x80, s25, s28, $0xb8;
	[tilespmem:$0xF400] =	vst v63  }
0x14e: {  	_ = 	snop  }
0x14f: {  	[tilespmem:s2], [sflag:$0x6] =	stream.indirect.gather [hbm4b:s1+s28], $0x80, s26, s28, $0xb8;
	[tilespmem:$0xF400] =	vst v63  }
0x150: {  	_ =	swait.ge [sflag:s0], $0x1000  }
0x151: {  	[sflag:s0] =	ssyncset.done $0x0  }
0x152: {  	s17 =	simm.s32 $0x900;
	[sflag:s0] =	ssyncadd.s32 $0xFFFFF000  }
0x153: {  	[spmem:s3] =	stream.indirect.scatter.add.f32 [tilespmem:s29], [sflag:$0x7], $0x80, s17, s28, $0xb8;
	[tilespmem:$0xF400] =	vst v63  }
0x154: {  	_ =	swait.ge [sflag:s9], $0x1000  }
0x155: {  	[sflag:s9] =	ssyncset.done $0x0  }
0x156: {  	s21 =	simm.s32 $0xB00;
	[sflag:s9] =	ssyncadd.s32 $0xFFFFF000  }
0x157: {  	[spmem:s3] =	stream.indirect.scatter.add.f32 [tilespmem:s30], [sflag:$0x8], $0x80, s21, s28, $0xb8;
	[tilespmem:$0xF400] =	vst v63  }
0x158: {  	_ =	swait.ge [sflag:s22], $0x1000  }
0x159: {  	[sflag:s22] =	ssyncset.done $0x0  }
0x15a: {  	s23 =	simm.s32 $0xD00;
	[sflag:s22] =	ssyncadd.s32 $0xFFFFF000  }
0x15b: {  	[spmem:s3] =	stream.indirect.scatter.add.f32 [tilespmem:s31], [sflag:$0x9], $0x80, s23, s28, $0xb8;
	[tilespmem:$0xF400] =	vst v63  }
0x15c: {  	_ =	swait.ge [sflag:s24], $0x1000  }
0x15d: {  	s15 =	simm.s32 $0x400;
	s6 =	simm.s32 $0xFFFFB200;
	[sflag:s24] =	ssyncset.done $0x0  }
0x15e: {  	s17 =	simm.s32 $0x600;
	s23 =	simm.s32 $0x200;
	[sflag:s24] =	ssyncadd.s32 $0xFFFFF000  }
.LBB2_4:
0x15f: {  	s5 =	simm.s32 $0xF00  }
0x160: {  	[spmem:s3] =	stream.indirect.scatter.add.f32 [tilespmem:s2], [sflag:$0xA], $0x80, s5, s28, $0xb8;
	[tilespmem:$0xF400] =	vst v63  }
0x161: {  	s21 =	smov.u32 s6;
	s6 =	sadd.s32 $0x200, s6;
	_ =	swait.ge [sflag:s18], $0x600  }
0x162: {  	p1 =	seq.s32 s21, $0xFFFFB000;
	p0 =	sne.s32 s6, $0x0;
	[sflag:s18] =	ssyncset.done $0x0  }
0x163: {  	s5 =	simm.s32 @!p1 $0x7;
	[sflag:s18] =	ssyncadd.s32 $0xFFFFFA00  }
0x164: {  	_ =	swait.ge @!p1 [sflag:s5], $0x1000  }
0x165: {  	[sflag:s5] =	ssyncset.done @!p1 $0x0  }
0x166: {  	[sflag:s5] =	ssyncadd.s32 @!p1 $0xFFFFF000;
	s5 =	simm.s32 @!p1 $0x8  }
0x167: {  	_ =	swait.ge @!p1 [sflag:s5], $0x1000  }
0x168: {  	[sflag:s5] =	ssyncset.done @!p1 $0x0  }
0x169: {  	[sflag:s5] =	ssyncadd.s32 @!p1 $0xFFFFF000;
	s5 =	simm.s32 @!p1 $0x9  }
0x16a: {  	_ =	swait.ge @!p1 [sflag:s5], $0x1000  }
0x16b: {  	[sflag:s5] =	ssyncset.done @!p1 $0x0  }
0x16c: {  	[sflag:s5] =	ssyncadd.s32 @!p1 $0xFFFFF000;
	s5 =	simm.s32 @!p1 $0xA  }
0x16d: {  	_ =	swait.ge @!p1 [sflag:s5], $0x1000  }
0x16e: {  	s11 =	sadd.s32 s21, s8;
	[sflag:s5] =	ssyncset.done @!p1 $0x0  }
0x16f: {  	[sflag:s5] =	ssyncadd.s32 @!p1 $0xFFFFF000;
	s5 =	sadd.s32 $0x5100, s11  }
0x170: {  	[tilespmem:s19], [sflag:$0x2] =	stream.linear.gather [hbm4b:s5+s4], $0x180, $0x38;
	[tilespmem:$0xF400] =	vst v63  }
0x171: {  	s5 =	sadd.s32 $0x5140, s11  }
0x172: {  	[tilespmem:s20], [sflag:$0x2] =	stream.linear.gather [hbm4b:s5+s4], $0x180, $0x38;
	[tilespmem:$0xF400] =	vst v63  }
0x173: {  	s5 =	sadd.s32 $0x5180, s11  }
0x174: {  	[tilespmem:s25], [sflag:$0x2] =	stream.linear.gather [hbm4b:s5+s4], $0x180, $0x38;
	[tilespmem:$0xF400] =	vst v63  }
0x175: {  	s5 =	sadd.s32 $0x51C0, s11  }
0x176: {  	[tilespmem:s26], [sflag:$0x2] =	stream.linear.gather [hbm4b:s5+s4], $0x180, $0x38;
	[tilespmem:$0xF400] =	vst v63  }
0x177: {  	_ = 	snop  }
0x178: {  	[tilespmem:s29], [sflag:$0x3] =	stream.indirect.gather [hbm4b:s1+s28], $0x80, s4, s28, $0xb8;
	[tilespmem:$0xF400] =	vst v63  }
0x179: {  	_ = 	snop  }
0x17a: {  	[tilespmem:s30], [sflag:$0x4] =	stream.indirect.gather [hbm4b:s1+s28], $0x80, s23, s28, $0xb8;
	[tilespmem:$0xF400] =	vst v63  }
0x17b: {  	_ = 	snop  }
0x17c: {  	[tilespmem:s31], [sflag:$0x5] =	stream.indirect.gather [hbm4b:s1+s28], $0x80, s15, s28, $0xb8;
	[tilespmem:$0xF400] =	vst v63  }
0x17d: {  	_ = 	snop  }
0x17e: {  	[tilespmem:s2], [sflag:$0x6] =	stream.indirect.gather [hbm4b:s1+s28], $0x80, s17, s28, $0xb8;
	[tilespmem:$0xF400] =	vst v63  }
0x17f: {  	_ =	swait.ge [sflag:s0], $0x1000  }
0x180: {  	[sflag:s0] =	ssyncset.done $0x0  }
0x181: {  	s5 =	simm.s32 $0x100;
	[sflag:s0] =	ssyncadd.s32 $0xFFFFF000  }
0x182: {  	[spmem:s3] =	stream.indirect.scatter.add.f32 [tilespmem:s29], [sflag:$0x7], $0x80, s5, s28, $0xb8;
	[tilespmem:$0xF400] =	vst v63  }
0x183: {  	_ =	swait.ge [sflag:s9], $0x1000  }
0x184: {  	[sflag:s9] =	ssyncset.done $0x0  }
0x185: {  	s5 =	simm.s32 $0x300;
	[sflag:s9] =	ssyncadd.s32 $0xFFFFF000  }
0x186: {  	[spmem:s3] =	stream.indirect.scatter.add.f32 [tilespmem:s30], [sflag:$0x8], $0x80, s5, s28, $0xb8;
	[tilespmem:$0xF400] =	vst v63  }
0x187: {  	_ =	swait.ge [sflag:s22], $0x1000  }
0x188: {  	[sflag:s22] =	ssyncset.done $0x0  }
0x189: {  	s5 =	simm.s32 $0x500;
	[sflag:s22] =	ssyncadd.s32 $0xFFFFF000  }
0x18a: {  	[spmem:s3] =	stream.indirect.scatter.add.f32 [tilespmem:s31], [sflag:$0x9], $0x80, s5, s28, $0xb8;
	[tilespmem:$0xF400] =	vst v63  }
0x18b: {  	_ =	swait.ge [sflag:s24], $0x1000  }
0x18c: {  	[sflag:s24] =	ssyncset.done $0x0  }
0x18d: {  	s5 =	simm.s32 $0x700;
	[sflag:s24] =	ssyncadd.s32 $0xFFFFF000  }
0x18e: {  	[spmem:s3] =	stream.indirect.scatter.add.f32 [tilespmem:s2], [sflag:$0xA], $0x80, s5, s28, $0xb8;
	[tilespmem:$0xF400] =	vst v63  }
0x18f: {  	_ =	swait.ge [sflag:s12], $0x600  }
0x190: {  	[sflag:s12] =	ssyncset.done $0x0  }
0x191: {  	[sflag:s12] =	ssyncadd.s32 $0xFFFFFA00  }
0x192: {  	_ =	swait.ge [sflag:s14], $0x1000  }
0x193: {  	[sflag:s14] =	ssyncset.done $0x0  }
0x194: {  	[sflag:s14] =	ssyncadd.s32 $0xFFFFF000  }
0x195: {  	_ =	swait.ge [sflag:s16], $0x1000  }
0x196: {  	[sflag:s16] =	ssyncset.done $0x0  }
0x197: {  	[sflag:s16] =	ssyncadd.s32 $0xFFFFF000  }
0x198: {  	_ =	swait.ge [sflag:s7], $0x1000  }
0x199: {  	[sflag:s7] =	ssyncset.done $0x0  }
0x19a: {  	[sflag:s7] =	ssyncadd.s32 $0xFFFFF000  }
0x19b: {  	p1 =	seq.s32 s21, $0xFFFFFE00;
	_ =	swait.ge [sflag:s10], $0x1000  }
0x19c: {  	s5 =	sadd.s32 @!p1 s21, s8;
	[sflag:s10] =	ssyncset.done $0x0  }
0x19d: {  	s13 =	simm.s32 @!p1 $0x0;
	s11 =	sadd.s32 @!p1 $0x5200, s5;
	[sflag:s10] =	ssyncadd.s32 $0xFFFFF000  }
0x19e: {  	[tilespmem:s13], [sflag:$0x1] =	stream.linear.gather @!p1 [hbm4b:s11+s13], $0x180, $0x38;
	[tilespmem:$0xF400] =	vst v63  }
0x19f: {  	s21 =	simm.s32 @!p1 $0x200;
	s23 =	sadd.s32 @!p1 $0x5280, s5;
	s11 =	sadd.s32 @!p1 $0x5240, s5  }
0x1a0: {  	[tilespmem:s21], [sflag:$0x1] =	stream.linear.gather @!p1 [hbm4b:s11+s13], $0x180, $0x38;
	[tilespmem:$0xF400] =	vst v63  }
0x1a1: {  	s5 =	sadd.s32 @!p1 $0x52C0, s5;
	s11 =	simm.s32 @!p1 $0x400  }
0x1a2: {  	[tilespmem:s11], [sflag:$0x1] =	stream.linear.gather @!p1 [hbm4b:s23+s13], $0x180, $0x38;
	[tilespmem:$0xF400] =	vst v63  }
0x1a3: {  	s23 =	simm.s32 $0x200  }
0x1a4: {  	s11 =	simm.s32 @!p1 $0x600  }
0x1a5: {  	[tilespmem:s11], [sflag:$0x1] =	stream.linear.gather @!p1 [hbm4b:s5+s13], $0x180, $0x38;
	[tilespmem:$0xF400] =	vst v63  }
0x1a6: {  	_ = 	snop  }
0x1a7: {  	[tilespmem:s29], [sflag:$0x3] =	stream.indirect.gather [hbm4b:s1+s28], $0x80, s19, s28, $0xb8;
	[tilespmem:$0xF400] =	vst v63  }
0x1a8: {  	_ = 	snop  }
0x1a9: {  	[tilespmem:s30], [sflag:$0x4] =	stream.indirect.gather [hbm4b:s1+s28], $0x80, s20, s28, $0xb8;
	[tilespmem:$0xF400] =	vst v63  }
0x1aa: {  	_ = 	snop  }
0x1ab: {  	[tilespmem:s31], [sflag:$0x5] =	stream.indirect.gather [hbm4b:s1+s28], $0x80, s25, s28, $0xb8;
	[tilespmem:$0xF400] =	vst v63  }
0x1ac: {  	_ = 	snop  }
0x1ad: {  	[tilespmem:s2], [sflag:$0x6] =	stream.indirect.gather [hbm4b:s1+s28], $0x80, s26, s28, $0xb8;
	[tilespmem:$0xF400] =	vst v63  }
0x1ae: {  	_ =	swait.ge [sflag:s0], $0x1000  }
0x1af: {  	[sflag:s0] =	ssyncset.done $0x0  }
0x1b0: {  	s5 =	simm.s32 $0x900;
	[sflag:s0] =	ssyncadd.s32 $0xFFFFF000  }
0x1b1: {  	[spmem:s3] =	stream.indirect.scatter.add.f32 [tilespmem:s29], [sflag:$0x7], $0x80, s5, s28, $0xb8;
	[tilespmem:$0xF400] =	vst v63  }
0x1b2: {  	_ =	swait.ge [sflag:s9], $0x1000  }
0x1b3: {  	[sflag:s9] =	ssyncset.done $0x0  }
0x1b4: {  	s5 =	simm.s32 $0xB00;
	[sflag:s9] =	ssyncadd.s32 $0xFFFFF000  }
0x1b5: {  	[spmem:s3] =	stream.indirect.scatter.add.f32 [tilespmem:s30], [sflag:$0x8], $0x80, s5, s28, $0xb8;
	[tilespmem:$0xF400] =	vst v63  }
0x1b6: {  	_ =	swait.ge [sflag:s22], $0x1000  }
0x1b7: {  	[sflag:s22] =	ssyncset.done $0x0  }
.Ltmp1:
0x1b8: {  	s5 =	simm.s32 $0xD00;
	[sflag:s22] =	ssyncadd.s32 $0xFFFFF000;
	(pc) =	sbr.rel @p0 .LBB2_4-.Ltmp1, $4  }
0x1b9: {  	[spmem:s3] =	stream.indirect.scatter.add.f32 [tilespmem:s31], [sflag:$0x9], $0x80, s5, s28, $0xb8;
	[tilespmem:$0xF400] =	vst v63  }
0x1ba: {  	_ =	swait.ge [sflag:s24], $0x1000  }
0x1bb: {  	[sflag:s24] =	ssyncset.done $0x0  }
0x1bc: {  	[sflag:s24] =	ssyncadd.s32 $0xFFFFF000  }
0x1bd: {  	s5 =	simm.s32 $0xF00  }
0x1be: {  	[spmem:s3] =	stream.indirect.scatter.add.f32 [tilespmem:s2], [sflag:$0xA], $0x80, s5, s28, $0xb8;
	[tilespmem:$0xF400] =	vst v63  }
0x1bf: {  	_ =	swait.ge [sflag:s14], $0x1000  }
0x1c0: {  	[sflag:s14] =	ssyncset.done $0x0  }
0x1c1: {  	[sflag:s14] =	ssyncadd.s32 $0xFFFFF000  }
0x1c2: {  	_ =	swait.ge [sflag:s16], $0x1000  }
0x1c3: {  	[sflag:s16] =	ssyncset.done $0x0  }
0x1c4: {  	[sflag:s16] =	ssyncadd.s32 $0xFFFFF000  }
0x1c5: {  	_ =	swait.ge [sflag:s7], $0x1000  }
0x1c6: {  	[sflag:s7] =	ssyncset.done $0x0  }
0x1c7: {  	[sflag:s7] =	ssyncadd.s32 $0xFFFFF000  }
0x1c8: {  	_ =	swait.ge [sflag:s10], $0x1000  }
0x1c9: {  	[sflag:s10] =	ssyncset.done $0x0  }
0x1ca: {  	[sflag:s10] =	ssyncadd.s32 $0xFFFFF000  }
0x1cb: {  	[bflag:$0x0] =	sbarrier.arrive $0xFFFF  }
0x1cc: {  	s6 =	rddreg [dreg:$0x6]  }
0x1cd: {  	s11 =	rddreg [dreg:$0x8]  }
0x1ce: {  	s13 =	simm.s32 $0xB;
	s15 =	rddreg [dreg:$0xd]  }
0x1cf: {  	[hbm:s15], [sflag:s6] =	dma.local [spmem:s11], $0x1480  }
0x1d0: {  	_ =	swait.ge [sflag:s13], $0x1480  }
0x1d1: {  	[sflag:s13] =	ssyncset.done $0x0  }
0x1d2: {  	s17 =	rddreg [dreg:$0x5];
	[sflag:s13] =	ssyncadd.s32 $0xFFFFEB80  }
0x1d3: {  	[tilespmem:s29], [sflag:$0xB] =	stream.linear.gather [hbm4b:s17+s4], $0x1000, $0x38;
	[tilespmem:$0xF400] =	vst v63  }
0x1d4: {  	_ =	swait.ge [sflag:s13], $0x1000  }
0x1d5: {  	[sflag:s13] =	ssyncset.done $0x0  }
0x1d6: {  	s21 =	rddreg [dreg:$0x4];
	[sflag:s13] =	ssyncadd.s32 $0xFFFFF000  }
0x1d7: {  	[spmem:s11], [sflag:s6] =	dma.local [hbm:s21], $0x1480  }
0x1d8: {  	_ =	swait.ge [sflag:s13], $0x1480  }
0x1d9: {  	[sflag:s13] =	ssyncset.done $0x0  }
0x1da: {  	[sflag:s13] =	ssyncadd.s32 $0xFFFFEB80  }
0x1db: {  	[bflag:$0x0] =	sbarrier.arrive $0xFFFF  }
0x1dc: {  	[tilespmem:s4], [sflag:$0x1] =	stream.linear.gather [hbm4b:s8+s4], $0x180, $0x38;
	[tilespmem:$0xF400] =	vst v63  }
0x1dd: {  	s15 =	rddreg [dreg:$0x9]  }
0x1de: {  	[tilespmem:s23], [sflag:$0x1] =	stream.linear.gather [hbm4b:s15+s4], $0x180, $0x38;
	[tilespmem:$0xF400] =	vst v63  }
0x1df: {  	s17 =	simm.s32 $0x400;
	s21 =	rddreg [dreg:$0xa]  }
0x1e0: {  	[tilespmem:s17], [sflag:$0x1] =	stream.linear.gather [hbm4b:s21+s4], $0x180, $0x38;
	[tilespmem:$0xF400] =	vst v63  }
0x1e1: {  	s13 =	rddreg [dreg:$0xb];
	s23 =	simm.s32 $0x600  }
0x1e2: {  	[tilespmem:s23], [sflag:$0x1] =	stream.linear.gather [hbm4b:s13+s4], $0x180, $0x38;
	[tilespmem:$0xF400] =	vst v63  }
0x1e3: {  	_ =	swait.ge [sflag:s18], $0x600  }
0x1e4: {  	p0 =	por $0x1, $0x1;
	[sflag:s18] =	ssyncset.done $0x0  }
0x1e5: {  	s5 =	simm.s32 @!p0 $0x7;
	[sflag:s18] =	ssyncadd.s32 $0xFFFFFA00  }
0x1e6: {  	_ =	swait.ge @!p0 [sflag:s5], $0x1000  }
0x1e7: {  	[sflag:s5] =	ssyncset.done @!p0 $0x0  }
0x1e8: {  	[sflag:s5] =	ssyncadd.s32 @!p0 $0xFFFFF000;
	s5 =	simm.s32 @!p0 $0x8  }
0x1e9: {  	_ =	swait.ge @!p0 [sflag:s5], $0x1000  }
0x1ea: {  	[sflag:s5] =	ssyncset.done @!p0 $0x0  }
0x1eb: {  	[sflag:s5] =	ssyncadd.s32 @!p0 $0xFFFFF000;
	s5 =	simm.s32 @!p0 $0x9  }
0x1ec: {  	_ =	swait.ge @!p0 [sflag:s5], $0x1000  }
0x1ed: {  	[sflag:s5] =	ssyncset.done @!p0 $0x0  }
0x1ee: {  	[sflag:s5] =	ssyncadd.s32 @!p0 $0xFFFFF000;
	s5 =	simm.s32 @!p0 $0xA  }
0x1ef: {  	_ =	swait.ge @!p0 [sflag:s5], $0x1000  }
0x1f0: {  	s15 =	sadd.s32 $0xFFFFB000, s8;
	[sflag:s5] =	ssyncset.done @!p0 $0x0  }
0x1f1: {  	s17 =	sadd.s32 $0x5100, s15;
	[sflag:s5] =	ssyncadd.s32 @!p0 $0xFFFFF000  }
0x1f2: {  	[tilespmem:s19], [sflag:$0x2] =	stream.linear.gather [hbm4b:s17+s4], $0x180, $0x38;
	[tilespmem:$0xF400] =	vst v63  }
0x1f3: {  	s19 =	sadd.s32 $0x5140, s15  }
0x1f4: {  	[tilespmem:s20], [sflag:$0x2] =	stream.linear.gather [hbm4b:s19+s4], $0x180, $0x38;
	[tilespmem:$0xF400] =	vst v63  }
0x1f5: {  	s21 =	sadd.s32 $0x5180, s15  }
0x1f6: {  	[tilespmem:s25], [sflag:$0x2] =	stream.linear.gather [hbm4b:s21+s4], $0x180, $0x38;
	[tilespmem:$0xF400] =	vst v63  }
0x1f7: {  	s23 =	sadd.s32 $0x51C0, s15  }
0x1f8: {  	[tilespmem:s26], [sflag:$0x2] =	stream.linear.gather [hbm4b:s23+s4], $0x180, $0x38;
	[tilespmem:$0xF400] =	vst v63  }
0x1f9: {  	s25 =	simm.s32 $0x80  }
0x1fa: {  	[spmem:s3] =	stream.indirect.scatter.add.f32 [tilespmem:s29], [sflag:$0x7], $0x80, s25, s28, $0xb8;
	[tilespmem:$0xF400] =	vst v63  }
0x1fb: {  	s26 =	simm.s32 $0x280  }
0x1fc: {  	[spmem:s3] =	stream.indirect.scatter.add.f32 [tilespmem:s29], [sflag:$0x8], $0x80, s26, s28, $0xb8;
	[tilespmem:$0xF400] =	vst v63  }
0x1fd: {  	s19 =	simm.s32 $0x480  }
0x1fe: {  	[spmem:s3] =	stream.indirect.scatter.add.f32 [tilespmem:s29], [sflag:$0x9], $0x80, s19, s28, $0xb8;
	[tilespmem:$0xF400] =	vst v63  }
0x1ff: {  	s20 =	simm.s32 $0x680  }
0x200: {  	[spmem:s3] =	stream.indirect.scatter.add.f32 [tilespmem:s29], [sflag:$0xA], $0x80, s20, s28, $0xb8;
	[tilespmem:$0xF400] =	vst v63  }
0x201: {  	_ =	swait.ge [sflag:s12], $0x600  }
0x202: {  	[sflag:s12] =	ssyncset.done $0x0  }
0x203: {  	[sflag:s12] =	ssyncadd.s32 $0xFFFFFA00  }
0x204: {  	_ =	swait.ge [sflag:s14], $0x1000  }
0x205: {  	[sflag:s14] =	ssyncset.done $0x0  }
0x206: {  	[sflag:s14] =	ssyncadd.s32 $0xFFFFF000  }
0x207: {  	_ =	swait.ge [sflag:s16], $0x1000  }
0x208: {  	[sflag:s16] =	ssyncset.done $0x0  }
0x209: {  	[sflag:s16] =	ssyncadd.s32 $0xFFFFF000  }
0x20a: {  	_ =	swait.ge [sflag:s7], $0x1000  }
0x20b: {  	[sflag:s7] =	ssyncset.done $0x0  }
0x20c: {  	[sflag:s7] =	ssyncadd.s32 $0xFFFFF000  }
0x20d: {  	p0 =	por $0x0, $0x0;
	_ =	swait.ge [sflag:s10], $0x1000  }
0x20e: {  	s5 =	sadd.s32 @!p0 $0xFFFFB000, s8;
	[sflag:s10] =	ssyncset.done $0x0  }
0x20f: {  	s11 =	simm.s32 @!p0 $0x0;
	s6 =	sadd.s32 @!p0 $0x5200, s5;
	[sflag:s10] =	ssyncadd.s32 $0xFFFFF000  }
0x210: {  	[tilespmem:s11], [sflag:$0x1] =	stream.linear.gather @!p0 [hbm4b:s6+s11], $0x180, $0x38;
	[tilespmem:$0xF400] =	vst v63  }
0x211: {  	s13 =	simm.s32 @!p0 $0x200;
	s6 =	sadd.s32 @!p0 $0x5240, s5  }
0x212: {  	[tilespmem:s13], [sflag:$0x1] =	stream.linear.gather @!p0 [hbm4b:s6+s11], $0x180, $0x38;
	[tilespmem:$0xF400] =	vst v63  }
0x213: {  	s6 =	sadd.s32 @!p0 $0x5280, s5;
	s13 =	simm.s32 @!p0 $0x400  }
0x214: {  	[tilespmem:s13], [sflag:$0x1] =	stream.linear.gather @!p0 [hbm4b:s6+s11], $0x180, $0x38;
	[tilespmem:$0xF400] =	vst v63  }
0x215: {  	s5 =	sadd.s32 @!p0 $0x52C0, s5;
	s6 =	simm.s32 @!p0 $0x600  }
0x216: {  	[tilespmem:s6], [sflag:$0x1] =	stream.linear.gather @!p0 [hbm4b:s5+s11], $0x180, $0x38;
	[tilespmem:$0xF400] =	vst v63  }
0x217: {  	s25 =	simm.s32 $0x880  }
0x218: {  	[spmem:s3] =	stream.indirect.scatter.add.f32 [tilespmem:s29], [sflag:$0x7], $0x80, s25, s28, $0xb8;
	[tilespmem:$0xF400] =	vst v63  }
0x219: {  	s26 =	simm.s32 $0xA80  }
0x21a: {  	[spmem:s3] =	stream.indirect.scatter.add.f32 [tilespmem:s29], [sflag:$0x8], $0x80, s26, s28, $0xb8;
	[tilespmem:$0xF400] =	vst v63  }
0x21b: {  	s17 =	simm.s32 $0xC80;
	s15 =	simm.s32 $0xE80;
	s6 =	simm.s32 $0xFFFFB200  }
0x21c: {  	[spmem:s3] =	stream.indirect.scatter.add.f32 [tilespmem:s29], [sflag:$0x9], $0x80, s17, s28, $0xb8;
	[tilespmem:$0xF400] =	vst v63  }
.LBB2_6:
0x21d: {  	[spmem:s3] =	stream.indirect.scatter.add.f32 [tilespmem:s29], [sflag:$0xA], $0x80, s15, s28, $0xb8;
	[tilespmem:$0xF400] =	vst v63  }
0x21e: {  	s21 =	smov.u32 s6;
	s6 =	sadd.s32 $0x200, s6;
	_ =	swait.ge [sflag:s18], $0x600  }
0x21f: {  	p1 =	seq.s32 s21, $0xFFFFB000;
	p0 =	sne.s32 s6, $0x0;
	[sflag:s18] =	ssyncset.done $0x0  }
0x220: {  	s5 =	simm.s32 @!p1 $0x7;
	[sflag:s18] =	ssyncadd.s32 $0xFFFFFA00  }
0x221: {  	_ =	swait.ge @!p1 [sflag:s5], $0x1000  }
0x222: {  	[sflag:s5] =	ssyncset.done @!p1 $0x0  }
0x223: {  	[sflag:s5] =	ssyncadd.s32 @!p1 $0xFFFFF000;
	s5 =	simm.s32 @!p1 $0x8  }
0x224: {  	_ =	swait.ge @!p1 [sflag:s5], $0x1000  }
0x225: {  	[sflag:s5] =	ssyncset.done @!p1 $0x0  }
0x226: {  	[sflag:s5] =	ssyncadd.s32 @!p1 $0xFFFFF000;
	s5 =	simm.s32 @!p1 $0x9  }
0x227: {  	_ =	swait.ge @!p1 [sflag:s5], $0x1000  }
0x228: {  	[sflag:s5] =	ssyncset.done @!p1 $0x0  }
0x229: {  	[sflag:s5] =	ssyncadd.s32 @!p1 $0xFFFFF000;
	s5 =	simm.s32 @!p1 $0xA  }
0x22a: {  	_ =	swait.ge @!p1 [sflag:s5], $0x1000  }
0x22b: {  	s11 =	sadd.s32 s21, s8;
	[sflag:s5] =	ssyncset.done @!p1 $0x0  }
0x22c: {  	s13 =	simm.s32 $0x800;
	[sflag:s5] =	ssyncadd.s32 @!p1 $0xFFFFF000;
	s5 =	sadd.s32 $0x5100, s11  }
0x22d: {  	[tilespmem:s13], [sflag:$0x2] =	stream.linear.gather [hbm4b:s5+s4], $0x180, $0x38;
	[tilespmem:$0xF400] =	vst v63  }
0x22e: {  	s5 =	sadd.s32 $0x5140, s11;
	s13 =	simm.s32 $0xA00  }
0x22f: {  	[tilespmem:s13], [sflag:$0x2] =	stream.linear.gather [hbm4b:s5+s4], $0x180, $0x38;
	[tilespmem:$0xF400] =	vst v63  }
0x230: {  	s5 =	sadd.s32 $0x5180, s11;
	s13 =	simm.s32 $0xC00  }
0x231: {  	[tilespmem:s13], [sflag:$0x2] =	stream.linear.gather [hbm4b:s5+s4], $0x180, $0x38;
	[tilespmem:$0xF400] =	vst v63  }
0x232: {  	s5 =	sadd.s32 $0x51C0, s11;
	s11 =	simm.s32 $0xE00  }
0x233: {  	[tilespmem:s11], [sflag:$0x2] =	stream.linear.gather [hbm4b:s5+s4], $0x180, $0x38;
	[tilespmem:$0xF400] =	vst v63  }
0x234: {  	s5 =	simm.s32 $0x80  }
0x235: {  	[spmem:s3] =	stream.indirect.scatter.add.f32 [tilespmem:s29], [sflag:$0x7], $0x80, s5, s28, $0xb8;
	[tilespmem:$0xF400] =	vst v63  }
0x236: {  	s5 =	simm.s32 $0x280  }
0x237: {  	[spmem:s3] =	stream.indirect.scatter.add.f32 [tilespmem:s29], [sflag:$0x8], $0x80, s5, s28, $0xb8;
	[tilespmem:$0xF400] =	vst v63  }
0x238: {  	_ = 	snop  }
0x239: {  	[spmem:s3] =	stream.indirect.scatter.add.f32 [tilespmem:s29], [sflag:$0x9], $0x80, s19, s28, $0xb8;
	[tilespmem:$0xF400] =	vst v63  }
0x23a: {  	_ = 	snop  }
0x23b: {  	[spmem:s3] =	stream.indirect.scatter.add.f32 [tilespmem:s29], [sflag:$0xA], $0x80, s20, s28, $0xb8;
	[tilespmem:$0xF400] =	vst v63  }
0x23c: {  	_ =	swait.ge [sflag:s12], $0x600  }
0x23d: {  	[sflag:s12] =	ssyncset.done $0x0  }
0x23e: {  	[sflag:s12] =	ssyncadd.s32 $0xFFFFFA00  }
0x23f: {  	_ =	swait.ge [sflag:s14], $0x1000  }
0x240: {  	[sflag:s14] =	ssyncset.done $0x0  }
0x241: {  	[sflag:s14] =	ssyncadd.s32 $0xFFFFF000  }
0x242: {  	_ =	swait.ge [sflag:s16], $0x1000  }
0x243: {  	[sflag:s16] =	ssyncset.done $0x0  }
0x244: {  	[sflag:s16] =	ssyncadd.s32 $0xFFFFF000  }
0x245: {  	_ =	swait.ge [sflag:s7], $0x1000  }
0x246: {  	[sflag:s7] =	ssyncset.done $0x0  }
0x247: {  	[sflag:s7] =	ssyncadd.s32 $0xFFFFF000  }
0x248: {  	p1 =	seq.s32 s21, $0xFFFFFE00;
	_ =	swait.ge [sflag:s10], $0x1000  }
0x249: {  	s5 =	sadd.s32 @!p1 s21, s8;
	[sflag:s10] =	ssyncset.done $0x0  }
0x24a: {  	s13 =	simm.s32 @!p1 $0x0;
	s11 =	sadd.s32 @!p1 $0x5200, s5;
	[sflag:s10] =	ssyncadd.s32 $0xFFFFF000  }
0x24b: {  	[tilespmem:s13], [sflag:$0x1] =	stream.linear.gather @!p1 [hbm4b:s11+s13], $0x180, $0x38;
	[tilespmem:$0xF400] =	vst v63  }
0x24c: {  	s21 =	simm.s32 @!p1 $0x200;
	s23 =	sadd.s32 @!p1 $0x5280, s5;
	s11 =	sadd.s32 @!p1 $0x5240, s5  }
0x24d: {  	[tilespmem:s21], [sflag:$0x1] =	stream.linear.gather @!p1 [hbm4b:s11+s13], $0x180, $0x38;
	[tilespmem:$0xF400] =	vst v63  }
0x24e: {  	s5 =	sadd.s32 @!p1 $0x52C0, s5;
	s11 =	simm.s32 @!p1 $0x400  }
0x24f: {  	[tilespmem:s11], [sflag:$0x1] =	stream.linear.gather @!p1 [hbm4b:s23+s13], $0x180, $0x38;
	[tilespmem:$0xF400] =	vst v63  }
0x250: {  	s11 =	simm.s32 @!p1 $0x600  }
0x251: {  	[tilespmem:s11], [sflag:$0x1] =	stream.linear.gather @!p1 [hbm4b:s5+s13], $0x180, $0x38;
	[tilespmem:$0xF400] =	vst v63  }
0x252: {  	_ = 	snop  }
0x253: {  	[spmem:s3] =	stream.indirect.scatter.add.f32 [tilespmem:s29], [sflag:$0x7], $0x80, s25, s28, $0xb8;
	[tilespmem:$0xF400] =	vst v63  }
.Ltmp2:
0x254: {  	_ = 	snop;
	(pc) =	sbr.rel @p0 .LBB2_6-.Ltmp2, $4  }
0x255: {  	_ = 	snop  }
0x256: {  	[spmem:s3] =	stream.indirect.scatter.add.f32 [tilespmem:s29], [sflag:$0x8], $0x80, s26, s28, $0xb8;
	[tilespmem:$0xF400] =	vst v63  }
0x257: {  	_ = 	snop  }
0x258: {  	[spmem:s3] =	stream.indirect.scatter.add.f32 [tilespmem:s29], [sflag:$0x9], $0x80, s17, s28, $0xb8;
	[tilespmem:$0xF400] =	vst v63  }
0x259: {  	[spmem:s3] =	stream.indirect.scatter.add.f32 [tilespmem:s29], [sflag:$0xA], $0x80, s15, s28, $0xb8;
	[tilespmem:$0xF400] =	vst v63  }
0x25a: {  	_ =	swait.ge [sflag:s14], $0x1000  }
0x25b: {  	[sflag:s14] =	ssyncset.done $0x0  }
0x25c: {  	[sflag:s14] =	ssyncadd.s32 $0xFFFFF000  }
0x25d: {  	_ =	swait.ge [sflag:s16], $0x1000  }
0x25e: {  	[sflag:s16] =	ssyncset.done $0x0  }
0x25f: {  	[sflag:s16] =	ssyncadd.s32 $0xFFFFF000  }
0x260: {  	_ =	swait.ge [sflag:s7], $0x1000  }
0x261: {  	[sflag:s7] =	ssyncset.done $0x0  }
0x262: {  	[sflag:s7] =	ssyncadd.s32 $0xFFFFF000  }
0x263: {  	_ =	swait.ge [sflag:s10], $0x1000  }
0x264: {  	[sflag:s10] =	ssyncset.done $0x0  }
0x265: {  	[sflag:s10] =	ssyncadd.s32 $0xFFFFF000  }
0x266: {  	[bflag:$0x0] =	sbarrier.arrive $0xFFFF  }
0x267: {  	s6 =	rddreg [dreg:$0x6]  }
0x268: {  	s11 =	rddreg [dreg:$0x8]  }
0x269: {  	s13 =	simm.s32 $0xB;
	s5 =	rddreg [dreg:$0xe]  }
0x26a: {  	[hbm:s5], [sflag:s6] =	dma.local [spmem:s11], $0x1480  }
0x26b: {  	_ =	swait.ge [sflag:s13], $0x1480  }
0x26c: {  	[sflag:s13] =	ssyncset.done $0x0  }
0x26d: {  	s26 =	rddreg [dreg:$0x4];
	[sflag:s13] =	ssyncadd.s32 $0xFFFFEB80  }
0x26e: {  	[spmem:s11], [sflag:s6] =	dma.local [hbm:s26], $0x1480  }
0x26f: {  	_ =	swait.ge [sflag:s13], $0x1480  }
0x270: {  	[sflag:s13] =	ssyncset.done $0x0  }
0x271: {  	[sflag:s13] =	ssyncadd.s32 $0xFFFFEB80  }
0x272: {  	[bflag:$0x0] =	sbarrier.arrive $0xFFFF  }
0x273: {  	[tilespmem:s4], [sflag:$0x1] =	stream.linear.gather [hbm4b:s8+s4], $0x180, $0x38;
	[tilespmem:$0xF400] =	vst v63  }
0x274: {  	s11 =	simm.s32 $0x200;
	s6 =	rddreg [dreg:$0x9]  }
0x275: {  	[tilespmem:s11], [sflag:$0x1] =	stream.linear.gather [hbm4b:s6+s4], $0x180, $0x38;
	[tilespmem:$0xF400] =	vst v63  }
0x276: {  	s15 =	simm.s32 $0x400;
	s13 =	rddreg [dreg:$0xa]  }
0x277: {  	[tilespmem:s15], [sflag:$0x1] =	stream.linear.gather [hbm4b:s13+s4], $0x180, $0x38;
	[tilespmem:$0xF400] =	vst v63  }
0x278: {  	s19 =	simm.s32 $0x600;
	s17 =	rddreg [dreg:$0xb]  }
0x279: {  	[tilespmem:s19], [sflag:$0x1] =	stream.linear.gather [hbm4b:s17+s4], $0x180, $0x38;
	[tilespmem:$0xF400] =	vst v63  }
0x27a: {  	_ =	swait.ge [sflag:s18], $0x600  }
0x27b: {  	p0 =	por $0x1, $0x1;
	[sflag:s18] =	ssyncset.done $0x0  }
0x27c: {  	s5 =	simm.s32 @!p0 $0x7;
	[sflag:s18] =	ssyncadd.s32 $0xFFFFFA00  }
0x27d: {  	_ =	swait.ge @!p0 [sflag:s5], $0x1000  }
0x27e: {  	[sflag:s5] =	ssyncset.done @!p0 $0x0  }
0x27f: {  	[sflag:s5] =	ssyncadd.s32 @!p0 $0xFFFFF000;
	s5 =	simm.s32 @!p0 $0x8  }
0x280: {  	_ =	swait.ge @!p0 [sflag:s5], $0x1000  }
0x281: {  	[sflag:s5] =	ssyncset.done @!p0 $0x0  }
0x282: {  	[sflag:s5] =	ssyncadd.s32 @!p0 $0xFFFFF000;
	s5 =	simm.s32 @!p0 $0x9  }
0x283: {  	_ =	swait.ge @!p0 [sflag:s5], $0x1000  }
0x284: {  	[sflag:s5] =	ssyncset.done @!p0 $0x0  }
0x285: {  	[sflag:s5] =	ssyncadd.s32 @!p0 $0xFFFFF000;
	s5 =	simm.s32 @!p0 $0xA  }
0x286: {  	_ =	swait.ge @!p0 [sflag:s5], $0x1000  }
0x287: {  	s20 =	sadd.s32 $0xFFFFB000, s8;
	[sflag:s5] =	ssyncset.done @!p0 $0x0  }
0x288: {  	s23 =	simm.s32 $0x800;
	s21 =	sadd.s32 $0x5100, s20;
	[sflag:s5] =	ssyncadd.s32 @!p0 $0xFFFFF000  }
0x289: {  	[tilespmem:s23], [sflag:$0x2] =	stream.linear.gather [hbm4b:s21+s4], $0x180, $0x38;
	[tilespmem:$0xF400] =	vst v63  }
0x28a: {  	s25 =	sadd.s32 $0x5140, s20;
	s26 =	simm.s32 $0xA00  }
0x28b: {  	[tilespmem:s26], [sflag:$0x2] =	stream.linear.gather [hbm4b:s25+s4], $0x180, $0x38;
	[tilespmem:$0xF400] =	vst v63  }
0x28c: {  	s13 =	sadd.s32 $0x5180, s20;
	s15 =	simm.s32 $0xC00  }
0x28d: {  	[tilespmem:s15], [sflag:$0x2] =	stream.linear.gather [hbm4b:s13+s4], $0x180, $0x38;
	[tilespmem:$0xF400] =	vst v63  }
0x28e: {  	s17 =	sadd.s32 $0x51C0, s20;
	s19 =	simm.s32 $0xE00  }
0x28f: {  	[tilespmem:s19], [sflag:$0x2] =	stream.linear.gather [hbm4b:s17+s4], $0x180, $0x38;
	[tilespmem:$0xF400] =	vst v63  }
0x290: {  	s20 =	simm.s32 $0x100  }
0x291: {  	[spmem:s3] =	stream.indirect.scatter.add.f32 [tilespmem:s29], [sflag:$0x7], $0x80, s20, s28, $0xb8;
	[tilespmem:$0xF400] =	vst v63  }
0x292: {  	s21 =	simm.s32 $0x300  }
0x293: {  	[spmem:s3] =	stream.indirect.scatter.add.f32 [tilespmem:s29], [sflag:$0x8], $0x80, s21, s28, $0xb8;
	[tilespmem:$0xF400] =	vst v63  }
0x294: {  	s23 =	simm.s32 $0x500  }
0x295: {  	[spmem:s3] =	stream.indirect.scatter.add.f32 [tilespmem:s29], [sflag:$0x9], $0x80, s23, s28, $0xb8;
	[tilespmem:$0xF400] =	vst v63  }
0x296: {  	s25 =	simm.s32 $0x700  }
0x297: {  	[spmem:s3] =	stream.indirect.scatter.add.f32 [tilespmem:s29], [sflag:$0xA], $0x80, s25, s28, $0xb8;
	[tilespmem:$0xF400] =	vst v63  }
0x298: {  	_ =	swait.ge [sflag:s12], $0x600  }
0x299: {  	[sflag:s12] =	ssyncset.done $0x0  }
0x29a: {  	[sflag:s12] =	ssyncadd.s32 $0xFFFFFA00  }
0x29b: {  	_ =	swait.ge [sflag:s14], $0x1000  }
0x29c: {  	[sflag:s14] =	ssyncset.done $0x0  }
0x29d: {  	[sflag:s14] =	ssyncadd.s32 $0xFFFFF000  }
0x29e: {  	_ =	swait.ge [sflag:s16], $0x1000  }
0x29f: {  	[sflag:s16] =	ssyncset.done $0x0  }
0x2a0: {  	[sflag:s16] =	ssyncadd.s32 $0xFFFFF000  }
0x2a1: {  	_ =	swait.ge [sflag:s7], $0x1000  }
0x2a2: {  	[sflag:s7] =	ssyncset.done $0x0  }
0x2a3: {  	[sflag:s7] =	ssyncadd.s32 $0xFFFFF000  }
0x2a4: {  	p0 =	por $0x0, $0x0;
	_ =	swait.ge [sflag:s10], $0x1000  }
0x2a5: {  	s5 =	sadd.s32 @!p0 $0xFFFFB000, s8;
	[sflag:s10] =	ssyncset.done $0x0  }
0x2a6: {  	s11 =	simm.s32 @!p0 $0x0;
	s6 =	sadd.s32 @!p0 $0x5200, s5;
	[sflag:s10] =	ssyncadd.s32 $0xFFFFF000  }
0x2a7: {  	[tilespmem:s11], [sflag:$0x1] =	stream.linear.gather @!p0 [hbm4b:s6+s11], $0x180, $0x38;
	[tilespmem:$0xF400] =	vst v63  }
0x2a8: {  	s13 =	simm.s32 @!p0 $0x200;
	s6 =	sadd.s32 @!p0 $0x5240, s5  }
0x2a9: {  	[tilespmem:s13], [sflag:$0x1] =	stream.linear.gather @!p0 [hbm4b:s6+s11], $0x180, $0x38;
	[tilespmem:$0xF400] =	vst v63  }
0x2aa: {  	s6 =	sadd.s32 @!p0 $0x5280, s5;
	s13 =	simm.s32 @!p0 $0x400  }
0x2ab: {  	[tilespmem:s13], [sflag:$0x1] =	stream.linear.gather @!p0 [hbm4b:s6+s11], $0x180, $0x38;
	[tilespmem:$0xF400] =	vst v63  }
0x2ac: {  	s5 =	sadd.s32 @!p0 $0x52C0, s5;
	s6 =	simm.s32 @!p0 $0x600  }
0x2ad: {  	[tilespmem:s6], [sflag:$0x1] =	stream.linear.gather @!p0 [hbm4b:s5+s11], $0x180, $0x38;
	[tilespmem:$0xF400] =	vst v63  }
0x2ae: {  	s26 =	simm.s32 $0x900;
	s15 =	simm.s32 $0x800  }
0x2af: {  	[spmem:s3] =	stream.indirect.scatter.add.f32 [tilespmem:s29], [sflag:$0x7], $0x80, s26, s28, $0xb8;
	[tilespmem:$0xF400] =	vst v63  }
0x2b0: {  	s19 =	simm.s32 $0xD00;
	s17 =	simm.s32 $0xA00;
	s20 =	simm.s32 $0xB00  }
0x2b1: {  	[spmem:s3] =	stream.indirect.scatter.add.f32 [tilespmem:s29], [sflag:$0x8], $0x80, s20, s28, $0xb8;
	[tilespmem:$0xF400] =	vst v63  }
0x2b2: {  	s25 =	simm.s32 $0xC00;
	s6 =	simm.s32 $0xFFFFB200;
	s26 =	simm.s32 $0xE00  }
0x2b3: {  	[spmem:s3] =	stream.indirect.scatter.add.f32 [tilespmem:s29], [sflag:$0x9], $0x80, s19, s28, $0xb8;
	[tilespmem:$0xF400] =	vst v63  }
.LBB2_8:
0x2b4: {  	s5 =	simm.s32 $0xF00  }
0x2b5: {  	[spmem:s3] =	stream.indirect.scatter.add.f32 [tilespmem:s29], [sflag:$0xA], $0x80, s5, s28, $0xb8;
	[tilespmem:$0xF400] =	vst v63  }
0x2b6: {  	s21 =	smov.u32 s6;
	s6 =	sadd.s32 $0x200, s6;
	_ =	swait.ge [sflag:s18], $0x600  }
0x2b7: {  	p1 =	seq.s32 s21, $0xFFFFB000;
	p0 =	sne.s32 s6, $0x0;
	[sflag:s18] =	ssyncset.done $0x0  }
0x2b8: {  	s5 =	simm.s32 @!p1 $0x7;
	[sflag:s18] =	ssyncadd.s32 $0xFFFFFA00  }
0x2b9: {  	_ =	swait.ge @!p1 [sflag:s5], $0x1000  }
0x2ba: {  	[sflag:s5] =	ssyncset.done @!p1 $0x0  }
0x2bb: {  	[sflag:s5] =	ssyncadd.s32 @!p1 $0xFFFFF000;
	s5 =	simm.s32 @!p1 $0x8  }
0x2bc: {  	_ =	swait.ge @!p1 [sflag:s5], $0x1000  }
0x2bd: {  	[sflag:s5] =	ssyncset.done @!p1 $0x0  }
0x2be: {  	[sflag:s5] =	ssyncadd.s32 @!p1 $0xFFFFF000;
	s5 =	simm.s32 @!p1 $0x9  }
0x2bf: {  	_ =	swait.ge @!p1 [sflag:s5], $0x1000  }
0x2c0: {  	[sflag:s5] =	ssyncset.done @!p1 $0x0  }
0x2c1: {  	[sflag:s5] =	ssyncadd.s32 @!p1 $0xFFFFF000;
	s5 =	simm.s32 @!p1 $0xA  }
0x2c2: {  	_ =	swait.ge @!p1 [sflag:s5], $0x1000  }
0x2c3: {  	s11 =	sadd.s32 s21, s8;
	[sflag:s5] =	ssyncset.done @!p1 $0x0  }
0x2c4: {  	[sflag:s5] =	ssyncadd.s32 @!p1 $0xFFFFF000;
	s5 =	sadd.s32 $0x5100, s11  }
0x2c5: {  	[tilespmem:s15], [sflag:$0x2] =	stream.linear.gather [hbm4b:s5+s4], $0x180, $0x38;
	[tilespmem:$0xF400] =	vst v63  }
0x2c6: {  	s5 =	sadd.s32 $0x5140, s11  }
0x2c7: {  	[tilespmem:s17], [sflag:$0x2] =	stream.linear.gather [hbm4b:s5+s4], $0x180, $0x38;
	[tilespmem:$0xF400] =	vst v63  }
0x2c8: {  	s5 =	sadd.s32 $0x5180, s11  }
0x2c9: {  	[tilespmem:s25], [sflag:$0x2] =	stream.linear.gather [hbm4b:s5+s4], $0x180, $0x38;
	[tilespmem:$0xF400] =	vst v63  }
0x2ca: {  	s5 =	sadd.s32 $0x51C0, s11  }
0x2cb: {  	[tilespmem:s26], [sflag:$0x2] =	stream.linear.gather [hbm4b:s5+s4], $0x180, $0x38;
	[tilespmem:$0xF400] =	vst v63  }
0x2cc: {  	s5 =	simm.s32 $0x100  }
0x2cd: {  	[spmem:s3] =	stream.indirect.scatter.add.f32 [tilespmem:s29], [sflag:$0x7], $0x80, s5, s28, $0xb8;
	[tilespmem:$0xF400] =	vst v63  }
0x2ce: {  	s5 =	simm.s32 $0x300  }
0x2cf: {  	[spmem:s3] =	stream.indirect.scatter.add.f32 [tilespmem:s29], [sflag:$0x8], $0x80, s5, s28, $0xb8;
	[tilespmem:$0xF400] =	vst v63  }
0x2d0: {  	s5 =	simm.s32 $0x500  }
0x2d1: {  	[spmem:s3] =	stream.indirect.scatter.add.f32 [tilespmem:s29], [sflag:$0x9], $0x80, s5, s28, $0xb8;
	[tilespmem:$0xF400] =	vst v63  }
0x2d2: {  	s5 =	simm.s32 $0x700  }
0x2d3: {  	[spmem:s3] =	stream.indirect.scatter.add.f32 [tilespmem:s29], [sflag:$0xA], $0x80, s5, s28, $0xb8;
	[tilespmem:$0xF400] =	vst v63  }
0x2d4: {  	_ =	swait.ge [sflag:s12], $0x600  }
0x2d5: {  	[sflag:s12] =	ssyncset.done $0x0  }
0x2d6: {  	[sflag:s12] =	ssyncadd.s32 $0xFFFFFA00  }
0x2d7: {  	_ =	swait.ge [sflag:s14], $0x1000  }
0x2d8: {  	[sflag:s14] =	ssyncset.done $0x0  }
0x2d9: {  	[sflag:s14] =	ssyncadd.s32 $0xFFFFF000  }
0x2da: {  	_ =	swait.ge [sflag:s16], $0x1000  }
0x2db: {  	[sflag:s16] =	ssyncset.done $0x0  }
0x2dc: {  	[sflag:s16] =	ssyncadd.s32 $0xFFFFF000  }
0x2dd: {  	_ =	swait.ge [sflag:s7], $0x1000  }
0x2de: {  	[sflag:s7] =	ssyncset.done $0x0  }
0x2df: {  	[sflag:s7] =	ssyncadd.s32 $0xFFFFF000  }
0x2e0: {  	p1 =	seq.s32 s21, $0xFFFFFE00;
	_ =	swait.ge [sflag:s10], $0x1000  }
0x2e1: {  	s5 =	sadd.s32 @!p1 s21, s8;
	[sflag:s10] =	ssyncset.done $0x0  }
0x2e2: {  	s13 =	simm.s32 @!p1 $0x0;
	s11 =	sadd.s32 @!p1 $0x5200, s5;
	[sflag:s10] =	ssyncadd.s32 $0xFFFFF000  }
0x2e3: {  	[tilespmem:s13], [sflag:$0x1] =	stream.linear.gather @!p1 [hbm4b:s11+s13], $0x180, $0x38;
	[tilespmem:$0xF400] =	vst v63  }
0x2e4: {  	s21 =	simm.s32 @!p1 $0x200;
	s23 =	sadd.s32 @!p1 $0x5280, s5;
	s11 =	sadd.s32 @!p1 $0x5240, s5  }
0x2e5: {  	[tilespmem:s21], [sflag:$0x1] =	stream.linear.gather @!p1 [hbm4b:s11+s13], $0x180, $0x38;
	[tilespmem:$0xF400] =	vst v63  }
0x2e6: {  	s5 =	sadd.s32 @!p1 $0x52C0, s5;
	s11 =	simm.s32 @!p1 $0x400  }
0x2e7: {  	[tilespmem:s11], [sflag:$0x1] =	stream.linear.gather @!p1 [hbm4b:s23+s13], $0x180, $0x38;
	[tilespmem:$0xF400] =	vst v63  }
0x2e8: {  	s11 =	simm.s32 @!p1 $0x600  }
0x2e9: {  	[tilespmem:s11], [sflag:$0x1] =	stream.linear.gather @!p1 [hbm4b:s5+s13], $0x180, $0x38;
	[tilespmem:$0xF400] =	vst v63  }
0x2ea: {  	s5 =	simm.s32 $0x900  }
0x2eb: {  	[spmem:s3] =	stream.indirect.scatter.add.f32 [tilespmem:s29], [sflag:$0x7], $0x80, s5, s28, $0xb8;
	[tilespmem:$0xF400] =	vst v63  }
.Ltmp3:
0x2ec: {  	_ = 	snop;
	(pc) =	sbr.rel @p0 .LBB2_8-.Ltmp3, $4  }
0x2ed: {  	_ = 	snop  }
0x2ee: {  	[spmem:s3] =	stream.indirect.scatter.add.f32 [tilespmem:s29], [sflag:$0x8], $0x80, s20, s28, $0xb8;
	[tilespmem:$0xF400] =	vst v63  }
0x2ef: {  	_ = 	snop  }
0x2f0: {  	[spmem:s3] =	stream.indirect.scatter.add.f32 [tilespmem:s29], [sflag:$0x9], $0x80, s19, s28, $0xb8;
	[tilespmem:$0xF400] =	vst v63  }
0x2f1: {  	s5 =	simm.s32 $0xF00  }
0x2f2: {  	[spmem:s3] =	stream.indirect.scatter.add.f32 [tilespmem:s29], [sflag:$0xA], $0x80, s5, s28, $0xb8;
	[tilespmem:$0xF400] =	vst v63  }
0x2f3: {  	_ =	swait.ge [sflag:s14], $0x1000  }
0x2f4: {  	[sflag:s14] =	ssyncset.done $0x0  }
0x2f5: {  	[sflag:s14] =	ssyncadd.s32 $0xFFFFF000  }
0x2f6: {  	_ =	swait.ge [sflag:s16], $0x1000  }
0x2f7: {  	[sflag:s16] =	ssyncset.done $0x0  }
0x2f8: {  	[sflag:s16] =	ssyncadd.s32 $0xFFFFF000  }
0x2f9: {  	_ =	swait.ge [sflag:s7], $0x1000  }
0x2fa: {  	[sflag:s7] =	ssyncset.done $0x0  }
0x2fb: {  	[sflag:s7] =	ssyncadd.s32 $0xFFFFF000  }
0x2fc: {  	_ =	swait.ge [sflag:s10], $0x1000  }
0x2fd: {  	[sflag:s10] =	ssyncset.done $0x0  }
0x2fe: {  	[sflag:s10] =	ssyncadd.s32 $0xFFFFF000  }
0x2ff: {  	[bflag:$0x0] =	sbarrier.arrive $0xFFFF  }
0x300: {  	s13 =	rddreg [dreg:$0x6]  }
0x301: {  	s6 =	rddreg [dreg:$0x8]  }
0x302: {  	s21 =	rddreg [dreg:$0xf]  }
0x303: {  	[hbm:s21], [sflag:s13] =	dma.local [spmem:s6], $0x1480  }
0x304: {  	s21 =	simm.s32 $0xB  }
0x305: {  	_ =	swait.ge [sflag:s21], $0x1480  }
0x306: {  	s11 =	rddreg [dreg:$0x10]  }
0x307: {  	s23 =	rddreg [dreg:$0x7];
	s11 =	sadd.s32 $0x1, s11  }
0x308: {  	p0 =	sne.s32 s11, s23  }
.Ltmp4:
0x309: {  	_ = 	snop;
	(pc) =	sbr.rel @p0 .LBB2_1-.Ltmp4, $4  }
0x30a: {  	_ = 	snop  }
0x30b: {  	s15 =	simm.s32 $0x200;
	s17 =	simm.s32 $0x280;
	[sflag:s21] =	ssyncset.done $0x0  }
0x30c: {  	s19 =	simm.s32 $0x480;
	s20 =	simm.s32 $0x680;
	[sflag:s21] =	ssyncadd.s32 $0xFFFFEB80  }
0x30d: {  	[dreg:$0x10] =	wrdreg s11;
	s11 =	simm.s32 $0x80;
	s23 =	simm.s32 $0x880  }
0x30e: {  	_ =	sfence.sel $0x180000  }
0x30f: {  	[bflag:$0x0] =	sbarrier.arrive $0xFFFF  }
0x310: {  	_ =	strace $0x90000047  }
0x311: {  	s0 =	stileid.u32;
	[bflag:$0x2] =	sbarrier.arrive $0xFFFF  }
0x312: {  	p0 =	sne.s32 s0, $0x0;
	s0 =	rddreg [dreg:$0x3]  }
0x313: {  	s0 =	sadd.s32 @!p0 $0x100000, s0  }
0x314: {  	[sflag:s0] =	ssyncadd.tile.s32 @!p0 $0x1;
	_ =	shalt  }
.Lfunc_end2:
_tile_overlayer_lowered:
.L_overlay_start_2:
0x315: {  	(tag) =	ssettag $0x2  }
0x316: {  	s0 =	rddreg [dreg:$0x0];
	s2 =	stileid.u32  }
0x317: {  	s1 =	rddreg [dreg:$0x1];
	p0 =	sne.s32 s2, $0x0  }
0x318: {  	s3 =	rddreg [dreg:$0x2];
	[bflag:$0x3] =	sbarrier.arrive $0xFFFF;
	s2 =	simm.s32 @!p0 $0x1C0B  }
0x319: {  	[timem:s3], [sflag:s2] =	dma.local @!p0 [hbm:s0], s1  }
0x31a: {  	s0 =	simm.s32 @!p0 $0xB  }
0x31b: {  	_ =	swait.ge @!p0 [sflag:s0], s1  }
0x31c: {  	s1 =	ssub.s32 @!p0 $0x0, s1;
	[sflag:s0] =	ssyncset.done @!p0 $0x0  }
0x31d: {  	[sflag:s0] =	ssyncadd.s32 @!p0 s1  }
0x31e: {  	[bflag:$0x3] =	sbarrier.arrive $0xFFFF  }
0x31f: {  	_ =	shalt  }

// kernel: kernel.9.cloned.1.call-start
scs
__scs_entry_jumppad:
0x0: {  	(pc) =	sbr.rel $0x88, $3  }
0x1: {  	(tag) =	ssettag $0x0;
	lr =	simm.s32 $0x1  }
0x2: {  	[smem:$0x3F99] =	sst lr;
	_ =	strace $0xD0000000  }
0x3: {  	_ = 	snop  }
0x4: {  	_ = 	snop  }
0x5: {  	_ = 	snop  }
0x6: {  	_ = 	snop  }
0x7: {  	_ = 	snop  }
__scs_overlays_trampoline_lowered:
0x8: {  	[smem:$0x3FA8] =	sst s0  }
0x9: {  	[smem:$0x3FA9] =	sst s1  }
0xa: {  	[smem:$0x3FAA] =	sst s2  }
0xb: {  	[smem:$0x3FAB] =	sst s3  }
0xc: {  	[smem:$0x3FAC] =	sst s4  }
0xd: {  	[smem:$0x3FAD] =	sst s5  }
0xe: {  	[smem:$0x3FAE] =	sst s6  }
0xf: {  	[smem:$0x3FAF] =	sst s7  }
0x10: {  	[smem:$0x3FB0] =	sst s8  }
0x11: {  	[smem:$0x3FB1] =	sst s9;
	s0 =	simm.s32 @!p0 $0x0  }
0x12: {  	s1 =	sld [smem:$0x3F97];
	s0 =	simm.s32 @p0 $0x1  }
0x13: {  	[smem:$0x3FB2] =	sst s0;
	s0 =	simm.s32 @!p1 $0x0  }
0x14: {  	s2 =	sld [smem:$0x3F96];
	s0 =	simm.s32 @p1 $0x1  }
0x15: {  	[smem:$0x3FB3] =	sst s0;
	s0 =	simm.s32 @!p2 $0x0  }
0x16: {  	s3 =	sld [smem:$0x3FDB];
	s0 =	simm.s32 @p2 $0x1  }
0x17: {  	s4 =	simm.s32 $0x1BF5;
	[smem:$0x3FB5] =	sst s0  }
0x18: {  	s0 =	sld [smem:$0x3F98];
	_ =	swait.ge [sflag:s4], $0x0  }
0x19: {  	s7 =	sld [smem:$0x3F99]  }
0x1a: {  	s8 =	sadd.s32 $0xFFFFE003, lr  }
0x1b: {  	s9 =	sadd.s32 $0xFFFFFEF7, lr;
	s5 =	simm.s32 $0xFFFFFFFF;
	p2 =	slt.u32 s8, $0xFFFFF086  }
0x1c: {  	p1 =	slt.u32 s9, $0xF7A;
	s5 =	simm.s32 @!p2 $0x0  }
0x1d: {  	s5 =	simm.s32 @p1 $0x1;
	p0 =	seq.s32 s7, s2  }
0x1e: {  	s7 =	smul.u32 @!p0 $0xF7A, s2;
	p2 =	seq.s32 @!p0 s5, $0x0  }
0x1f: {  	s9 =	smul.u32 $0xF7A, s1;
	s8 =	simm.s32 @!p0 $0x1BF5;
	p2 =	por !p2, p0  }
0x20: {  	[sflag:s8] =	ssyncset.s32 @!p0 $0xFFFFF086;
	s6 =	sadd.s32 @!p0 s3, s7;
	s7 =	simm.s32 @!p0 $0x108  }
0x21: {  	s3 =	sadd.s32 s3, s9;
	s6 =	sadd.s32 @!p0 $0x88, s6;
	s7 =	simm.s32 @p2 $0x1082  }
0x22: {  	[simem:s7], [sflag:s8] =	dma.local @!p0 [hbm:s6], $0xF7A  }
0x23: {  	s9 =	sor.u32 $0xD0000000, s2;
	s6 =	simm.s32 $0x108;
	_ =	swait.ge @!p0 [sflag:s8], $0x0  }
0x24: {  	s3 =	sadd.s32 $0x88, s3;
	s6 =	simm.s32 @!p1 $0x1082;
	[sflag:s4] =	ssyncset.s32 $0xFFFFF086  }
0x25: {  	[simem:s6], [sflag:s4] =	dma.local [hbm:s3], $0xF7A  }
0x26: {  	[smem:$0x3F99] =	sst s1;
	(tag) =	ssettag s2;
	_ =	strace s9  }
0x27: {  	s1 =	sld [smem:$0x3FA9]  }
0x28: {  	s2 =	sld [smem:$0x3FAA]  }
0x29: {  	s4 =	sld [smem:$0x3FAC]  }
0x2a: {  	p0 =	seq.s32 s5, $0x0;
	s5 =	sld [smem:$0x3FAD]  }
0x2b: {  	s6 =	sld [smem:$0x3FAE]  }
0x2c: {  	s7 =	sld [smem:$0x3FAF]  }
0x2d: {  	s3 =	simm.s32 $0x108;
	s8 =	sld [smem:$0x3FB0]  }
0x2e: {  	s3 =	simm.s32 @!p0 $0x1082;
	s9 =	sld [smem:$0x3FB1]  }
0x2f: {  	lr =	sadd.s32 s0, s3;
	s0 =	sld [smem:$0x3FA8]  }
0x30: {  	s3 =	sld [smem:$0x3FAB]  }
0x31: {  	[smem:$0x3FB4] =	sst s10  }
0x32: {  	s10 =	sld [smem:$0x3FB2];
	_ =	sdelay $0x3  }
0x33: {  	p0 =	seq.s32 s10, $0x1;
	s10 =	sld [smem:$0x3FB4];
	_ =	sdelay $0x3  }
0x34: {  	[smem:$0x3FB4] =	sst s10  }
0x35: {  	s10 =	sld [smem:$0x3FB3];
	_ =	sdelay $0x3  }
0x36: {  	p1 =	seq.s32 s10, $0x1;
	s10 =	sld [smem:$0x3FB4];
	_ =	sdelay $0x3  }
0x37: {  	[smem:$0x3FB4] =	sst s10  }
0x38: {  	s10 =	sld [smem:$0x3FB5]  }
0x39: {  	_ = 	snop;
	(pc) =	sbr.ind lr, $3  }
0x3a: {  	_ = 	snop  }
0x3b: {  	_ = 	snop  }
0x3c: {  	p2 =	seq.s32 s10, $0x1;
	s10 =	sld [smem:$0x3FB4]  }
0x3d: {  	_ =	shalt  }
0x3e: {  	_ =	shalt  }
0x3f: {  	_ =	shalt  }
0x40: {  	_ =	shalt  }
0x41: {  	_ =	shalt  }
0x42: {  	_ =	shalt  }
0x43: {  	_ =	shalt  }
0x44: {  	_ =	shalt  }
0x45: {  	_ =	shalt  }
0x46: {  	_ =	shalt  }
0x47: {  	_ =	shalt  }
0x48: {  	_ =	shalt  }
0x49: {  	_ =	shalt  }
0x4a: {  	_ =	shalt  }
0x4b: {  	_ =	shalt  }
0x4c: {  	_ =	shalt  }
0x4d: {  	_ =	shalt  }
0x4e: {  	_ =	shalt  }
0x4f: {  	_ =	shalt  }
0x50: {  	_ =	shalt  }
0x51: {  	_ =	shalt  }
0x52: {  	_ =	shalt  }
0x53: {  	_ =	shalt  }
0x54: {  	_ =	shalt  }
0x55: {  	_ =	shalt  }
0x56: {  	_ =	shalt  }
0x57: {  	_ =	shalt  }
0x58: {  	_ =	shalt  }
0x59: {  	_ =	shalt  }
0x5a: {  	_ =	shalt  }
0x5b: {  	_ =	shalt  }
0x5c: {  	_ =	shalt  }
0x5d: {  	_ =	shalt  }
0x5e: {  	_ =	shalt  }
0x5f: {  	_ =	shalt  }
0x60: {  	_ =	shalt  }
0x61: {  	_ =	shalt  }
0x62: {  	_ =	shalt  }
0x63: {  	_ =	shalt  }
0x64: {  	_ =	shalt  }
0x65: {  	_ =	shalt  }
0x66: {  	_ =	shalt  }
0x67: {  	_ =	shalt  }
0x68: {  	_ =	shalt  }
0x69: {  	_ =	shalt  }
0x6a: {  	_ =	shalt  }
0x6b: {  	_ =	shalt  }
0x6c: {  	_ =	shalt  }
0x6d: {  	_ =	shalt  }
0x6e: {  	_ =	shalt  }
0x6f: {  	_ =	shalt  }
0x70: {  	_ =	shalt  }
0x71: {  	_ =	shalt  }
0x72: {  	_ =	shalt  }
0x73: {  	_ =	shalt  }
0x74: {  	_ =	shalt  }
0x75: {  	_ =	shalt  }
0x76: {  	_ =	shalt  }
0x77: {  	_ =	shalt  }
0x78: {  	_ =	shalt  }
0x79: {  	_ =	shalt  }
0x7a: {  	_ =	shalt  }
0x7b: {  	_ =	shalt  }
0x7c: {  	_ =	shalt  }
0x7d: {  	_ =	shalt  }
0x7e: {  	_ =	shalt  }
0x7f: {  	_ =	shalt  }
0x80: {  	_ =	shalt  }
0x81: {  	_ =	shalt  }
0x82: {  	_ =	shalt  }
0x83: {  	_ =	shalt  }
0x84: {  	_ =	shalt  }
0x85: {  	_ =	shalt  }
0x86: {  	_ =	shalt  }
0x87: {  	_ =	shalt  }
.Lfunc_end0:
.L_simem_size_0:
called_computation.1_lowered:
.L_overlay_start_0:
0x88: {  	s2 =	sld [smem:$0x3FD9]  }
0x89: {  	s3 =	sld [smem:$0x3FFE];
	_ =	sdelay $0x1  }
0x8a: {  	s1 =	srdreg.scid  }
0x8b: {  	s0 =	sand.u32 $0x1, s1  }
0x8c: {  	s17 =	sshll.u32 s0, $0xA;
	s2 =	sadd.s32 s3, s2  }
0x8d: {  	s2 =	sadd.s32 s2, s17  }
0x8e: {  	[smem:$0x3FC0] =	sst s2  }
0x8f: {  	_ = 	snop  }
0x90: {  	s2 =	sld [smem:$0x3FD0];
	(tm) =	ssettm $0x1  }
0x91: {  	s18 =	sld [smem:$0x3FFB];
	_ =	sdelay $0x3  }
0x92: {  	_ =	strace s18  }
0x93: {  	s3 =	sld [smem:$0x3FFC];
	_ =	sdelay $0x3  }
0x94: {  	_ =	strace s3  }
0x95: {  	s3 =	sld [smem:$0x3FFD];
	_ =	sdelay $0x3  }
0x96: {  	_ =	strace s3  }
0x97: {  	_ =	strace $0x8FFFFFFF  }
0x98: {  	s19 =	sld [smem:$0x3FDB];
	_ =	sdelay $0x1  }
0x99: {  	s4 =	simm.s32 $_scs_section_size  }
0x9a: {  	s5 =	simm.s32 $_size__tile_overlayer_lowered;
	s6 =	simm.s32 $_tile_overlayer_lowered  }
0x9b: {  	s22 =	simm.s32 $0x1BFF;
	s21 =	sshll.u32 s6, $0x1;
	s3 =	sadd.s32 s4, s19  }
0x9c: {  	s7 =	simm.s32 $0x0;
	s20 =	sshll.u32 s5, $0x1;
	s5 =	sadd.s32 s21, s3  }
0x9d: {  	[timem:s7], [sflag:s22] =	dma.local [hbm:s5], s20  }
0x9e: {  	_ =	swait.ge [sflag:s22], s20  }
0x9f: {  	s4 =	ssub.s32 $0x0, s20;
	[sflag:s22] =	ssyncset.done $0x0  }
0xa0: {  	[sflag:s22] =	ssyncadd.s32 s4;
	_ =	sdelay $0x1  }
0xa1: {  	s23 =	simm.s32 $0x1B8B  }
0xa2: {  	_ =	swait.ge [sflag:s23], $0x1  }
0xa3: {  	[sflag:s23] =	ssyncset.done $0x0  }
0xa4: {  	s25 =	simm.s32 $0x1B8E;
	s24 =	sld [smem:$0x3FFE];
	[sflag:s23] =	ssyncadd.s32 $0xFFFFFFFF  }
0xa5: {  	s26 =	simm.s32 $execute0_lowered;
	[smem:$0x3FD2] =	sst s25  }
0xa6: {  	s5 =	sshll.u32 s26, $0x1;
	_ =	strace $0x80000049;
	[dreg:$0x1] =	wrdreg $0xFFFFFFFF  }
0xa7: {  	s28 =	simm.s32 $_size_execute0_lowered;
	s3 =	sadd.s32 s3, s5;
	[dreg:$0x0] =	wrdreg $0x0  }
0xa8: {  	s5 =	sshll.u32 s28, $0x1;
	[dreg:$0x2] =	wrdreg s3  }
0xa9: {  	[dreg:$0x3] =	wrdreg s5  }
0xaa: {  	[dreg:$0x4] =	wrdreg $0xC0  }
0xab: {  	_ =	task [dreg:s7], $0x5FFFF  }
0xac: {  	[dreg:$0x1] =	wrdreg $0xFFFFFFFF  }
0xad: {  	[dreg:$0x0] =	wrdreg $0x60  }
0xae: {  	[dreg:$0x2] =	wrdreg s2  }
0xaf: {  	[dreg:$0x3] =	wrdreg s24  }
0xb0: {  	[dreg:$0x4] =	wrdreg $0x50000  }
0xb1: {  	[dreg:$0x5] =	wrdreg $0x9  }
0xb2: {  	_ =	task.clear_ibuf [dreg:s7], $0x6FFFF;
	_ =	strace $0x90000049  }
0xb3: {  	s29 =	simm.s32 $0x9;
	_ =	strace $0x8000004B  }
0xb4: {  	_ =	swait.ge [sflag:s29], $0x1  }
0xb5: {  	[sflag:s29] =	ssyncadd.s32 $0xFFFFFFFF  }
0xb6: {  	_ =	strace $0x9000004B  }
0xb7: {  	_ =	sfence  }
0xb8: {  	s30 =	sld [smem:$0x0];
	_ =	sdelay $0x2  }
0xb9: {  	s31 =	sshll.u32 s1, $0xD;
	s1 =	sshrl.u32 s1, $0x2  }
0xba: {  	s3 =	sand.u32 $0x4000, s31;
	s1 =	sadd.s32 s1, s30  }
0xbb: {  	s0 =	sor.u32 s3, s0;
	s1 =	sshll.u32 s1, $0x11  }
0xbc: {  	s0 =	sor.u32 s1, s0  }
0xbd: {  	s0 =	sadd.s32 $0x8F2B, s0  }
0xbe: {  	[sflag:s0] =	ssyncadd.remote.s32 $0x1  }
0xbf: {  	_ =	sfence.sel $0xFFFF  }
0xc0: {  	[dreg:$0x0] =	wrdreg $0xFFFFFFFF;
	(pc) =	sbr.abs _section_cstart, $3  }
0xc1: {  	[dreg:$0x1] =	wrdreg $0xFFFFFFFF  }
0xc2: {  	_ =	task.clear_ibuf [dreg:s7], $0x2FFFF;
	_ =	strace $0x9FFFFFFF  }
0xc3: {  	(tm) =	ssettm $0x7FFFFFFF  }
tec
execute0_lowered:
.L_overlay_start_1:
0x0: {  	(tag) =	ssettag $0x1  }
0x1: {  	s1 =	rddreg [dreg:$0x0]  }
0x2: {  	s0 =	srdreg.scid;
	s2 =	rddreg [dreg:$0x1]  }
0x3: {  	s8 =	stileid.u32;
	s3 =	rddreg [dreg:$0x2]  }
0x4: {  	s21 =	simm.s32 $0x80;
	s22 =	simm.s32 $0x280;
	s23 =	simm.s32 $0x480  }
0x5: {  	s24 =	simm.s32 $0x680;
	s12 =	simm.s32 $0xB;
	s25 =	simm.s32 $0x880  }
0x6: {  	s13 =	simm.s32 $0x200;
	s0 =	sand.u32 $0x1, s0;
	s4 =	sshll.u32 s8, $0x1  }
0x7: {  	s11 =	simm.s32 $0xC80;
	s5 =	sor.u32 s0, s4;
	s4 =	simm.s32 $0x0  }
0x8: {  	s15 =	simm.s32 $0xE80;
	s9 =	sadd.s32 $0xA2200, s2;
	[smem:$0x7FF] =	sst s4  }
0x9: {  	s16 =	simm.s32 $0x100;
	_ =	strace $0x8000004A;
	[dreg:$0x14] =	wrdreg s9  }
0xa: {  	s28 =	simm.s32 $0x3000;
	s29 =	simm.s32 $0x4000;
	[dreg:$0x4] =	wrdreg s21  }
0xb: {  	s30 =	simm.s32 $0x3;
	s7 =	smul.u32 $0x29000, s8;
	[dreg:$0x5] =	wrdreg s22  }
0xc: {  	s20 =	sshll.u32 s8, $0x6;
	s8 =	smul.u32 $0x1480, s8;
	[dreg:$0x6] =	wrdreg s23  }
0xd: {  	s31 =	simm.s32 $0x4;
	s6 =	smul.u32 $0x148000, s0;
	[dreg:$0x7] =	wrdreg s24  }
0xe: {  	s0 =	ssub.s32 $0x2, s0;
	s10 =	sor.u32 $0x1C0B, s20;
	[dreg:$0x8] =	wrdreg s25  }
0xf: {  	s20 =	simm.s32 $0x700;
	s5 =	smul.u32 $0x5000, s5;
	[dreg:$0xa] =	wrdreg s11  }
0x10: {  	s18 =	sshrl.u32 s0, $0x1;
	s19 =	sshrl.u32 s7, $0x2;
	[dreg:$0xb] =	wrdreg s15  }
0x11: {  	s6 =	sshrl.u32 s6, $0x3;
	s0 =	ssub.s32 s0, s18;
	[dreg:$0xc] =	wrdreg s16  }
0x12: {  	s18 =	simm.s32 $0x300;
	s16 =	simm.s32 $0x600;
	[dreg:$0xf] =	wrdreg s20  }
0x13: {  	s21 =	simm.s32 $0x900;
	s22 =	simm.s32 $0xB00;
	s20 =	simm.s32 $0xC00  }
0x14: {  	s23 =	simm.s32 $0xD00;
	s24 =	simm.s32 $0xF00;
	[dreg:$0x15] =	wrdreg s10  }
0x15: {  	s11 =	simm.s32 $0xA;
	s15 =	simm.s32 $0x0;
	[dreg:$0xd] =	wrdreg s18  }
0x16: {  	s5 =	sadd.s32 s5, s2;
	s2 =	sadd.s32 s6, s2;
	[dreg:$0x10] =	wrdreg s21  }
0x17: {  	s6 =	sadd.s32 s19, s3;
	s0 =	smax.u32 s0, $0x1;
	[dreg:$0x11] =	wrdreg s22  }
0x18: {  	s19 =	simm.s32 $0x500;
	s18 =	simm.s32 $0x800;
	[dreg:$0x12] =	wrdreg s23  }
0x19: {  	s21 =	simm.s32 $0xE00;
	[dreg:$0x13] =	wrdreg s24;
	s22 =	simm.s32 $0x20  }
0x1a: {  	s23 =	simm.s32 $0x7;
	s24 =	simm.s32 $0x8;
	[dreg:$0x16] =	wrdreg s0  }
0x1b: {  	s9 =	sshrl.u32 s6, $0x3;
	s6 =	simm.s32 $0xA80;
	[dreg:$0xe] =	wrdreg s19  }
0x1c: {  	s7 =	sadd.s32 $0x2000, s5;
	s5 =	sadd.s32 $0xA3800, s2;
	[dreg:$0x9] =	wrdreg s6  }
0x1d: {  	s2 =	sadd.s32 $0xB8000, s2;
	s26 =	sadd.s32 $0x40, s7;
	[dreg:$0x17] =	wrdreg s9  }
0x1e: {  	s19 =	simm.s32 $0xA00;
	s14 =	sadd.s32 $0x80, s7;
	[dreg:$0x18] =	wrdreg s26  }
0x1f: {  	s0 =	simm.s32 $0x6;
	s17 =	sadd.s32 $0xC0, s7;
	[dreg:$0x19] =	wrdreg s14  }
0x20: {  	s25 =	sadd.s32 s8, s5;
	s5 =	simm.s32 $0x9;
	[dreg:$0x1a] =	wrdreg s17  }
0x21: {  	s14 =	simm.s32 $0x400;
	s17 =	simm.s32 $0x1;
	[dreg:$0x1b] =	wrdreg s25  }
0x22: {  	s26 =	sadd.s32 s8, s2;
	s25 =	simm.s32 $0x1000;
	s2 =	simm.s32 $0x5  }
0x23: {  	s8 =	simm.s32 $0x2;
	[dreg:$0x1c] =	wrdreg s26;
	s26 =	simm.s32 $0x2000  }
.LBB2_1:
0x24: {  	[dreg:$0x1d] =	wrdreg s15  }
0x25: {  	s6 =	rddreg [dreg:$0x14]  }
0x26: {  	[spmem:s9], [sflag:s10] =	dma.local [hbm:s6], $0x1480  }
0x27: {  	_ =	swait.ge [sflag:s12], $0x1480  }
0x28: {  	[sflag:s12] =	ssyncset.done $0x0  }
0x29: {  	[sflag:s12] =	ssyncadd.s32 $0xFFFFEB80  }
0x2a: {  	[bflag:$0x0] =	sbarrier.arrive $0xFFFF  }
0x2b: {  	[tilespmem:s4], [sflag:$0x1] =	stream.linear.gather [hbm4b:s7+s4], $0x180, $0x38;
	[tilespmem:$0xF400] =	vst v63  }
0x2c: {  	s10 =	rddreg [dreg:$0x18]  }
0x2d: {  	[tilespmem:s13], [sflag:$0x1] =	stream.linear.gather [hbm4b:s10+s4], $0x180, $0x38;
	[tilespmem:$0xF400] =	vst v63  }
0x2e: {  	s12 =	rddreg [dreg:$0x19]  }
0x2f: {  	[tilespmem:s14], [sflag:$0x1] =	stream.linear.gather [hbm4b:s12+s4], $0x180, $0x38;
	[tilespmem:$0xF400] =	vst v63  }
0x30: {  	s15 =	rddreg [dreg:$0x1a]  }
0x31: {  	[tilespmem:s16], [sflag:$0x1] =	stream.linear.gather [hbm4b:s15+s4], $0x180, $0x38;
	[tilespmem:$0xF400] =	vst v63  }
0x32: {  	_ =	swait.ge [sflag:s17], $0x600  }
0x33: {  	p0 =	por $0x1, $0x1;
	[sflag:s17] =	ssyncset.done $0x0  }
0x34: {  	s6 =	simm.s32 @!p0 $0x7;
	[sflag:s17] =	ssyncadd.s32 $0xFFFFFA00  }
0x35: {  	_ =	swait.ge @!p0 [sflag:s6], $0x1000  }
0x36: {  	[sflag:s6] =	ssyncset.done @!p0 $0x0  }
0x37: {  	[sflag:s6] =	ssyncadd.s32 @!p0 $0xFFFFF000;
	s6 =	simm.s32 @!p0 $0x8  }
0x38: {  	_ =	swait.ge @!p0 [sflag:s6], $0x1000  }
0x39: {  	[sflag:s6] =	ssyncset.done @!p0 $0x0  }
0x3a: {  	[sflag:s6] =	ssyncadd.s32 @!p0 $0xFFFFF000;
	s6 =	simm.s32 @!p0 $0x9  }
0x3b: {  	_ =	swait.ge @!p0 [sflag:s6], $0x1000  }
0x3c: {  	[sflag:s6] =	ssyncset.done @!p0 $0x0  }
0x3d: {  	[sflag:s6] =	ssyncadd.s32 @!p0 $0xFFFFF000;
	s6 =	simm.s32 @!p0 $0xA  }
0x3e: {  	_ =	swait.ge @!p0 [sflag:s6], $0x1000  }
0x3f: {  	s15 =	sadd.s32 $0xFFFFB000, s7;
	[sflag:s6] =	ssyncset.done @!p0 $0x0  }
0x40: {  	s9 =	sadd.s32 $0x5100, s15;
	[sflag:s6] =	ssyncadd.s32 @!p0 $0xFFFFF000  }
0x41: {  	[tilespmem:s18], [sflag:$0x2] =	stream.linear.gather [hbm4b:s9+s4], $0x180, $0x38;
	[tilespmem:$0xF400] =	vst v63  }
0x42: {  	s10 =	sadd.s32 $0x5140, s15  }
0x43: {  	[tilespmem:s19], [sflag:$0x2] =	stream.linear.gather [hbm4b:s10+s4], $0x180, $0x38;
	[tilespmem:$0xF400] =	vst v63  }
0x44: {  	s12 =	sadd.s32 $0x5180, s15  }
0x45: {  	[tilespmem:s20], [sflag:$0x2] =	stream.linear.gather [hbm4b:s12+s4], $0x180, $0x38;
	[tilespmem:$0xF400] =	vst v63  }
0x46: {  	s9 =	sadd.s32 $0x51C0, s15  }
0x47: {  	[tilespmem:s21], [sflag:$0x2] =	stream.linear.gather [hbm4b:s9+s4], $0x180, $0x38;
	[tilespmem:$0xF400] =	vst v63  }
0x48: {  	_ = 	snop  }
0x49: {  	[tilespmem:s25], [sflag:$0x3] =	stream.indirect.gather [hbm4b:s1+s22], $0x80, s4, s22, $0xb8;
	[tilespmem:$0xF400] =	vst v63  }
0x4a: {  	_ = 	snop  }
0x4b: {  	[tilespmem:s26], [sflag:$0x4] =	stream.indirect.gather [hbm4b:s1+s22], $0x80, s13, s22, $0xb8;
	[tilespmem:$0xF400] =	vst v63  }
0x4c: {  	_ = 	snop  }
0x4d: {  	[tilespmem:s28], [sflag:$0x5] =	stream.indirect.gather [hbm4b:s1+s22], $0x80, s14, s22, $0xb8;
	[tilespmem:$0xF400] =	vst v63  }
0x4e: {  	_ = 	snop  }
0x4f: {  	[tilespmem:s29], [sflag:$0x6] =	stream.indirect.gather [hbm4b:s1+s22], $0x80, s16, s22, $0xb8;
	[tilespmem:$0xF400] =	vst v63  }
0x50: {  	_ =	swait.ge [sflag:s30], $0x1000  }
0x51: {  	[sflag:s30] =	ssyncset.done $0x0  }
0x52: {  	s10 =	rddreg [dreg:$0x4];
	[sflag:s30] =	ssyncadd.s32 $0xFFFFF000  }
0x53: {  	[spmem:s3] =	stream.indirect.scatter.add.f32 [tilespmem:s25], [sflag:$0x7], $0x80, s10, s22, $0xb8;
	[tilespmem:$0xF400] =	vst v63  }
0x54: {  	_ =	swait.ge [sflag:s31], $0x1000  }
0x55: {  	[sflag:s31] =	ssyncset.done $0x0  }
0x56: {  	s12 =	rddreg [dreg:$0x5];
	[sflag:s31] =	ssyncadd.s32 $0xFFFFF000  }
0x57: {  	[spmem:s3] =	stream.indirect.scatter.add.f32 [tilespmem:s26], [sflag:$0x8], $0x80, s12, s22, $0xb8;
	[tilespmem:$0xF400] =	vst v63  }
0x58: {  	_ =	swait.ge [sflag:s2], $0x1000  }
0x59: {  	[sflag:s2] =	ssyncset.done $0x0  }
0x5a: {  	s15 =	rddreg [dreg:$0x6];
	[sflag:s2] =	ssyncadd.s32 $0xFFFFF000  }
0x5b: {  	[spmem:s3] =	stream.indirect.scatter.add.f32 [tilespmem:s28], [sflag:$0x9], $0x80, s15, s22, $0xb8;
	[tilespmem:$0xF400] =	vst v63  }
0x5c: {  	_ =	swait.ge [sflag:s0], $0x1000  }
0x5d: {  	[sflag:s0] =	ssyncset.done $0x0  }
0x5e: {  	s9 =	rddreg [dreg:$0x7];
	[sflag:s0] =	ssyncadd.s32 $0xFFFFF000  }
0x5f: {  	[spmem:s3] =	stream.indirect.scatter.add.f32 [tilespmem:s29], [sflag:$0xA], $0x80, s9, s22, $0xb8;
	[tilespmem:$0xF400] =	vst v63  }
0x60: {  	_ =	swait.ge [sflag:s8], $0x600  }
0x61: {  	[sflag:s8] =	ssyncset.done $0x0  }
0x62: {  	[sflag:s8] =	ssyncadd.s32 $0xFFFFFA00  }
0x63: {  	_ =	swait.ge [sflag:s23], $0x1000  }
0x64: {  	[sflag:s23] =	ssyncset.done $0x0  }
0x65: {  	[sflag:s23] =	ssyncadd.s32 $0xFFFFF000  }
0x66: {  	_ =	swait.ge [sflag:s24], $0x1000  }
0x67: {  	[sflag:s24] =	ssyncset.done $0x0  }
0x68: {  	[sflag:s24] =	ssyncadd.s32 $0xFFFFF000  }
0x69: {  	_ =	swait.ge [sflag:s5], $0x1000  }
0x6a: {  	[sflag:s5] =	ssyncset.done $0x0  }
0x6b: {  	[sflag:s5] =	ssyncadd.s32 $0xFFFFF000  }
0x6c: {  	p0 =	por $0x0, $0x0;
	_ =	swait.ge [sflag:s11], $0x1000  }
0x6d: {  	s6 =	sadd.s32 @!p0 $0xFFFFB000, s7;
	[sflag:s11] =	ssyncset.done $0x0  }
0x6e: {  	s15 =	sadd.s32 @!p0 $0x5200, s6;
	s9 =	simm.s32 @!p0 $0x0;
	[sflag:s11] =	ssyncadd.s32 $0xFFFFF000  }
0x6f: {  	[tilespmem:s9], [sflag:$0x1] =	stream.linear.gather @!p0 [hbm4b:s15+s9], $0x180, $0x38;
	[tilespmem:$0xF400] =	vst v63  }
0x70: {  	s10 =	simm.s32 @!p0 $0x200;
	s15 =	sadd.s32 @!p0 $0x5240, s6  }
0x71: {  	[tilespmem:s10], [sflag:$0x1] =	stream.linear.gather @!p0 [hbm4b:s15+s9], $0x180, $0x38;
	[tilespmem:$0xF400] =	vst v63  }
0x72: {  	s10 =	sadd.s32 @!p0 $0x5280, s6;
	s15 =	simm.s32 @!p0 $0x400  }
0x73: {  	[tilespmem:s15], [sflag:$0x1] =	stream.linear.gather @!p0 [hbm4b:s10+s9], $0x180, $0x38;
	[tilespmem:$0xF400] =	vst v63  }
0x74: {  	s6 =	sadd.s32 @!p0 $0x52C0, s6;
	s10 =	simm.s32 @!p0 $0x600  }
0x75: {  	[tilespmem:s10], [sflag:$0x1] =	stream.linear.gather @!p0 [hbm4b:s6+s9], $0x180, $0x38;
	[tilespmem:$0xF400] =	vst v63  }
0x76: {  	_ = 	snop  }
0x77: {  	[tilespmem:s25], [sflag:$0x3] =	stream.indirect.gather [hbm4b:s1+s22], $0x80, s18, s22, $0xb8;
	[tilespmem:$0xF400] =	vst v63  }
0x78: {  	_ = 	snop  }
0x79: {  	[tilespmem:s26], [sflag:$0x4] =	stream.indirect.gather [hbm4b:s1+s22], $0x80, s19, s22, $0xb8;
	[tilespmem:$0xF400] =	vst v63  }
0x7a: {  	_ = 	snop  }
0x7b: {  	[tilespmem:s28], [sflag:$0x5] =	stream.indirect.gather [hbm4b:s1+s22], $0x80, s20, s22, $0xb8;
	[tilespmem:$0xF400] =	vst v63  }
0x7c: {  	_ = 	snop  }
0x7d: {  	[tilespmem:s29], [sflag:$0x6] =	stream.indirect.gather [hbm4b:s1+s22], $0x80, s21, s22, $0xb8;
	[tilespmem:$0xF400] =	vst v63  }
0x7e: {  	_ =	swait.ge [sflag:s30], $0x1000  }
0x7f: {  	[sflag:s30] =	ssyncset.done $0x0  }
0x80: {  	s10 =	rddreg [dreg:$0x8];
	[sflag:s30] =	ssyncadd.s32 $0xFFFFF000  }
0x81: {  	[spmem:s3] =	stream.indirect.scatter.add.f32 [tilespmem:s25], [sflag:$0x7], $0x80, s10, s22, $0xb8;
	[tilespmem:$0xF400] =	vst v63  }
0x82: {  	_ =	swait.ge [sflag:s31], $0x1000  }
0x83: {  	[sflag:s31] =	ssyncset.done $0x0  }
0x84: {  	s12 =	rddreg [dreg:$0x9];
	[sflag:s31] =	ssyncadd.s32 $0xFFFFF000  }
0x85: {  	[spmem:s3] =	stream.indirect.scatter.add.f32 [tilespmem:s26], [sflag:$0x8], $0x80, s12, s22, $0xb8;
	[tilespmem:$0xF400] =	vst v63  }
0x86: {  	_ =	swait.ge [sflag:s2], $0x1000  }
0x87: {  	[sflag:s2] =	ssyncset.done $0x0  }
0x88: {  	s15 =	rddreg [dreg:$0xa];
	[sflag:s2] =	ssyncadd.s32 $0xFFFFF000  }
0x89: {  	[spmem:s3] =	stream.indirect.scatter.add.f32 [tilespmem:s28], [sflag:$0x9], $0x80, s15, s22, $0xb8;
	[tilespmem:$0xF400] =	vst v63  }
0x8a: {  	_ =	swait.ge [sflag:s0], $0x1000  }
0x8b: {  	[sflag:s0] =	ssyncset.done $0x0  }
0x8c: {  	s15 =	simm.s32 $0xFFFFB200;
	s6 =	rddreg [dreg:$0xb];
	[sflag:s0] =	ssyncadd.s32 $0xFFFFF000  }
.LBB2_2:
0x8d: {  	[spmem:s3] =	stream.indirect.scatter.add.f32 [tilespmem:s29], [sflag:$0xA], $0x80, s6, s22, $0xb8;
	[tilespmem:$0xF400] =	vst v63  }
0x8e: {  	s6 =	smov.u32 s15;
	_ =	swait.ge [sflag:s17], $0x600  }
0x8f: {  	p1 =	seq.s32 s6, $0xFFFFB000;
	[sflag:s17] =	ssyncset.done $0x0  }
0x90: {  	s9 =	simm.s32 @!p1 $0x7;
	[sflag:s17] =	ssyncadd.s32 $0xFFFFFA00  }
0x91: {  	_ =	swait.ge @!p1 [sflag:s9], $0x1000  }
0x92: {  	[sflag:s9] =	ssyncset.done @!p1 $0x0  }
0x93: {  	[sflag:s9] =	ssyncadd.s32 @!p1 $0xFFFFF000;
	s9 =	simm.s32 @!p1 $0x8  }
0x94: {  	_ =	swait.ge @!p1 [sflag:s9], $0x1000  }
0x95: {  	[sflag:s9] =	ssyncset.done @!p1 $0x0  }
0x96: {  	[sflag:s9] =	ssyncadd.s32 @!p1 $0xFFFFF000;
	s9 =	simm.s32 @!p1 $0x9  }
0x97: {  	_ =	swait.ge @!p1 [sflag:s9], $0x1000  }
0x98: {  	[sflag:s9] =	ssyncset.done @!p1 $0x0  }
0x99: {  	[sflag:s9] =	ssyncadd.s32 @!p1 $0xFFFFF000;
	s9 =	simm.s32 @!p1 $0xA  }
0x9a: {  	_ =	swait.ge @!p1 [sflag:s9], $0x1000  }
0x9b: {  	s10 =	sadd.s32 s6, s7;
	[sflag:s9] =	ssyncset.done @!p1 $0x0  }
0x9c: {  	s12 =	sadd.s32 $0x5100, s10;
	[sflag:s9] =	ssyncadd.s32 @!p1 $0xFFFFF000  }
0x9d: {  	[tilespmem:s18], [sflag:$0x2] =	stream.linear.gather [hbm4b:s12+s4], $0x180, $0x38;
	[tilespmem:$0xF400] =	vst v63  }
0x9e: {  	s12 =	sadd.s32 $0x5140, s10  }
0x9f: {  	[tilespmem:s19], [sflag:$0x2] =	stream.linear.gather [hbm4b:s12+s4], $0x180, $0x38;
	[tilespmem:$0xF400] =	vst v63  }
0xa0: {  	s12 =	sadd.s32 $0x5180, s10  }
0xa1: {  	[tilespmem:s20], [sflag:$0x2] =	stream.linear.gather [hbm4b:s12+s4], $0x180, $0x38;
	[tilespmem:$0xF400] =	vst v63  }
0xa2: {  	s12 =	sadd.s32 $0x51C0, s10  }
0xa3: {  	[tilespmem:s21], [sflag:$0x2] =	stream.linear.gather [hbm4b:s12+s4], $0x180, $0x38;
	[tilespmem:$0xF400] =	vst v63  }
0xa4: {  	_ = 	snop  }
0xa5: {  	[tilespmem:s25], [sflag:$0x3] =	stream.indirect.gather [hbm4b:s1+s22], $0x80, s4, s22, $0xb8;
	[tilespmem:$0xF400] =	vst v63  }
0xa6: {  	_ = 	snop  }
0xa7: {  	[tilespmem:s26], [sflag:$0x4] =	stream.indirect.gather [hbm4b:s1+s22], $0x80, s13, s22, $0xb8;
	[tilespmem:$0xF400] =	vst v63  }
0xa8: {  	_ = 	snop  }
0xa9: {  	[tilespmem:s28], [sflag:$0x5] =	stream.indirect.gather [hbm4b:s1+s22], $0x80, s14, s22, $0xb8;
	[tilespmem:$0xF400] =	vst v63  }
0xaa: {  	_ = 	snop  }
0xab: {  	[tilespmem:s29], [sflag:$0x6] =	stream.indirect.gather [hbm4b:s1+s22], $0x80, s16, s22, $0xb8;
	[tilespmem:$0xF400] =	vst v63  }
0xac: {  	_ =	swait.ge [sflag:s30], $0x1000  }
0xad: {  	[sflag:s30] =	ssyncset.done $0x0  }
0xae: {  	s13 =	rddreg [dreg:$0x4];
	[sflag:s30] =	ssyncadd.s32 $0xFFFFF000  }
0xaf: {  	[spmem:s3] =	stream.indirect.scatter.add.f32 [tilespmem:s25], [sflag:$0x7], $0x80, s13, s22, $0xb8;
	[tilespmem:$0xF400] =	vst v63  }
0xb0: {  	_ =	swait.ge [sflag:s31], $0x1000  }
0xb1: {  	[sflag:s31] =	ssyncset.done $0x0  }
0xb2: {  	s10 =	rddreg [dreg:$0x5];
	[sflag:s31] =	ssyncadd.s32 $0xFFFFF000  }
0xb3: {  	[spmem:s3] =	stream.indirect.scatter.add.f32 [tilespmem:s26], [sflag:$0x8], $0x80, s10, s22, $0xb8;
	[tilespmem:$0xF400] =	vst v63  }
0xb4: {  	_ =	swait.ge [sflag:s2], $0x1000  }
0xb5: {  	[sflag:s2] =	ssyncset.done $0x0  }
0xb6: {  	s12 =	rddreg [dreg:$0x6];
	[sflag:s2] =	ssyncadd.s32 $0xFFFFF000  }
0xb7: {  	[spmem:s3] =	stream.indirect.scatter.add.f32 [tilespmem:s28], [sflag:$0x9], $0x80, s12, s22, $0xb8;
	[tilespmem:$0xF400] =	vst v63  }
0xb8: {  	_ =	swait.ge [sflag:s0], $0x1000  }
0xb9: {  	[sflag:s0] =	ssyncset.done $0x0  }
0xba: {  	s13 =	rddreg [dreg:$0x7];
	[sflag:s0] =	ssyncadd.s32 $0xFFFFF000  }
0xbb: {  	[spmem:s3] =	stream.indirect.scatter.add.f32 [tilespmem:s29], [sflag:$0xA], $0x80, s13, s22, $0xb8;
	[tilespmem:$0xF400] =	vst v63  }
0xbc: {  	_ =	swait.ge [sflag:s8], $0x600  }
0xbd: {  	[sflag:s8] =	ssyncset.done $0x0  }
0xbe: {  	[sflag:s8] =	ssyncadd.s32 $0xFFFFFA00  }
0xbf: {  	_ =	swait.ge [sflag:s23], $0x1000  }
0xc0: {  	[sflag:s23] =	ssyncset.done $0x0  }
0xc1: {  	[sflag:s23] =	ssyncadd.s32 $0xFFFFF000  }
0xc2: {  	_ =	swait.ge [sflag:s24], $0x1000  }
0xc3: {  	[sflag:s24] =	ssyncset.done $0x0  }
0xc4: {  	[sflag:s24] =	ssyncadd.s32 $0xFFFFF000  }
0xc5: {  	_ =	swait.ge [sflag:s5], $0x1000  }
0xc6: {  	[sflag:s5] =	ssyncset.done $0x0  }
0xc7: {  	[sflag:s5] =	ssyncadd.s32 $0xFFFFF000  }
0xc8: {  	p1 =	seq.s32 s6, $0xFFFFFE00;
	_ =	swait.ge [sflag:s11], $0x1000  }
0xc9: {  	s6 =	sadd.s32 @!p1 s6, s7;
	[sflag:s11] =	ssyncset.done $0x0  }
0xca: {  	s9 =	sadd.s32 @!p1 $0x5200, s6;
	s10 =	simm.s32 @!p1 $0x0;
	[sflag:s11] =	ssyncadd.s32 $0xFFFFF000  }
0xcb: {  	[tilespmem:s10], [sflag:$0x1] =	stream.linear.gather @!p1 [hbm4b:s9+s10], $0x180, $0x38;
	[tilespmem:$0xF400] =	vst v63  }
0xcc: {  	s13 =	simm.s32 @!p1 $0x200;
	s9 =	sadd.s32 @!p1 $0x5240, s6  }
0xcd: {  	[tilespmem:s13], [sflag:$0x1] =	stream.linear.gather @!p1 [hbm4b:s9+s10], $0x180, $0x38;
	[tilespmem:$0xF400] =	vst v63  }
0xce: {  	s12 =	sadd.s32 @!p1 $0x5280, s6;
	s9 =	simm.s32 @!p1 $0x400  }
0xcf: {  	[tilespmem:s9], [sflag:$0x1] =	stream.linear.gather @!p1 [hbm4b:s12+s10], $0x180, $0x38;
	[tilespmem:$0xF400] =	vst v63  }
0xd0: {  	s6 =	sadd.s32 @!p1 $0x52C0, s6;
	s9 =	simm.s32 @!p1 $0x600  }
0xd1: {  	[tilespmem:s9], [sflag:$0x1] =	stream.linear.gather @!p1 [hbm4b:s6+s10], $0x180, $0x38;
	[tilespmem:$0xF400] =	vst v63  }
0xd2: {  	_ = 	snop  }
0xd3: {  	[tilespmem:s25], [sflag:$0x3] =	stream.indirect.gather [hbm4b:s1+s22], $0x80, s18, s22, $0xb8;
	[tilespmem:$0xF400] =	vst v63  }
0xd4: {  	_ = 	snop  }
0xd5: {  	[tilespmem:s26], [sflag:$0x4] =	stream.indirect.gather [hbm4b:s1+s22], $0x80, s19, s22, $0xb8;
	[tilespmem:$0xF400] =	vst v63  }
0xd6: {  	_ = 	snop  }
0xd7: {  	[tilespmem:s28], [sflag:$0x5] =	stream.indirect.gather [hbm4b:s1+s22], $0x80, s20, s22, $0xb8;
	[tilespmem:$0xF400] =	vst v63  }
0xd8: {  	_ = 	snop  }
0xd9: {  	[tilespmem:s29], [sflag:$0x6] =	stream.indirect.gather [hbm4b:s1+s22], $0x80, s21, s22, $0xb8;
	[tilespmem:$0xF400] =	vst v63  }
0xda: {  	_ =	swait.ge [sflag:s30], $0x1000  }
0xdb: {  	[sflag:s30] =	ssyncset.done $0x0  }
0xdc: {  	s9 =	rddreg [dreg:$0x8];
	[sflag:s30] =	ssyncadd.s32 $0xFFFFF000  }
0xdd: {  	[spmem:s3] =	stream.indirect.scatter.add.f32 [tilespmem:s25], [sflag:$0x7], $0x80, s9, s22, $0xb8;
	[tilespmem:$0xF400] =	vst v63  }
0xde: {  	_ =	swait.ge [sflag:s31], $0x1000  }
0xdf: {  	[sflag:s31] =	ssyncset.done $0x0  }
0xe0: {  	s10 =	rddreg [dreg:$0x9];
	[sflag:s31] =	ssyncadd.s32 $0xFFFFF000  }
0xe1: {  	[spmem:s3] =	stream.indirect.scatter.add.f32 [tilespmem:s26], [sflag:$0x8], $0x80, s10, s22, $0xb8;
	[tilespmem:$0xF400] =	vst v63  }
0xe2: {  	s15 =	sadd.s32 $0x200, s15;
	_ =	swait.ge [sflag:s2], $0x1000  }
0xe3: {  	p0 =	sne.s32 s15, $0x0;
	[sflag:s2] =	ssyncset.done $0x0  }
.Ltmp0:
0xe4: {  	s12 =	rddreg [dreg:$0xa];
	[sflag:s2] =	ssyncadd.s32 $0xFFFFF000;
	(pc) =	sbr.rel @p0 .LBB2_2-.Ltmp0, $4  }
0xe5: {  	[spmem:s3] =	stream.indirect.scatter.add.f32 [tilespmem:s28], [sflag:$0x9], $0x80, s12, s22, $0xb8;
	[tilespmem:$0xF400] =	vst v63  }
0xe6: {  	_ =	swait.ge [sflag:s0], $0x1000  }
0xe7: {  	[sflag:s0] =	ssyncset.done $0x0  }
0xe8: {  	s13 =	simm.s32 $0x200;
	s6 =	rddreg [dreg:$0xb];
	[sflag:s0] =	ssyncadd.s32 $0xFFFFF000  }
0xe9: {  	[spmem:s3] =	stream.indirect.scatter.add.f32 [tilespmem:s29], [sflag:$0xA], $0x80, s6, s22, $0xb8;
	[tilespmem:$0xF400] =	vst v63  }
0xea: {  	_ =	swait.ge [sflag:s23], $0x1000  }
0xeb: {  	[sflag:s23] =	ssyncset.done $0x0  }
0xec: {  	[sflag:s23] =	ssyncadd.s32 $0xFFFFF000  }
0xed: {  	_ =	swait.ge [sflag:s24], $0x1000  }
0xee: {  	[sflag:s24] =	ssyncset.done $0x0  }
0xef: {  	[sflag:s24] =	ssyncadd.s32 $0xFFFFF000  }
0xf0: {  	_ =	swait.ge [sflag:s5], $0x1000  }
0xf1: {  	[sflag:s5] =	ssyncset.done $0x0  }
0xf2: {  	[sflag:s5] =	ssyncadd.s32 $0xFFFFF000  }
0xf3: {  	_ =	swait.ge [sflag:s11], $0x1000  }
0xf4: {  	[sflag:s11] =	ssyncset.done $0x0  }
0xf5: {  	[sflag:s11] =	ssyncadd.s32 $0xFFFFF000  }
0xf6: {  	[bflag:$0x0] =	sbarrier.arrive $0xFFFF  }
0xf7: {  	s9 =	rddreg [dreg:$0x15]  }
0xf8: {  	s10 =	rddreg [dreg:$0x17]  }
0xf9: {  	s12 =	rddreg [dreg:$0x1b]  }
0xfa: {  	[hbm:s12], [sflag:s9] =	dma.local [spmem:s10], $0x1480  }
0xfb: {  	s12 =	simm.s32 $0xB  }
0xfc: {  	_ =	swait.ge [sflag:s12], $0x1480  }
0xfd: {  	[sflag:s12] =	ssyncset.done $0x0  }
0xfe: {  	s15 =	rddreg [dreg:$0x14];
	[sflag:s12] =	ssyncadd.s32 $0xFFFFEB80  }
0xff: {  	[spmem:s10], [sflag:s9] =	dma.local [hbm:s15], $0x1480  }
0x100: {  	_ =	swait.ge [sflag:s12], $0x1480  }
0x101: {  	[sflag:s12] =	ssyncset.done $0x0  }
0x102: {  	[sflag:s12] =	ssyncadd.s32 $0xFFFFEB80  }
0x103: {  	[bflag:$0x0] =	sbarrier.arrive $0xFFFF  }
0x104: {  	[tilespmem:s4], [sflag:$0x1] =	stream.linear.gather [hbm4b:s7+s4], $0x180, $0x38;
	[tilespmem:$0xF400] =	vst v63  }
0x105: {  	s12 =	rddreg [dreg:$0x18]  }
0x106: {  	[tilespmem:s13], [sflag:$0x1] =	stream.linear.gather [hbm4b:s12+s4], $0x180, $0x38;
	[tilespmem:$0xF400] =	vst v63  }
0x107: {  	s15 =	rddreg [dreg:$0x19]  }
0x108: {  	[tilespmem:s14], [sflag:$0x1] =	stream.linear.gather [hbm4b:s15+s4], $0x180, $0x38;
	[tilespmem:$0xF400] =	vst v63  }
0x109: {  	s9 =	rddreg [dreg:$0x1a]  }
0x10a: {  	[tilespmem:s16], [sflag:$0x1] =	stream.linear.gather [hbm4b:s9+s4], $0x180, $0x38;
	[tilespmem:$0xF400] =	vst v63  }
0x10b: {  	_ =	swait.ge [sflag:s17], $0x600  }
0x10c: {  	p0 =	por $0x1, $0x1;
	[sflag:s17] =	ssyncset.done $0x0  }
0x10d: {  	s6 =	simm.s32 @!p0 $0x7;
	[sflag:s17] =	ssyncadd.s32 $0xFFFFFA00  }
0x10e: {  	_ =	swait.ge @!p0 [sflag:s6], $0x1000  }
0x10f: {  	[sflag:s6] =	ssyncset.done @!p0 $0x0  }
0x110: {  	[sflag:s6] =	ssyncadd.s32 @!p0 $0xFFFFF000;
	s6 =	simm.s32 @!p0 $0x8  }
0x111: {  	_ =	swait.ge @!p0 [sflag:s6], $0x1000  }
0x112: {  	[sflag:s6] =	ssyncset.done @!p0 $0x0  }
0x113: {  	[sflag:s6] =	ssyncadd.s32 @!p0 $0xFFFFF000;
	s6 =	simm.s32 @!p0 $0x9  }
0x114: {  	_ =	swait.ge @!p0 [sflag:s6], $0x1000  }
0x115: {  	[sflag:s6] =	ssyncset.done @!p0 $0x0  }
0x116: {  	[sflag:s6] =	ssyncadd.s32 @!p0 $0xFFFFF000;
	s6 =	simm.s32 @!p0 $0xA  }
0x117: {  	_ =	swait.ge @!p0 [sflag:s6], $0x1000  }
0x118: {  	s9 =	sadd.s32 $0xFFFFB000, s7;
	[sflag:s6] =	ssyncset.done @!p0 $0x0  }
0x119: {  	s10 =	sadd.s32 $0x5100, s9;
	[sflag:s6] =	ssyncadd.s32 @!p0 $0xFFFFF000  }
0x11a: {  	[tilespmem:s18], [sflag:$0x2] =	stream.linear.gather [hbm4b:s10+s4], $0x180, $0x38;
	[tilespmem:$0xF400] =	vst v63  }
0x11b: {  	s12 =	sadd.s32 $0x5140, s9  }
0x11c: {  	[tilespmem:s19], [sflag:$0x2] =	stream.linear.gather [hbm4b:s12+s4], $0x180, $0x38;
	[tilespmem:$0xF400] =	vst v63  }
0x11d: {  	s15 =	sadd.s32 $0x5180, s9  }
0x11e: {  	[tilespmem:s20], [sflag:$0x2] =	stream.linear.gather [hbm4b:s15+s4], $0x180, $0x38;
	[tilespmem:$0xF400] =	vst v63  }
0x11f: {  	s9 =	sadd.s32 $0x51C0, s9  }
0x120: {  	[tilespmem:s21], [sflag:$0x2] =	stream.linear.gather [hbm4b:s9+s4], $0x180, $0x38;
	[tilespmem:$0xF400] =	vst v63  }
0x121: {  	_ = 	snop  }
0x122: {  	[tilespmem:s25], [sflag:$0x3] =	stream.indirect.gather [hbm4b:s1+s22], $0x80, s4, s22, $0xb8;
	[tilespmem:$0xF400] =	vst v63  }
0x123: {  	_ = 	snop  }
0x124: {  	[tilespmem:s26], [sflag:$0x4] =	stream.indirect.gather [hbm4b:s1+s22], $0x80, s13, s22, $0xb8;
	[tilespmem:$0xF400] =	vst v63  }
0x125: {  	_ = 	snop  }
0x126: {  	[tilespmem:s28], [sflag:$0x5] =	stream.indirect.gather [hbm4b:s1+s22], $0x80, s14, s22, $0xb8;
	[tilespmem:$0xF400] =	vst v63  }
0x127: {  	_ = 	snop  }
0x128: {  	[tilespmem:s29], [sflag:$0x6] =	stream.indirect.gather [hbm4b:s1+s22], $0x80, s16, s22, $0xb8;
	[tilespmem:$0xF400] =	vst v63  }
0x129: {  	_ =	swait.ge [sflag:s30], $0x1000  }
0x12a: {  	[sflag:s30] =	ssyncset.done $0x0  }
0x12b: {  	s10 =	rddreg [dreg:$0xc];
	[sflag:s30] =	ssyncadd.s32 $0xFFFFF000  }
0x12c: {  	[spmem:s3] =	stream.indirect.scatter.add.f32 [tilespmem:s25], [sflag:$0x7], $0x80, s10, s22, $0xb8;
	[tilespmem:$0xF400] =	vst v63  }
0x12d: {  	_ =	swait.ge [sflag:s31], $0x1000  }
0x12e: {  	[sflag:s31] =	ssyncset.done $0x0  }
0x12f: {  	s12 =	rddreg [dreg:$0xd];
	[sflag:s31] =	ssyncadd.s32 $0xFFFFF000  }
0x130: {  	[spmem:s3] =	stream.indirect.scatter.add.f32 [tilespmem:s26], [sflag:$0x8], $0x80, s12, s22, $0xb8;
	[tilespmem:$0xF400] =	vst v63  }
0x131: {  	_ =	swait.ge [sflag:s2], $0x1000  }
0x132: {  	[sflag:s2] =	ssyncset.done $0x0  }
0x133: {  	s15 =	rddreg [dreg:$0xe];
	[sflag:s2] =	ssyncadd.s32 $0xFFFFF000  }
0x134: {  	[spmem:s3] =	stream.indirect.scatter.add.f32 [tilespmem:s28], [sflag:$0x9], $0x80, s15, s22, $0xb8;
	[tilespmem:$0xF400] =	vst v63  }
0x135: {  	_ =	swait.ge [sflag:s0], $0x1000  }
0x136: {  	[sflag:s0] =	ssyncset.done $0x0  }
0x137: {  	s9 =	rddreg [dreg:$0xf];
	[sflag:s0] =	ssyncadd.s32 $0xFFFFF000  }
0x138: {  	[spmem:s3] =	stream.indirect.scatter.add.f32 [tilespmem:s29], [sflag:$0xA], $0x80, s9, s22, $0xb8;
	[tilespmem:$0xF400] =	vst v63  }
0x139: {  	_ =	swait.ge [sflag:s8], $0x600  }
0x13a: {  	[sflag:s8] =	ssyncset.done $0x0  }
0x13b: {  	[sflag:s8] =	ssyncadd.s32 $0xFFFFFA00  }
0x13c: {  	_ =	swait.ge [sflag:s23], $0x1000  }
0x13d: {  	[sflag:s23] =	ssyncset.done $0x0  }
0x13e: {  	[sflag:s23] =	ssyncadd.s32 $0xFFFFF000  }
0x13f: {  	_ =	swait.ge [sflag:s24], $0x1000  }
0x140: {  	[sflag:s24] =	ssyncset.done $0x0  }
0x141: {  	[sflag:s24] =	ssyncadd.s32 $0xFFFFF000  }
0x142: {  	_ =	swait.ge [sflag:s5], $0x1000  }
0x143: {  	[sflag:s5] =	ssyncset.done $0x0  }
0x144: {  	[sflag:s5] =	ssyncadd.s32 $0xFFFFF000  }
0x145: {  	p0 =	por $0x0, $0x0;
	_ =	swait.ge [sflag:s11], $0x1000  }
0x146: {  	s6 =	sadd.s32 @!p0 $0xFFFFB000, s7;
	[sflag:s11] =	ssyncset.done $0x0  }
0x147: {  	s10 =	simm.s32 @!p0 $0x0;
	s9 =	sadd.s32 @!p0 $0x5200, s6;
	[sflag:s11] =	ssyncadd.s32 $0xFFFFF000  }
0x148: {  	[tilespmem:s10], [sflag:$0x1] =	stream.linear.gather @!p0 [hbm4b:s9+s10], $0x180, $0x38;
	[tilespmem:$0xF400] =	vst v63  }
0x149: {  	s12 =	simm.s32 @!p0 $0x200;
	s9 =	sadd.s32 @!p0 $0x5240, s6  }
0x14a: {  	[tilespmem:s12], [sflag:$0x1] =	stream.linear.gather @!p0 [hbm4b:s9+s10], $0x180, $0x38;
	[tilespmem:$0xF400] =	vst v63  }
0x14b: {  	s9 =	sadd.s32 @!p0 $0x5280, s6;
	s12 =	simm.s32 @!p0 $0x400  }
0x14c: {  	[tilespmem:s12], [sflag:$0x1] =	stream.linear.gather @!p0 [hbm4b:s9+s10], $0x180, $0x38;
	[tilespmem:$0xF400] =	vst v63  }
0x14d: {  	s6 =	sadd.s32 @!p0 $0x52C0, s6;
	s9 =	simm.s32 @!p0 $0x600  }
0x14e: {  	[tilespmem:s9], [sflag:$0x1] =	stream.linear.gather @!p0 [hbm4b:s6+s10], $0x180, $0x38;
	[tilespmem:$0xF400] =	vst v63  }
0x14f: {  	_ = 	snop  }
0x150: {  	[tilespmem:s25], [sflag:$0x3] =	stream.indirect.gather [hbm4b:s1+s22], $0x80, s18, s22, $0xb8;
	[tilespmem:$0xF400] =	vst v63  }
0x151: {  	_ = 	snop  }
0x152: {  	[tilespmem:s26], [sflag:$0x4] =	stream.indirect.gather [hbm4b:s1+s22], $0x80, s19, s22, $0xb8;
	[tilespmem:$0xF400] =	vst v63  }
0x153: {  	_ = 	snop  }
0x154: {  	[tilespmem:s28], [sflag:$0x5] =	stream.indirect.gather [hbm4b:s1+s22], $0x80, s20, s22, $0xb8;
	[tilespmem:$0xF400] =	vst v63  }
0x155: {  	_ = 	snop  }
0x156: {  	[tilespmem:s29], [sflag:$0x6] =	stream.indirect.gather [hbm4b:s1+s22], $0x80, s21, s22, $0xb8;
	[tilespmem:$0xF400] =	vst v63  }
0x157: {  	_ =	swait.ge [sflag:s30], $0x1000  }
0x158: {  	[sflag:s30] =	ssyncset.done $0x0  }
0x159: {  	s10 =	rddreg [dreg:$0x10];
	[sflag:s30] =	ssyncadd.s32 $0xFFFFF000  }
0x15a: {  	[spmem:s3] =	stream.indirect.scatter.add.f32 [tilespmem:s25], [sflag:$0x7], $0x80, s10, s22, $0xb8;
	[tilespmem:$0xF400] =	vst v63  }
0x15b: {  	_ =	swait.ge [sflag:s31], $0x1000  }
0x15c: {  	[sflag:s31] =	ssyncset.done $0x0  }
0x15d: {  	s12 =	rddreg [dreg:$0x11];
	[sflag:s31] =	ssyncadd.s32 $0xFFFFF000  }
0x15e: {  	[spmem:s3] =	stream.indirect.scatter.add.f32 [tilespmem:s26], [sflag:$0x8], $0x80, s12, s22, $0xb8;
	[tilespmem:$0xF400] =	vst v63  }
0x15f: {  	_ =	swait.ge [sflag:s2], $0x1000  }
0x160: {  	[sflag:s2] =	ssyncset.done $0x0  }
0x161: {  	s15 =	rddreg [dreg:$0x12];
	[sflag:s2] =	ssyncadd.s32 $0xFFFFF000  }
0x162: {  	[spmem:s3] =	stream.indirect.scatter.add.f32 [tilespmem:s28], [sflag:$0x9], $0x80, s15, s22, $0xb8;
	[tilespmem:$0xF400] =	vst v63  }
0x163: {  	_ =	swait.ge [sflag:s0], $0x1000  }
0x164: {  	[sflag:s0] =	ssyncset.done $0x0  }
0x165: {  	s15 =	simm.s32 $0xFFFFB200;
	s6 =	rddreg [dreg:$0x13];
	[sflag:s0] =	ssyncadd.s32 $0xFFFFF000  }
.LBB2_4:
0x166: {  	[spmem:s3] =	stream.indirect.scatter.add.f32 [tilespmem:s29], [sflag:$0xA], $0x80, s6, s22, $0xb8;
	[tilespmem:$0xF400] =	vst v63  }
0x167: {  	s6 =	smov.u32 s15;
	_ =	swait.ge [sflag:s17], $0x600  }
0x168: {  	p1 =	seq.s32 s6, $0xFFFFB000;
	[sflag:s17] =	ssyncset.done $0x0  }
0x169: {  	s9 =	simm.s32 @!p1 $0x7;
	[sflag:s17] =	ssyncadd.s32 $0xFFFFFA00  }
0x16a: {  	_ =	swait.ge @!p1 [sflag:s9], $0x1000  }
0x16b: {  	[sflag:s9] =	ssyncset.done @!p1 $0x0  }
0x16c: {  	[sflag:s9] =	ssyncadd.s32 @!p1 $0xFFFFF000;
	s9 =	simm.s32 @!p1 $0x8  }
0x16d: {  	_ =	swait.ge @!p1 [sflag:s9], $0x1000  }
0x16e: {  	[sflag:s9] =	ssyncset.done @!p1 $0x0  }
0x16f: {  	[sflag:s9] =	ssyncadd.s32 @!p1 $0xFFFFF000;
	s9 =	simm.s32 @!p1 $0x9  }
0x170: {  	_ =	swait.ge @!p1 [sflag:s9], $0x1000  }
0x171: {  	[sflag:s9] =	ssyncset.done @!p1 $0x0  }
0x172: {  	[sflag:s9] =	ssyncadd.s32 @!p1 $0xFFFFF000;
	s9 =	simm.s32 @!p1 $0xA  }
0x173: {  	_ =	swait.ge @!p1 [sflag:s9], $0x1000  }
0x174: {  	s10 =	sadd.s32 s6, s7;
	[sflag:s9] =	ssyncset.done @!p1 $0x0  }
0x175: {  	s12 =	sadd.s32 $0x5100, s10;
	[sflag:s9] =	ssyncadd.s32 @!p1 $0xFFFFF000  }
0x176: {  	[tilespmem:s18], [sflag:$0x2] =	stream.linear.gather [hbm4b:s12+s4], $0x180, $0x38;
	[tilespmem:$0xF400] =	vst v63  }
0x177: {  	s12 =	sadd.s32 $0x5140, s10  }
0x178: {  	[tilespmem:s19], [sflag:$0x2] =	stream.linear.gather [hbm4b:s12+s4], $0x180, $0x38;
	[tilespmem:$0xF400] =	vst v63  }
0x179: {  	s12 =	sadd.s32 $0x5180, s10  }
0x17a: {  	[tilespmem:s20], [sflag:$0x2] =	stream.linear.gather [hbm4b:s12+s4], $0x180, $0x38;
	[tilespmem:$0xF400] =	vst v63  }
0x17b: {  	s12 =	sadd.s32 $0x51C0, s10  }
0x17c: {  	[tilespmem:s21], [sflag:$0x2] =	stream.linear.gather [hbm4b:s12+s4], $0x180, $0x38;
	[tilespmem:$0xF400] =	vst v63  }
0x17d: {  	_ = 	snop  }
0x17e: {  	[tilespmem:s25], [sflag:$0x3] =	stream.indirect.gather [hbm4b:s1+s22], $0x80, s4, s22, $0xb8;
	[tilespmem:$0xF400] =	vst v63  }
0x17f: {  	_ = 	snop  }
0x180: {  	[tilespmem:s26], [sflag:$0x4] =	stream.indirect.gather [hbm4b:s1+s22], $0x80, s13, s22, $0xb8;
	[tilespmem:$0xF400] =	vst v63  }
0x181: {  	_ = 	snop  }
0x182: {  	[tilespmem:s28], [sflag:$0x5] =	stream.indirect.gather [hbm4b:s1+s22], $0x80, s14, s22, $0xb8;
	[tilespmem:$0xF400] =	vst v63  }
0x183: {  	_ = 	snop  }
0x184: {  	[tilespmem:s29], [sflag:$0x6] =	stream.indirect.gather [hbm4b:s1+s22], $0x80, s16, s22, $0xb8;
	[tilespmem:$0xF400] =	vst v63  }
0x185: {  	_ =	swait.ge [sflag:s30], $0x1000  }
0x186: {  	[sflag:s30] =	ssyncset.done $0x0  }
0x187: {  	s13 =	rddreg [dreg:$0xc];
	[sflag:s30] =	ssyncadd.s32 $0xFFFFF000  }
0x188: {  	[spmem:s3] =	stream.indirect.scatter.add.f32 [tilespmem:s25], [sflag:$0x7], $0x80, s13, s22, $0xb8;
	[tilespmem:$0xF400] =	vst v63  }
0x189: {  	_ =	swait.ge [sflag:s31], $0x1000  }
0x18a: {  	[sflag:s31] =	ssyncset.done $0x0  }
0x18b: {  	s10 =	rddreg [dreg:$0xd];
	[sflag:s31] =	ssyncadd.s32 $0xFFFFF000  }
0x18c: {  	[spmem:s3] =	stream.indirect.scatter.add.f32 [tilespmem:s26], [sflag:$0x8], $0x80, s10, s22, $0xb8;
	[tilespmem:$0xF400] =	vst v63  }
0x18d: {  	_ =	swait.ge [sflag:s2], $0x1000  }
0x18e: {  	[sflag:s2] =	ssyncset.done $0x0  }
0x18f: {  	s12 =	rddreg [dreg:$0xe];
	[sflag:s2] =	ssyncadd.s32 $0xFFFFF000  }
0x190: {  	[spmem:s3] =	stream.indirect.scatter.add.f32 [tilespmem:s28], [sflag:$0x9], $0x80, s12, s22, $0xb8;
	[tilespmem:$0xF400] =	vst v63  }
0x191: {  	_ =	swait.ge [sflag:s0], $0x1000  }
0x192: {  	[sflag:s0] =	ssyncset.done $0x0  }
0x193: {  	s13 =	rddreg [dreg:$0xf];
	[sflag:s0] =	ssyncadd.s32 $0xFFFFF000  }
0x194: {  	[spmem:s3] =	stream.indirect.scatter.add.f32 [tilespmem:s29], [sflag:$0xA], $0x80, s13, s22, $0xb8;
	[tilespmem:$0xF400] =	vst v63  }
0x195: {  	_ =	swait.ge [sflag:s8], $0x600  }
0x196: {  	[sflag:s8] =	ssyncset.done $0x0  }
0x197: {  	[sflag:s8] =	ssyncadd.s32 $0xFFFFFA00  }
0x198: {  	_ =	swait.ge [sflag:s23], $0x1000  }
0x199: {  	[sflag:s23] =	ssyncset.done $0x0  }
0x19a: {  	[sflag:s23] =	ssyncadd.s32 $0xFFFFF000  }
0x19b: {  	_ =	swait.ge [sflag:s24], $0x1000  }
0x19c: {  	[sflag:s24] =	ssyncset.done $0x0  }
0x19d: {  	[sflag:s24] =	ssyncadd.s32 $0xFFFFF000  }
0x19e: {  	_ =	swait.ge [sflag:s5], $0x1000  }
0x19f: {  	[sflag:s5] =	ssyncset.done $0x0  }
0x1a0: {  	[sflag:s5] =	ssyncadd.s32 $0xFFFFF000  }
0x1a1: {  	p1 =	seq.s32 s6, $0xFFFFFE00;
	_ =	swait.ge [sflag:s11], $0x1000  }
0x1a2: {  	s6 =	sadd.s32 @!p1 s6, s7;
	[sflag:s11] =	ssyncset.done $0x0  }
0x1a3: {  	s9 =	sadd.s32 @!p1 $0x5200, s6;
	s10 =	simm.s32 @!p1 $0x0;
	[sflag:s11] =	ssyncadd.s32 $0xFFFFF000  }
0x1a4: {  	[tilespmem:s10], [sflag:$0x1] =	stream.linear.gather @!p1 [hbm4b:s9+s10], $0x180, $0x38;
	[tilespmem:$0xF400] =	vst v63  }
0x1a5: {  	s12 =	simm.s32 @!p1 $0x200;
	s9 =	sadd.s32 @!p1 $0x5240, s6  }
0x1a6: {  	[tilespmem:s12], [sflag:$0x1] =	stream.linear.gather @!p1 [hbm4b:s9+s10], $0x180, $0x38;
	[tilespmem:$0xF400] =	vst v63  }
0x1a7: {  	s13 =	sadd.s32 @!p1 $0x5280, s6;
	s9 =	simm.s32 @!p1 $0x400  }
0x1a8: {  	[tilespmem:s9], [sflag:$0x1] =	stream.linear.gather @!p1 [hbm4b:s13+s10], $0x180, $0x38;
	[tilespmem:$0xF400] =	vst v63  }
0x1a9: {  	s6 =	sadd.s32 @!p1 $0x52C0, s6;
	s9 =	simm.s32 @!p1 $0x600  }
0x1aa: {  	[tilespmem:s9], [sflag:$0x1] =	stream.linear.gather @!p1 [hbm4b:s6+s10], $0x180, $0x38;
	[tilespmem:$0xF400] =	vst v63  }
0x1ab: {  	_ = 	snop  }
0x1ac: {  	[tilespmem:s25], [sflag:$0x3] =	stream.indirect.gather [hbm4b:s1+s22], $0x80, s18, s22, $0xb8;
	[tilespmem:$0xF400] =	vst v63  }
0x1ad: {  	_ = 	snop  }
0x1ae: {  	[tilespmem:s26], [sflag:$0x4] =	stream.indirect.gather [hbm4b:s1+s22], $0x80, s19, s22, $0xb8;
	[tilespmem:$0xF400] =	vst v63  }
0x1af: {  	_ = 	snop  }
0x1b0: {  	[tilespmem:s28], [sflag:$0x5] =	stream.indirect.gather [hbm4b:s1+s22], $0x80, s20, s22, $0xb8;
	[tilespmem:$0xF400] =	vst v63  }
0x1b1: {  	_ = 	snop  }
0x1b2: {  	[tilespmem:s29], [sflag:$0x6] =	stream.indirect.gather [hbm4b:s1+s22], $0x80, s21, s22, $0xb8;
	[tilespmem:$0xF400] =	vst v63  }
0x1b3: {  	_ =	swait.ge [sflag:s30], $0x1000  }
0x1b4: {  	[sflag:s30] =	ssyncset.done $0x0  }
0x1b5: {  	s9 =	rddreg [dreg:$0x10];
	[sflag:s30] =	ssyncadd.s32 $0xFFFFF000  }
0x1b6: {  	[spmem:s3] =	stream.indirect.scatter.add.f32 [tilespmem:s25], [sflag:$0x7], $0x80, s9, s22, $0xb8;
	[tilespmem:$0xF400] =	vst v63  }
0x1b7: {  	_ =	swait.ge [sflag:s31], $0x1000  }
0x1b8: {  	[sflag:s31] =	ssyncset.done $0x0  }
0x1b9: {  	s10 =	rddreg [dreg:$0x11];
	[sflag:s31] =	ssyncadd.s32 $0xFFFFF000  }
0x1ba: {  	[spmem:s3] =	stream.indirect.scatter.add.f32 [tilespmem:s26], [sflag:$0x8], $0x80, s10, s22, $0xb8;
	[tilespmem:$0xF400] =	vst v63  }
0x1bb: {  	s15 =	sadd.s32 $0x200, s15;
	_ =	swait.ge [sflag:s2], $0x1000  }
0x1bc: {  	p0 =	sne.s32 s15, $0x0;
	[sflag:s2] =	ssyncset.done $0x0  }
.Ltmp1:
0x1bd: {  	s12 =	rddreg [dreg:$0x12];
	[sflag:s2] =	ssyncadd.s32 $0xFFFFF000;
	(pc) =	sbr.rel @p0 .LBB2_4-.Ltmp1, $4  }
0x1be: {  	[spmem:s3] =	stream.indirect.scatter.add.f32 [tilespmem:s28], [sflag:$0x9], $0x80, s12, s22, $0xb8;
	[tilespmem:$0xF400] =	vst v63  }
0x1bf: {  	_ =	swait.ge [sflag:s0], $0x1000  }
0x1c0: {  	[sflag:s0] =	ssyncset.done $0x0  }
0x1c1: {  	s13 =	simm.s32 $0x200;
	s6 =	rddreg [dreg:$0x13];
	[sflag:s0] =	ssyncadd.s32 $0xFFFFF000  }
0x1c2: {  	[spmem:s3] =	stream.indirect.scatter.add.f32 [tilespmem:s29], [sflag:$0xA], $0x80, s6, s22, $0xb8;
	[tilespmem:$0xF400] =	vst v63  }
0x1c3: {  	_ =	swait.ge [sflag:s23], $0x1000  }
0x1c4: {  	[sflag:s23] =	ssyncset.done $0x0  }
0x1c5: {  	[sflag:s23] =	ssyncadd.s32 $0xFFFFF000  }
0x1c6: {  	_ =	swait.ge [sflag:s24], $0x1000  }
0x1c7: {  	[sflag:s24] =	ssyncset.done $0x0  }
0x1c8: {  	[sflag:s24] =	ssyncadd.s32 $0xFFFFF000  }
0x1c9: {  	_ =	swait.ge [sflag:s5], $0x1000  }
0x1ca: {  	[sflag:s5] =	ssyncset.done $0x0  }
0x1cb: {  	[sflag:s5] =	ssyncadd.s32 $0xFFFFF000  }
0x1cc: {  	_ =	swait.ge [sflag:s11], $0x1000  }
0x1cd: {  	[sflag:s11] =	ssyncset.done $0x0  }
0x1ce: {  	[sflag:s11] =	ssyncadd.s32 $0xFFFFF000  }
0x1cf: {  	[bflag:$0x0] =	sbarrier.arrive $0xFFFF  }
0x1d0: {  	s10 =	rddreg [dreg:$0x15]  }
0x1d1: {  	s9 =	rddreg [dreg:$0x17]  }
0x1d2: {  	s12 =	simm.s32 $0xB;
	s15 =	rddreg [dreg:$0x1c]  }
0x1d3: {  	[hbm:s15], [sflag:s10] =	dma.local [spmem:s9], $0x1480  }
0x1d4: {  	_ =	swait.ge [sflag:s12], $0x1480  }
0x1d5: {  	s15 =	rddreg [dreg:$0x1d]  }
0x1d6: {  	s6 =	rddreg [dreg:$0x16];
	s15 =	sadd.s32 $0x1, s15  }
0x1d7: {  	p0 =	sne.s32 s15, s6  }
.Ltmp2:
0x1d8: {  	_ = 	snop;
	(pc) =	sbr.rel @p0 .LBB2_1-.Ltmp2, $3  }
0x1d9: {  	_ =	sdelay $0x1  }
0x1da: {  	[sflag:s12] =	ssyncset.done $0x0  }
0x1db: {  	[sflag:s12] =	ssyncadd.s32 $0xFFFFEB80  }
0x1dc: {  	_ =	sfence.sel $0x180000  }
0x1dd: {  	[bflag:$0x0] =	sbarrier.arrive $0xFFFF  }
0x1de: {  	_ =	strace $0x9000004A  }
0x1df: {  	s0 =	stileid.u32;
	[bflag:$0x2] =	sbarrier.arrive $0xFFFF  }
0x1e0: {  	p0 =	sne.s32 s0, $0x0;
	s0 =	rddreg [dreg:$0x3]  }
0x1e1: {  	s0 =	sadd.s32 @!p0 $0x100000, s0  }
0x1e2: {  	[sflag:s0] =	ssyncadd.tile.s32 @!p0 $0x1;
	_ =	shalt  }
.Lfunc_end2:
_tile_overlayer_lowered:
.L_overlay_start_2:
0x1e3: {  	(tag) =	ssettag $0x2  }
0x1e4: {  	s0 =	rddreg [dreg:$0x0];
	s2 =	stileid.u32  }
0x1e5: {  	s1 =	rddreg [dreg:$0x1];
	p0 =	sne.s32 s2, $0x0  }
0x1e6: {  	s3 =	rddreg [dreg:$0x2];
	[bflag:$0x3] =	sbarrier.arrive $0xFFFF;
	s2 =	simm.s32 @!p0 $0x1C0B  }
0x1e7: {  	[timem:s3], [sflag:s2] =	dma.local @!p0 [hbm:s0], s1  }
0x1e8: {  	s0 =	simm.s32 @!p0 $0xB  }
0x1e9: {  	_ =	swait.ge @!p0 [sflag:s0], s1  }
0x1ea: {  	s1 =	ssub.s32 @!p0 $0x0, s1;
	[sflag:s0] =	ssyncset.done @!p0 $0x0  }
0x1eb: {  	[sflag:s0] =	ssyncadd.s32 @!p0 s1  }
0x1ec: {  	[bflag:$0x3] =	sbarrier.arrive $0xFFFF  }
0x1ed: {  	_ =	shalt  }

</sc_bundles>
